<compile_context>
chip_gen: v7x
topology: tpu7x:2x2x1
jax: 0.10.2.dev20260603
libtpu: 0.0.44.dev20260713+nightly
codegen_flags: <defaults>
</compile_context>

<pallas_src>
import functools

import jax
import jax.numpy as jnp
from jax import lax
from jax.experimental import pallas as pl
from jax.experimental.pallas import tpu as pltpu
from jax.experimental.pallas import tpu_sc as plsc

NC = 2
NS = 16
NW = NC * NS
CHUNK = 128



def _make_sc_aggregate(n_acc, d, nch0, nch1, with_deg):
    rpt = n_acc // NS
    grp = 8
    assert nch0 % (2 * grp) == 0 and nch1 % (2 * grp) == 0
    n_slab = 1 if nch1 == 0 else NC
    xr = 32
    nxb = rpt // xr
    mesh = plsc.VectorSubcoreMesh(core_axis_name="c", subcore_axis_name="s",
                                  num_cores=NC, num_subcores=NS)

    out_type = [jax.ShapeDtypeStruct((n_slab, n_acc, d), jnp.float32)]
    scratch = [
        pltpu.VMEM_SHARED((n_acc, d), jnp.float32),
        pltpu.VMEM((CHUNK,), jnp.int32),
        pltpu.VMEM((CHUNK,), jnp.int32),
        pltpu.VMEM((CHUNK, d), jnp.float32),
        pltpu.VMEM((xr, d), jnp.float32),
        pltpu.SemaphoreType.DMA,
    ]
    if with_deg:
        out_type.append(jax.ShapeDtypeStruct((n_slab, n_acc), jnp.float32))
        scratch += [
            pltpu.VMEM_SHARED((n_acc,), jnp.float32),
            pltpu.VMEM((CHUNK,), jnp.float32),
            pltpu.VMEM((rpt,), jnp.float32),
        ]

    def body(table, srcp, dstp, zeros_d, zeros_g, ones_g, *rest):
        if with_deg:
            (part, degp, acc, src_v, dst_v, rows_v, xbuf, sem,
             dega, ones_v, gbuf) = rest
        else:
            (part, acc, src_v, dst_v, rows_v, xbuf, sem) = rest
        c = lax.axis_index("c")
        s = lax.axis_index("s")
        r0 = s * rpt
        if nch0 == nch1:
            g0 = (c * NS + s) * nch0
            n_my = nch0
        else:
            g0 = jnp.where(c == 0, s * nch0, NS * nch0 + s * nch1)
            n_my = jnp.where(c == 0, nch0, nch1)

        slab = c if n_slab == NC else 0

        def prologue():
            pltpu.sync_copy(zeros_d, xbuf)
            for j in range(nxb):
                pltpu.sync_copy(xbuf, acc.at[pl.ds(r0 + j * xr, xr), :])
            if with_deg:
                pltpu.sync_copy(zeros_g, gbuf)
                pltpu.sync_copy(gbuf, dega.at[pl.ds(r0, rpt)])
                pltpu.sync_copy(ones_g, ones_v)

        if n_slab == NC:
            prologue()
        else:
            pl.when(c == 0)(prologue)
        plsc.subcore_barrier()

        def step(i, _):
            base = g0 + i
            pltpu.sync_copy(srcp.at[base], src_v)
            pltpu.sync_copy(dstp.at[base], dst_v)
            pltpu.async_copy(table.at[src_v], rows_v, sem).wait()
            pltpu.sync_copy(rows_v, acc.at[dst_v], add=True)
            if with_deg:
                pltpu.sync_copy(ones_v, dega.at[dst_v], add=True)
            return _

        lax.fori_loop(0, n_my, step, None)
        plsc.subcore_barrier()

        def writeback():
            for j in range(nxb):
                sl = pl.ds(r0 + j * xr, xr)
                pltpu.sync_copy(acc.at[sl, :], xbuf)
                pltpu.sync_copy(xbuf, part.at[slab, sl, :])
            if with_deg:
                pltpu.sync_copy(dega.at[pl.ds(r0, rpt)], gbuf)
                pltpu.sync_copy(gbuf, degp.at[slab, pl.ds(r0, rpt)])

        if n_slab == NC:
            writeback()
        else:
            pl.when(c == 0)(writeback)

    return pl.kernel(body, out_type=tuple(out_type), mesh=mesh,
                     scratch_types=scratch)



def _lin2_body(x_ref, wl_ref, wr_ref, b_ref, y_ref, z_ref):
    x = x_ref[...]
    dn = (((1,), (1,)), ((), ()))
    y_ref[...] = lax.dot_general(x, wl_ref[...], dn,
                                 preferred_element_type=jnp.float32)
    z_ref[...] = lax.dot_general(x, wr_ref[...], dn,
                                 preferred_element_type=jnp.float32) \
        + b_ref[...][None, :]


def _relu_stats_body(n_valid, blk, p_ref, degp_ref, z_ref, h_ref, st_ref):
    i = pl.program_id(0)
    deg = jnp.maximum(jnp.sum(degp_ref[...], axis=0), 1.0)
    h = jnp.maximum(jnp.sum(p_ref[...], axis=0) / deg[:, None] + z_ref[...],
                    0.0)
    h_ref[...] = h

    @pl.when(i == 0)
    def _init():
        st_ref[...] = jnp.zeros_like(st_ref)

    row = i * blk + lax.broadcasted_iota(jnp.int32, (blk, 1), 0)
    hm = jnp.where(row < n_valid, h, 0.0)
    st_ref[0, :] += jnp.sum(hm, axis=0)
    st_ref[1, :] += jnp.sum(hm * hm, axis=0)


def _final_body(n_rows, h_ref, q_ref, degp_ref, st_ref, gamma_ref, beta_ref,
                wl_ref, wr_ref, b_ref, o_ref):
    inv_n = 1.0 / n_rows
    mu = st_ref[0, :] * inv_n
    var = st_ref[1, :] * inv_n - mu * mu
    sc = gamma_ref[...] * lax.rsqrt(var + 1e-5)
    t = beta_ref[...] - mu * sc
    deg = jnp.maximum(jnp.sum(degp_ref[...], axis=0), 1.0)
    mn = jnp.sum(q_ref[...], axis=0) / deg[:, None]
    mn = mn * sc[None, :] + t[None, :]
    hn = h_ref[...] * sc[None, :] + t[None, :]
    dn = (((1,), (1,)), ((), ()))
    o = lax.dot_general(mn, wl_ref[...], dn,
                        preferred_element_type=jnp.float32) \
        + lax.dot_general(hn, wr_ref[...], dn,
                          preferred_element_type=jnp.float32) \
        + b_ref[...][None, :]
    m = jnp.max(o, axis=1, keepdims=True)
    lse = jnp.log(jnp.sum(jnp.exp(o - m), axis=1, keepdims=True))
    o_ref[...] = o - m - lse



def kernel(x, edge_index, Wl1, b1, Wr1, gamma1, beta1, Wl2, b2, Wr2):
    n, din = x.shape
    dh = Wl1.shape[0]
    dout = Wl2.shape[0]
    e = edge_index.shape[1]

    blk = 1024
    n_acc = ((n // blk) + 1) * blk
    grid = n_acc // blk
    quantum = CHUNK * 8 * 2
    ept = ((e // NW + quantum - 1) // quantum) * quantum
    epad = ept * NW
    rpt = n_acc // NS
    nch_tot = epad // CHUNK // NS
    nch0 = nch_tot // 2
    nch1 = nch_tot - nch0
    assert nch0 % 16 == 0 and nch1 % 16 == 0
    n_slab = 1 if nch1 == 0 else NC

    src = edge_index[0]
    dst = edge_index[1]
    pad = epad - e
    srcp = jnp.concatenate([src, jnp.zeros((pad,), jnp.int32)])
    dummy_dst = n + jnp.arange(pad, dtype=jnp.int32) % (n_acc - n)
    dstp = jnp.concatenate([dst, dummy_dst])
    srcp = srcp.reshape(-1, CHUNK)
    dstp = dstp.reshape(-1, CHUNK)
    xp = jnp.concatenate([x, jnp.zeros((n_acc - n, din), jnp.float32)])
    zeros_d = jnp.zeros((32, dh), jnp.float32)
    zeros_g = jnp.zeros((rpt,), jnp.float32)
    ones_g = jnp.ones((CHUNK,), jnp.float32)

    f32 = jnp.float32
    row_spec = pl.BlockSpec((blk, dh), lambda i: (i, 0))
    par_spec = pl.BlockSpec((n_slab, blk, dh), lambda i: (0, i, 0))
    deg_spec = pl.BlockSpec((n_slab, blk), lambda i: (0, i))

    y1, z1 = pl.pallas_call(
        _lin2_body,
        grid=(grid,),
        in_specs=[pl.BlockSpec((blk, din), lambda i: (i, 0)),
                  pl.BlockSpec((dh, din), lambda i: (0, 0)),
                  pl.BlockSpec((dh, din), lambda i: (0, 0)),
                  pl.BlockSpec((dh,), lambda i: (0,))],
        out_specs=[row_spec, row_spec],
        out_shape=[jax.ShapeDtypeStruct((n_acc, dh), f32),
                   jax.ShapeDtypeStruct((n_acc, dh), f32)],
    )(xp, Wl1, Wr1, b1)

    agg1 = _make_sc_aggregate(n_acc, dh, nch0, nch1, with_deg=True)
    part1, degp = agg1(y1, srcp, dstp, zeros_d, zeros_g, ones_g)

    h, stats = pl.pallas_call(
        functools.partial(_relu_stats_body, n, blk),
        grid=(grid,),
        in_specs=[par_spec, deg_spec, row_spec],
        out_specs=[row_spec, pl.BlockSpec((2, dh), lambda i: (0, 0))],
        out_shape=[jax.ShapeDtypeStruct((n_acc, dh), f32),
                   jax.ShapeDtypeStruct((2, dh), f32)],
    )(part1, degp, z1)

    agg2 = _make_sc_aggregate(n_acc, dh, nch0, nch1, with_deg=False)
    (part2,) = agg2(h, srcp, dstp, zeros_d, zeros_g, ones_g)

    out = pl.pallas_call(
        functools.partial(_final_body, float(n)),
        grid=(grid,),
        in_specs=[row_spec, par_spec, deg_spec,
                  pl.BlockSpec((2, dh), lambda i: (0, 0)),
                  pl.BlockSpec((dh,), lambda i: (0,)),
                  pl.BlockSpec((dh,), lambda i: (0,)),
                  pl.BlockSpec((dout, dh), lambda i: (0, 0)),
                  pl.BlockSpec((dout, dh), lambda i: (0, 0)),
                  pl.BlockSpec((dout,), lambda i: (0,))],
        out_specs=pl.BlockSpec((blk, dout), lambda i: (i, 0)),
        out_shape=jax.ShapeDtypeStruct((n_acc, dout), f32),
    )(h, part2, degp, stats, gamma1, beta1, Wl2, Wr2, b2)
    return out[:n]

# --- scband reference (transcript-rebuilt; emitter-appended) ---
"""Pipeline reference for scband-graph-sagemodel-31610959298976 (READ-ONLY COPY).

The authoritative reference and input builder live on the scoring server;
editing this copy changes nothing except your own understanding.
"""

import jax, jax.numpy as jnp
import numpy as np

N = 10000
E = 320000
DIN = 128
DH = 128
DOUT = 64


def setup_inputs(seed: int = 0) -> dict:
    key = jax.random.key(seed)
    ks = jax.random.split(key, 12)
    x = jax.random.normal(ks[0], (N, DIN), dtype=jnp.float32)
    edge_index = jax.random.randint(ks[1], (2, E), 0, N, dtype=jnp.int32)
    s1 = 1.0 / np.sqrt(DIN)
    s2 = 1.0 / np.sqrt(DH)
    Wl1 = jax.random.normal(ks[2], (DH, DIN), dtype=jnp.float32) * s1
    b1 = jnp.zeros((DH,), dtype=jnp.float32)
    Wr1 = jax.random.normal(ks[3], (DH, DIN), dtype=jnp.float32) * s1
    gamma1 = jnp.ones((DH,), dtype=jnp.float32)
    beta1 = jnp.zeros((DH,), dtype=jnp.float32)
    Wl2 = jax.random.normal(ks[4], (DOUT, DH), dtype=jnp.float32) * s2
    b2 = jnp.zeros((DOUT,), dtype=jnp.float32)
    Wr2 = jax.random.normal(ks[5], (DOUT, DH), dtype=jnp.float32) * s2
    return {"x": x, "edge_index": edge_index, "Wl1": Wl1, "b1": b1, "Wr1": Wr1,
            "gamma1": gamma1, "beta1": beta1, "Wl2": Wl2, "b2": b2, "Wr2": Wr2}


def sage_conv(x, edge_index, Wl, b, Wr):
    # PyG SAGEConv (mean aggr): out = lin_l(mean_{j in N(i)} x_j) + lin_r(x_i)
    src = edge_index[0]
    dst = edge_index[1]
    msgs = jnp.take(x, src, axis=0)
    summed = jax.ops.segment_sum(msgs, dst, num_segments=N)
    deg = jax.ops.segment_sum(jnp.ones((E,), dtype=x.dtype), dst, num_segments=N)
    mean = summed / jnp.clip(deg, 1.0)[:, None]
    return mean @ Wl.T + b + x @ Wr.T


def batch_norm(h, gamma, beta, eps=1e-5):
    # training-mode BatchNorm1d: batch statistics, biased variance
    mu = jnp.mean(h, axis=0)
    var = jnp.mean((h - mu) ** 2, axis=0)
    return gamma * (h - mu) / jnp.sqrt(var + eps) + beta


def reference(x, edge_index, Wl1, b1, Wr1, gamma1, beta1, Wl2, b2, Wr2):
    h = sage_conv(x, edge_index, Wl1, b1, Wr1)
    h = jax.nn.relu(h)
    h = batch_norm(h, gamma1, beta1)
    # dropout is identity in inference-deterministic mode
    h = sage_conv(h, edge_index, Wl2, b2, Wr2)
    return jax.nn.log_softmax(h, axis=1)

if __name__ == "__main__":
    import jax
    _d = setup_inputs()
    print(jax.jit(kernel)(*tuple(_d.values())))

</pallas_src>

<mosaic_0001>
#map = affine_map<(d0, d1) -> (0, 0)>
#map1 = affine_map<(d0, d1) -> (0)>
#map2 = affine_map<(d0, d1) -> (0, 0, 0)>
module attributes {stable_mosaic.version = 14 : i64} {
  func.func @body(%arg0: i32, %arg1: i32, %arg2: memref<10240x128xf32, #tpu.memory_space<hbm>>, %arg3: memref<2560x128xi32, #tpu.memory_space<hbm>>, %arg4: memref<2560x128xi32, #tpu.memory_space<hbm>>, %arg5: memref<32x128xf32, #tpu.memory_space<hbm>>, %arg6: memref<640xf32, #tpu.memory_space<hbm>>, %arg7: memref<128xf32, #tpu.memory_space<hbm>>, %arg8: memref<2x10240x128xf32, #tpu.memory_space<hbm>>, %arg9: memref<2x10240xf32, #tpu.memory_space<hbm>>, %arg10: memref<10240x128xf32, #tpu.memory_space<vmem_shared>>, %arg11: memref<128xi32, #tpu.memory_space<vmem>>, %arg12: memref<128xi32, #tpu.memory_space<vmem>>, %arg13: memref<128x128xf32, #tpu.memory_space<vmem>>, %arg14: memref<32x128xf32, #tpu.memory_space<vmem>>, %arg15: memref<!tpu.dma_semaphore, #tpu.memory_space<semaphore_mem>>, %arg16: memref<10240xf32, #tpu.memory_space<vmem_shared>>, %arg17: memref<128xf32, #tpu.memory_space<vmem>>, %arg18: memref<640xf32, #tpu.memory_space<vmem>>) attributes {dimension_semantics = [#tpu.dimension_semantics<core_parallel>, #tpu.dimension_semantics<subcore_parallel>], iteration_bounds = array<i64: 2, 16>, scalar_prefetch = 0 : i64, scratch_operands = 9 : i64, tpu.core_type = #tpu.core_type<sc_vector_subcore>, window_params = [{transform_indices = #map}, {transform_indices = #map}, {transform_indices = #map}, {transform_indices = #map}, {transform_indices = #map1}, {transform_indices = #map1}, {transform_indices = #map2}, {transform_indices = #map}]} {
    %mul3A = arith.constant 640 : i32
    %mul3A_0 = arith.muli %arg1, %mul3A : i32
    %mul3A_1 = arith.constant 16 : i32
    %mul3A_2 = arith.muli %arg0, %mul3A_1 : i32
    %add3A = arith.addi %mul3A_2, %arg1 : i32
    %mul3A_3 = arith.constant 80 : i32
    %mul3A_4 = arith.muli %add3A, %mul3A_3 : i32
    "tpu.region"() ({
      %run_scoped3A = tpu.sem_alloc : memref<!tpu.dma_semaphore, #tpu.memory_space<semaphore_mem>>
      tpu.enqueue_dma source(%arg5 : memref<32x128xf32, #tpu.memory_space<hbm>>) target(%arg14 : memref<32x128xf32, #tpu.memory_space<vmem>>) target_semaphore(%run_scoped3A : memref<!tpu.dma_semaphore, #tpu.memory_space<semaphore_mem>>)
      tpu.wait_dma2 semaphore(%run_scoped3A : memref<!tpu.dma_semaphore, #tpu.memory_space<semaphore_mem>>) src(%arg5 : memref<32x128xf32, #tpu.memory_space<hbm>>) dst(%arg14 : memref<32x128xf32, #tpu.memory_space<vmem>>)
      tpu.yield
    }) : () -> ()
    %add3A_5 = arith.constant 0 : i32
    %add3A_6 = arith.addi %mul3A_0, %add3A_5 : i32
    "tpu.region"() ({
      %run_scoped3A = tpu.sem_alloc : memref<!tpu.dma_semaphore, #tpu.memory_space<semaphore_mem>>
      %dma_start3A = arith.constant 0 : i32
      %dma_start3A_90 = tpu.memref_slice %arg10[%add3A_6, %dma_start3A] : memref<10240x128xf32, #tpu.memory_space<vmem_shared>> -> memref<32x128xf32, #tpu.memory_space<vmem_shared>>
      %dma_start3A_91 = arith.constant 0 : i32
      %dma_start3A_92 = tpu.memref_slice %arg10[%add3A_6, %dma_start3A_91] : memref<10240x128xf32, #tpu.memory_space<vmem_shared>> -> memref<32x128xf32, #tpu.memory_space<vmem_shared>>
      tpu.enqueue_dma source(%arg14 : memref<32x128xf32, #tpu.memory_space<vmem>>) target(%dma_start3A_92 : memref<32x128xf32, #tpu.memory_space<vmem_shared>>) target_semaphore(%run_scoped3A : memref<!tpu.dma_semaphore, #tpu.memory_space<semaphore_mem>>)
      %dma_wait3A = arith.constant 0 : i32
      %dma_wait3A_93 = tpu.memref_slice %arg10[%add3A_6, %dma_wait3A] : memref<10240x128xf32, #tpu.memory_space<vmem_shared>> -> memref<32x128xf32, #tpu.memory_space<vmem_shared>>
      %dma_wait3A_94 = arith.constant 0 : i32
      %dma_wait3A_95 = tpu.memref_slice %arg10[%add3A_6, %dma_wait3A_94] : memref<10240x128xf32, #tpu.memory_space<vmem_shared>> -> memref<32x128xf32, #tpu.memory_space<vmem_shared>>
      tpu.wait_dma2 semaphore(%run_scoped3A : memref<!tpu.dma_semaphore, #tpu.memory_space<semaphore_mem>>) src(%arg14 : memref<32x128xf32, #tpu.memory_space<vmem>>) dst(%dma_wait3A_95 : memref<32x128xf32, #tpu.memory_space<vmem_shared>>)
      tpu.yield
    }) : () -> ()
    %add3A_7 = arith.constant 32 : i32
    %add3A_8 = arith.addi %mul3A_0, %add3A_7 : i32
    "tpu.region"() ({
      %run_scoped3A = tpu.sem_alloc : memref<!tpu.dma_semaphore, #tpu.memory_space<semaphore_mem>>
      %dma_start3A = arith.constant 0 : i32
      %dma_start3A_90 = tpu.memref_slice %arg10[%add3A_8, %dma_start3A] : memref<10240x128xf32, #tpu.memory_space<vmem_shared>> -> memref<32x128xf32, #tpu.memory_space<vmem_shared>>
      %dma_start3A_91 = arith.constant 0 : i32
      %dma_start3A_92 = tpu.memref_slice %arg10[%add3A_8, %dma_start3A_91] : memref<10240x128xf32, #tpu.memory_space<vmem_shared>> -> memref<32x128xf32, #tpu.memory_space<vmem_shared>>
      tpu.enqueue_dma source(%arg14 : memref<32x128xf32, #tpu.memory_space<vmem>>) target(%dma_start3A_92 : memref<32x128xf32, #tpu.memory_space<vmem_shared>>) target_semaphore(%run_scoped3A : memref<!tpu.dma_semaphore, #tpu.memory_space<semaphore_mem>>)
      %dma_wait3A = arith.constant 0 : i32
      %dma_wait3A_93 = tpu.memref_slice %arg10[%add3A_8, %dma_wait3A] : memref<10240x128xf32, #tpu.memory_space<vmem_shared>> -> memref<32x128xf32, #tpu.memory_space<vmem_shared>>
      %dma_wait3A_94 = arith.constant 0 : i32
      %dma_wait3A_95 = tpu.memref_slice %arg10[%add3A_8, %dma_wait3A_94] : memref<10240x128xf32, #tpu.memory_space<vmem_shared>> -> memref<32x128xf32, #tpu.memory_space<vmem_shared>>
      tpu.wait_dma2 semaphore(%run_scoped3A : memref<!tpu.dma_semaphore, #tpu.memory_space<semaphore_mem>>) src(%arg14 : memref<32x128xf32, #tpu.memory_space<vmem>>) dst(%dma_wait3A_95 : memref<32x128xf32, #tpu.memory_space<vmem_shared>>)
      tpu.yield
    }) : () -> ()
    %add3A_9 = arith.constant 64 : i32
    %add3A_10 = arith.addi %mul3A_0, %add3A_9 : i32
    "tpu.region"() ({
      %run_scoped3A = tpu.sem_alloc : memref<!tpu.dma_semaphore, #tpu.memory_space<semaphore_mem>>
      %dma_start3A = arith.constant 0 : i32
      %dma_start3A_90 = tpu.memref_slice %arg10[%add3A_10, %dma_start3A] : memref<10240x128xf32, #tpu.memory_space<vmem_shared>> -> memref<32x128xf32, #tpu.memory_space<vmem_shared>>
      %dma_start3A_91 = arith.constant 0 : i32
      %dma_start3A_92 = tpu.memref_slice %arg10[%add3A_10, %dma_start3A_91] : memref<10240x128xf32, #tpu.memory_space<vmem_shared>> -> memref<32x128xf32, #tpu.memory_space<vmem_shared>>
      tpu.enqueue_dma source(%arg14 : memref<32x128xf32, #tpu.memory_space<vmem>>) target(%dma_start3A_92 : memref<32x128xf32, #tpu.memory_space<vmem_shared>>) target_semaphore(%run_scoped3A : memref<!tpu.dma_semaphore, #tpu.memory_space<semaphore_mem>>)
      %dma_wait3A = arith.constant 0 : i32
      %dma_wait3A_93 = tpu.memref_slice %arg10[%add3A_10, %dma_wait3A] : memref<10240x128xf32, #tpu.memory_space<vmem_shared>> -> memref<32x128xf32, #tpu.memory_space<vmem_shared>>
      %dma_wait3A_94 = arith.constant 0 : i32
      %dma_wait3A_95 = tpu.memref_slice %arg10[%add3A_10, %dma_wait3A_94] : memref<10240x128xf32, #tpu.memory_space<vmem_shared>> -> memref<32x128xf32, #tpu.memory_space<vmem_shared>>
      tpu.wait_dma2 semaphore(%run_scoped3A : memref<!tpu.dma_semaphore, #tpu.memory_space<semaphore_mem>>) src(%arg14 : memref<32x128xf32, #tpu.memory_space<vmem>>) dst(%dma_wait3A_95 : memref<32x128xf32, #tpu.memory_space<vmem_shared>>)
      tpu.yield
    }) : () -> ()
    %add3A_11 = arith.constant 96 : i32
    %add3A_12 = arith.addi %mul3A_0, %add3A_11 : i32
    "tpu.region"() ({
      %run_scoped3A = tpu.sem_alloc : memref<!tpu.dma_semaphore, #tpu.memory_space<semaphore_mem>>
      %dma_start3A = arith.constant 0 : i32
      %dma_start3A_90 = tpu.memref_slice %arg10[%add3A_12, %dma_start3A] : memref<10240x128xf32, #tpu.memory_space<vmem_shared>> -> memref<32x128xf32, #tpu.memory_space<vmem_shared>>
      %dma_start3A_91 = arith.constant 0 : i32
      %dma_start3A_92 = tpu.memref_slice %arg10[%add3A_12, %dma_start3A_91] : memref<10240x128xf32, #tpu.memory_space<vmem_shared>> -> memref<32x128xf32, #tpu.memory_space<vmem_shared>>
      tpu.enqueue_dma source(%arg14 : memref<32x128xf32, #tpu.memory_space<vmem>>) target(%dma_start3A_92 : memref<32x128xf32, #tpu.memory_space<vmem_shared>>) target_semaphore(%run_scoped3A : memref<!tpu.dma_semaphore, #tpu.memory_space<semaphore_mem>>)
      %dma_wait3A = arith.constant 0 : i32
      %dma_wait3A_93 = tpu.memref_slice %arg10[%add3A_12, %dma_wait3A] : memref<10240x128xf32, #tpu.memory_space<vmem_shared>> -> memref<32x128xf32, #tpu.memory_space<vmem_shared>>
      %dma_wait3A_94 = arith.constant 0 : i32
      %dma_wait3A_95 = tpu.memref_slice %arg10[%add3A_12, %dma_wait3A_94] : memref<10240x128xf32, #tpu.memory_space<vmem_shared>> -> memref<32x128xf32, #tpu.memory_space<vmem_shared>>
      tpu.wait_dma2 semaphore(%run_scoped3A : memref<!tpu.dma_semaphore, #tpu.memory_space<semaphore_mem>>) src(%arg14 : memref<32x128xf32, #tpu.memory_space<vmem>>) dst(%dma_wait3A_95 : memref<32x128xf32, #tpu.memory_space<vmem_shared>>)
      tpu.yield
    }) : () -> ()
    %add3A_13 = arith.constant 128 : i32
    %add3A_14 = arith.addi %mul3A_0, %add3A_13 : i32
    "tpu.region"() ({
      %run_scoped3A = tpu.sem_alloc : memref<!tpu.dma_semaphore, #tpu.memory_space<semaphore_mem>>
      %dma_start3A = arith.constant 0 : i32
      %dma_start3A_90 = tpu.memref_slice %arg10[%add3A_14, %dma_start3A] : memref<10240x128xf32, #tpu.memory_space<vmem_shared>> -> memref<32x128xf32, #tpu.memory_space<vmem_shared>>
      %dma_start3A_91 = arith.constant 0 : i32
      %dma_start3A_92 = tpu.memref_slice %arg10[%add3A_14, %dma_start3A_91] : memref<10240x128xf32, #tpu.memory_space<vmem_shared>> -> memref<32x128xf32, #tpu.memory_space<vmem_shared>>
      tpu.enqueue_dma source(%arg14 : memref<32x128xf32, #tpu.memory_space<vmem>>) target(%dma_start3A_92 : memref<32x128xf32, #tpu.memory_space<vmem_shared>>) target_semaphore(%run_scoped3A : memref<!tpu.dma_semaphore, #tpu.memory_space<semaphore_mem>>)
      %dma_wait3A = arith.constant 0 : i32
      %dma_wait3A_93 = tpu.memref_slice %arg10[%add3A_14, %dma_wait3A] : memref<10240x128xf32, #tpu.memory_space<vmem_shared>> -> memref<32x128xf32, #tpu.memory_space<vmem_shared>>
      %dma_wait3A_94 = arith.constant 0 : i32
      %dma_wait3A_95 = tpu.memref_slice %arg10[%add3A_14, %dma_wait3A_94] : memref<10240x128xf32, #tpu.memory_space<vmem_shared>> -> memref<32x128xf32, #tpu.memory_space<vmem_shared>>
      tpu.wait_dma2 semaphore(%run_scoped3A : memref<!tpu.dma_semaphore, #tpu.memory_space<semaphore_mem>>) src(%arg14 : memref<32x128xf32, #tpu.memory_space<vmem>>) dst(%dma_wait3A_95 : memref<32x128xf32, #tpu.memory_space<vmem_shared>>)
      tpu.yield
    }) : () -> ()
    %add3A_15 = arith.constant 160 : i32
    %add3A_16 = arith.addi %mul3A_0, %add3A_15 : i32
    "tpu.region"() ({
      %run_scoped3A = tpu.sem_alloc : memref<!tpu.dma_semaphore, #tpu.memory_space<semaphore_mem>>
      %dma_start3A = arith.constant 0 : i32
      %dma_start3A_90 = tpu.memref_slice %arg10[%add3A_16, %dma_start3A] : memref<10240x128xf32, #tpu.memory_space<vmem_shared>> -> memref<32x128xf32, #tpu.memory_space<vmem_shared>>
      %dma_start3A_91 = arith.constant 0 : i32
      %dma_start3A_92 = tpu.memref_slice %arg10[%add3A_16, %dma_start3A_91] : memref<10240x128xf32, #tpu.memory_space<vmem_shared>> -> memref<32x128xf32, #tpu.memory_space<vmem_shared>>
      tpu.enqueue_dma source(%arg14 : memref<32x128xf32, #tpu.memory_space<vmem>>) target(%dma_start3A_92 : memref<32x128xf32, #tpu.memory_space<vmem_shared>>) target_semaphore(%run_scoped3A : memref<!tpu.dma_semaphore, #tpu.memory_space<semaphore_mem>>)
      %dma_wait3A = arith.constant 0 : i32
      %dma_wait3A_93 = tpu.memref_slice %arg10[%add3A_16, %dma_wait3A] : memref<10240x128xf32, #tpu.memory_space<vmem_shared>> -> memref<32x128xf32, #tpu.memory_space<vmem_shared>>
      %dma_wait3A_94 = arith.constant 0 : i32
      %dma_wait3A_95 = tpu.memref_slice %arg10[%add3A_16, %dma_wait3A_94] : memref<10240x128xf32, #tpu.memory_space<vmem_shared>> -> memref<32x128xf32, #tpu.memory_space<vmem_shared>>
      tpu.wait_dma2 semaphore(%run_scoped3A : memref<!tpu.dma_semaphore, #tpu.memory_space<semaphore_mem>>) src(%arg14 : memref<32x128xf32, #tpu.memory_space<vmem>>) dst(%dma_wait3A_95 : memref<32x128xf32, #tpu.memory_space<vmem_shared>>)
      tpu.yield
    }) : () -> ()
    %add3A_17 = arith.constant 192 : i32
    %add3A_18 = arith.addi %mul3A_0, %add3A_17 : i32
    "tpu.region"() ({
      %run_scoped3A = tpu.sem_alloc : memref<!tpu.dma_semaphore, #tpu.memory_space<semaphore_mem>>
      %dma_start3A = arith.constant 0 : i32
      %dma_start3A_90 = tpu.memref_slice %arg10[%add3A_18, %dma_start3A] : memref<10240x128xf32, #tpu.memory_space<vmem_shared>> -> memref<32x128xf32, #tpu.memory_space<vmem_shared>>
      %dma_start3A_91 = arith.constant 0 : i32
      %dma_start3A_92 = tpu.memref_slice %arg10[%add3A_18, %dma_start3A_91] : memref<10240x128xf32, #tpu.memory_space<vmem_shared>> -> memref<32x128xf32, #tpu.memory_space<vmem_shared>>
      tpu.enqueue_dma source(%arg14 : memref<32x128xf32, #tpu.memory_space<vmem>>) target(%dma_start3A_92 : memref<32x128xf32, #tpu.memory_space<vmem_shared>>) target_semaphore(%run_scoped3A : memref<!tpu.dma_semaphore, #tpu.memory_space<semaphore_mem>>)
      %dma_wait3A = arith.constant 0 : i32
      %dma_wait3A_93 = tpu.memref_slice %arg10[%add3A_18, %dma_wait3A] : memref<10240x128xf32, #tpu.memory_space<vmem_shared>> -> memref<32x128xf32, #tpu.memory_space<vmem_shared>>
      %dma_wait3A_94 = arith.constant 0 : i32
      %dma_wait3A_95 = tpu.memref_slice %arg10[%add3A_18, %dma_wait3A_94] : memref<10240x128xf32, #tpu.memory_space<vmem_shared>> -> memref<32x128xf32, #tpu.memory_space<vmem_shared>>
      tpu.wait_dma2 semaphore(%run_scoped3A : memref<!tpu.dma_semaphore, #tpu.memory_space<semaphore_mem>>) src(%arg14 : memref<32x128xf32, #tpu.memory_space<vmem>>) dst(%dma_wait3A_95 : memref<32x128xf32, #tpu.memory_space<vmem_shared>>)
      tpu.yield
    }) : () -> ()
    %add3A_19 = arith.constant 224 : i32
    %add3A_20 = arith.addi %mul3A_0, %add3A_19 : i32
    "tpu.region"() ({
      %run_scoped3A = tpu.sem_alloc : memref<!tpu.dma_semaphore, #tpu.memory_space<semaphore_mem>>
      %dma_start3A = arith.constant 0 : i32
      %dma_start3A_90 = tpu.memref_slice %arg10[%add3A_20, %dma_start3A] : memref<10240x128xf32, #tpu.memory_space<vmem_shared>> -> memref<32x128xf32, #tpu.memory_space<vmem_shared>>
      %dma_start3A_91 = arith.constant 0 : i32
      %dma_start3A_92 = tpu.memref_slice %arg10[%add3A_20, %dma_start3A_91] : memref<10240x128xf32, #tpu.memory_space<vmem_shared>> -> memref<32x128xf32, #tpu.memory_space<vmem_shared>>
      tpu.enqueue_dma source(%arg14 : memref<32x128xf32, #tpu.memory_space<vmem>>) target(%dma_start3A_92 : memref<32x128xf32, #tpu.memory_space<vmem_shared>>) target_semaphore(%run_scoped3A : memref<!tpu.dma_semaphore, #tpu.memory_space<semaphore_mem>>)
      %dma_wait3A = arith.constant 0 : i32
      %dma_wait3A_93 = tpu.memref_slice %arg10[%add3A_20, %dma_wait3A] : memref<10240x128xf32, #tpu.memory_space<vmem_shared>> -> memref<32x128xf32, #tpu.memory_space<vmem_shared>>
      %dma_wait3A_94 = arith.constant 0 : i32
      %dma_wait3A_95 = tpu.memref_slice %arg10[%add3A_20, %dma_wait3A_94] : memref<10240x128xf32, #tpu.memory_space<vmem_shared>> -> memref<32x128xf32, #tpu.memory_space<vmem_shared>>
      tpu.wait_dma2 semaphore(%run_scoped3A : memref<!tpu.dma_semaphore, #tpu.memory_space<semaphore_mem>>) src(%arg14 : memref<32x128xf32, #tpu.memory_space<vmem>>) dst(%dma_wait3A_95 : memref<32x128xf32, #tpu.memory_space<vmem_shared>>)
      tpu.yield
    }) : () -> ()
    %add3A_21 = arith.constant 256 : i32
    %add3A_22 = arith.addi %mul3A_0, %add3A_21 : i32
    "tpu.region"() ({
      %run_scoped3A = tpu.sem_alloc : memref<!tpu.dma_semaphore, #tpu.memory_space<semaphore_mem>>
      %dma_start3A = arith.constant 0 : i32
      %dma_start3A_90 = tpu.memref_slice %arg10[%add3A_22, %dma_start3A] : memref<10240x128xf32, #tpu.memory_space<vmem_shared>> -> memref<32x128xf32, #tpu.memory_space<vmem_shared>>
      %dma_start3A_91 = arith.constant 0 : i32
      %dma_start3A_92 = tpu.memref_slice %arg10[%add3A_22, %dma_start3A_91] : memref<10240x128xf32, #tpu.memory_space<vmem_shared>> -> memref<32x128xf32, #tpu.memory_space<vmem_shared>>
      tpu.enqueue_dma source(%arg14 : memref<32x128xf32, #tpu.memory_space<vmem>>) target(%dma_start3A_92 : memref<32x128xf32, #tpu.memory_space<vmem_shared>>) target_semaphore(%run_scoped3A : memref<!tpu.dma_semaphore, #tpu.memory_space<semaphore_mem>>)
      %dma_wait3A = arith.constant 0 : i32
      %dma_wait3A_93 = tpu.memref_slice %arg10[%add3A_22, %dma_wait3A] : memref<10240x128xf32, #tpu.memory_space<vmem_shared>> -> memref<32x128xf32, #tpu.memory_space<vmem_shared>>
      %dma_wait3A_94 = arith.constant 0 : i32
      %dma_wait3A_95 = tpu.memref_slice %arg10[%add3A_22, %dma_wait3A_94] : memref<10240x128xf32, #tpu.memory_space<vmem_shared>> -> memref<32x128xf32, #tpu.memory_space<vmem_shared>>
      tpu.wait_dma2 semaphore(%run_scoped3A : memref<!tpu.dma_semaphore, #tpu.memory_space<semaphore_mem>>) src(%arg14 : memref<32x128xf32, #tpu.memory_space<vmem>>) dst(%dma_wait3A_95 : memref<32x128xf32, #tpu.memory_space<vmem_shared>>)
      tpu.yield
    }) : () -> ()
    %add3A_23 = arith.constant 288 : i32
    %add3A_24 = arith.addi %mul3A_0, %add3A_23 : i32
    "tpu.region"() ({
      %run_scoped3A = tpu.sem_alloc : memref<!tpu.dma_semaphore, #tpu.memory_space<semaphore_mem>>
      %dma_start3A = arith.constant 0 : i32
      %dma_start3A_90 = tpu.memref_slice %arg10[%add3A_24, %dma_start3A] : memref<10240x128xf32, #tpu.memory_space<vmem_shared>> -> memref<32x128xf32, #tpu.memory_space<vmem_shared>>
      %dma_start3A_91 = arith.constant 0 : i32
      %dma_start3A_92 = tpu.memref_slice %arg10[%add3A_24, %dma_start3A_91] : memref<10240x128xf32, #tpu.memory_space<vmem_shared>> -> memref<32x128xf32, #tpu.memory_space<vmem_shared>>
      tpu.enqueue_dma source(%arg14 : memref<32x128xf32, #tpu.memory_space<vmem>>) target(%dma_start3A_92 : memref<32x128xf32, #tpu.memory_space<vmem_shared>>) target_semaphore(%run_scoped3A : memref<!tpu.dma_semaphore, #tpu.memory_space<semaphore_mem>>)
      %dma_wait3A = arith.constant 0 : i32
      %dma_wait3A_93 = tpu.memref_slice %arg10[%add3A_24, %dma_wait3A] : memref<10240x128xf32, #tpu.memory_space<vmem_shared>> -> memref<32x128xf32, #tpu.memory_space<vmem_shared>>
      %dma_wait3A_94 = arith.constant 0 : i32
      %dma_wait3A_95 = tpu.memref_slice %arg10[%add3A_24, %dma_wait3A_94] : memref<10240x128xf32, #tpu.memory_space<vmem_shared>> -> memref<32x128xf32, #tpu.memory_space<vmem_shared>>
      tpu.wait_dma2 semaphore(%run_scoped3A : memref<!tpu.dma_semaphore, #tpu.memory_space<semaphore_mem>>) src(%arg14 : memref<32x128xf32, #tpu.memory_space<vmem>>) dst(%dma_wait3A_95 : memref<32x128xf32, #tpu.memory_space<vmem_shared>>)
      tpu.yield
    }) : () -> ()
    %add3A_25 = arith.constant 320 : i32
    %add3A_26 = arith.addi %mul3A_0, %add3A_25 : i32
    "tpu.region"() ({
      %run_scoped3A = tpu.sem_alloc : memref<!tpu.dma_semaphore, #tpu.memory_space<semaphore_mem>>
      %dma_start3A = arith.constant 0 : i32
      %dma_start3A_90 = tpu.memref_slice %arg10[%add3A_26, %dma_start3A] : memref<10240x128xf32, #tpu.memory_space<vmem_shared>> -> memref<32x128xf32, #tpu.memory_space<vmem_shared>>
      %dma_start3A_91 = arith.constant 0 : i32
      %dma_start3A_92 = tpu.memref_slice %arg10[%add3A_26, %dma_start3A_91] : memref<10240x128xf32, #tpu.memory_space<vmem_shared>> -> memref<32x128xf32, #tpu.memory_space<vmem_shared>>
      tpu.enqueue_dma source(%arg14 : memref<32x128xf32, #tpu.memory_space<vmem>>) target(%dma_start3A_92 : memref<32x128xf32, #tpu.memory_space<vmem_shared>>) target_semaphore(%run_scoped3A : memref<!tpu.dma_semaphore, #tpu.memory_space<semaphore_mem>>)
      %dma_wait3A = arith.constant 0 : i32
      %dma_wait3A_93 = tpu.memref_slice %arg10[%add3A_26, %dma_wait3A] : memref<10240x128xf32, #tpu.memory_space<vmem_shared>> -> memref<32x128xf32, #tpu.memory_space<vmem_shared>>
      %dma_wait3A_94 = arith.constant 0 : i32
      %dma_wait3A_95 = tpu.memref_slice %arg10[%add3A_26, %dma_wait3A_94] : memref<10240x128xf32, #tpu.memory_space<vmem_shared>> -> memref<32x128xf32, #tpu.memory_space<vmem_shared>>
      tpu.wait_dma2 semaphore(%run_scoped3A : memref<!tpu.dma_semaphore, #tpu.memory_space<semaphore_mem>>) src(%arg14 : memref<32x128xf32, #tpu.memory_space<vmem>>) dst(%dma_wait3A_95 : memref<32x128xf32, #tpu.memory_space<vmem_shared>>)
      tpu.yield
    }) : () -> ()
    %add3A_27 = arith.constant 352 : i32
    %add3A_28 = arith.addi %mul3A_0, %add3A_27 : i32
    "tpu.region"() ({
      %run_scoped3A = tpu.sem_alloc : memref<!tpu.dma_semaphore, #tpu.memory_space<semaphore_mem>>
      %dma_start3A = arith.constant 0 : i32
      %dma_start3A_90 = tpu.memref_slice %arg10[%add3A_28, %dma_start3A] : memref<10240x128xf32, #tpu.memory_space<vmem_shared>> -> memref<32x128xf32, #tpu.memory_space<vmem_shared>>
      %dma_start3A_91 = arith.constant 0 : i32
      %dma_start3A_92 = tpu.memref_slice %arg10[%add3A_28, %dma_start3A_91] : memref<10240x128xf32, #tpu.memory_space<vmem_shared>> -> memref<32x128xf32, #tpu.memory_space<vmem_shared>>
      tpu.enqueue_dma source(%arg14 : memref<32x128xf32, #tpu.memory_space<vmem>>) target(%dma_start3A_92 : memref<32x128xf32, #tpu.memory_space<vmem_shared>>) target_semaphore(%run_scoped3A : memref<!tpu.dma_semaphore, #tpu.memory_space<semaphore_mem>>)
      %dma_wait3A = arith.constant 0 : i32
      %dma_wait3A_93 = tpu.memref_slice %arg10[%add3A_28, %dma_wait3A] : memref<10240x128xf32, #tpu.memory_space<vmem_shared>> -> memref<32x128xf32, #tpu.memory_space<vmem_shared>>
      %dma_wait3A_94 = arith.constant 0 : i32
      %dma_wait3A_95 = tpu.memref_slice %arg10[%add3A_28, %dma_wait3A_94] : memref<10240x128xf32, #tpu.memory_space<vmem_shared>> -> memref<32x128xf32, #tpu.memory_space<vmem_shared>>
      tpu.wait_dma2 semaphore(%run_scoped3A : memref<!tpu.dma_semaphore, #tpu.memory_space<semaphore_mem>>) src(%arg14 : memref<32x128xf32, #tpu.memory_space<vmem>>) dst(%dma_wait3A_95 : memref<32x128xf32, #tpu.memory_space<vmem_shared>>)
      tpu.yield
    }) : () -> ()
    %add3A_29 = arith.constant 384 : i32
    %add3A_30 = arith.addi %mul3A_0, %add3A_29 : i32
    "tpu.region"() ({
      %run_scoped3A = tpu.sem_alloc : memref<!tpu.dma_semaphore, #tpu.memory_space<semaphore_mem>>
      %dma_start3A = arith.constant 0 : i32
      %dma_start3A_90 = tpu.memref_slice %arg10[%add3A_30, %dma_start3A] : memref<10240x128xf32, #tpu.memory_space<vmem_shared>> -> memref<32x128xf32, #tpu.memory_space<vmem_shared>>
      %dma_start3A_91 = arith.constant 0 : i32
      %dma_start3A_92 = tpu.memref_slice %arg10[%add3A_30, %dma_start3A_91] : memref<10240x128xf32, #tpu.memory_space<vmem_shared>> -> memref<32x128xf32, #tpu.memory_space<vmem_shared>>
      tpu.enqueue_dma source(%arg14 : memref<32x128xf32, #tpu.memory_space<vmem>>) target(%dma_start3A_92 : memref<32x128xf32, #tpu.memory_space<vmem_shared>>) target_semaphore(%run_scoped3A : memref<!tpu.dma_semaphore, #tpu.memory_space<semaphore_mem>>)
      %dma_wait3A = arith.constant 0 : i32
      %dma_wait3A_93 = tpu.memref_slice %arg10[%add3A_30, %dma_wait3A] : memref<10240x128xf32, #tpu.memory_space<vmem_shared>> -> memref<32x128xf32, #tpu.memory_space<vmem_shared>>
      %dma_wait3A_94 = arith.constant 0 : i32
      %dma_wait3A_95 = tpu.memref_slice %arg10[%add3A_30, %dma_wait3A_94] : memref<10240x128xf32, #tpu.memory_space<vmem_shared>> -> memref<32x128xf32, #tpu.memory_space<vmem_shared>>
      tpu.wait_dma2 semaphore(%run_scoped3A : memref<!tpu.dma_semaphore, #tpu.memory_space<semaphore_mem>>) src(%arg14 : memref<32x128xf32, #tpu.memory_space<vmem>>) dst(%dma_wait3A_95 : memref<32x128xf32, #tpu.memory_space<vmem_shared>>)
      tpu.yield
    }) : () -> ()
    %add3A_31 = arith.constant 416 : i32
    %add3A_32 = arith.addi %mul3A_0, %add3A_31 : i32
    "tpu.region"() ({
      %run_scoped3A = tpu.sem_alloc : memref<!tpu.dma_semaphore, #tpu.memory_space<semaphore_mem>>
      %dma_start3A = arith.constant 0 : i32
      %dma_start3A_90 = tpu.memref_slice %arg10[%add3A_32, %dma_start3A] : memref<10240x128xf32, #tpu.memory_space<vmem_shared>> -> memref<32x128xf32, #tpu.memory_space<vmem_shared>>
      %dma_start3A_91 = arith.constant 0 : i32
      %dma_start3A_92 = tpu.memref_slice %arg10[%add3A_32, %dma_start3A_91] : memref<10240x128xf32, #tpu.memory_space<vmem_shared>> -> memref<32x128xf32, #tpu.memory_space<vmem_shared>>
      tpu.enqueue_dma source(%arg14 : memref<32x128xf32, #tpu.memory_space<vmem>>) target(%dma_start3A_92 : memref<32x128xf32, #tpu.memory_space<vmem_shared>>) target_semaphore(%run_scoped3A : memref<!tpu.dma_semaphore, #tpu.memory_space<semaphore_mem>>)
      %dma_wait3A = arith.constant 0 : i32
      %dma_wait3A_93 = tpu.memref_slice %arg10[%add3A_32, %dma_wait3A] : memref<10240x128xf32, #tpu.memory_space<vmem_shared>> -> memref<32x128xf32, #tpu.memory_space<vmem_shared>>
      %dma_wait3A_94 = arith.constant 0 : i32
      %dma_wait3A_95 = tpu.memref_slice %arg10[%add3A_32, %dma_wait3A_94] : memref<10240x128xf32, #tpu.memory_space<vmem_shared>> -> memref<32x128xf32, #tpu.memory_space<vmem_shared>>
      tpu.wait_dma2 semaphore(%run_scoped3A : memref<!tpu.dma_semaphore, #tpu.memory_space<semaphore_mem>>) src(%arg14 : memref<32x128xf32, #tpu.memory_space<vmem>>) dst(%dma_wait3A_95 : memref<32x128xf32, #tpu.memory_space<vmem_shared>>)
      tpu.yield
    }) : () -> ()
    %add3A_33 = arith.constant 448 : i32
    %add3A_34 = arith.addi %mul3A_0, %add3A_33 : i32
    "tpu.region"() ({
      %run_scoped3A = tpu.sem_alloc : memref<!tpu.dma_semaphore, #tpu.memory_space<semaphore_mem>>
      %dma_start3A = arith.constant 0 : i32
      %dma_start3A_90 = tpu.memref_slice %arg10[%add3A_34, %dma_start3A] : memref<10240x128xf32, #tpu.memory_space<vmem_shared>> -> memref<32x128xf32, #tpu.memory_space<vmem_shared>>
      %dma_start3A_91 = arith.constant 0 : i32
      %dma_start3A_92 = tpu.memref_slice %arg10[%add3A_34, %dma_start3A_91] : memref<10240x128xf32, #tpu.memory_space<vmem_shared>> -> memref<32x128xf32, #tpu.memory_space<vmem_shared>>
      tpu.enqueue_dma source(%arg14 : memref<32x128xf32, #tpu.memory_space<vmem>>) target(%dma_start3A_92 : memref<32x128xf32, #tpu.memory_space<vmem_shared>>) target_semaphore(%run_scoped3A : memref<!tpu.dma_semaphore, #tpu.memory_space<semaphore_mem>>)
      %dma_wait3A = arith.constant 0 : i32
      %dma_wait3A_93 = tpu.memref_slice %arg10[%add3A_34, %dma_wait3A] : memref<10240x128xf32, #tpu.memory_space<vmem_shared>> -> memref<32x128xf32, #tpu.memory_space<vmem_shared>>
      %dma_wait3A_94 = arith.constant 0 : i32
      %dma_wait3A_95 = tpu.memref_slice %arg10[%add3A_34, %dma_wait3A_94] : memref<10240x128xf32, #tpu.memory_space<vmem_shared>> -> memref<32x128xf32, #tpu.memory_space<vmem_shared>>
      tpu.wait_dma2 semaphore(%run_scoped3A : memref<!tpu.dma_semaphore, #tpu.memory_space<semaphore_mem>>) src(%arg14 : memref<32x128xf32, #tpu.memory_space<vmem>>) dst(%dma_wait3A_95 : memref<32x128xf32, #tpu.memory_space<vmem_shared>>)
      tpu.yield
    }) : () -> ()
    %add3A_35 = arith.constant 480 : i32
    %add3A_36 = arith.addi %mul3A_0, %add3A_35 : i32
    "tpu.region"() ({
      %run_scoped3A = tpu.sem_alloc : memref<!tpu.dma_semaphore, #tpu.memory_space<semaphore_mem>>
      %dma_start3A = arith.constant 0 : i32
      %dma_start3A_90 = tpu.memref_slice %arg10[%add3A_36, %dma_start3A] : memref<10240x128xf32, #tpu.memory_space<vmem_shared>> -> memref<32x128xf32, #tpu.memory_space<vmem_shared>>
      %dma_start3A_91 = arith.constant 0 : i32
      %dma_start3A_92 = tpu.memref_slice %arg10[%add3A_36, %dma_start3A_91] : memref<10240x128xf32, #tpu.memory_space<vmem_shared>> -> memref<32x128xf32, #tpu.memory_space<vmem_shared>>
      tpu.enqueue_dma source(%arg14 : memref<32x128xf32, #tpu.memory_space<vmem>>) target(%dma_start3A_92 : memref<32x128xf32, #tpu.memory_space<vmem_shared>>) target_semaphore(%run_scoped3A : memref<!tpu.dma_semaphore, #tpu.memory_space<semaphore_mem>>)
      %dma_wait3A = arith.constant 0 : i32
      %dma_wait3A_93 = tpu.memref_slice %arg10[%add3A_36, %dma_wait3A] : memref<10240x128xf32, #tpu.memory_space<vmem_shared>> -> memref<32x128xf32, #tpu.memory_space<vmem_shared>>
      %dma_wait3A_94 = arith.constant 0 : i32
      %dma_wait3A_95 = tpu.memref_slice %arg10[%add3A_36, %dma_wait3A_94] : memref<10240x128xf32, #tpu.memory_space<vmem_shared>> -> memref<32x128xf32, #tpu.memory_space<vmem_shared>>
      tpu.wait_dma2 semaphore(%run_scoped3A : memref<!tpu.dma_semaphore, #tpu.memory_space<semaphore_mem>>) src(%arg14 : memref<32x128xf32, #tpu.memory_space<vmem>>) dst(%dma_wait3A_95 : memref<32x128xf32, #tpu.memory_space<vmem_shared>>)
      tpu.yield
    }) : () -> ()
    %add3A_37 = arith.constant 512 : i32
    %add3A_38 = arith.addi %mul3A_0, %add3A_37 : i32
    "tpu.region"() ({
      %run_scoped3A = tpu.sem_alloc : memref<!tpu.dma_semaphore, #tpu.memory_space<semaphore_mem>>
      %dma_start3A = arith.constant 0 : i32
      %dma_start3A_90 = tpu.memref_slice %arg10[%add3A_38, %dma_start3A] : memref<10240x128xf32, #tpu.memory_space<vmem_shared>> -> memref<32x128xf32, #tpu.memory_space<vmem_shared>>
      %dma_start3A_91 = arith.constant 0 : i32
      %dma_start3A_92 = tpu.memref_slice %arg10[%add3A_38, %dma_start3A_91] : memref<10240x128xf32, #tpu.memory_space<vmem_shared>> -> memref<32x128xf32, #tpu.memory_space<vmem_shared>>
      tpu.enqueue_dma source(%arg14 : memref<32x128xf32, #tpu.memory_space<vmem>>) target(%dma_start3A_92 : memref<32x128xf32, #tpu.memory_space<vmem_shared>>) target_semaphore(%run_scoped3A : memref<!tpu.dma_semaphore, #tpu.memory_space<semaphore_mem>>)
      %dma_wait3A = arith.constant 0 : i32
      %dma_wait3A_93 = tpu.memref_slice %arg10[%add3A_38, %dma_wait3A] : memref<10240x128xf32, #tpu.memory_space<vmem_shared>> -> memref<32x128xf32, #tpu.memory_space<vmem_shared>>
      %dma_wait3A_94 = arith.constant 0 : i32
      %dma_wait3A_95 = tpu.memref_slice %arg10[%add3A_38, %dma_wait3A_94] : memref<10240x128xf32, #tpu.memory_space<vmem_shared>> -> memref<32x128xf32, #tpu.memory_space<vmem_shared>>
      tpu.wait_dma2 semaphore(%run_scoped3A : memref<!tpu.dma_semaphore, #tpu.memory_space<semaphore_mem>>) src(%arg14 : memref<32x128xf32, #tpu.memory_space<vmem>>) dst(%dma_wait3A_95 : memref<32x128xf32, #tpu.memory_space<vmem_shared>>)
      tpu.yield
    }) : () -> ()
    %add3A_39 = arith.constant 544 : i32
    %add3A_40 = arith.addi %mul3A_0, %add3A_39 : i32
    "tpu.region"() ({
      %run_scoped3A = tpu.sem_alloc : memref<!tpu.dma_semaphore, #tpu.memory_space<semaphore_mem>>
      %dma_start3A = arith.constant 0 : i32
      %dma_start3A_90 = tpu.memref_slice %arg10[%add3A_40, %dma_start3A] : memref<10240x128xf32, #tpu.memory_space<vmem_shared>> -> memref<32x128xf32, #tpu.memory_space<vmem_shared>>
      %dma_start3A_91 = arith.constant 0 : i32
      %dma_start3A_92 = tpu.memref_slice %arg10[%add3A_40, %dma_start3A_91] : memref<10240x128xf32, #tpu.memory_space<vmem_shared>> -> memref<32x128xf32, #tpu.memory_space<vmem_shared>>
      tpu.enqueue_dma source(%arg14 : memref<32x128xf32, #tpu.memory_space<vmem>>) target(%dma_start3A_92 : memref<32x128xf32, #tpu.memory_space<vmem_shared>>) target_semaphore(%run_scoped3A : memref<!tpu.dma_semaphore, #tpu.memory_space<semaphore_mem>>)
      %dma_wait3A = arith.constant 0 : i32
      %dma_wait3A_93 = tpu.memref_slice %arg10[%add3A_40, %dma_wait3A] : memref<10240x128xf32, #tpu.memory_space<vmem_shared>> -> memref<32x128xf32, #tpu.memory_space<vmem_shared>>
      %dma_wait3A_94 = arith.constant 0 : i32
      %dma_wait3A_95 = tpu.memref_slice %arg10[%add3A_40, %dma_wait3A_94] : memref<10240x128xf32, #tpu.memory_space<vmem_shared>> -> memref<32x128xf32, #tpu.memory_space<vmem_shared>>
      tpu.wait_dma2 semaphore(%run_scoped3A : memref<!tpu.dma_semaphore, #tpu.memory_space<semaphore_mem>>) src(%arg14 : memref<32x128xf32, #tpu.memory_space<vmem>>) dst(%dma_wait3A_95 : memref<32x128xf32, #tpu.memory_space<vmem_shared>>)
      tpu.yield
    }) : () -> ()
    %add3A_41 = arith.constant 576 : i32
    %add3A_42 = arith.addi %mul3A_0, %add3A_41 : i32
    "tpu.region"() ({
      %run_scoped3A = tpu.sem_alloc : memref<!tpu.dma_semaphore, #tpu.memory_space<semaphore_mem>>
      %dma_start3A = arith.constant 0 : i32
      %dma_start3A_90 = tpu.memref_slice %arg10[%add3A_42, %dma_start3A] : memref<10240x128xf32, #tpu.memory_space<vmem_shared>> -> memref<32x128xf32, #tpu.memory_space<vmem_shared>>
      %dma_start3A_91 = arith.constant 0 : i32
      %dma_start3A_92 = tpu.memref_slice %arg10[%add3A_42, %dma_start3A_91] : memref<10240x128xf32, #tpu.memory_space<vmem_shared>> -> memref<32x128xf32, #tpu.memory_space<vmem_shared>>
      tpu.enqueue_dma source(%arg14 : memref<32x128xf32, #tpu.memory_space<vmem>>) target(%dma_start3A_92 : memref<32x128xf32, #tpu.memory_space<vmem_shared>>) target_semaphore(%run_scoped3A : memref<!tpu.dma_semaphore, #tpu.memory_space<semaphore_mem>>)
      %dma_wait3A = arith.constant 0 : i32
      %dma_wait3A_93 = tpu.memref_slice %arg10[%add3A_42, %dma_wait3A] : memref<10240x128xf32, #tpu.memory_space<vmem_shared>> -> memref<32x128xf32, #tpu.memory_space<vmem_shared>>
      %dma_wait3A_94 = arith.constant 0 : i32
      %dma_wait3A_95 = tpu.memref_slice %arg10[%add3A_42, %dma_wait3A_94] : memref<10240x128xf32, #tpu.memory_space<vmem_shared>> -> memref<32x128xf32, #tpu.memory_space<vmem_shared>>
      tpu.wait_dma2 semaphore(%run_scoped3A : memref<!tpu.dma_semaphore, #tpu.memory_space<semaphore_mem>>) src(%arg14 : memref<32x128xf32, #tpu.memory_space<vmem>>) dst(%dma_wait3A_95 : memref<32x128xf32, #tpu.memory_space<vmem_shared>>)
      tpu.yield
    }) : () -> ()
    %add3A_43 = arith.constant 608 : i32
    %add3A_44 = arith.addi %mul3A_0, %add3A_43 : i32
    "tpu.region"() ({
      %run_scoped3A = tpu.sem_alloc : memref<!tpu.dma_semaphore, #tpu.memory_space<semaphore_mem>>
      %dma_start3A = arith.constant 0 : i32
      %dma_start3A_90 = tpu.memref_slice %arg10[%add3A_44, %dma_start3A] : memref<10240x128xf32, #tpu.memory_space<vmem_shared>> -> memref<32x128xf32, #tpu.memory_space<vmem_shared>>
      %dma_start3A_91 = arith.constant 0 : i32
      %dma_start3A_92 = tpu.memref_slice %arg10[%add3A_44, %dma_start3A_91] : memref<10240x128xf32, #tpu.memory_space<vmem_shared>> -> memref<32x128xf32, #tpu.memory_space<vmem_shared>>
      tpu.enqueue_dma source(%arg14 : memref<32x128xf32, #tpu.memory_space<vmem>>) target(%dma_start3A_92 : memref<32x128xf32, #tpu.memory_space<vmem_shared>>) target_semaphore(%run_scoped3A : memref<!tpu.dma_semaphore, #tpu.memory_space<semaphore_mem>>)
      %dma_wait3A = arith.constant 0 : i32
      %dma_wait3A_93 = tpu.memref_slice %arg10[%add3A_44, %dma_wait3A] : memref<10240x128xf32, #tpu.memory_space<vmem_shared>> -> memref<32x128xf32, #tpu.memory_space<vmem_shared>>
      %dma_wait3A_94 = arith.constant 0 : i32
      %dma_wait3A_95 = tpu.memref_slice %arg10[%add3A_44, %dma_wait3A_94] : memref<10240x128xf32, #tpu.memory_space<vmem_shared>> -> memref<32x128xf32, #tpu.memory_space<vmem_shared>>
      tpu.wait_dma2 semaphore(%run_scoped3A : memref<!tpu.dma_semaphore, #tpu.memory_space<semaphore_mem>>) src(%arg14 : memref<32x128xf32, #tpu.memory_space<vmem>>) dst(%dma_wait3A_95 : memref<32x128xf32, #tpu.memory_space<vmem_shared>>)
      tpu.yield
    }) : () -> ()
    "tpu.region"() ({
      %run_scoped3A = tpu.sem_alloc : memref<!tpu.dma_semaphore, #tpu.memory_space<semaphore_mem>>
      tpu.enqueue_dma source(%arg6 : memref<640xf32, #tpu.memory_space<hbm>>) target(%arg18 : memref<640xf32, #tpu.memory_space<vmem>>) target_semaphore(%run_scoped3A : memref<!tpu.dma_semaphore, #tpu.memory_space<semaphore_mem>>)
      tpu.wait_dma2 semaphore(%run_scoped3A : memref<!tpu.dma_semaphore, #tpu.memory_space<semaphore_mem>>) src(%arg6 : memref<640xf32, #tpu.memory_space<hbm>>) dst(%arg18 : memref<640xf32, #tpu.memory_space<vmem>>)
      tpu.yield
    }) : () -> ()
    "tpu.region"() ({
      %run_scoped3A = tpu.sem_alloc : memref<!tpu.dma_semaphore, #tpu.memory_space<semaphore_mem>>
      %dma_start3A = tpu.memref_slice %arg16[%mul3A_0] : memref<10240xf32, #tpu.memory_space<vmem_shared>> -> memref<640xf32, #tpu.memory_space<vmem_shared>>
      %dma_start3A_90 = tpu.memref_slice %arg16[%mul3A_0] : memref<10240xf32, #tpu.memory_space<vmem_shared>> -> memref<640xf32, #tpu.memory_space<vmem_shared>>
      tpu.enqueue_dma source(%arg18 : memref<640xf32, #tpu.memory_space<vmem>>) target(%dma_start3A_90 : memref<640xf32, #tpu.memory_space<vmem_shared>>) target_semaphore(%run_scoped3A : memref<!tpu.dma_semaphore, #tpu.memory_space<semaphore_mem>>)
      %dma_wait3A = tpu.memref_slice %arg16[%mul3A_0] : memref<10240xf32, #tpu.memory_space<vmem_shared>> -> memref<640xf32, #tpu.memory_space<vmem_shared>>
      %dma_wait3A_91 = tpu.memref_slice %arg16[%mul3A_0] : memref<10240xf32, #tpu.memory_space<vmem_shared>> -> memref<640xf32, #tpu.memory_space<vmem_shared>>
      tpu.wait_dma2 semaphore(%run_scoped3A : memref<!tpu.dma_semaphore, #tpu.memory_space<semaphore_mem>>) src(%arg18 : memref<640xf32, #tpu.memory_space<vmem>>) dst(%dma_wait3A_91 : memref<640xf32, #tpu.memory_space<vmem_shared>>)
      tpu.yield
    }) : () -> ()
    "tpu.region"() ({
      %run_scoped3A = tpu.sem_alloc : memref<!tpu.dma_semaphore, #tpu.memory_space<semaphore_mem>>
      tpu.enqueue_dma source(%arg7 : memref<128xf32, #tpu.memory_space<hbm>>) target(%arg17 : memref<128xf32, #tpu.memory_space<vmem>>) target_semaphore(%run_scoped3A : memref<!tpu.dma_semaphore, #tpu.memory_space<semaphore_mem>>)
      tpu.wait_dma2 semaphore(%run_scoped3A : memref<!tpu.dma_semaphore, #tpu.memory_space<semaphore_mem>>) src(%arg7 : memref<128xf32, #tpu.memory_space<hbm>>) dst(%arg17 : memref<128xf32, #tpu.memory_space<vmem>>)
      tpu.yield
    }) : () -> ()
    %barrier3A = arith.constant 0 : index
    tpu.barrier barrier_id(%barrier3A)
    %scan3A = arith.constant 0 : i32
    %scan3A_45 = arith.constant 80 : i32
    %scan3A_46 = arith.addi %scan3A, %scan3A_45 : i32
    %scan3A_47 = arith.constant 1 : i32
    scf.for %scan3A_90 = %scan3A to %scan3A_46 step %scan3A_47  : i32 {
      %add3A_91 = arith.addi %mul3A_4, %scan3A_90 : i32
      "tpu.region"() ({
        %run_scoped3A = tpu.sem_alloc : memref<!tpu.dma_semaphore, #tpu.memory_space<semaphore_mem>>
        %dma_start3A_96 = arith.constant 0 : i32
        %dma_start3A_97 = tpu.memref_slice %arg3[%add3A_91, %dma_start3A_96] : memref<2560x128xi32, #tpu.memory_space<hbm>> -> memref<1x128xi32, #tpu.memory_space<hbm>>
        %dma_start3A_98 = tpu.memref_squeeze %dma_start3A_97 : memref<1x128xi32, #tpu.memory_space<hbm>> -> memref<128xi32, #tpu.memory_space<hbm>>
        %dma_start3A_99 = arith.constant 0 : i32
        %dma_start3A_100 = tpu.memref_slice %arg3[%add3A_91, %dma_start3A_99] : memref<2560x128xi32, #tpu.memory_space<hbm>> -> memref<1x128xi32, #tpu.memory_space<hbm>>
        %dma_start3A_101 = tpu.memref_squeeze %dma_start3A_100 : memref<1x128xi32, #tpu.memory_space<hbm>> -> memref<128xi32, #tpu.memory_space<hbm>>
        tpu.enqueue_dma source(%dma_start3A_101 : memref<128xi32, #tpu.memory_space<hbm>>) target(%arg11 : memref<128xi32, #tpu.memory_space<vmem>>) target_semaphore(%run_scoped3A : memref<!tpu.dma_semaphore, #tpu.memory_space<semaphore_mem>>)
        %dma_wait3A_102 = arith.constant 0 : i32
        %dma_wait3A_103 = tpu.memref_slice %arg3[%add3A_91, %dma_wait3A_102] : memref<2560x128xi32, #tpu.memory_space<hbm>> -> memref<1x128xi32, #tpu.memory_space<hbm>>
        %dma_wait3A_104 = tpu.memref_squeeze %dma_wait3A_103 : memref<1x128xi32, #tpu.memory_space<hbm>> -> memref<128xi32, #tpu.memory_space<hbm>>
        %dma_wait3A_105 = arith.constant 0 : i32
        %dma_wait3A_106 = tpu.memref_slice %arg3[%add3A_91, %dma_wait3A_105] : memref<2560x128xi32, #tpu.memory_space<hbm>> -> memref<1x128xi32, #tpu.memory_space<hbm>>
        %dma_wait3A_107 = tpu.memref_squeeze %dma_wait3A_106 : memref<1x128xi32, #tpu.memory_space<hbm>> -> memref<128xi32, #tpu.memory_space<hbm>>
        tpu.wait_dma2 semaphore(%run_scoped3A : memref<!tpu.dma_semaphore, #tpu.memory_space<semaphore_mem>>) src(%dma_wait3A_107 : memref<128xi32, #tpu.memory_space<hbm>>) dst(%arg11 : memref<128xi32, #tpu.memory_space<vmem>>)
        tpu.yield
      }) : () -> ()
      "tpu.region"() ({
        %run_scoped3A = tpu.sem_alloc : memref<!tpu.dma_semaphore, #tpu.memory_space<semaphore_mem>>
        %dma_start3A_96 = arith.constant 0 : i32
        %dma_start3A_97 = tpu.memref_slice %arg4[%add3A_91, %dma_start3A_96] : memref<2560x128xi32, #tpu.memory_space<hbm>> -> memref<1x128xi32, #tpu.memory_space<hbm>>
        %dma_start3A_98 = tpu.memref_squeeze %dma_start3A_97 : memref<1x128xi32, #tpu.memory_space<hbm>> -> memref<128xi32, #tpu.memory_space<hbm>>
        %dma_start3A_99 = arith.constant 0 : i32
        %dma_start3A_100 = tpu.memref_slice %arg4[%add3A_91, %dma_start3A_99] : memref<2560x128xi32, #tpu.memory_space<hbm>> -> memref<1x128xi32, #tpu.memory_space<hbm>>
        %dma_start3A_101 = tpu.memref_squeeze %dma_start3A_100 : memref<1x128xi32, #tpu.memory_space<hbm>> -> memref<128xi32, #tpu.memory_space<hbm>>
        tpu.enqueue_dma source(%dma_start3A_101 : memref<128xi32, #tpu.memory_space<hbm>>) target(%arg12 : memref<128xi32, #tpu.memory_space<vmem>>) target_semaphore(%run_scoped3A : memref<!tpu.dma_semaphore, #tpu.memory_space<semaphore_mem>>)
        %dma_wait3A_102 = arith.constant 0 : i32
        %dma_wait3A_103 = tpu.memref_slice %arg4[%add3A_91, %dma_wait3A_102] : memref<2560x128xi32, #tpu.memory_space<hbm>> -> memref<1x128xi32, #tpu.memory_space<hbm>>
        %dma_wait3A_104 = tpu.memref_squeeze %dma_wait3A_103 : memref<1x128xi32, #tpu.memory_space<hbm>> -> memref<128xi32, #tpu.memory_space<hbm>>
        %dma_wait3A_105 = arith.constant 0 : i32
        %dma_wait3A_106 = tpu.memref_slice %arg4[%add3A_91, %dma_wait3A_105] : memref<2560x128xi32, #tpu.memory_space<hbm>> -> memref<1x128xi32, #tpu.memory_space<hbm>>
        %dma_wait3A_107 = tpu.memref_squeeze %dma_wait3A_106 : memref<1x128xi32, #tpu.memory_space<hbm>> -> memref<128xi32, #tpu.memory_space<hbm>>
        tpu.wait_dma2 semaphore(%run_scoped3A : memref<!tpu.dma_semaphore, #tpu.memory_space<semaphore_mem>>) src(%dma_wait3A_107 : memref<128xi32, #tpu.memory_space<hbm>>) dst(%arg12 : memref<128xi32, #tpu.memory_space<vmem>>)
        tpu.yield
      }) : () -> ()
      %dma_start3A = arith.constant 0 : i32
      %dma_start3A_92 = arith.constant 0 : i32
      %dma_start3A_93 = tpu.memref_slice %arg2[%dma_start3A, %dma_start3A_92] : memref<10240x128xf32, #tpu.memory_space<hbm>> -> memref<10240x128xf32, #tpu.memory_space<hbm>>
      tpu.enqueue_indirect_dma source(%dma_start3A_93 : memref<10240x128xf32, #tpu.memory_space<hbm>>) target(%arg13 : memref<128x128xf32, #tpu.memory_space<vmem>>) offsets(%arg11 : memref<128xi32, #tpu.memory_space<vmem>>) semaphore(%arg15 : memref<!tpu.dma_semaphore, #tpu.memory_space<semaphore_mem>>)
      %dma_wait3A = arith.constant 0 : i32
      %dma_wait3A_94 = arith.constant 0 : i32
      %dma_wait3A_95 = tpu.memref_slice %arg2[%dma_wait3A, %dma_wait3A_94] : memref<10240x128xf32, #tpu.memory_space<hbm>> -> memref<10240x128xf32, #tpu.memory_space<hbm>>
      tpu.wait_indirect_dma semaphore(%arg15 : memref<!tpu.dma_semaphore, #tpu.memory_space<semaphore_mem>>) src(%dma_wait3A_95 : memref<10240x128xf32, #tpu.memory_space<hbm>>) dst(%arg13 : memref<128x128xf32, #tpu.memory_space<vmem>>)
      "tpu.region"() ({
        %run_scoped3A = tpu.sem_alloc : memref<!tpu.dma_semaphore, #tpu.memory_space<semaphore_mem>>
        %dma_start3A_96 = arith.constant 0 : i32
        %dma_start3A_97 = arith.constant 0 : i32
        %dma_start3A_98 = tpu.memref_slice %arg10[%dma_start3A_96, %dma_start3A_97] : memref<10240x128xf32, #tpu.memory_space<vmem_shared>> -> memref<10240x128xf32, #tpu.memory_space<vmem_shared>>
        tpu.enqueue_indirect_dma source(%arg13 : memref<128x128xf32, #tpu.memory_space<vmem>>) target(%dma_start3A_98 : memref<10240x128xf32, #tpu.memory_space<vmem_shared>>) offsets(%arg12 : memref<128xi32, #tpu.memory_space<vmem>>) semaphore(%run_scoped3A : memref<!tpu.dma_semaphore, #tpu.memory_space<semaphore_mem>>) {add = true}
        %dma_wait3A_99 = arith.constant 0 : i32
        %dma_wait3A_100 = arith.constant 0 : i32
        %dma_wait3A_101 = tpu.memref_slice %arg10[%dma_wait3A_99, %dma_wait3A_100] : memref<10240x128xf32, #tpu.memory_space<vmem_shared>> -> memref<10240x128xf32, #tpu.memory_space<vmem_shared>>
        tpu.wait_indirect_dma semaphore(%run_scoped3A : memref<!tpu.dma_semaphore, #tpu.memory_space<semaphore_mem>>) src(%arg13 : memref<128x128xf32, #tpu.memory_space<vmem>>) dst(%dma_wait3A_101 : memref<10240x128xf32, #tpu.memory_space<vmem_shared>>)
        tpu.yield
      }) : () -> ()
      "tpu.region"() ({
        %run_scoped3A = tpu.sem_alloc : memref<!tpu.dma_semaphore, #tpu.memory_space<semaphore_mem>>
        %dma_start3A_96 = arith.constant 0 : i32
        %dma_start3A_97 = tpu.memref_slice %arg16[%dma_start3A_96] : memref<10240xf32, #tpu.memory_space<vmem_shared>> -> memref<10240xf32, #tpu.memory_space<vmem_shared>>
        tpu.enqueue_indirect_dma source(%arg17 : memref<128xf32, #tpu.memory_space<vmem>>) target(%dma_start3A_97 : memref<10240xf32, #tpu.memory_space<vmem_shared>>) offsets(%arg12 : memref<128xi32, #tpu.memory_space<vmem>>) semaphore(%run_scoped3A : memref<!tpu.dma_semaphore, #tpu.memory_space<semaphore_mem>>) {add = true}
        %dma_wait3A_98 = arith.constant 0 : i32
        %dma_wait3A_99 = tpu.memref_slice %arg16[%dma_wait3A_98] : memref<10240xf32, #tpu.memory_space<vmem_shared>> -> memref<10240xf32, #tpu.memory_space<vmem_shared>>
        tpu.wait_indirect_dma semaphore(%run_scoped3A : memref<!tpu.dma_semaphore, #tpu.memory_space<semaphore_mem>>) src(%arg17 : memref<128xf32, #tpu.memory_space<vmem>>) dst(%dma_wait3A_99 : memref<10240xf32, #tpu.memory_space<vmem_shared>>)
        tpu.yield
      }) : () -> ()
    }
    %scan3A_48 = arith.constant 80 : i32
    %barrier3A_49 = arith.constant 0 : index
    tpu.barrier barrier_id(%barrier3A_49)
    %add3A_50 = arith.constant 0 : i32
    %add3A_51 = arith.addi %mul3A_0, %add3A_50 : i32
    "tpu.region"() ({
      %run_scoped3A = tpu.sem_alloc : memref<!tpu.dma_semaphore, #tpu.memory_space<semaphore_mem>>
      %dma_start3A = arith.constant 0 : i32
      %dma_start3A_90 = tpu.memref_slice %arg10[%add3A_51, %dma_start3A] : memref<10240x128xf32, #tpu.memory_space<vmem_shared>> -> memref<32x128xf32, #tpu.memory_space<vmem_shared>>
      %dma_start3A_91 = arith.constant 0 : i32
      %dma_start3A_92 = tpu.memref_slice %arg10[%add3A_51, %dma_start3A_91] : memref<10240x128xf32, #tpu.memory_space<vmem_shared>> -> memref<32x128xf32, #tpu.memory_space<vmem_shared>>
      tpu.enqueue_dma source(%dma_start3A_92 : memref<32x128xf32, #tpu.memory_space<vmem_shared>>) target(%arg14 : memref<32x128xf32, #tpu.memory_space<vmem>>) target_semaphore(%run_scoped3A : memref<!tpu.dma_semaphore, #tpu.memory_space<semaphore_mem>>)
      %dma_wait3A = arith.constant 0 : i32
      %dma_wait3A_93 = tpu.memref_slice %arg10[%add3A_51, %dma_wait3A] : memref<10240x128xf32, #tpu.memory_space<vmem_shared>> -> memref<32x128xf32, #tpu.memory_space<vmem_shared>>
      %dma_wait3A_94 = arith.constant 0 : i32
      %dma_wait3A_95 = tpu.memref_slice %arg10[%add3A_51, %dma_wait3A_94] : memref<10240x128xf32, #tpu.memory_space<vmem_shared>> -> memref<32x128xf32, #tpu.memory_space<vmem_shared>>
      tpu.wait_dma2 semaphore(%run_scoped3A : memref<!tpu.dma_semaphore, #tpu.memory_space<semaphore_mem>>) src(%dma_wait3A_95 : memref<32x128xf32, #tpu.memory_space<vmem_shared>>) dst(%arg14 : memref<32x128xf32, #tpu.memory_space<vmem>>)
      tpu.yield
    }) : () -> ()
    "tpu.region"() ({
      %run_scoped3A = tpu.sem_alloc : memref<!tpu.dma_semaphore, #tpu.memory_space<semaphore_mem>>
      %dma_start3A = arith.constant 0 : i32
      %dma_start3A_90 = tpu.memref_slice %arg8[%arg0, %add3A_51, %dma_start3A] : memref<2x10240x128xf32, #tpu.memory_space<hbm>> -> memref<1x32x128xf32, #tpu.memory_space<hbm>>
      %dma_start3A_91 = tpu.memref_squeeze %dma_start3A_90 : memref<1x32x128xf32, #tpu.memory_space<hbm>> -> memref<32x128xf32, #tpu.memory_space<hbm>>
      %dma_start3A_92 = arith.constant 0 : i32
      %dma_start3A_93 = tpu.memref_slice %arg8[%arg0, %add3A_51, %dma_start3A_92] : memref<2x10240x128xf32, #tpu.memory_space<hbm>> -> memref<1x32x128xf32, #tpu.memory_space<hbm>>
      %dma_start3A_94 = tpu.memref_squeeze %dma_start3A_93 : memref<1x32x128xf32, #tpu.memory_space<hbm>> -> memref<32x128xf32, #tpu.memory_space<hbm>>
      tpu.enqueue_dma source(%arg14 : memref<32x128xf32, #tpu.memory_space<vmem>>) target(%dma_start3A_94 : memref<32x128xf32, #tpu.memory_space<hbm>>) target_semaphore(%run_scoped3A : memref<!tpu.dma_semaphore, #tpu.memory_space<semaphore_mem>>)
      %dma_wait3A = arith.constant 0 : i32
      %dma_wait3A_95 = tpu.memref_slice %arg8[%arg0, %add3A_51, %dma_wait3A] : memref<2x10240x128xf32, #tpu.memory_space<hbm>> -> memref<1x32x128xf32, #tpu.memory_space<hbm>>
      %dma_wait3A_96 = tpu.memref_squeeze %dma_wait3A_95 : memref<1x32x128xf32, #tpu.memory_space<hbm>> -> memref<32x128xf32, #tpu.memory_space<hbm>>
      %dma_wait3A_97 = arith.constant 0 : i32
      %dma_wait3A_98 = tpu.memref_slice %arg8[%arg0, %add3A_51, %dma_wait3A_97] : memref<2x10240x128xf32, #tpu.memory_space<hbm>> -> memref<1x32x128xf32, #tpu.memory_space<hbm>>
      %dma_wait3A_99 = tpu.memref_squeeze %dma_wait3A_98 : memref<1x32x128xf32, #tpu.memory_space<hbm>> -> memref<32x128xf32, #tpu.memory_space<hbm>>
      tpu.wait_dma2 semaphore(%run_scoped3A : memref<!tpu.dma_semaphore, #tpu.memory_space<semaphore_mem>>) src(%arg14 : memref<32x128xf32, #tpu.memory_space<vmem>>) dst(%dma_wait3A_99 : memref<32x128xf32, #tpu.memory_space<hbm>>)
      tpu.yield
    }) : () -> ()
    %add3A_52 = arith.constant 32 : i32
    %add3A_53 = arith.addi %mul3A_0, %add3A_52 : i32
    "tpu.region"() ({
      %run_scoped3A = tpu.sem_alloc : memref<!tpu.dma_semaphore, #tpu.memory_space<semaphore_mem>>
      %dma_start3A = arith.constant 0 : i32
      %dma_start3A_90 = tpu.memref_slice %arg10[%add3A_53, %dma_start3A] : memref<10240x128xf32, #tpu.memory_space<vmem_shared>> -> memref<32x128xf32, #tpu.memory_space<vmem_shared>>
      %dma_start3A_91 = arith.constant 0 : i32
      %dma_start3A_92 = tpu.memref_slice %arg10[%add3A_53, %dma_start3A_91] : memref<10240x128xf32, #tpu.memory_space<vmem_shared>> -> memref<32x128xf32, #tpu.memory_space<vmem_shared>>
      tpu.enqueue_dma source(%dma_start3A_92 : memref<32x128xf32, #tpu.memory_space<vmem_shared>>) target(%arg14 : memref<32x128xf32, #tpu.memory_space<vmem>>) target_semaphore(%run_scoped3A : memref<!tpu.dma_semaphore, #tpu.memory_space<semaphore_mem>>)
      %dma_wait3A = arith.constant 0 : i32
      %dma_wait3A_93 = tpu.memref_slice %arg10[%add3A_53, %dma_wait3A] : memref<10240x128xf32, #tpu.memory_space<vmem_shared>> -> memref<32x128xf32, #tpu.memory_space<vmem_shared>>
      %dma_wait3A_94 = arith.constant 0 : i32
      %dma_wait3A_95 = tpu.memref_slice %arg10[%add3A_53, %dma_wait3A_94] : memref<10240x128xf32, #tpu.memory_space<vmem_shared>> -> memref<32x128xf32, #tpu.memory_space<vmem_shared>>
      tpu.wait_dma2 semaphore(%run_scoped3A : memref<!tpu.dma_semaphore, #tpu.memory_space<semaphore_mem>>) src(%dma_wait3A_95 : memref<32x128xf32, #tpu.memory_space<vmem_shared>>) dst(%arg14 : memref<32x128xf32, #tpu.memory_space<vmem>>)
      tpu.yield
    }) : () -> ()
    "tpu.region"() ({
      %run_scoped3A = tpu.sem_alloc : memref<!tpu.dma_semaphore, #tpu.memory_space<semaphore_mem>>
      %dma_start3A = arith.constant 0 : i32
      %dma_start3A_90 = tpu.memref_slice %arg8[%arg0, %add3A_53, %dma_start3A] : memref<2x10240x128xf32, #tpu.memory_space<hbm>> -> memref<1x32x128xf32, #tpu.memory_space<hbm>>
      %dma_start3A_91 = tpu.memref_squeeze %dma_start3A_90 : memref<1x32x128xf32, #tpu.memory_space<hbm>> -> memref<32x128xf32, #tpu.memory_space<hbm>>
      %dma_start3A_92 = arith.constant 0 : i32
      %dma_start3A_93 = tpu.memref_slice %arg8[%arg0, %add3A_53, %dma_start3A_92] : memref<2x10240x128xf32, #tpu.memory_space<hbm>> -> memref<1x32x128xf32, #tpu.memory_space<hbm>>
      %dma_start3A_94 = tpu.memref_squeeze %dma_start3A_93 : memref<1x32x128xf32, #tpu.memory_space<hbm>> -> memref<32x128xf32, #tpu.memory_space<hbm>>
      tpu.enqueue_dma source(%arg14 : memref<32x128xf32, #tpu.memory_space<vmem>>) target(%dma_start3A_94 : memref<32x128xf32, #tpu.memory_space<hbm>>) target_semaphore(%run_scoped3A : memref<!tpu.dma_semaphore, #tpu.memory_space<semaphore_mem>>)
      %dma_wait3A = arith.constant 0 : i32
      %dma_wait3A_95 = tpu.memref_slice %arg8[%arg0, %add3A_53, %dma_wait3A] : memref<2x10240x128xf32, #tpu.memory_space<hbm>> -> memref<1x32x128xf32, #tpu.memory_space<hbm>>
      %dma_wait3A_96 = tpu.memref_squeeze %dma_wait3A_95 : memref<1x32x128xf32, #tpu.memory_space<hbm>> -> memref<32x128xf32, #tpu.memory_space<hbm>>
      %dma_wait3A_97 = arith.constant 0 : i32
      %dma_wait3A_98 = tpu.memref_slice %arg8[%arg0, %add3A_53, %dma_wait3A_97] : memref<2x10240x128xf32, #tpu.memory_space<hbm>> -> memref<1x32x128xf32, #tpu.memory_space<hbm>>
      %dma_wait3A_99 = tpu.memref_squeeze %dma_wait3A_98 : memref<1x32x128xf32, #tpu.memory_space<hbm>> -> memref<32x128xf32, #tpu.memory_space<hbm>>
      tpu.wait_dma2 semaphore(%run_scoped3A : memref<!tpu.dma_semaphore, #tpu.memory_space<semaphore_mem>>) src(%arg14 : memref<32x128xf32, #tpu.memory_space<vmem>>) dst(%dma_wait3A_99 : memref<32x128xf32, #tpu.memory_space<hbm>>)
      tpu.yield
    }) : () -> ()
    %add3A_54 = arith.constant 64 : i32
    %add3A_55 = arith.addi %mul3A_0, %add3A_54 : i32
    "tpu.region"() ({
      %run_scoped3A = tpu.sem_alloc : memref<!tpu.dma_semaphore, #tpu.memory_space<semaphore_mem>>
      %dma_start3A = arith.constant 0 : i32
      %dma_start3A_90 = tpu.memref_slice %arg10[%add3A_55, %dma_start3A] : memref<10240x128xf32, #tpu.memory_space<vmem_shared>> -> memref<32x128xf32, #tpu.memory_space<vmem_shared>>
      %dma_start3A_91 = arith.constant 0 : i32
      %dma_start3A_92 = tpu.memref_slice %arg10[%add3A_55, %dma_start3A_91] : memref<10240x128xf32, #tpu.memory_space<vmem_shared>> -> memref<32x128xf32, #tpu.memory_space<vmem_shared>>
      tpu.enqueue_dma source(%dma_start3A_92 : memref<32x128xf32, #tpu.memory_space<vmem_shared>>) target(%arg14 : memref<32x128xf32, #tpu.memory_space<vmem>>) target_semaphore(%run_scoped3A : memref<!tpu.dma_semaphore, #tpu.memory_space<semaphore_mem>>)
      %dma_wait3A = arith.constant 0 : i32
      %dma_wait3A_93 = tpu.memref_slice %arg10[%add3A_55, %dma_wait3A] : memref<10240x128xf32, #tpu.memory_space<vmem_shared>> -> memref<32x128xf32, #tpu.memory_space<vmem_shared>>
      %dma_wait3A_94 = arith.constant 0 : i32
      %dma_wait3A_95 = tpu.memref_slice %arg10[%add3A_55, %dma_wait3A_94] : memref<10240x128xf32, #tpu.memory_space<vmem_shared>> -> memref<32x128xf32, #tpu.memory_space<vmem_shared>>
      tpu.wait_dma2 semaphore(%run_scoped3A : memref<!tpu.dma_semaphore, #tpu.memory_space<semaphore_mem>>) src(%dma_wait3A_95 : memref<32x128xf32, #tpu.memory_space<vmem_shared>>) dst(%arg14 : memref<32x128xf32, #tpu.memory_space<vmem>>)
      tpu.yield
    }) : () -> ()
    "tpu.region"() ({
      %run_scoped3A = tpu.sem_alloc : memref<!tpu.dma_semaphore, #tpu.memory_space<semaphore_mem>>
      %dma_start3A = arith.constant 0 : i32
      %dma_start3A_90 = tpu.memref_slice %arg8[%arg0, %add3A_55, %dma_start3A] : memref<2x10240x128xf32, #tpu.memory_space<hbm>> -> memref<1x32x128xf32, #tpu.memory_space<hbm>>
      %dma_start3A_91 = tpu.memref_squeeze %dma_start3A_90 : memref<1x32x128xf32, #tpu.memory_space<hbm>> -> memref<32x128xf32, #tpu.memory_space<hbm>>
      %dma_start3A_92 = arith.constant 0 : i32
      %dma_start3A_93 = tpu.memref_slice %arg8[%arg0, %add3A_55, %dma_start3A_92] : memref<2x10240x128xf32, #tpu.memory_space<hbm>> -> memref<1x32x128xf32, #tpu.memory_space<hbm>>
      %dma_start3A_94 = tpu.memref_squeeze %dma_start3A_93 : memref<1x32x128xf32, #tpu.memory_space<hbm>> -> memref<32x128xf32, #tpu.memory_space<hbm>>
      tpu.enqueue_dma source(%arg14 : memref<32x128xf32, #tpu.memory_space<vmem>>) target(%dma_start3A_94 : memref<32x128xf32, #tpu.memory_space<hbm>>) target_semaphore(%run_scoped3A : memref<!tpu.dma_semaphore, #tpu.memory_space<semaphore_mem>>)
      %dma_wait3A = arith.constant 0 : i32
      %dma_wait3A_95 = tpu.memref_slice %arg8[%arg0, %add3A_55, %dma_wait3A] : memref<2x10240x128xf32, #tpu.memory_space<hbm>> -> memref<1x32x128xf32, #tpu.memory_space<hbm>>
      %dma_wait3A_96 = tpu.memref_squeeze %dma_wait3A_95 : memref<1x32x128xf32, #tpu.memory_space<hbm>> -> memref<32x128xf32, #tpu.memory_space<hbm>>
      %dma_wait3A_97 = arith.constant 0 : i32
      %dma_wait3A_98 = tpu.memref_slice %arg8[%arg0, %add3A_55, %dma_wait3A_97] : memref<2x10240x128xf32, #tpu.memory_space<hbm>> -> memref<1x32x128xf32, #tpu.memory_space<hbm>>
      %dma_wait3A_99 = tpu.memref_squeeze %dma_wait3A_98 : memref<1x32x128xf32, #tpu.memory_space<hbm>> -> memref<32x128xf32, #tpu.memory_space<hbm>>
      tpu.wait_dma2 semaphore(%run_scoped3A : memref<!tpu.dma_semaphore, #tpu.memory_space<semaphore_mem>>) src(%arg14 : memref<32x128xf32, #tpu.memory_space<vmem>>) dst(%dma_wait3A_99 : memref<32x128xf32, #tpu.memory_space<hbm>>)
      tpu.yield
    }) : () -> ()
    %add3A_56 = arith.constant 96 : i32
    %add3A_57 = arith.addi %mul3A_0, %add3A_56 : i32
    "tpu.region"() ({
      %run_scoped3A = tpu.sem_alloc : memref<!tpu.dma_semaphore, #tpu.memory_space<semaphore_mem>>
      %dma_start3A = arith.constant 0 : i32
      %dma_start3A_90 = tpu.memref_slice %arg10[%add3A_57, %dma_start3A] : memref<10240x128xf32, #tpu.memory_space<vmem_shared>> -> memref<32x128xf32, #tpu.memory_space<vmem_shared>>
      %dma_start3A_91 = arith.constant 0 : i32
      %dma_start3A_92 = tpu.memref_slice %arg10[%add3A_57, %dma_start3A_91] : memref<10240x128xf32, #tpu.memory_space<vmem_shared>> -> memref<32x128xf32, #tpu.memory_space<vmem_shared>>
      tpu.enqueue_dma source(%dma_start3A_92 : memref<32x128xf32, #tpu.memory_space<vmem_shared>>) target(%arg14 : memref<32x128xf32, #tpu.memory_space<vmem>>) target_semaphore(%run_scoped3A : memref<!tpu.dma_semaphore, #tpu.memory_space<semaphore_mem>>)
      %dma_wait3A = arith.constant 0 : i32
      %dma_wait3A_93 = tpu.memref_slice %arg10[%add3A_57, %dma_wait3A] : memref<10240x128xf32, #tpu.memory_space<vmem_shared>> -> memref<32x128xf32, #tpu.memory_space<vmem_shared>>
      %dma_wait3A_94 = arith.constant 0 : i32
      %dma_wait3A_95 = tpu.memref_slice %arg10[%add3A_57, %dma_wait3A_94] : memref<10240x128xf32, #tpu.memory_space<vmem_shared>> -> memref<32x128xf32, #tpu.memory_space<vmem_shared>>
      tpu.wait_dma2 semaphore(%run_scoped3A : memref<!tpu.dma_semaphore, #tpu.memory_space<semaphore_mem>>) src(%dma_wait3A_95 : memref<32x128xf32, #tpu.memory_space<vmem_shared>>) dst(%arg14 : memref<32x128xf32, #tpu.memory_space<vmem>>)
      tpu.yield
    }) : () -> ()
    "tpu.region"() ({
      %run_scoped3A = tpu.sem_alloc : memref<!tpu.dma_semaphore, #tpu.memory_space<semaphore_mem>>
      %dma_start3A = arith.constant 0 : i32
      %dma_start3A_90 = tpu.memref_slice %arg8[%arg0, %add3A_57, %dma_start3A] : memref<2x10240x128xf32, #tpu.memory_space<hbm>> -> memref<1x32x128xf32, #tpu.memory_space<hbm>>
      %dma_start3A_91 = tpu.memref_squeeze %dma_start3A_90 : memref<1x32x128xf32, #tpu.memory_space<hbm>> -> memref<32x128xf32, #tpu.memory_space<hbm>>
      %dma_start3A_92 = arith.constant 0 : i32
      %dma_start3A_93 = tpu.memref_slice %arg8[%arg0, %add3A_57, %dma_start3A_92] : memref<2x10240x128xf32, #tpu.memory_space<hbm>> -> memref<1x32x128xf32, #tpu.memory_space<hbm>>
      %dma_start3A_94 = tpu.memref_squeeze %dma_start3A_93 : memref<1x32x128xf32, #tpu.memory_space<hbm>> -> memref<32x128xf32, #tpu.memory_space<hbm>>
      tpu.enqueue_dma source(%arg14 : memref<32x128xf32, #tpu.memory_space<vmem>>) target(%dma_start3A_94 : memref<32x128xf32, #tpu.memory_space<hbm>>) target_semaphore(%run_scoped3A : memref<!tpu.dma_semaphore, #tpu.memory_space<semaphore_mem>>)
      %dma_wait3A = arith.constant 0 : i32
      %dma_wait3A_95 = tpu.memref_slice %arg8[%arg0, %add3A_57, %dma_wait3A] : memref<2x10240x128xf32, #tpu.memory_space<hbm>> -> memref<1x32x128xf32, #tpu.memory_space<hbm>>
      %dma_wait3A_96 = tpu.memref_squeeze %dma_wait3A_95 : memref<1x32x128xf32, #tpu.memory_space<hbm>> -> memref<32x128xf32, #tpu.memory_space<hbm>>
      %dma_wait3A_97 = arith.constant 0 : i32
      %dma_wait3A_98 = tpu.memref_slice %arg8[%arg0, %add3A_57, %dma_wait3A_97] : memref<2x10240x128xf32, #tpu.memory_space<hbm>> -> memref<1x32x128xf32, #tpu.memory_space<hbm>>
      %dma_wait3A_99 = tpu.memref_squeeze %dma_wait3A_98 : memref<1x32x128xf32, #tpu.memory_space<hbm>> -> memref<32x128xf32, #tpu.memory_space<hbm>>
      tpu.wait_dma2 semaphore(%run_scoped3A : memref<!tpu.dma_semaphore, #tpu.memory_space<semaphore_mem>>) src(%arg14 : memref<32x128xf32, #tpu.memory_space<vmem>>) dst(%dma_wait3A_99 : memref<32x128xf32, #tpu.memory_space<hbm>>)
      tpu.yield
    }) : () -> ()
    %add3A_58 = arith.constant 128 : i32
    %add3A_59 = arith.addi %mul3A_0, %add3A_58 : i32
    "tpu.region"() ({
      %run_scoped3A = tpu.sem_alloc : memref<!tpu.dma_semaphore, #tpu.memory_space<semaphore_mem>>
      %dma_start3A = arith.constant 0 : i32
      %dma_start3A_90 = tpu.memref_slice %arg10[%add3A_59, %dma_start3A] : memref<10240x128xf32, #tpu.memory_space<vmem_shared>> -> memref<32x128xf32, #tpu.memory_space<vmem_shared>>
      %dma_start3A_91 = arith.constant 0 : i32
      %dma_start3A_92 = tpu.memref_slice %arg10[%add3A_59, %dma_start3A_91] : memref<10240x128xf32, #tpu.memory_space<vmem_shared>> -> memref<32x128xf32, #tpu.memory_space<vmem_shared>>
      tpu.enqueue_dma source(%dma_start3A_92 : memref<32x128xf32, #tpu.memory_space<vmem_shared>>) target(%arg14 : memref<32x128xf32, #tpu.memory_space<vmem>>) target_semaphore(%run_scoped3A : memref<!tpu.dma_semaphore, #tpu.memory_space<semaphore_mem>>)
      %dma_wait3A = arith.constant 0 : i32
      %dma_wait3A_93 = tpu.memref_slice %arg10[%add3A_59, %dma_wait3A] : memref<10240x128xf32, #tpu.memory_space<vmem_shared>> -> memref<32x128xf32, #tpu.memory_space<vmem_shared>>
      %dma_wait3A_94 = arith.constant 0 : i32
      %dma_wait3A_95 = tpu.memref_slice %arg10[%add3A_59, %dma_wait3A_94] : memref<10240x128xf32, #tpu.memory_space<vmem_shared>> -> memref<32x128xf32, #tpu.memory_space<vmem_shared>>
      tpu.wait_dma2 semaphore(%run_scoped3A : memref<!tpu.dma_semaphore, #tpu.memory_space<semaphore_mem>>) src(%dma_wait3A_95 : memref<32x128xf32, #tpu.memory_space<vmem_shared>>) dst(%arg14 : memref<32x128xf32, #tpu.memory_space<vmem>>)
      tpu.yield
    }) : () -> ()
    "tpu.region"() ({
      %run_scoped3A = tpu.sem_alloc : memref<!tpu.dma_semaphore, #tpu.memory_space<semaphore_mem>>
      %dma_start3A = arith.constant 0 : i32
      %dma_start3A_90 = tpu.memref_slice %arg8[%arg0, %add3A_59, %dma_start3A] : memref<2x10240x128xf32, #tpu.memory_space<hbm>> -> memref<1x32x128xf32, #tpu.memory_space<hbm>>
      %dma_start3A_91 = tpu.memref_squeeze %dma_start3A_90 : memref<1x32x128xf32, #tpu.memory_space<hbm>> -> memref<32x128xf32, #tpu.memory_space<hbm>>
      %dma_start3A_92 = arith.constant 0 : i32
      %dma_start3A_93 = tpu.memref_slice %arg8[%arg0, %add3A_59, %dma_start3A_92] : memref<2x10240x128xf32, #tpu.memory_space<hbm>> -> memref<1x32x128xf32, #tpu.memory_space<hbm>>
      %dma_start3A_94 = tpu.memref_squeeze %dma_start3A_93 : memref<1x32x128xf32, #tpu.memory_space<hbm>> -> memref<32x128xf32, #tpu.memory_space<hbm>>
      tpu.enqueue_dma source(%arg14 : memref<32x128xf32, #tpu.memory_space<vmem>>) target(%dma_start3A_94 : memref<32x128xf32, #tpu.memory_space<hbm>>) target_semaphore(%run_scoped3A : memref<!tpu.dma_semaphore, #tpu.memory_space<semaphore_mem>>)
      %dma_wait3A = arith.constant 0 : i32
      %dma_wait3A_95 = tpu.memref_slice %arg8[%arg0, %add3A_59, %dma_wait3A] : memref<2x10240x128xf32, #tpu.memory_space<hbm>> -> memref<1x32x128xf32, #tpu.memory_space<hbm>>
      %dma_wait3A_96 = tpu.memref_squeeze %dma_wait3A_95 : memref<1x32x128xf32, #tpu.memory_space<hbm>> -> memref<32x128xf32, #tpu.memory_space<hbm>>
      %dma_wait3A_97 = arith.constant 0 : i32
      %dma_wait3A_98 = tpu.memref_slice %arg8[%arg0, %add3A_59, %dma_wait3A_97] : memref<2x10240x128xf32, #tpu.memory_space<hbm>> -> memref<1x32x128xf32, #tpu.memory_space<hbm>>
      %dma_wait3A_99 = tpu.memref_squeeze %dma_wait3A_98 : memref<1x32x128xf32, #tpu.memory_space<hbm>> -> memref<32x128xf32, #tpu.memory_space<hbm>>
      tpu.wait_dma2 semaphore(%run_scoped3A : memref<!tpu.dma_semaphore, #tpu.memory_space<semaphore_mem>>) src(%arg14 : memref<32x128xf32, #tpu.memory_space<vmem>>) dst(%dma_wait3A_99 : memref<32x128xf32, #tpu.memory_space<hbm>>)
      tpu.yield
    }) : () -> ()
    %add3A_60 = arith.constant 160 : i32
    %add3A_61 = arith.addi %mul3A_0, %add3A_60 : i32
    "tpu.region"() ({
      %run_scoped3A = tpu.sem_alloc : memref<!tpu.dma_semaphore, #tpu.memory_space<semaphore_mem>>
      %dma_start3A = arith.constant 0 : i32
      %dma_start3A_90 = tpu.memref_slice %arg10[%add3A_61, %dma_start3A] : memref<10240x128xf32, #tpu.memory_space<vmem_shared>> -> memref<32x128xf32, #tpu.memory_space<vmem_shared>>
      %dma_start3A_91 = arith.constant 0 : i32
      %dma_start3A_92 = tpu.memref_slice %arg10[%add3A_61, %dma_start3A_91] : memref<10240x128xf32, #tpu.memory_space<vmem_shared>> -> memref<32x128xf32, #tpu.memory_space<vmem_shared>>
      tpu.enqueue_dma source(%dma_start3A_92 : memref<32x128xf32, #tpu.memory_space<vmem_shared>>) target(%arg14 : memref<32x128xf32, #tpu.memory_space<vmem>>) target_semaphore(%run_scoped3A : memref<!tpu.dma_semaphore, #tpu.memory_space<semaphore_mem>>)
      %dma_wait3A = arith.constant 0 : i32
      %dma_wait3A_93 = tpu.memref_slice %arg10[%add3A_61, %dma_wait3A] : memref<10240x128xf32, #tpu.memory_space<vmem_shared>> -> memref<32x128xf32, #tpu.memory_space<vmem_shared>>
      %dma_wait3A_94 = arith.constant 0 : i32
      %dma_wait3A_95 = tpu.memref_slice %arg10[%add3A_61, %dma_wait3A_94] : memref<10240x128xf32, #tpu.memory_space<vmem_shared>> -> memref<32x128xf32, #tpu.memory_space<vmem_shared>>
      tpu.wait_dma2 semaphore(%run_scoped3A : memref<!tpu.dma_semaphore, #tpu.memory_space<semaphore_mem>>) src(%dma_wait3A_95 : memref<32x128xf32, #tpu.memory_space<vmem_shared>>) dst(%arg14 : memref<32x128xf32, #tpu.memory_space<vmem>>)
      tpu.yield
    }) : () -> ()
    "tpu.region"() ({
      %run_scoped3A = tpu.sem_alloc : memref<!tpu.dma_semaphore, #tpu.memory_space<semaphore_mem>>
      %dma_start3A = arith.constant 0 : i32
      %dma_start3A_90 = tpu.memref_slice %arg8[%arg0, %add3A_61, %dma_start3A] : memref<2x10240x128xf32, #tpu.memory_space<hbm>> -> memref<1x32x128xf32, #tpu.memory_space<hbm>>
      %dma_start3A_91 = tpu.memref_squeeze %dma_start3A_90 : memref<1x32x128xf32, #tpu.memory_space<hbm>> -> memref<32x128xf32, #tpu.memory_space<hbm>>
      %dma_start3A_92 = arith.constant 0 : i32
      %dma_start3A_93 = tpu.memref_slice %arg8[%arg0, %add3A_61, %dma_start3A_92] : memref<2x10240x128xf32, #tpu.memory_space<hbm>> -> memref<1x32x128xf32, #tpu.memory_space<hbm>>
      %dma_start3A_94 = tpu.memref_squeeze %dma_start3A_93 : memref<1x32x128xf32, #tpu.memory_space<hbm>> -> memref<32x128xf32, #tpu.memory_space<hbm>>
      tpu.enqueue_dma source(%arg14 : memref<32x128xf32, #tpu.memory_space<vmem>>) target(%dma_start3A_94 : memref<32x128xf32, #tpu.memory_space<hbm>>) target_semaphore(%run_scoped3A : memref<!tpu.dma_semaphore, #tpu.memory_space<semaphore_mem>>)
      %dma_wait3A = arith.constant 0 : i32
      %dma_wait3A_95 = tpu.memref_slice %arg8[%arg0, %add3A_61, %dma_wait3A] : memref<2x10240x128xf32, #tpu.memory_space<hbm>> -> memref<1x32x128xf32, #tpu.memory_space<hbm>>
      %dma_wait3A_96 = tpu.memref_squeeze %dma_wait3A_95 : memref<1x32x128xf32, #tpu.memory_space<hbm>> -> memref<32x128xf32, #tpu.memory_space<hbm>>
      %dma_wait3A_97 = arith.constant 0 : i32
      %dma_wait3A_98 = tpu.memref_slice %arg8[%arg0, %add3A_61, %dma_wait3A_97] : memref<2x10240x128xf32, #tpu.memory_space<hbm>> -> memref<1x32x128xf32, #tpu.memory_space<hbm>>
      %dma_wait3A_99 = tpu.memref_squeeze %dma_wait3A_98 : memref<1x32x128xf32, #tpu.memory_space<hbm>> -> memref<32x128xf32, #tpu.memory_space<hbm>>
      tpu.wait_dma2 semaphore(%run_scoped3A : memref<!tpu.dma_semaphore, #tpu.memory_space<semaphore_mem>>) src(%arg14 : memref<32x128xf32, #tpu.memory_space<vmem>>) dst(%dma_wait3A_99 : memref<32x128xf32, #tpu.memory_space<hbm>>)
      tpu.yield
    }) : () -> ()
    %add3A_62 = arith.constant 192 : i32
    %add3A_63 = arith.addi %mul3A_0, %add3A_62 : i32
    "tpu.region"() ({
      %run_scoped3A = tpu.sem_alloc : memref<!tpu.dma_semaphore, #tpu.memory_space<semaphore_mem>>
      %dma_start3A = arith.constant 0 : i32
      %dma_start3A_90 = tpu.memref_slice %arg10[%add3A_63, %dma_start3A] : memref<10240x128xf32, #tpu.memory_space<vmem_shared>> -> memref<32x128xf32, #tpu.memory_space<vmem_shared>>
      %dma_start3A_91 = arith.constant 0 : i32
      %dma_start3A_92 = tpu.memref_slice %arg10[%add3A_63, %dma_start3A_91] : memref<10240x128xf32, #tpu.memory_space<vmem_shared>> -> memref<32x128xf32, #tpu.memory_space<vmem_shared>>
      tpu.enqueue_dma source(%dma_start3A_92 : memref<32x128xf32, #tpu.memory_space<vmem_shared>>) target(%arg14 : memref<32x128xf32, #tpu.memory_space<vmem>>) target_semaphore(%run_scoped3A : memref<!tpu.dma_semaphore, #tpu.memory_space<semaphore_mem>>)
      %dma_wait3A = arith.constant 0 : i32
      %dma_wait3A_93 = tpu.memref_slice %arg10[%add3A_63, %dma_wait3A] : memref<10240x128xf32, #tpu.memory_space<vmem_shared>> -> memref<32x128xf32, #tpu.memory_space<vmem_shared>>
      %dma_wait3A_94 = arith.constant 0 : i32
      %dma_wait3A_95 = tpu.memref_slice %arg10[%add3A_63, %dma_wait3A_94] : memref<10240x128xf32, #tpu.memory_space<vmem_shared>> -> memref<32x128xf32, #tpu.memory_space<vmem_shared>>
      tpu.wait_dma2 semaphore(%run_scoped3A : memref<!tpu.dma_semaphore, #tpu.memory_space<semaphore_mem>>) src(%dma_wait3A_95 : memref<32x128xf32, #tpu.memory_space<vmem_shared>>) dst(%arg14 : memref<32x128xf32, #tpu.memory_space<vmem>>)
      tpu.yield
    }) : () -> ()
    "tpu.region"() ({
      %run_scoped3A = tpu.sem_alloc : memref<!tpu.dma_semaphore, #tpu.memory_space<semaphore_mem>>
      %dma_start3A = arith.constant 0 : i32
      %dma_start3A_90 = tpu.memref_slice %arg8[%arg0, %add3A_63, %dma_start3A] : memref<2x10240x128xf32, #tpu.memory_space<hbm>> -> memref<1x32x128xf32, #tpu.memory_space<hbm>>
      %dma_start3A_91 = tpu.memref_squeeze %dma_start3A_90 : memref<1x32x128xf32, #tpu.memory_space<hbm>> -> memref<32x128xf32, #tpu.memory_space<hbm>>
      %dma_start3A_92 = arith.constant 0 : i32
      %dma_start3A_93 = tpu.memref_slice %arg8[%arg0, %add3A_63, %dma_start3A_92] : memref<2x10240x128xf32, #tpu.memory_space<hbm>> -> memref<1x32x128xf32, #tpu.memory_space<hbm>>
      %dma_start3A_94 = tpu.memref_squeeze %dma_start3A_93 : memref<1x32x128xf32, #tpu.memory_space<hbm>> -> memref<32x128xf32, #tpu.memory_space<hbm>>
      tpu.enqueue_dma source(%arg14 : memref<32x128xf32, #tpu.memory_space<vmem>>) target(%dma_start3A_94 : memref<32x128xf32, #tpu.memory_space<hbm>>) target_semaphore(%run_scoped3A : memref<!tpu.dma_semaphore, #tpu.memory_space<semaphore_mem>>)
      %dma_wait3A = arith.constant 0 : i32
      %dma_wait3A_95 = tpu.memref_slice %arg8[%arg0, %add3A_63, %dma_wait3A] : memref<2x10240x128xf32, #tpu.memory_space<hbm>> -> memref<1x32x128xf32, #tpu.memory_space<hbm>>
      %dma_wait3A_96 = tpu.memref_squeeze %dma_wait3A_95 : memref<1x32x128xf32, #tpu.memory_space<hbm>> -> memref<32x128xf32, #tpu.memory_space<hbm>>
      %dma_wait3A_97 = arith.constant 0 : i32
      %dma_wait3A_98 = tpu.memref_slice %arg8[%arg0, %add3A_63, %dma_wait3A_97] : memref<2x10240x128xf32, #tpu.memory_space<hbm>> -> memref<1x32x128xf32, #tpu.memory_space<hbm>>
      %dma_wait3A_99 = tpu.memref_squeeze %dma_wait3A_98 : memref<1x32x128xf32, #tpu.memory_space<hbm>> -> memref<32x128xf32, #tpu.memory_space<hbm>>
      tpu.wait_dma2 semaphore(%run_scoped3A : memref<!tpu.dma_semaphore, #tpu.memory_space<semaphore_mem>>) src(%arg14 : memref<32x128xf32, #tpu.memory_space<vmem>>) dst(%dma_wait3A_99 : memref<32x128xf32, #tpu.memory_space<hbm>>)
      tpu.yield
    }) : () -> ()
    %add3A_64 = arith.constant 224 : i32
    %add3A_65 = arith.addi %mul3A_0, %add3A_64 : i32
    "tpu.region"() ({
      %run_scoped3A = tpu.sem_alloc : memref<!tpu.dma_semaphore, #tpu.memory_space<semaphore_mem>>
      %dma_start3A = arith.constant 0 : i32
      %dma_start3A_90 = tpu.memref_slice %arg10[%add3A_65, %dma_start3A] : memref<10240x128xf32, #tpu.memory_space<vmem_shared>> -> memref<32x128xf32, #tpu.memory_space<vmem_shared>>
      %dma_start3A_91 = arith.constant 0 : i32
      %dma_start3A_92 = tpu.memref_slice %arg10[%add3A_65, %dma_start3A_91] : memref<10240x128xf32, #tpu.memory_space<vmem_shared>> -> memref<32x128xf32, #tpu.memory_space<vmem_shared>>
      tpu.enqueue_dma source(%dma_start3A_92 : memref<32x128xf32, #tpu.memory_space<vmem_shared>>) target(%arg14 : memref<32x128xf32, #tpu.memory_space<vmem>>) target_semaphore(%run_scoped3A : memref<!tpu.dma_semaphore, #tpu.memory_space<semaphore_mem>>)
      %dma_wait3A = arith.constant 0 : i32
      %dma_wait3A_93 = tpu.memref_slice %arg10[%add3A_65, %dma_wait3A] : memref<10240x128xf32, #tpu.memory_space<vmem_shared>> -> memref<32x128xf32, #tpu.memory_space<vmem_shared>>
      %dma_wait3A_94 = arith.constant 0 : i32
      %dma_wait3A_95 = tpu.memref_slice %arg10[%add3A_65, %dma_wait3A_94] : memref<10240x128xf32, #tpu.memory_space<vmem_shared>> -> memref<32x128xf32, #tpu.memory_space<vmem_shared>>
      tpu.wait_dma2 semaphore(%run_scoped3A : memref<!tpu.dma_semaphore, #tpu.memory_space<semaphore_mem>>) src(%dma_wait3A_95 : memref<32x128xf32, #tpu.memory_space<vmem_shared>>) dst(%arg14 : memref<32x128xf32, #tpu.memory_space<vmem>>)
      tpu.yield
    }) : () -> ()
    "tpu.region"() ({
      %run_scoped3A = tpu.sem_alloc : memref<!tpu.dma_semaphore, #tpu.memory_space<semaphore_mem>>
      %dma_start3A = arith.constant 0 : i32
      %dma_start3A_90 = tpu.memref_slice %arg8[%arg0, %add3A_65, %dma_start3A] : memref<2x10240x128xf32, #tpu.memory_space<hbm>> -> memref<1x32x128xf32, #tpu.memory_space<hbm>>
      %dma_start3A_91 = tpu.memref_squeeze %dma_start3A_90 : memref<1x32x128xf32, #tpu.memory_space<hbm>> -> memref<32x128xf32, #tpu.memory_space<hbm>>
      %dma_start3A_92 = arith.constant 0 : i32
      %dma_start3A_93 = tpu.memref_slice %arg8[%arg0, %add3A_65, %dma_start3A_92] : memref<2x10240x128xf32, #tpu.memory_space<hbm>> -> memref<1x32x128xf32, #tpu.memory_space<hbm>>
      %dma_start3A_94 = tpu.memref_squeeze %dma_start3A_93 : memref<1x32x128xf32, #tpu.memory_space<hbm>> -> memref<32x128xf32, #tpu.memory_space<hbm>>
      tpu.enqueue_dma source(%arg14 : memref<32x128xf32, #tpu.memory_space<vmem>>) target(%dma_start3A_94 : memref<32x128xf32, #tpu.memory_space<hbm>>) target_semaphore(%run_scoped3A : memref<!tpu.dma_semaphore, #tpu.memory_space<semaphore_mem>>)
      %dma_wait3A = arith.constant 0 : i32
      %dma_wait3A_95 = tpu.memref_slice %arg8[%arg0, %add3A_65, %dma_wait3A] : memref<2x10240x128xf32, #tpu.memory_space<hbm>> -> memref<1x32x128xf32, #tpu.memory_space<hbm>>
      %dma_wait3A_96 = tpu.memref_squeeze %dma_wait3A_95 : memref<1x32x128xf32, #tpu.memory_space<hbm>> -> memref<32x128xf32, #tpu.memory_space<hbm>>
      %dma_wait3A_97 = arith.constant 0 : i32
      %dma_wait3A_98 = tpu.memref_slice %arg8[%arg0, %add3A_65, %dma_wait3A_97] : memref<2x10240x128xf32, #tpu.memory_space<hbm>> -> memref<1x32x128xf32, #tpu.memory_space<hbm>>
      %dma_wait3A_99 = tpu.memref_squeeze %dma_wait3A_98 : memref<1x32x128xf32, #tpu.memory_space<hbm>> -> memref<32x128xf32, #tpu.memory_space<hbm>>
      tpu.wait_dma2 semaphore(%run_scoped3A : memref<!tpu.dma_semaphore, #tpu.memory_space<semaphore_mem>>) src(%arg14 : memref<32x128xf32, #tpu.memory_space<vmem>>) dst(%dma_wait3A_99 : memref<32x128xf32, #tpu.memory_space<hbm>>)
      tpu.yield
    }) : () -> ()
    %add3A_66 = arith.constant 256 : i32
    %add3A_67 = arith.addi %mul3A_0, %add3A_66 : i32
    "tpu.region"() ({
      %run_scoped3A = tpu.sem_alloc : memref<!tpu.dma_semaphore, #tpu.memory_space<semaphore_mem>>
      %dma_start3A = arith.constant 0 : i32
      %dma_start3A_90 = tpu.memref_slice %arg10[%add3A_67, %dma_start3A] : memref<10240x128xf32, #tpu.memory_space<vmem_shared>> -> memref<32x128xf32, #tpu.memory_space<vmem_shared>>
      %dma_start3A_91 = arith.constant 0 : i32
      %dma_start3A_92 = tpu.memref_slice %arg10[%add3A_67, %dma_start3A_91] : memref<10240x128xf32, #tpu.memory_space<vmem_shared>> -> memref<32x128xf32, #tpu.memory_space<vmem_shared>>
      tpu.enqueue_dma source(%dma_start3A_92 : memref<32x128xf32, #tpu.memory_space<vmem_shared>>) target(%arg14 : memref<32x128xf32, #tpu.memory_space<vmem>>) target_semaphore(%run_scoped3A : memref<!tpu.dma_semaphore, #tpu.memory_space<semaphore_mem>>)
      %dma_wait3A = arith.constant 0 : i32
      %dma_wait3A_93 = tpu.memref_slice %arg10[%add3A_67, %dma_wait3A] : memref<10240x128xf32, #tpu.memory_space<vmem_shared>> -> memref<32x128xf32, #tpu.memory_space<vmem_shared>>
      %dma_wait3A_94 = arith.constant 0 : i32
      %dma_wait3A_95 = tpu.memref_slice %arg10[%add3A_67, %dma_wait3A_94] : memref<10240x128xf32, #tpu.memory_space<vmem_shared>> -> memref<32x128xf32, #tpu.memory_space<vmem_shared>>
      tpu.wait_dma2 semaphore(%run_scoped3A : memref<!tpu.dma_semaphore, #tpu.memory_space<semaphore_mem>>) src(%dma_wait3A_95 : memref<32x128xf32, #tpu.memory_space<vmem_shared>>) dst(%arg14 : memref<32x128xf32, #tpu.memory_space<vmem>>)
      tpu.yield
    }) : () -> ()
    "tpu.region"() ({
      %run_scoped3A = tpu.sem_alloc : memref<!tpu.dma_semaphore, #tpu.memory_space<semaphore_mem>>
      %dma_start3A = arith.constant 0 : i32
      %dma_start3A_90 = tpu.memref_slice %arg8[%arg0, %add3A_67, %dma_start3A] : memref<2x10240x128xf32, #tpu.memory_space<hbm>> -> memref<1x32x128xf32, #tpu.memory_space<hbm>>
      %dma_start3A_91 = tpu.memref_squeeze %dma_start3A_90 : memref<1x32x128xf32, #tpu.memory_space<hbm>> -> memref<32x128xf32, #tpu.memory_space<hbm>>
      %dma_start3A_92 = arith.constant 0 : i32
      %dma_start3A_93 = tpu.memref_slice %arg8[%arg0, %add3A_67, %dma_start3A_92] : memref<2x10240x128xf32, #tpu.memory_space<hbm>> -> memref<1x32x128xf32, #tpu.memory_space<hbm>>
      %dma_start3A_94 = tpu.memref_squeeze %dma_start3A_93 : memref<1x32x128xf32, #tpu.memory_space<hbm>> -> memref<32x128xf32, #tpu.memory_space<hbm>>
      tpu.enqueue_dma source(%arg14 : memref<32x128xf32, #tpu.memory_space<vmem>>) target(%dma_start3A_94 : memref<32x128xf32, #tpu.memory_space<hbm>>) target_semaphore(%run_scoped3A : memref<!tpu.dma_semaphore, #tpu.memory_space<semaphore_mem>>)
      %dma_wait3A = arith.constant 0 : i32
      %dma_wait3A_95 = tpu.memref_slice %arg8[%arg0, %add3A_67, %dma_wait3A] : memref<2x10240x128xf32, #tpu.memory_space<hbm>> -> memref<1x32x128xf32, #tpu.memory_space<hbm>>
      %dma_wait3A_96 = tpu.memref_squeeze %dma_wait3A_95 : memref<1x32x128xf32, #tpu.memory_space<hbm>> -> memref<32x128xf32, #tpu.memory_space<hbm>>
      %dma_wait3A_97 = arith.constant 0 : i32
      %dma_wait3A_98 = tpu.memref_slice %arg8[%arg0, %add3A_67, %dma_wait3A_97] : memref<2x10240x128xf32, #tpu.memory_space<hbm>> -> memref<1x32x128xf32, #tpu.memory_space<hbm>>
      %dma_wait3A_99 = tpu.memref_squeeze %dma_wait3A_98 : memref<1x32x128xf32, #tpu.memory_space<hbm>> -> memref<32x128xf32, #tpu.memory_space<hbm>>
      tpu.wait_dma2 semaphore(%run_scoped3A : memref<!tpu.dma_semaphore, #tpu.memory_space<semaphore_mem>>) src(%arg14 : memref<32x128xf32, #tpu.memory_space<vmem>>) dst(%dma_wait3A_99 : memref<32x128xf32, #tpu.memory_space<hbm>>)
      tpu.yield
    }) : () -> ()
    %add3A_68 = arith.constant 288 : i32
    %add3A_69 = arith.addi %mul3A_0, %add3A_68 : i32
    "tpu.region"() ({
      %run_scoped3A = tpu.sem_alloc : memref<!tpu.dma_semaphore, #tpu.memory_space<semaphore_mem>>
      %dma_start3A = arith.constant 0 : i32
      %dma_start3A_90 = tpu.memref_slice %arg10[%add3A_69, %dma_start3A] : memref<10240x128xf32, #tpu.memory_space<vmem_shared>> -> memref<32x128xf32, #tpu.memory_space<vmem_shared>>
      %dma_start3A_91 = arith.constant 0 : i32
      %dma_start3A_92 = tpu.memref_slice %arg10[%add3A_69, %dma_start3A_91] : memref<10240x128xf32, #tpu.memory_space<vmem_shared>> -> memref<32x128xf32, #tpu.memory_space<vmem_shared>>
      tpu.enqueue_dma source(%dma_start3A_92 : memref<32x128xf32, #tpu.memory_space<vmem_shared>>) target(%arg14 : memref<32x128xf32, #tpu.memory_space<vmem>>) target_semaphore(%run_scoped3A : memref<!tpu.dma_semaphore, #tpu.memory_space<semaphore_mem>>)
      %dma_wait3A = arith.constant 0 : i32
      %dma_wait3A_93 = tpu.memref_slice %arg10[%add3A_69, %dma_wait3A] : memref<10240x128xf32, #tpu.memory_space<vmem_shared>> -> memref<32x128xf32, #tpu.memory_space<vmem_shared>>
      %dma_wait3A_94 = arith.constant 0 : i32
      %dma_wait3A_95 = tpu.memref_slice %arg10[%add3A_69, %dma_wait3A_94] : memref<10240x128xf32, #tpu.memory_space<vmem_shared>> -> memref<32x128xf32, #tpu.memory_space<vmem_shared>>
      tpu.wait_dma2 semaphore(%run_scoped3A : memref<!tpu.dma_semaphore, #tpu.memory_space<semaphore_mem>>) src(%dma_wait3A_95 : memref<32x128xf32, #tpu.memory_space<vmem_shared>>) dst(%arg14 : memref<32x128xf32, #tpu.memory_space<vmem>>)
      tpu.yield
    }) : () -> ()
    "tpu.region"() ({
      %run_scoped3A = tpu.sem_alloc : memref<!tpu.dma_semaphore, #tpu.memory_space<semaphore_mem>>
      %dma_start3A = arith.constant 0 : i32
      %dma_start3A_90 = tpu.memref_slice %arg8[%arg0, %add3A_69, %dma_start3A] : memref<2x10240x128xf32, #tpu.memory_space<hbm>> -> memref<1x32x128xf32, #tpu.memory_space<hbm>>
      %dma_start3A_91 = tpu.memref_squeeze %dma_start3A_90 : memref<1x32x128xf32, #tpu.memory_space<hbm>> -> memref<32x128xf32, #tpu.memory_space<hbm>>
      %dma_start3A_92 = arith.constant 0 : i32
      %dma_start3A_93 = tpu.memref_slice %arg8[%arg0, %add3A_69, %dma_start3A_92] : memref<2x10240x128xf32, #tpu.memory_space<hbm>> -> memref<1x32x128xf32, #tpu.memory_space<hbm>>
      %dma_start3A_94 = tpu.memref_squeeze %dma_start3A_93 : memref<1x32x128xf32, #tpu.memory_space<hbm>> -> memref<32x128xf32, #tpu.memory_space<hbm>>
      tpu.enqueue_dma source(%arg14 : memref<32x128xf32, #tpu.memory_space<vmem>>) target(%dma_start3A_94 : memref<32x128xf32, #tpu.memory_space<hbm>>) target_semaphore(%run_scoped3A : memref<!tpu.dma_semaphore, #tpu.memory_space<semaphore_mem>>)
      %dma_wait3A = arith.constant 0 : i32
      %dma_wait3A_95 = tpu.memref_slice %arg8[%arg0, %add3A_69, %dma_wait3A] : memref<2x10240x128xf32, #tpu.memory_space<hbm>> -> memref<1x32x128xf32, #tpu.memory_space<hbm>>
      %dma_wait3A_96 = tpu.memref_squeeze %dma_wait3A_95 : memref<1x32x128xf32, #tpu.memory_space<hbm>> -> memref<32x128xf32, #tpu.memory_space<hbm>>
      %dma_wait3A_97 = arith.constant 0 : i32
      %dma_wait3A_98 = tpu.memref_slice %arg8[%arg0, %add3A_69, %dma_wait3A_97] : memref<2x10240x128xf32, #tpu.memory_space<hbm>> -> memref<1x32x128xf32, #tpu.memory_space<hbm>>
      %dma_wait3A_99 = tpu.memref_squeeze %dma_wait3A_98 : memref<1x32x128xf32, #tpu.memory_space<hbm>> -> memref<32x128xf32, #tpu.memory_space<hbm>>
      tpu.wait_dma2 semaphore(%run_scoped3A : memref<!tpu.dma_semaphore, #tpu.memory_space<semaphore_mem>>) src(%arg14 : memref<32x128xf32, #tpu.memory_space<vmem>>) dst(%dma_wait3A_99 : memref<32x128xf32, #tpu.memory_space<hbm>>)
      tpu.yield
    }) : () -> ()
    %add3A_70 = arith.constant 320 : i32
    %add3A_71 = arith.addi %mul3A_0, %add3A_70 : i32
    "tpu.region"() ({
      %run_scoped3A = tpu.sem_alloc : memref<!tpu.dma_semaphore, #tpu.memory_space<semaphore_mem>>
      %dma_start3A = arith.constant 0 : i32
      %dma_start3A_90 = tpu.memref_slice %arg10[%add3A_71, %dma_start3A] : memref<10240x128xf32, #tpu.memory_space<vmem_shared>> -> memref<32x128xf32, #tpu.memory_space<vmem_shared>>
      %dma_start3A_91 = arith.constant 0 : i32
      %dma_start3A_92 = tpu.memref_slice %arg10[%add3A_71, %dma_start3A_91] : memref<10240x128xf32, #tpu.memory_space<vmem_shared>> -> memref<32x128xf32, #tpu.memory_space<vmem_shared>>
      tpu.enqueue_dma source(%dma_start3A_92 : memref<32x128xf32, #tpu.memory_space<vmem_shared>>) target(%arg14 : memref<32x128xf32, #tpu.memory_space<vmem>>) target_semaphore(%run_scoped3A : memref<!tpu.dma_semaphore, #tpu.memory_space<semaphore_mem>>)
      %dma_wait3A = arith.constant 0 : i32
      %dma_wait3A_93 = tpu.memref_slice %arg10[%add3A_71, %dma_wait3A] : memref<10240x128xf32, #tpu.memory_space<vmem_shared>> -> memref<32x128xf32, #tpu.memory_space<vmem_shared>>
      %dma_wait3A_94 = arith.constant 0 : i32
      %dma_wait3A_95 = tpu.memref_slice %arg10[%add3A_71, %dma_wait3A_94] : memref<10240x128xf32, #tpu.memory_space<vmem_shared>> -> memref<32x128xf32, #tpu.memory_space<vmem_shared>>
      tpu.wait_dma2 semaphore(%run_scoped3A : memref<!tpu.dma_semaphore, #tpu.memory_space<semaphore_mem>>) src(%dma_wait3A_95 : memref<32x128xf32, #tpu.memory_space<vmem_shared>>) dst(%arg14 : memref<32x128xf32, #tpu.memory_space<vmem>>)
      tpu.yield
    }) : () -> ()
    "tpu.region"() ({
      %run_scoped3A = tpu.sem_alloc : memref<!tpu.dma_semaphore, #tpu.memory_space<semaphore_mem>>
      %dma_start3A = arith.constant 0 : i32
      %dma_start3A_90 = tpu.memref_slice %arg8[%arg0, %add3A_71, %dma_start3A] : memref<2x10240x128xf32, #tpu.memory_space<hbm>> -> memref<1x32x128xf32, #tpu.memory_space<hbm>>
      %dma_start3A_91 = tpu.memref_squeeze %dma_start3A_90 : memref<1x32x128xf32, #tpu.memory_space<hbm>> -> memref<32x128xf32, #tpu.memory_space<hbm>>
      %dma_start3A_92 = arith.constant 0 : i32
      %dma_start3A_93 = tpu.memref_slice %arg8[%arg0, %add3A_71, %dma_start3A_92] : memref<2x10240x128xf32, #tpu.memory_space<hbm>> -> memref<1x32x128xf32, #tpu.memory_space<hbm>>
      %dma_start3A_94 = tpu.memref_squeeze %dma_start3A_93 : memref<1x32x128xf32, #tpu.memory_space<hbm>> -> memref<32x128xf32, #tpu.memory_space<hbm>>
      tpu.enqueue_dma source(%arg14 : memref<32x128xf32, #tpu.memory_space<vmem>>) target(%dma_start3A_94 : memref<32x128xf32, #tpu.memory_space<hbm>>) target_semaphore(%run_scoped3A : memref<!tpu.dma_semaphore, #tpu.memory_space<semaphore_mem>>)
      %dma_wait3A = arith.constant 0 : i32
      %dma_wait3A_95 = tpu.memref_slice %arg8[%arg0, %add3A_71, %dma_wait3A] : memref<2x10240x128xf32, #tpu.memory_space<hbm>> -> memref<1x32x128xf32, #tpu.memory_space<hbm>>
      %dma_wait3A_96 = tpu.memref_squeeze %dma_wait3A_95 : memref<1x32x128xf32, #tpu.memory_space<hbm>> -> memref<32x128xf32, #tpu.memory_space<hbm>>
      %dma_wait3A_97 = arith.constant 0 : i32
      %dma_wait3A_98 = tpu.memref_slice %arg8[%arg0, %add3A_71, %dma_wait3A_97] : memref<2x10240x128xf32, #tpu.memory_space<hbm>> -> memref<1x32x128xf32, #tpu.memory_space<hbm>>
      %dma_wait3A_99 = tpu.memref_squeeze %dma_wait3A_98 : memref<1x32x128xf32, #tpu.memory_space<hbm>> -> memref<32x128xf32, #tpu.memory_space<hbm>>
      tpu.wait_dma2 semaphore(%run_scoped3A : memref<!tpu.dma_semaphore, #tpu.memory_space<semaphore_mem>>) src(%arg14 : memref<32x128xf32, #tpu.memory_space<vmem>>) dst(%dma_wait3A_99 : memref<32x128xf32, #tpu.memory_space<hbm>>)
      tpu.yield
    }) : () -> ()
    %add3A_72 = arith.constant 352 : i32
    %add3A_73 = arith.addi %mul3A_0, %add3A_72 : i32
    "tpu.region"() ({
      %run_scoped3A = tpu.sem_alloc : memref<!tpu.dma_semaphore, #tpu.memory_space<semaphore_mem>>
      %dma_start3A = arith.constant 0 : i32
      %dma_start3A_90 = tpu.memref_slice %arg10[%add3A_73, %dma_start3A] : memref<10240x128xf32, #tpu.memory_space<vmem_shared>> -> memref<32x128xf32, #tpu.memory_space<vmem_shared>>
      %dma_start3A_91 = arith.constant 0 : i32
      %dma_start3A_92 = tpu.memref_slice %arg10[%add3A_73, %dma_start3A_91] : memref<10240x128xf32, #tpu.memory_space<vmem_shared>> -> memref<32x128xf32, #tpu.memory_space<vmem_shared>>
      tpu.enqueue_dma source(%dma_start3A_92 : memref<32x128xf32, #tpu.memory_space<vmem_shared>>) target(%arg14 : memref<32x128xf32, #tpu.memory_space<vmem>>) target_semaphore(%run_scoped3A : memref<!tpu.dma_semaphore, #tpu.memory_space<semaphore_mem>>)
      %dma_wait3A = arith.constant 0 : i32
      %dma_wait3A_93 = tpu.memref_slice %arg10[%add3A_73, %dma_wait3A] : memref<10240x128xf32, #tpu.memory_space<vmem_shared>> -> memref<32x128xf32, #tpu.memory_space<vmem_shared>>
      %dma_wait3A_94 = arith.constant 0 : i32
      %dma_wait3A_95 = tpu.memref_slice %arg10[%add3A_73, %dma_wait3A_94] : memref<10240x128xf32, #tpu.memory_space<vmem_shared>> -> memref<32x128xf32, #tpu.memory_space<vmem_shared>>
      tpu.wait_dma2 semaphore(%run_scoped3A : memref<!tpu.dma_semaphore, #tpu.memory_space<semaphore_mem>>) src(%dma_wait3A_95 : memref<32x128xf32, #tpu.memory_space<vmem_shared>>) dst(%arg14 : memref<32x128xf32, #tpu.memory_space<vmem>>)
      tpu.yield
    }) : () -> ()
    "tpu.region"() ({
      %run_scoped3A = tpu.sem_alloc : memref<!tpu.dma_semaphore, #tpu.memory_space<semaphore_mem>>
      %dma_start3A = arith.constant 0 : i32
      %dma_start3A_90 = tpu.memref_slice %arg8[%arg0, %add3A_73, %dma_start3A] : memref<2x10240x128xf32, #tpu.memory_space<hbm>> -> memref<1x32x128xf32, #tpu.memory_space<hbm>>
      %dma_start3A_91 = tpu.memref_squeeze %dma_start3A_90 : memref<1x32x128xf32, #tpu.memory_space<hbm>> -> memref<32x128xf32, #tpu.memory_space<hbm>>
      %dma_start3A_92 = arith.constant 0 : i32
      %dma_start3A_93 = tpu.memref_slice %arg8[%arg0, %add3A_73, %dma_start3A_92] : memref<2x10240x128xf32, #tpu.memory_space<hbm>> -> memref<1x32x128xf32, #tpu.memory_space<hbm>>
      %dma_start3A_94 = tpu.memref_squeeze %dma_start3A_93 : memref<1x32x128xf32, #tpu.memory_space<hbm>> -> memref<32x128xf32, #tpu.memory_space<hbm>>
      tpu.enqueue_dma source(%arg14 : memref<32x128xf32, #tpu.memory_space<vmem>>) target(%dma_start3A_94 : memref<32x128xf32, #tpu.memory_space<hbm>>) target_semaphore(%run_scoped3A : memref<!tpu.dma_semaphore, #tpu.memory_space<semaphore_mem>>)
      %dma_wait3A = arith.constant 0 : i32
      %dma_wait3A_95 = tpu.memref_slice %arg8[%arg0, %add3A_73, %dma_wait3A] : memref<2x10240x128xf32, #tpu.memory_space<hbm>> -> memref<1x32x128xf32, #tpu.memory_space<hbm>>
      %dma_wait3A_96 = tpu.memref_squeeze %dma_wait3A_95 : memref<1x32x128xf32, #tpu.memory_space<hbm>> -> memref<32x128xf32, #tpu.memory_space<hbm>>
      %dma_wait3A_97 = arith.constant 0 : i32
      %dma_wait3A_98 = tpu.memref_slice %arg8[%arg0, %add3A_73, %dma_wait3A_97] : memref<2x10240x128xf32, #tpu.memory_space<hbm>> -> memref<1x32x128xf32, #tpu.memory_space<hbm>>
      %dma_wait3A_99 = tpu.memref_squeeze %dma_wait3A_98 : memref<1x32x128xf32, #tpu.memory_space<hbm>> -> memref<32x128xf32, #tpu.memory_space<hbm>>
      tpu.wait_dma2 semaphore(%run_scoped3A : memref<!tpu.dma_semaphore, #tpu.memory_space<semaphore_mem>>) src(%arg14 : memref<32x128xf32, #tpu.memory_space<vmem>>) dst(%dma_wait3A_99 : memref<32x128xf32, #tpu.memory_space<hbm>>)
      tpu.yield
    }) : () -> ()
    %add3A_74 = arith.constant 384 : i32
    %add3A_75 = arith.addi %mul3A_0, %add3A_74 : i32
    "tpu.region"() ({
      %run_scoped3A = tpu.sem_alloc : memref<!tpu.dma_semaphore, #tpu.memory_space<semaphore_mem>>
      %dma_start3A = arith.constant 0 : i32
      %dma_start3A_90 = tpu.memref_slice %arg10[%add3A_75, %dma_start3A] : memref<10240x128xf32, #tpu.memory_space<vmem_shared>> -> memref<32x128xf32, #tpu.memory_space<vmem_shared>>
      %dma_start3A_91 = arith.constant 0 : i32
      %dma_start3A_92 = tpu.memref_slice %arg10[%add3A_75, %dma_start3A_91] : memref<10240x128xf32, #tpu.memory_space<vmem_shared>> -> memref<32x128xf32, #tpu.memory_space<vmem_shared>>
      tpu.enqueue_dma source(%dma_start3A_92 : memref<32x128xf32, #tpu.memory_space<vmem_shared>>) target(%arg14 : memref<32x128xf32, #tpu.memory_space<vmem>>) target_semaphore(%run_scoped3A : memref<!tpu.dma_semaphore, #tpu.memory_space<semaphore_mem>>)
      %dma_wait3A = arith.constant 0 : i32
      %dma_wait3A_93 = tpu.memref_slice %arg10[%add3A_75, %dma_wait3A] : memref<10240x128xf32, #tpu.memory_space<vmem_shared>> -> memref<32x128xf32, #tpu.memory_space<vmem_shared>>
      %dma_wait3A_94 = arith.constant 0 : i32
      %dma_wait3A_95 = tpu.memref_slice %arg10[%add3A_75, %dma_wait3A_94] : memref<10240x128xf32, #tpu.memory_space<vmem_shared>> -> memref<32x128xf32, #tpu.memory_space<vmem_shared>>
      tpu.wait_dma2 semaphore(%run_scoped3A : memref<!tpu.dma_semaphore, #tpu.memory_space<semaphore_mem>>) src(%dma_wait3A_95 : memref<32x128xf32, #tpu.memory_space<vmem_shared>>) dst(%arg14 : memref<32x128xf32, #tpu.memory_space<vmem>>)
      tpu.yield
    }) : () -> ()
    "tpu.region"() ({
      %run_scoped3A = tpu.sem_alloc : memref<!tpu.dma_semaphore, #tpu.memory_space<semaphore_mem>>
      %dma_start3A = arith.constant 0 : i32
      %dma_start3A_90 = tpu.memref_slice %arg8[%arg0, %add3A_75, %dma_start3A] : memref<2x10240x128xf32, #tpu.memory_space<hbm>> -> memref<1x32x128xf32, #tpu.memory_space<hbm>>
      %dma_start3A_91 = tpu.memref_squeeze %dma_start3A_90 : memref<1x32x128xf32, #tpu.memory_space<hbm>> -> memref<32x128xf32, #tpu.memory_space<hbm>>
      %dma_start3A_92 = arith.constant 0 : i32
      %dma_start3A_93 = tpu.memref_slice %arg8[%arg0, %add3A_75, %dma_start3A_92] : memref<2x10240x128xf32, #tpu.memory_space<hbm>> -> memref<1x32x128xf32, #tpu.memory_space<hbm>>
      %dma_start3A_94 = tpu.memref_squeeze %dma_start3A_93 : memref<1x32x128xf32, #tpu.memory_space<hbm>> -> memref<32x128xf32, #tpu.memory_space<hbm>>
      tpu.enqueue_dma source(%arg14 : memref<32x128xf32, #tpu.memory_space<vmem>>) target(%dma_start3A_94 : memref<32x128xf32, #tpu.memory_space<hbm>>) target_semaphore(%run_scoped3A : memref<!tpu.dma_semaphore, #tpu.memory_space<semaphore_mem>>)
      %dma_wait3A = arith.constant 0 : i32
      %dma_wait3A_95 = tpu.memref_slice %arg8[%arg0, %add3A_75, %dma_wait3A] : memref<2x10240x128xf32, #tpu.memory_space<hbm>> -> memref<1x32x128xf32, #tpu.memory_space<hbm>>
      %dma_wait3A_96 = tpu.memref_squeeze %dma_wait3A_95 : memref<1x32x128xf32, #tpu.memory_space<hbm>> -> memref<32x128xf32, #tpu.memory_space<hbm>>
      %dma_wait3A_97 = arith.constant 0 : i32
      %dma_wait3A_98 = tpu.memref_slice %arg8[%arg0, %add3A_75, %dma_wait3A_97] : memref<2x10240x128xf32, #tpu.memory_space<hbm>> -> memref<1x32x128xf32, #tpu.memory_space<hbm>>
      %dma_wait3A_99 = tpu.memref_squeeze %dma_wait3A_98 : memref<1x32x128xf32, #tpu.memory_space<hbm>> -> memref<32x128xf32, #tpu.memory_space<hbm>>
      tpu.wait_dma2 semaphore(%run_scoped3A : memref<!tpu.dma_semaphore, #tpu.memory_space<semaphore_mem>>) src(%arg14 : memref<32x128xf32, #tpu.memory_space<vmem>>) dst(%dma_wait3A_99 : memref<32x128xf32, #tpu.memory_space<hbm>>)
      tpu.yield
    }) : () -> ()
    %add3A_76 = arith.constant 416 : i32
    %add3A_77 = arith.addi %mul3A_0, %add3A_76 : i32
    "tpu.region"() ({
      %run_scoped3A = tpu.sem_alloc : memref<!tpu.dma_semaphore, #tpu.memory_space<semaphore_mem>>
      %dma_start3A = arith.constant 0 : i32
      %dma_start3A_90 = tpu.memref_slice %arg10[%add3A_77, %dma_start3A] : memref<10240x128xf32, #tpu.memory_space<vmem_shared>> -> memref<32x128xf32, #tpu.memory_space<vmem_shared>>
      %dma_start3A_91 = arith.constant 0 : i32
      %dma_start3A_92 = tpu.memref_slice %arg10[%add3A_77, %dma_start3A_91] : memref<10240x128xf32, #tpu.memory_space<vmem_shared>> -> memref<32x128xf32, #tpu.memory_space<vmem_shared>>
      tpu.enqueue_dma source(%dma_start3A_92 : memref<32x128xf32, #tpu.memory_space<vmem_shared>>) target(%arg14 : memref<32x128xf32, #tpu.memory_space<vmem>>) target_semaphore(%run_scoped3A : memref<!tpu.dma_semaphore, #tpu.memory_space<semaphore_mem>>)
      %dma_wait3A = arith.constant 0 : i32
      %dma_wait3A_93 = tpu.memref_slice %arg10[%add3A_77, %dma_wait3A] : memref<10240x128xf32, #tpu.memory_space<vmem_shared>> -> memref<32x128xf32, #tpu.memory_space<vmem_shared>>
      %dma_wait3A_94 = arith.constant 0 : i32
      %dma_wait3A_95 = tpu.memref_slice %arg10[%add3A_77, %dma_wait3A_94] : memref<10240x128xf32, #tpu.memory_space<vmem_shared>> -> memref<32x128xf32, #tpu.memory_space<vmem_shared>>
      tpu.wait_dma2 semaphore(%run_scoped3A : memref<!tpu.dma_semaphore, #tpu.memory_space<semaphore_mem>>) src(%dma_wait3A_95 : memref<32x128xf32, #tpu.memory_space<vmem_shared>>) dst(%arg14 : memref<32x128xf32, #tpu.memory_space<vmem>>)
      tpu.yield
    }) : () -> ()
    "tpu.region"() ({
      %run_scoped3A = tpu.sem_alloc : memref<!tpu.dma_semaphore, #tpu.memory_space<semaphore_mem>>
      %dma_start3A = arith.constant 0 : i32
      %dma_start3A_90 = tpu.memref_slice %arg8[%arg0, %add3A_77, %dma_start3A] : memref<2x10240x128xf32, #tpu.memory_space<hbm>> -> memref<1x32x128xf32, #tpu.memory_space<hbm>>
      %dma_start3A_91 = tpu.memref_squeeze %dma_start3A_90 : memref<1x32x128xf32, #tpu.memory_space<hbm>> -> memref<32x128xf32, #tpu.memory_space<hbm>>
      %dma_start3A_92 = arith.constant 0 : i32
      %dma_start3A_93 = tpu.memref_slice %arg8[%arg0, %add3A_77, %dma_start3A_92] : memref<2x10240x128xf32, #tpu.memory_space<hbm>> -> memref<1x32x128xf32, #tpu.memory_space<hbm>>
      %dma_start3A_94 = tpu.memref_squeeze %dma_start3A_93 : memref<1x32x128xf32, #tpu.memory_space<hbm>> -> memref<32x128xf32, #tpu.memory_space<hbm>>
      tpu.enqueue_dma source(%arg14 : memref<32x128xf32, #tpu.memory_space<vmem>>) target(%dma_start3A_94 : memref<32x128xf32, #tpu.memory_space<hbm>>) target_semaphore(%run_scoped3A : memref<!tpu.dma_semaphore, #tpu.memory_space<semaphore_mem>>)
      %dma_wait3A = arith.constant 0 : i32
      %dma_wait3A_95 = tpu.memref_slice %arg8[%arg0, %add3A_77, %dma_wait3A] : memref<2x10240x128xf32, #tpu.memory_space<hbm>> -> memref<1x32x128xf32, #tpu.memory_space<hbm>>
      %dma_wait3A_96 = tpu.memref_squeeze %dma_wait3A_95 : memref<1x32x128xf32, #tpu.memory_space<hbm>> -> memref<32x128xf32, #tpu.memory_space<hbm>>
      %dma_wait3A_97 = arith.constant 0 : i32
      %dma_wait3A_98 = tpu.memref_slice %arg8[%arg0, %add3A_77, %dma_wait3A_97] : memref<2x10240x128xf32, #tpu.memory_space<hbm>> -> memref<1x32x128xf32, #tpu.memory_space<hbm>>
      %dma_wait3A_99 = tpu.memref_squeeze %dma_wait3A_98 : memref<1x32x128xf32, #tpu.memory_space<hbm>> -> memref<32x128xf32, #tpu.memory_space<hbm>>
      tpu.wait_dma2 semaphore(%run_scoped3A : memref<!tpu.dma_semaphore, #tpu.memory_space<semaphore_mem>>) src(%arg14 : memref<32x128xf32, #tpu.memory_space<vmem>>) dst(%dma_wait3A_99 : memref<32x128xf32, #tpu.memory_space<hbm>>)
      tpu.yield
    }) : () -> ()
    %add3A_78 = arith.constant 448 : i32
    %add3A_79 = arith.addi %mul3A_0, %add3A_78 : i32
    "tpu.region"() ({
      %run_scoped3A = tpu.sem_alloc : memref<!tpu.dma_semaphore, #tpu.memory_space<semaphore_mem>>
      %dma_start3A = arith.constant 0 : i32
      %dma_start3A_90 = tpu.memref_slice %arg10[%add3A_79, %dma_start3A] : memref<10240x128xf32, #tpu.memory_space<vmem_shared>> -> memref<32x128xf32, #tpu.memory_space<vmem_shared>>
      %dma_start3A_91 = arith.constant 0 : i32
      %dma_start3A_92 = tpu.memref_slice %arg10[%add3A_79, %dma_start3A_91] : memref<10240x128xf32, #tpu.memory_space<vmem_shared>> -> memref<32x128xf32, #tpu.memory_space<vmem_shared>>
      tpu.enqueue_dma source(%dma_start3A_92 : memref<32x128xf32, #tpu.memory_space<vmem_shared>>) target(%arg14 : memref<32x128xf32, #tpu.memory_space<vmem>>) target_semaphore(%run_scoped3A : memref<!tpu.dma_semaphore, #tpu.memory_space<semaphore_mem>>)
      %dma_wait3A = arith.constant 0 : i32
      %dma_wait3A_93 = tpu.memref_slice %arg10[%add3A_79, %dma_wait3A] : memref<10240x128xf32, #tpu.memory_space<vmem_shared>> -> memref<32x128xf32, #tpu.memory_space<vmem_shared>>
      %dma_wait3A_94 = arith.constant 0 : i32
      %dma_wait3A_95 = tpu.memref_slice %arg10[%add3A_79, %dma_wait3A_94] : memref<10240x128xf32, #tpu.memory_space<vmem_shared>> -> memref<32x128xf32, #tpu.memory_space<vmem_shared>>
      tpu.wait_dma2 semaphore(%run_scoped3A : memref<!tpu.dma_semaphore, #tpu.memory_space<semaphore_mem>>) src(%dma_wait3A_95 : memref<32x128xf32, #tpu.memory_space<vmem_shared>>) dst(%arg14 : memref<32x128xf32, #tpu.memory_space<vmem>>)
      tpu.yield
    }) : () -> ()
    "tpu.region"() ({
      %run_scoped3A = tpu.sem_alloc : memref<!tpu.dma_semaphore, #tpu.memory_space<semaphore_mem>>
      %dma_start3A = arith.constant 0 : i32
      %dma_start3A_90 = tpu.memref_slice %arg8[%arg0, %add3A_79, %dma_start3A] : memref<2x10240x128xf32, #tpu.memory_space<hbm>> -> memref<1x32x128xf32, #tpu.memory_space<hbm>>
      %dma_start3A_91 = tpu.memref_squeeze %dma_start3A_90 : memref<1x32x128xf32, #tpu.memory_space<hbm>> -> memref<32x128xf32, #tpu.memory_space<hbm>>
      %dma_start3A_92 = arith.constant 0 : i32
      %dma_start3A_93 = tpu.memref_slice %arg8[%arg0, %add3A_79, %dma_start3A_92] : memref<2x10240x128xf32, #tpu.memory_space<hbm>> -> memref<1x32x128xf32, #tpu.memory_space<hbm>>
      %dma_start3A_94 = tpu.memref_squeeze %dma_start3A_93 : memref<1x32x128xf32, #tpu.memory_space<hbm>> -> memref<32x128xf32, #tpu.memory_space<hbm>>
      tpu.enqueue_dma source(%arg14 : memref<32x128xf32, #tpu.memory_space<vmem>>) target(%dma_start3A_94 : memref<32x128xf32, #tpu.memory_space<hbm>>) target_semaphore(%run_scoped3A : memref<!tpu.dma_semaphore, #tpu.memory_space<semaphore_mem>>)
      %dma_wait3A = arith.constant 0 : i32
      %dma_wait3A_95 = tpu.memref_slice %arg8[%arg0, %add3A_79, %dma_wait3A] : memref<2x10240x128xf32, #tpu.memory_space<hbm>> -> memref<1x32x128xf32, #tpu.memory_space<hbm>>
      %dma_wait3A_96 = tpu.memref_squeeze %dma_wait3A_95 : memref<1x32x128xf32, #tpu.memory_space<hbm>> -> memref<32x128xf32, #tpu.memory_space<hbm>>
      %dma_wait3A_97 = arith.constant 0 : i32
      %dma_wait3A_98 = tpu.memref_slice %arg8[%arg0, %add3A_79, %dma_wait3A_97] : memref<2x10240x128xf32, #tpu.memory_space<hbm>> -> memref<1x32x128xf32, #tpu.memory_space<hbm>>
      %dma_wait3A_99 = tpu.memref_squeeze %dma_wait3A_98 : memref<1x32x128xf32, #tpu.memory_space<hbm>> -> memref<32x128xf32, #tpu.memory_space<hbm>>
      tpu.wait_dma2 semaphore(%run_scoped3A : memref<!tpu.dma_semaphore, #tpu.memory_space<semaphore_mem>>) src(%arg14 : memref<32x128xf32, #tpu.memory_space<vmem>>) dst(%dma_wait3A_99 : memref<32x128xf32, #tpu.memory_space<hbm>>)
      tpu.yield
    }) : () -> ()
    %add3A_80 = arith.constant 480 : i32
    %add3A_81 = arith.addi %mul3A_0, %add3A_80 : i32
    "tpu.region"() ({
      %run_scoped3A = tpu.sem_alloc : memref<!tpu.dma_semaphore, #tpu.memory_space<semaphore_mem>>
      %dma_start3A = arith.constant 0 : i32
      %dma_start3A_90 = tpu.memref_slice %arg10[%add3A_81, %dma_start3A] : memref<10240x128xf32, #tpu.memory_space<vmem_shared>> -> memref<32x128xf32, #tpu.memory_space<vmem_shared>>
      %dma_start3A_91 = arith.constant 0 : i32
      %dma_start3A_92 = tpu.memref_slice %arg10[%add3A_81, %dma_start3A_91] : memref<10240x128xf32, #tpu.memory_space<vmem_shared>> -> memref<32x128xf32, #tpu.memory_space<vmem_shared>>
      tpu.enqueue_dma source(%dma_start3A_92 : memref<32x128xf32, #tpu.memory_space<vmem_shared>>) target(%arg14 : memref<32x128xf32, #tpu.memory_space<vmem>>) target_semaphore(%run_scoped3A : memref<!tpu.dma_semaphore, #tpu.memory_space<semaphore_mem>>)
      %dma_wait3A = arith.constant 0 : i32
      %dma_wait3A_93 = tpu.memref_slice %arg10[%add3A_81, %dma_wait3A] : memref<10240x128xf32, #tpu.memory_space<vmem_shared>> -> memref<32x128xf32, #tpu.memory_space<vmem_shared>>
      %dma_wait3A_94 = arith.constant 0 : i32
      %dma_wait3A_95 = tpu.memref_slice %arg10[%add3A_81, %dma_wait3A_94] : memref<10240x128xf32, #tpu.memory_space<vmem_shared>> -> memref<32x128xf32, #tpu.memory_space<vmem_shared>>
      tpu.wait_dma2 semaphore(%run_scoped3A : memref<!tpu.dma_semaphore, #tpu.memory_space<semaphore_mem>>) src(%dma_wait3A_95 : memref<32x128xf32, #tpu.memory_space<vmem_shared>>) dst(%arg14 : memref<32x128xf32, #tpu.memory_space<vmem>>)
      tpu.yield
    }) : () -> ()
    "tpu.region"() ({
      %run_scoped3A = tpu.sem_alloc : memref<!tpu.dma_semaphore, #tpu.memory_space<semaphore_mem>>
      %dma_start3A = arith.constant 0 : i32
      %dma_start3A_90 = tpu.memref_slice %arg8[%arg0, %add3A_81, %dma_start3A] : memref<2x10240x128xf32, #tpu.memory_space<hbm>> -> memref<1x32x128xf32, #tpu.memory_space<hbm>>
      %dma_start3A_91 = tpu.memref_squeeze %dma_start3A_90 : memref<1x32x128xf32, #tpu.memory_space<hbm>> -> memref<32x128xf32, #tpu.memory_space<hbm>>
      %dma_start3A_92 = arith.constant 0 : i32
      %dma_start3A_93 = tpu.memref_slice %arg8[%arg0, %add3A_81, %dma_start3A_92] : memref<2x10240x128xf32, #tpu.memory_space<hbm>> -> memref<1x32x128xf32, #tpu.memory_space<hbm>>
      %dma_start3A_94 = tpu.memref_squeeze %dma_start3A_93 : memref<1x32x128xf32, #tpu.memory_space<hbm>> -> memref<32x128xf32, #tpu.memory_space<hbm>>
      tpu.enqueue_dma source(%arg14 : memref<32x128xf32, #tpu.memory_space<vmem>>) target(%dma_start3A_94 : memref<32x128xf32, #tpu.memory_space<hbm>>) target_semaphore(%run_scoped3A : memref<!tpu.dma_semaphore, #tpu.memory_space<semaphore_mem>>)
      %dma_wait3A = arith.constant 0 : i32
      %dma_wait3A_95 = tpu.memref_slice %arg8[%arg0, %add3A_81, %dma_wait3A] : memref<2x10240x128xf32, #tpu.memory_space<hbm>> -> memref<1x32x128xf32, #tpu.memory_space<hbm>>
      %dma_wait3A_96 = tpu.memref_squeeze %dma_wait3A_95 : memref<1x32x128xf32, #tpu.memory_space<hbm>> -> memref<32x128xf32, #tpu.memory_space<hbm>>
      %dma_wait3A_97 = arith.constant 0 : i32
      %dma_wait3A_98 = tpu.memref_slice %arg8[%arg0, %add3A_81, %dma_wait3A_97] : memref<2x10240x128xf32, #tpu.memory_space<hbm>> -> memref<1x32x128xf32, #tpu.memory_space<hbm>>
      %dma_wait3A_99 = tpu.memref_squeeze %dma_wait3A_98 : memref<1x32x128xf32, #tpu.memory_space<hbm>> -> memref<32x128xf32, #tpu.memory_space<hbm>>
      tpu.wait_dma2 semaphore(%run_scoped3A : memref<!tpu.dma_semaphore, #tpu.memory_space<semaphore_mem>>) src(%arg14 : memref<32x128xf32, #tpu.memory_space<vmem>>) dst(%dma_wait3A_99 : memref<32x128xf32, #tpu.memory_space<hbm>>)
      tpu.yield
    }) : () -> ()
    %add3A_82 = arith.constant 512 : i32
    %add3A_83 = arith.addi %mul3A_0, %add3A_82 : i32
    "tpu.region"() ({
      %run_scoped3A = tpu.sem_alloc : memref<!tpu.dma_semaphore, #tpu.memory_space<semaphore_mem>>
      %dma_start3A = arith.constant 0 : i32
      %dma_start3A_90 = tpu.memref_slice %arg10[%add3A_83, %dma_start3A] : memref<10240x128xf32, #tpu.memory_space<vmem_shared>> -> memref<32x128xf32, #tpu.memory_space<vmem_shared>>
      %dma_start3A_91 = arith.constant 0 : i32
      %dma_start3A_92 = tpu.memref_slice %arg10[%add3A_83, %dma_start3A_91] : memref<10240x128xf32, #tpu.memory_space<vmem_shared>> -> memref<32x128xf32, #tpu.memory_space<vmem_shared>>
      tpu.enqueue_dma source(%dma_start3A_92 : memref<32x128xf32, #tpu.memory_space<vmem_shared>>) target(%arg14 : memref<32x128xf32, #tpu.memory_space<vmem>>) target_semaphore(%run_scoped3A : memref<!tpu.dma_semaphore, #tpu.memory_space<semaphore_mem>>)
      %dma_wait3A = arith.constant 0 : i32
      %dma_wait3A_93 = tpu.memref_slice %arg10[%add3A_83, %dma_wait3A] : memref<10240x128xf32, #tpu.memory_space<vmem_shared>> -> memref<32x128xf32, #tpu.memory_space<vmem_shared>>
      %dma_wait3A_94 = arith.constant 0 : i32
      %dma_wait3A_95 = tpu.memref_slice %arg10[%add3A_83, %dma_wait3A_94] : memref<10240x128xf32, #tpu.memory_space<vmem_shared>> -> memref<32x128xf32, #tpu.memory_space<vmem_shared>>
      tpu.wait_dma2 semaphore(%run_scoped3A : memref<!tpu.dma_semaphore, #tpu.memory_space<semaphore_mem>>) src(%dma_wait3A_95 : memref<32x128xf32, #tpu.memory_space<vmem_shared>>) dst(%arg14 : memref<32x128xf32, #tpu.memory_space<vmem>>)
      tpu.yield
    }) : () -> ()
    "tpu.region"() ({
      %run_scoped3A = tpu.sem_alloc : memref<!tpu.dma_semaphore, #tpu.memory_space<semaphore_mem>>
      %dma_start3A = arith.constant 0 : i32
      %dma_start3A_90 = tpu.memref_slice %arg8[%arg0, %add3A_83, %dma_start3A] : memref<2x10240x128xf32, #tpu.memory_space<hbm>> -> memref<1x32x128xf32, #tpu.memory_space<hbm>>
      %dma_start3A_91 = tpu.memref_squeeze %dma_start3A_90 : memref<1x32x128xf32, #tpu.memory_space<hbm>> -> memref<32x128xf32, #tpu.memory_space<hbm>>
      %dma_start3A_92 = arith.constant 0 : i32
      %dma_start3A_93 = tpu.memref_slice %arg8[%arg0, %add3A_83, %dma_start3A_92] : memref<2x10240x128xf32, #tpu.memory_space<hbm>> -> memref<1x32x128xf32, #tpu.memory_space<hbm>>
      %dma_start3A_94 = tpu.memref_squeeze %dma_start3A_93 : memref<1x32x128xf32, #tpu.memory_space<hbm>> -> memref<32x128xf32, #tpu.memory_space<hbm>>
      tpu.enqueue_dma source(%arg14 : memref<32x128xf32, #tpu.memory_space<vmem>>) target(%dma_start3A_94 : memref<32x128xf32, #tpu.memory_space<hbm>>) target_semaphore(%run_scoped3A : memref<!tpu.dma_semaphore, #tpu.memory_space<semaphore_mem>>)
      %dma_wait3A = arith.constant 0 : i32
      %dma_wait3A_95 = tpu.memref_slice %arg8[%arg0, %add3A_83, %dma_wait3A] : memref<2x10240x128xf32, #tpu.memory_space<hbm>> -> memref<1x32x128xf32, #tpu.memory_space<hbm>>
      %dma_wait3A_96 = tpu.memref_squeeze %dma_wait3A_95 : memref<1x32x128xf32, #tpu.memory_space<hbm>> -> memref<32x128xf32, #tpu.memory_space<hbm>>
      %dma_wait3A_97 = arith.constant 0 : i32
      %dma_wait3A_98 = tpu.memref_slice %arg8[%arg0, %add3A_83, %dma_wait3A_97] : memref<2x10240x128xf32, #tpu.memory_space<hbm>> -> memref<1x32x128xf32, #tpu.memory_space<hbm>>
      %dma_wait3A_99 = tpu.memref_squeeze %dma_wait3A_98 : memref<1x32x128xf32, #tpu.memory_space<hbm>> -> memref<32x128xf32, #tpu.memory_space<hbm>>
      tpu.wait_dma2 semaphore(%run_scoped3A : memref<!tpu.dma_semaphore, #tpu.memory_space<semaphore_mem>>) src(%arg14 : memref<32x128xf32, #tpu.memory_space<vmem>>) dst(%dma_wait3A_99 : memref<32x128xf32, #tpu.memory_space<hbm>>)
      tpu.yield
    }) : () -> ()
    %add3A_84 = arith.constant 544 : i32
    %add3A_85 = arith.addi %mul3A_0, %add3A_84 : i32
    "tpu.region"() ({
      %run_scoped3A = tpu.sem_alloc : memref<!tpu.dma_semaphore, #tpu.memory_space<semaphore_mem>>
      %dma_start3A = arith.constant 0 : i32
      %dma_start3A_90 = tpu.memref_slice %arg10[%add3A_85, %dma_start3A] : memref<10240x128xf32, #tpu.memory_space<vmem_shared>> -> memref<32x128xf32, #tpu.memory_space<vmem_shared>>
      %dma_start3A_91 = arith.constant 0 : i32
      %dma_start3A_92 = tpu.memref_slice %arg10[%add3A_85, %dma_start3A_91] : memref<10240x128xf32, #tpu.memory_space<vmem_shared>> -> memref<32x128xf32, #tpu.memory_space<vmem_shared>>
      tpu.enqueue_dma source(%dma_start3A_92 : memref<32x128xf32, #tpu.memory_space<vmem_shared>>) target(%arg14 : memref<32x128xf32, #tpu.memory_space<vmem>>) target_semaphore(%run_scoped3A : memref<!tpu.dma_semaphore, #tpu.memory_space<semaphore_mem>>)
      %dma_wait3A = arith.constant 0 : i32
      %dma_wait3A_93 = tpu.memref_slice %arg10[%add3A_85, %dma_wait3A] : memref<10240x128xf32, #tpu.memory_space<vmem_shared>> -> memref<32x128xf32, #tpu.memory_space<vmem_shared>>
      %dma_wait3A_94 = arith.constant 0 : i32
      %dma_wait3A_95 = tpu.memref_slice %arg10[%add3A_85, %dma_wait3A_94] : memref<10240x128xf32, #tpu.memory_space<vmem_shared>> -> memref<32x128xf32, #tpu.memory_space<vmem_shared>>
      tpu.wait_dma2 semaphore(%run_scoped3A : memref<!tpu.dma_semaphore, #tpu.memory_space<semaphore_mem>>) src(%dma_wait3A_95 : memref<32x128xf32, #tpu.memory_space<vmem_shared>>) dst(%arg14 : memref<32x128xf32, #tpu.memory_space<vmem>>)
      tpu.yield
    }) : () -> ()
    "tpu.region"() ({
      %run_scoped3A = tpu.sem_alloc : memref<!tpu.dma_semaphore, #tpu.memory_space<semaphore_mem>>
      %dma_start3A = arith.constant 0 : i32
      %dma_start3A_90 = tpu.memref_slice %arg8[%arg0, %add3A_85, %dma_start3A] : memref<2x10240x128xf32, #tpu.memory_space<hbm>> -> memref<1x32x128xf32, #tpu.memory_space<hbm>>
      %dma_start3A_91 = tpu.memref_squeeze %dma_start3A_90 : memref<1x32x128xf32, #tpu.memory_space<hbm>> -> memref<32x128xf32, #tpu.memory_space<hbm>>
      %dma_start3A_92 = arith.constant 0 : i32
      %dma_start3A_93 = tpu.memref_slice %arg8[%arg0, %add3A_85, %dma_start3A_92] : memref<2x10240x128xf32, #tpu.memory_space<hbm>> -> memref<1x32x128xf32, #tpu.memory_space<hbm>>
      %dma_start3A_94 = tpu.memref_squeeze %dma_start3A_93 : memref<1x32x128xf32, #tpu.memory_space<hbm>> -> memref<32x128xf32, #tpu.memory_space<hbm>>
      tpu.enqueue_dma source(%arg14 : memref<32x128xf32, #tpu.memory_space<vmem>>) target(%dma_start3A_94 : memref<32x128xf32, #tpu.memory_space<hbm>>) target_semaphore(%run_scoped3A : memref<!tpu.dma_semaphore, #tpu.memory_space<semaphore_mem>>)
      %dma_wait3A = arith.constant 0 : i32
      %dma_wait3A_95 = tpu.memref_slice %arg8[%arg0, %add3A_85, %dma_wait3A] : memref<2x10240x128xf32, #tpu.memory_space<hbm>> -> memref<1x32x128xf32, #tpu.memory_space<hbm>>
      %dma_wait3A_96 = tpu.memref_squeeze %dma_wait3A_95 : memref<1x32x128xf32, #tpu.memory_space<hbm>> -> memref<32x128xf32, #tpu.memory_space<hbm>>
      %dma_wait3A_97 = arith.constant 0 : i32
      %dma_wait3A_98 = tpu.memref_slice %arg8[%arg0, %add3A_85, %dma_wait3A_97] : memref<2x10240x128xf32, #tpu.memory_space<hbm>> -> memref<1x32x128xf32, #tpu.memory_space<hbm>>
      %dma_wait3A_99 = tpu.memref_squeeze %dma_wait3A_98 : memref<1x32x128xf32, #tpu.memory_space<hbm>> -> memref<32x128xf32, #tpu.memory_space<hbm>>
      tpu.wait_dma2 semaphore(%run_scoped3A : memref<!tpu.dma_semaphore, #tpu.memory_space<semaphore_mem>>) src(%arg14 : memref<32x128xf32, #tpu.memory_space<vmem>>) dst(%dma_wait3A_99 : memref<32x128xf32, #tpu.memory_space<hbm>>)
      tpu.yield
    }) : () -> ()
    %add3A_86 = arith.constant 576 : i32
    %add3A_87 = arith.addi %mul3A_0, %add3A_86 : i32
    "tpu.region"() ({
      %run_scoped3A = tpu.sem_alloc : memref<!tpu.dma_semaphore, #tpu.memory_space<semaphore_mem>>
      %dma_start3A = arith.constant 0 : i32
      %dma_start3A_90 = tpu.memref_slice %arg10[%add3A_87, %dma_start3A] : memref<10240x128xf32, #tpu.memory_space<vmem_shared>> -> memref<32x128xf32, #tpu.memory_space<vmem_shared>>
      %dma_start3A_91 = arith.constant 0 : i32
      %dma_start3A_92 = tpu.memref_slice %arg10[%add3A_87, %dma_start3A_91] : memref<10240x128xf32, #tpu.memory_space<vmem_shared>> -> memref<32x128xf32, #tpu.memory_space<vmem_shared>>
      tpu.enqueue_dma source(%dma_start3A_92 : memref<32x128xf32, #tpu.memory_space<vmem_shared>>) target(%arg14 : memref<32x128xf32, #tpu.memory_space<vmem>>) target_semaphore(%run_scoped3A : memref<!tpu.dma_semaphore, #tpu.memory_space<semaphore_mem>>)
      %dma_wait3A = arith.constant 0 : i32
      %dma_wait3A_93 = tpu.memref_slice %arg10[%add3A_87, %dma_wait3A] : memref<10240x128xf32, #tpu.memory_space<vmem_shared>> -> memref<32x128xf32, #tpu.memory_space<vmem_shared>>
      %dma_wait3A_94 = arith.constant 0 : i32
      %dma_wait3A_95 = tpu.memref_slice %arg10[%add3A_87, %dma_wait3A_94] : memref<10240x128xf32, #tpu.memory_space<vmem_shared>> -> memref<32x128xf32, #tpu.memory_space<vmem_shared>>
      tpu.wait_dma2 semaphore(%run_scoped3A : memref<!tpu.dma_semaphore, #tpu.memory_space<semaphore_mem>>) src(%dma_wait3A_95 : memref<32x128xf32, #tpu.memory_space<vmem_shared>>) dst(%arg14 : memref<32x128xf32, #tpu.memory_space<vmem>>)
      tpu.yield
    }) : () -> ()
    "tpu.region"() ({
      %run_scoped3A = tpu.sem_alloc : memref<!tpu.dma_semaphore, #tpu.memory_space<semaphore_mem>>
      %dma_start3A = arith.constant 0 : i32
      %dma_start3A_90 = tpu.memref_slice %arg8[%arg0, %add3A_87, %dma_start3A] : memref<2x10240x128xf32, #tpu.memory_space<hbm>> -> memref<1x32x128xf32, #tpu.memory_space<hbm>>
      %dma_start3A_91 = tpu.memref_squeeze %dma_start3A_90 : memref<1x32x128xf32, #tpu.memory_space<hbm>> -> memref<32x128xf32, #tpu.memory_space<hbm>>
      %dma_start3A_92 = arith.constant 0 : i32
      %dma_start3A_93 = tpu.memref_slice %arg8[%arg0, %add3A_87, %dma_start3A_92] : memref<2x10240x128xf32, #tpu.memory_space<hbm>> -> memref<1x32x128xf32, #tpu.memory_space<hbm>>
      %dma_start3A_94 = tpu.memref_squeeze %dma_start3A_93 : memref<1x32x128xf32, #tpu.memory_space<hbm>> -> memref<32x128xf32, #tpu.memory_space<hbm>>
      tpu.enqueue_dma source(%arg14 : memref<32x128xf32, #tpu.memory_space<vmem>>) target(%dma_start3A_94 : memref<32x128xf32, #tpu.memory_space<hbm>>) target_semaphore(%run_scoped3A : memref<!tpu.dma_semaphore, #tpu.memory_space<semaphore_mem>>)
      %dma_wait3A = arith.constant 0 : i32
      %dma_wait3A_95 = tpu.memref_slice %arg8[%arg0, %add3A_87, %dma_wait3A] : memref<2x10240x128xf32, #tpu.memory_space<hbm>> -> memref<1x32x128xf32, #tpu.memory_space<hbm>>
      %dma_wait3A_96 = tpu.memref_squeeze %dma_wait3A_95 : memref<1x32x128xf32, #tpu.memory_space<hbm>> -> memref<32x128xf32, #tpu.memory_space<hbm>>
      %dma_wait3A_97 = arith.constant 0 : i32
      %dma_wait3A_98 = tpu.memref_slice %arg8[%arg0, %add3A_87, %dma_wait3A_97] : memref<2x10240x128xf32, #tpu.memory_space<hbm>> -> memref<1x32x128xf32, #tpu.memory_space<hbm>>
      %dma_wait3A_99 = tpu.memref_squeeze %dma_wait3A_98 : memref<1x32x128xf32, #tpu.memory_space<hbm>> -> memref<32x128xf32, #tpu.memory_space<hbm>>
      tpu.wait_dma2 semaphore(%run_scoped3A : memref<!tpu.dma_semaphore, #tpu.memory_space<semaphore_mem>>) src(%arg14 : memref<32x128xf32, #tpu.memory_space<vmem>>) dst(%dma_wait3A_99 : memref<32x128xf32, #tpu.memory_space<hbm>>)
      tpu.yield
    }) : () -> ()
    %add3A_88 = arith.constant 608 : i32
    %add3A_89 = arith.addi %mul3A_0, %add3A_88 : i32
    "tpu.region"() ({
      %run_scoped3A = tpu.sem_alloc : memref<!tpu.dma_semaphore, #tpu.memory_space<semaphore_mem>>
      %dma_start3A = arith.constant 0 : i32
      %dma_start3A_90 = tpu.memref_slice %arg10[%add3A_89, %dma_start3A] : memref<10240x128xf32, #tpu.memory_space<vmem_shared>> -> memref<32x128xf32, #tpu.memory_space<vmem_shared>>
      %dma_start3A_91 = arith.constant 0 : i32
      %dma_start3A_92 = tpu.memref_slice %arg10[%add3A_89, %dma_start3A_91] : memref<10240x128xf32, #tpu.memory_space<vmem_shared>> -> memref<32x128xf32, #tpu.memory_space<vmem_shared>>
      tpu.enqueue_dma source(%dma_start3A_92 : memref<32x128xf32, #tpu.memory_space<vmem_shared>>) target(%arg14 : memref<32x128xf32, #tpu.memory_space<vmem>>) target_semaphore(%run_scoped3A : memref<!tpu.dma_semaphore, #tpu.memory_space<semaphore_mem>>)
      %dma_wait3A = arith.constant 0 : i32
      %dma_wait3A_93 = tpu.memref_slice %arg10[%add3A_89, %dma_wait3A] : memref<10240x128xf32, #tpu.memory_space<vmem_shared>> -> memref<32x128xf32, #tpu.memory_space<vmem_shared>>
      %dma_wait3A_94 = arith.constant 0 : i32
      %dma_wait3A_95 = tpu.memref_slice %arg10[%add3A_89, %dma_wait3A_94] : memref<10240x128xf32, #tpu.memory_space<vmem_shared>> -> memref<32x128xf32, #tpu.memory_space<vmem_shared>>
      tpu.wait_dma2 semaphore(%run_scoped3A : memref<!tpu.dma_semaphore, #tpu.memory_space<semaphore_mem>>) src(%dma_wait3A_95 : memref<32x128xf32, #tpu.memory_space<vmem_shared>>) dst(%arg14 : memref<32x128xf32, #tpu.memory_space<vmem>>)
      tpu.yield
    }) : () -> ()
    "tpu.region"() ({
      %run_scoped3A = tpu.sem_alloc : memref<!tpu.dma_semaphore, #tpu.memory_space<semaphore_mem>>
      %dma_start3A = arith.constant 0 : i32
      %dma_start3A_90 = tpu.memref_slice %arg8[%arg0, %add3A_89, %dma_start3A] : memref<2x10240x128xf32, #tpu.memory_space<hbm>> -> memref<1x32x128xf32, #tpu.memory_space<hbm>>
      %dma_start3A_91 = tpu.memref_squeeze %dma_start3A_90 : memref<1x32x128xf32, #tpu.memory_space<hbm>> -> memref<32x128xf32, #tpu.memory_space<hbm>>
      %dma_start3A_92 = arith.constant 0 : i32
      %dma_start3A_93 = tpu.memref_slice %arg8[%arg0, %add3A_89, %dma_start3A_92] : memref<2x10240x128xf32, #tpu.memory_space<hbm>> -> memref<1x32x128xf32, #tpu.memory_space<hbm>>
      %dma_start3A_94 = tpu.memref_squeeze %dma_start3A_93 : memref<1x32x128xf32, #tpu.memory_space<hbm>> -> memref<32x128xf32, #tpu.memory_space<hbm>>
      tpu.enqueue_dma source(%arg14 : memref<32x128xf32, #tpu.memory_space<vmem>>) target(%dma_start3A_94 : memref<32x128xf32, #tpu.memory_space<hbm>>) target_semaphore(%run_scoped3A : memref<!tpu.dma_semaphore, #tpu.memory_space<semaphore_mem>>)
      %dma_wait3A = arith.constant 0 : i32
      %dma_wait3A_95 = tpu.memref_slice %arg8[%arg0, %add3A_89, %dma_wait3A] : memref<2x10240x128xf32, #tpu.memory_space<hbm>> -> memref<1x32x128xf32, #tpu.memory_space<hbm>>
      %dma_wait3A_96 = tpu.memref_squeeze %dma_wait3A_95 : memref<1x32x128xf32, #tpu.memory_space<hbm>> -> memref<32x128xf32, #tpu.memory_space<hbm>>
      %dma_wait3A_97 = arith.constant 0 : i32
      %dma_wait3A_98 = tpu.memref_slice %arg8[%arg0, %add3A_89, %dma_wait3A_97] : memref<2x10240x128xf32, #tpu.memory_space<hbm>> -> memref<1x32x128xf32, #tpu.memory_space<hbm>>
      %dma_wait3A_99 = tpu.memref_squeeze %dma_wait3A_98 : memref<1x32x128xf32, #tpu.memory_space<hbm>> -> memref<32x128xf32, #tpu.memory_space<hbm>>
      tpu.wait_dma2 semaphore(%run_scoped3A : memref<!tpu.dma_semaphore, #tpu.memory_space<semaphore_mem>>) src(%arg14 : memref<32x128xf32, #tpu.memory_space<vmem>>) dst(%dma_wait3A_99 : memref<32x128xf32, #tpu.memory_space<hbm>>)
      tpu.yield
    }) : () -> ()
    "tpu.region"() ({
      %run_scoped3A = tpu.sem_alloc : memref<!tpu.dma_semaphore, #tpu.memory_space<semaphore_mem>>
      %dma_start3A = tpu.memref_slice %arg16[%mul3A_0] : memref<10240xf32, #tpu.memory_space<vmem_shared>> -> memref<640xf32, #tpu.memory_space<vmem_shared>>
      %dma_start3A_90 = tpu.memref_slice %arg16[%mul3A_0] : memref<10240xf32, #tpu.memory_space<vmem_shared>> -> memref<640xf32, #tpu.memory_space<vmem_shared>>
      tpu.enqueue_dma source(%dma_start3A_90 : memref<640xf32, #tpu.memory_space<vmem_shared>>) target(%arg18 : memref<640xf32, #tpu.memory_space<vmem>>) target_semaphore(%run_scoped3A : memref<!tpu.dma_semaphore, #tpu.memory_space<semaphore_mem>>)
      %dma_wait3A = tpu.memref_slice %arg16[%mul3A_0] : memref<10240xf32, #tpu.memory_space<vmem_shared>> -> memref<640xf32, #tpu.memory_space<vmem_shared>>
      %dma_wait3A_91 = tpu.memref_slice %arg16[%mul3A_0] : memref<10240xf32, #tpu.memory_space<vmem_shared>> -> memref<640xf32, #tpu.memory_space<vmem_shared>>
      tpu.wait_dma2 semaphore(%run_scoped3A : memref<!tpu.dma_semaphore, #tpu.memory_space<semaphore_mem>>) src(%dma_wait3A_91 : memref<640xf32, #tpu.memory_space<vmem_shared>>) dst(%arg18 : memref<640xf32, #tpu.memory_space<vmem>>)
      tpu.yield
    }) : () -> ()
    "tpu.region"() ({
      %run_scoped3A = tpu.sem_alloc : memref<!tpu.dma_semaphore, #tpu.memory_space<semaphore_mem>>
      %dma_start3A = tpu.memref_slice %arg9[%arg0, %mul3A_0] : memref<2x10240xf32, #tpu.memory_space<hbm>> -> memref<1x640xf32, #tpu.memory_space<hbm>>
      %dma_start3A_90 = tpu.memref_squeeze %dma_start3A : memref<1x640xf32, #tpu.memory_space<hbm>> -> memref<640xf32, #tpu.memory_space<hbm>>
      %dma_start3A_91 = tpu.memref_slice %arg9[%arg0, %mul3A_0] : memref<2x10240xf32, #tpu.memory_space<hbm>> -> memref<1x640xf32, #tpu.memory_space<hbm>>
      %dma_start3A_92 = tpu.memref_squeeze %dma_start3A_91 : memref<1x640xf32, #tpu.memory_space<hbm>> -> memref<640xf32, #tpu.memory_space<hbm>>
      tpu.enqueue_dma source(%arg18 : memref<640xf32, #tpu.memory_space<vmem>>) target(%dma_start3A_92 : memref<640xf32, #tpu.memory_space<hbm>>) target_semaphore(%run_scoped3A : memref<!tpu.dma_semaphore, #tpu.memory_space<semaphore_mem>>)
      %dma_wait3A = tpu.memref_slice %arg9[%arg0, %mul3A_0] : memref<2x10240xf32, #tpu.memory_space<hbm>> -> memref<1x640xf32, #tpu.memory_space<hbm>>
      %dma_wait3A_93 = tpu.memref_squeeze %dma_wait3A : memref<1x640xf32, #tpu.memory_space<hbm>> -> memref<640xf32, #tpu.memory_space<hbm>>
      %dma_wait3A_94 = tpu.memref_slice %arg9[%arg0, %mul3A_0] : memref<2x10240xf32, #tpu.memory_space<hbm>> -> memref<1x640xf32, #tpu.memory_space<hbm>>
      %dma_wait3A_95 = tpu.memref_squeeze %dma_wait3A_94 : memref<1x640xf32, #tpu.memory_space<hbm>> -> memref<640xf32, #tpu.memory_space<hbm>>
      tpu.wait_dma2 semaphore(%run_scoped3A : memref<!tpu.dma_semaphore, #tpu.memory_space<semaphore_mem>>) src(%arg18 : memref<640xf32, #tpu.memory_space<vmem>>) dst(%dma_wait3A_95 : memref<640xf32, #tpu.memory_space<hbm>>)
      tpu.yield
    }) : () -> ()
    return
  }
}

#map = affine_map<(d0, d1) -> (0, 0)>
#map1 = affine_map<(d0, d1) -> (0)>
#map2 = affine_map<(d0, d1) -> (0, 0, 0)>
module attributes {stable_mosaic.version = 14 : i64} {
  func.func @body(%arg0: i32, %arg1: i32, %arg2: memref<10240x128xf32, #tpu.memory_space<hbm>>, %arg3: memref<2560x128xi32, #tpu.memory_space<hbm>>, %arg4: memref<2560x128xi32, #tpu.memory_space<hbm>>, %arg5: memref<32x128xf32, #tpu.memory_space<hbm>>, %arg6: memref<640xf32, #tpu.memory_space<hbm>>, %arg7: memref<128xf32, #tpu.memory_space<hbm>>, %arg8: memref<2x10240x128xf32, #tpu.memory_space<hbm>>, %arg9: memref<10240x128xf32, #tpu.memory_space<vmem_shared>>, %arg10: memref<128xi32, #tpu.memory_space<vmem>>, %arg11: memref<128xi32, #tpu.memory_space<vmem>>, %arg12: memref<128x128xf32, #tpu.memory_space<vmem>>, %arg13: memref<32x128xf32, #tpu.memory_space<vmem>>, %arg14: memref<!tpu.dma_semaphore, #tpu.memory_space<semaphore_mem>>) attributes {dimension_semantics = [#tpu.dimension_semantics<core_parallel>, #tpu.dimension_semantics<subcore_parallel>], iteration_bounds = array<i64: 2, 16>, scalar_prefetch = 0 : i64, scratch_operands = 6 : i64, tpu.core_type = #tpu.core_type<sc_vector_subcore>, window_params = [{transform_indices = #map}, {transform_indices = #map}, {transform_indices = #map}, {transform_indices = #map}, {transform_indices = #map1}, {transform_indices = #map1}, {transform_indices = #map2}]} {
    %mul3A = arith.constant 640 : i32
    %mul3A_0 = arith.muli %arg1, %mul3A : i32
    %mul3A_1 = arith.constant 16 : i32
    %mul3A_2 = arith.muli %arg0, %mul3A_1 : i32
    %add3A = arith.addi %mul3A_2, %arg1 : i32
    %mul3A_3 = arith.constant 80 : i32
    %mul3A_4 = arith.muli %add3A, %mul3A_3 : i32
    "tpu.region"() ({
      %run_scoped3A = tpu.sem_alloc : memref<!tpu.dma_semaphore, #tpu.memory_space<semaphore_mem>>
      tpu.enqueue_dma source(%arg5 : memref<32x128xf32, #tpu.memory_space<hbm>>) target(%arg13 : memref<32x128xf32, #tpu.memory_space<vmem>>) target_semaphore(%run_scoped3A : memref<!tpu.dma_semaphore, #tpu.memory_space<semaphore_mem>>)
      tpu.wait_dma2 semaphore(%run_scoped3A : memref<!tpu.dma_semaphore, #tpu.memory_space<semaphore_mem>>) src(%arg5 : memref<32x128xf32, #tpu.memory_space<hbm>>) dst(%arg13 : memref<32x128xf32, #tpu.memory_space<vmem>>)
      tpu.yield
    }) : () -> ()
    %add3A_5 = arith.constant 0 : i32
    %add3A_6 = arith.addi %mul3A_0, %add3A_5 : i32
    "tpu.region"() ({
      %run_scoped3A = tpu.sem_alloc : memref<!tpu.dma_semaphore, #tpu.memory_space<semaphore_mem>>
      %dma_start3A = arith.constant 0 : i32
      %dma_start3A_90 = tpu.memref_slice %arg9[%add3A_6, %dma_start3A] : memref<10240x128xf32, #tpu.memory_space<vmem_shared>> -> memref<32x128xf32, #tpu.memory_space<vmem_shared>>
      %dma_start3A_91 = arith.constant 0 : i32
      %dma_start3A_92 = tpu.memref_slice %arg9[%add3A_6, %dma_start3A_91] : memref<10240x128xf32, #tpu.memory_space<vmem_shared>> -> memref<32x128xf32, #tpu.memory_space<vmem_shared>>
      tpu.enqueue_dma source(%arg13 : memref<32x128xf32, #tpu.memory_space<vmem>>) target(%dma_start3A_92 : memref<32x128xf32, #tpu.memory_space<vmem_shared>>) target_semaphore(%run_scoped3A : memref<!tpu.dma_semaphore, #tpu.memory_space<semaphore_mem>>)
      %dma_wait3A = arith.constant 0 : i32
      %dma_wait3A_93 = tpu.memref_slice %arg9[%add3A_6, %dma_wait3A] : memref<10240x128xf32, #tpu.memory_space<vmem_shared>> -> memref<32x128xf32, #tpu.memory_space<vmem_shared>>
      %dma_wait3A_94 = arith.constant 0 : i32
      %dma_wait3A_95 = tpu.memref_slice %arg9[%add3A_6, %dma_wait3A_94] : memref<10240x128xf32, #tpu.memory_space<vmem_shared>> -> memref<32x128xf32, #tpu.memory_space<vmem_shared>>
      tpu.wait_dma2 semaphore(%run_scoped3A : memref<!tpu.dma_semaphore, #tpu.memory_space<semaphore_mem>>) src(%arg13 : memref<32x128xf32, #tpu.memory_space<vmem>>) dst(%dma_wait3A_95 : memref<32x128xf32, #tpu.memory_space<vmem_shared>>)
      tpu.yield
    }) : () -> ()
    %add3A_7 = arith.constant 32 : i32
    %add3A_8 = arith.addi %mul3A_0, %add3A_7 : i32
    "tpu.region"() ({
      %run_scoped3A = tpu.sem_alloc : memref<!tpu.dma_semaphore, #tpu.memory_space<semaphore_mem>>
      %dma_start3A = arith.constant 0 : i32
      %dma_start3A_90 = tpu.memref_slice %arg9[%add3A_8, %dma_start3A] : memref<10240x128xf32, #tpu.memory_space<vmem_shared>> -> memref<32x128xf32, #tpu.memory_space<vmem_shared>>
      %dma_start3A_91 = arith.constant 0 : i32
      %dma_start3A_92 = tpu.memref_slice %arg9[%add3A_8, %dma_start3A_91] : memref<10240x128xf32, #tpu.memory_space<vmem_shared>> -> memref<32x128xf32, #tpu.memory_space<vmem_shared>>
      tpu.enqueue_dma source(%arg13 : memref<32x128xf32, #tpu.memory_space<vmem>>) target(%dma_start3A_92 : memref<32x128xf32, #tpu.memory_space<vmem_shared>>) target_semaphore(%run_scoped3A : memref<!tpu.dma_semaphore, #tpu.memory_space<semaphore_mem>>)
      %dma_wait3A = arith.constant 0 : i32
      %dma_wait3A_93 = tpu.memref_slice %arg9[%add3A_8, %dma_wait3A] : memref<10240x128xf32, #tpu.memory_space<vmem_shared>> -> memref<32x128xf32, #tpu.memory_space<vmem_shared>>
      %dma_wait3A_94 = arith.constant 0 : i32
      %dma_wait3A_95 = tpu.memref_slice %arg9[%add3A_8, %dma_wait3A_94] : memref<10240x128xf32, #tpu.memory_space<vmem_shared>> -> memref<32x128xf32, #tpu.memory_space<vmem_shared>>
      tpu.wait_dma2 semaphore(%run_scoped3A : memref<!tpu.dma_semaphore, #tpu.memory_space<semaphore_mem>>) src(%arg13 : memref<32x128xf32, #tpu.memory_space<vmem>>) dst(%dma_wait3A_95 : memref<32x128xf32, #tpu.memory_space<vmem_shared>>)
      tpu.yield
    }) : () -> ()
    %add3A_9 = arith.constant 64 : i32
    %add3A_10 = arith.addi %mul3A_0, %add3A_9 : i32
    "tpu.region"() ({
      %run_scoped3A = tpu.sem_alloc : memref<!tpu.dma_semaphore, #tpu.memory_space<semaphore_mem>>
      %dma_start3A = arith.constant 0 : i32
      %dma_start3A_90 = tpu.memref_slice %arg9[%add3A_10, %dma_start3A] : memref<10240x128xf32, #tpu.memory_space<vmem_shared>> -> memref<32x128xf32, #tpu.memory_space<vmem_shared>>
      %dma_start3A_91 = arith.constant 0 : i32
      %dma_start3A_92 = tpu.memref_slice %arg9[%add3A_10, %dma_start3A_91] : memref<10240x128xf32, #tpu.memory_space<vmem_shared>> -> memref<32x128xf32, #tpu.memory_space<vmem_shared>>
      tpu.enqueue_dma source(%arg13 : memref<32x128xf32, #tpu.memory_space<vmem>>) target(%dma_start3A_92 : memref<32x128xf32, #tpu.memory_space<vmem_shared>>) target_semaphore(%run_scoped3A : memref<!tpu.dma_semaphore, #tpu.memory_space<semaphore_mem>>)
      %dma_wait3A = arith.constant 0 : i32
      %dma_wait3A_93 = tpu.memref_slice %arg9[%add3A_10, %dma_wait3A] : memref<10240x128xf32, #tpu.memory_space<vmem_shared>> -> memref<32x128xf32, #tpu.memory_space<vmem_shared>>
      %dma_wait3A_94 = arith.constant 0 : i32
      %dma_wait3A_95 = tpu.memref_slice %arg9[%add3A_10, %dma_wait3A_94] : memref<10240x128xf32, #tpu.memory_space<vmem_shared>> -> memref<32x128xf32, #tpu.memory_space<vmem_shared>>
      tpu.wait_dma2 semaphore(%run_scoped3A : memref<!tpu.dma_semaphore, #tpu.memory_space<semaphore_mem>>) src(%arg13 : memref<32x128xf32, #tpu.memory_space<vmem>>) dst(%dma_wait3A_95 : memref<32x128xf32, #tpu.memory_space<vmem_shared>>)
      tpu.yield
    }) : () -> ()
    %add3A_11 = arith.constant 96 : i32
    %add3A_12 = arith.addi %mul3A_0, %add3A_11 : i32
    "tpu.region"() ({
      %run_scoped3A = tpu.sem_alloc : memref<!tpu.dma_semaphore, #tpu.memory_space<semaphore_mem>>
      %dma_start3A = arith.constant 0 : i32
      %dma_start3A_90 = tpu.memref_slice %arg9[%add3A_12, %dma_start3A] : memref<10240x128xf32, #tpu.memory_space<vmem_shared>> -> memref<32x128xf32, #tpu.memory_space<vmem_shared>>
      %dma_start3A_91 = arith.constant 0 : i32
      %dma_start3A_92 = tpu.memref_slice %arg9[%add3A_12, %dma_start3A_91] : memref<10240x128xf32, #tpu.memory_space<vmem_shared>> -> memref<32x128xf32, #tpu.memory_space<vmem_shared>>
      tpu.enqueue_dma source(%arg13 : memref<32x128xf32, #tpu.memory_space<vmem>>) target(%dma_start3A_92 : memref<32x128xf32, #tpu.memory_space<vmem_shared>>) target_semaphore(%run_scoped3A : memref<!tpu.dma_semaphore, #tpu.memory_space<semaphore_mem>>)
      %dma_wait3A = arith.constant 0 : i32
      %dma_wait3A_93 = tpu.memref_slice %arg9[%add3A_12, %dma_wait3A] : memref<10240x128xf32, #tpu.memory_space<vmem_shared>> -> memref<32x128xf32, #tpu.memory_space<vmem_shared>>
      %dma_wait3A_94 = arith.constant 0 : i32
      %dma_wait3A_95 = tpu.memref_slice %arg9[%add3A_12, %dma_wait3A_94] : memref<10240x128xf32, #tpu.memory_space<vmem_shared>> -> memref<32x128xf32, #tpu.memory_space<vmem_shared>>
      tpu.wait_dma2 semaphore(%run_scoped3A : memref<!tpu.dma_semaphore, #tpu.memory_space<semaphore_mem>>) src(%arg13 : memref<32x128xf32, #tpu.memory_space<vmem>>) dst(%dma_wait3A_95 : memref<32x128xf32, #tpu.memory_space<vmem_shared>>)
      tpu.yield
    }) : () -> ()
    %add3A_13 = arith.constant 128 : i32
    %add3A_14 = arith.addi %mul3A_0, %add3A_13 : i32
    "tpu.region"() ({
      %run_scoped3A = tpu.sem_alloc : memref<!tpu.dma_semaphore, #tpu.memory_space<semaphore_mem>>
      %dma_start3A = arith.constant 0 : i32
      %dma_start3A_90 = tpu.memref_slice %arg9[%add3A_14, %dma_start3A] : memref<10240x128xf32, #tpu.memory_space<vmem_shared>> -> memref<32x128xf32, #tpu.memory_space<vmem_shared>>
      %dma_start3A_91 = arith.constant 0 : i32
      %dma_start3A_92 = tpu.memref_slice %arg9[%add3A_14, %dma_start3A_91] : memref<10240x128xf32, #tpu.memory_space<vmem_shared>> -> memref<32x128xf32, #tpu.memory_space<vmem_shared>>
      tpu.enqueue_dma source(%arg13 : memref<32x128xf32, #tpu.memory_space<vmem>>) target(%dma_start3A_92 : memref<32x128xf32, #tpu.memory_space<vmem_shared>>) target_semaphore(%run_scoped3A : memref<!tpu.dma_semaphore, #tpu.memory_space<semaphore_mem>>)
      %dma_wait3A = arith.constant 0 : i32
      %dma_wait3A_93 = tpu.memref_slice %arg9[%add3A_14, %dma_wait3A] : memref<10240x128xf32, #tpu.memory_space<vmem_shared>> -> memref<32x128xf32, #tpu.memory_space<vmem_shared>>
      %dma_wait3A_94 = arith.constant 0 : i32
      %dma_wait3A_95 = tpu.memref_slice %arg9[%add3A_14, %dma_wait3A_94] : memref<10240x128xf32, #tpu.memory_space<vmem_shared>> -> memref<32x128xf32, #tpu.memory_space<vmem_shared>>
      tpu.wait_dma2 semaphore(%run_scoped3A : memref<!tpu.dma_semaphore, #tpu.memory_space<semaphore_mem>>) src(%arg13 : memref<32x128xf32, #tpu.memory_space<vmem>>) dst(%dma_wait3A_95 : memref<32x128xf32, #tpu.memory_space<vmem_shared>>)
      tpu.yield
    }) : () -> ()
    %add3A_15 = arith.constant 160 : i32
    %add3A_16 = arith.addi %mul3A_0, %add3A_15 : i32
    "tpu.region"() ({
      %run_scoped3A = tpu.sem_alloc : memref<!tpu.dma_semaphore, #tpu.memory_space<semaphore_mem>>
      %dma_start3A = arith.constant 0 : i32
      %dma_start3A_90 = tpu.memref_slice %arg9[%add3A_16, %dma_start3A] : memref<10240x128xf32, #tpu.memory_space<vmem_shared>> -> memref<32x128xf32, #tpu.memory_space<vmem_shared>>
      %dma_start3A_91 = arith.constant 0 : i32
      %dma_start3A_92 = tpu.memref_slice %arg9[%add3A_16, %dma_start3A_91] : memref<10240x128xf32, #tpu.memory_space<vmem_shared>> -> memref<32x128xf32, #tpu.memory_space<vmem_shared>>
      tpu.enqueue_dma source(%arg13 : memref<32x128xf32, #tpu.memory_space<vmem>>) target(%dma_start3A_92 : memref<32x128xf32, #tpu.memory_space<vmem_shared>>) target_semaphore(%run_scoped3A : memref<!tpu.dma_semaphore, #tpu.memory_space<semaphore_mem>>)
      %dma_wait3A = arith.constant 0 : i32
      %dma_wait3A_93 = tpu.memref_slice %arg9[%add3A_16, %dma_wait3A] : memref<10240x128xf32, #tpu.memory_space<vmem_shared>> -> memref<32x128xf32, #tpu.memory_space<vmem_shared>>
      %dma_wait3A_94 = arith.constant 0 : i32
      %dma_wait3A_95 = tpu.memref_slice %arg9[%add3A_16, %dma_wait3A_94] : memref<10240x128xf32, #tpu.memory_space<vmem_shared>> -> memref<32x128xf32, #tpu.memory_space<vmem_shared>>
      tpu.wait_dma2 semaphore(%run_scoped3A : memref<!tpu.dma_semaphore, #tpu.memory_space<semaphore_mem>>) src(%arg13 : memref<32x128xf32, #tpu.memory_space<vmem>>) dst(%dma_wait3A_95 : memref<32x128xf32, #tpu.memory_space<vmem_shared>>)
      tpu.yield
    }) : () -> ()
    %add3A_17 = arith.constant 192 : i32
    %add3A_18 = arith.addi %mul3A_0, %add3A_17 : i32
    "tpu.region"() ({
      %run_scoped3A = tpu.sem_alloc : memref<!tpu.dma_semaphore, #tpu.memory_space<semaphore_mem>>
      %dma_start3A = arith.constant 0 : i32
      %dma_start3A_90 = tpu.memref_slice %arg9[%add3A_18, %dma_start3A] : memref<10240x128xf32, #tpu.memory_space<vmem_shared>> -> memref<32x128xf32, #tpu.memory_space<vmem_shared>>
      %dma_start3A_91 = arith.constant 0 : i32
      %dma_start3A_92 = tpu.memref_slice %arg9[%add3A_18, %dma_start3A_91] : memref<10240x128xf32, #tpu.memory_space<vmem_shared>> -> memref<32x128xf32, #tpu.memory_space<vmem_shared>>
      tpu.enqueue_dma source(%arg13 : memref<32x128xf32, #tpu.memory_space<vmem>>) target(%dma_start3A_92 : memref<32x128xf32, #tpu.memory_space<vmem_shared>>) target_semaphore(%run_scoped3A : memref<!tpu.dma_semaphore, #tpu.memory_space<semaphore_mem>>)
      %dma_wait3A = arith.constant 0 : i32
      %dma_wait3A_93 = tpu.memref_slice %arg9[%add3A_18, %dma_wait3A] : memref<10240x128xf32, #tpu.memory_space<vmem_shared>> -> memref<32x128xf32, #tpu.memory_space<vmem_shared>>
      %dma_wait3A_94 = arith.constant 0 : i32
      %dma_wait3A_95 = tpu.memref_slice %arg9[%add3A_18, %dma_wait3A_94] : memref<10240x128xf32, #tpu.memory_space<vmem_shared>> -> memref<32x128xf32, #tpu.memory_space<vmem_shared>>
      tpu.wait_dma2 semaphore(%run_scoped3A : memref<!tpu.dma_semaphore, #tpu.memory_space<semaphore_mem>>) src(%arg13 : memref<32x128xf32, #tpu.memory_space<vmem>>) dst(%dma_wait3A_95 : memref<32x128xf32, #tpu.memory_space<vmem_shared>>)
      tpu.yield
    }) : () -> ()
    %add3A_19 = arith.constant 224 : i32
    %add3A_20 = arith.addi %mul3A_0, %add3A_19 : i32
    "tpu.region"() ({
      %run_scoped3A = tpu.sem_alloc : memref<!tpu.dma_semaphore, #tpu.memory_space<semaphore_mem>>
      %dma_start3A = arith.constant 0 : i32
      %dma_start3A_90 = tpu.memref_slice %arg9[%add3A_20, %dma_start3A] : memref<10240x128xf32, #tpu.memory_space<vmem_shared>> -> memref<32x128xf32, #tpu.memory_space<vmem_shared>>
      %dma_start3A_91 = arith.constant 0 : i32
      %dma_start3A_92 = tpu.memref_slice %arg9[%add3A_20, %dma_start3A_91] : memref<10240x128xf32, #tpu.memory_space<vmem_shared>> -> memref<32x128xf32, #tpu.memory_space<vmem_shared>>
      tpu.enqueue_dma source(%arg13 : memref<32x128xf32, #tpu.memory_space<vmem>>) target(%dma_start3A_92 : memref<32x128xf32, #tpu.memory_space<vmem_shared>>) target_semaphore(%run_scoped3A : memref<!tpu.dma_semaphore, #tpu.memory_space<semaphore_mem>>)
      %dma_wait3A = arith.constant 0 : i32
      %dma_wait3A_93 = tpu.memref_slice %arg9[%add3A_20, %dma_wait3A] : memref<10240x128xf32, #tpu.memory_space<vmem_shared>> -> memref<32x128xf32, #tpu.memory_space<vmem_shared>>
      %dma_wait3A_94 = arith.constant 0 : i32
      %dma_wait3A_95 = tpu.memref_slice %arg9[%add3A_20, %dma_wait3A_94] : memref<10240x128xf32, #tpu.memory_space<vmem_shared>> -> memref<32x128xf32, #tpu.memory_space<vmem_shared>>
      tpu.wait_dma2 semaphore(%run_scoped3A : memref<!tpu.dma_semaphore, #tpu.memory_space<semaphore_mem>>) src(%arg13 : memref<32x128xf32, #tpu.memory_space<vmem>>) dst(%dma_wait3A_95 : memref<32x128xf32, #tpu.memory_space<vmem_shared>>)
      tpu.yield
    }) : () -> ()
    %add3A_21 = arith.constant 256 : i32
    %add3A_22 = arith.addi %mul3A_0, %add3A_21 : i32
    "tpu.region"() ({
      %run_scoped3A = tpu.sem_alloc : memref<!tpu.dma_semaphore, #tpu.memory_space<semaphore_mem>>
      %dma_start3A = arith.constant 0 : i32
      %dma_start3A_90 = tpu.memref_slice %arg9[%add3A_22, %dma_start3A] : memref<10240x128xf32, #tpu.memory_space<vmem_shared>> -> memref<32x128xf32, #tpu.memory_space<vmem_shared>>
      %dma_start3A_91 = arith.constant 0 : i32
      %dma_start3A_92 = tpu.memref_slice %arg9[%add3A_22, %dma_start3A_91] : memref<10240x128xf32, #tpu.memory_space<vmem_shared>> -> memref<32x128xf32, #tpu.memory_space<vmem_shared>>
      tpu.enqueue_dma source(%arg13 : memref<32x128xf32, #tpu.memory_space<vmem>>) target(%dma_start3A_92 : memref<32x128xf32, #tpu.memory_space<vmem_shared>>) target_semaphore(%run_scoped3A : memref<!tpu.dma_semaphore, #tpu.memory_space<semaphore_mem>>)
      %dma_wait3A = arith.constant 0 : i32
      %dma_wait3A_93 = tpu.memref_slice %arg9[%add3A_22, %dma_wait3A] : memref<10240x128xf32, #tpu.memory_space<vmem_shared>> -> memref<32x128xf32, #tpu.memory_space<vmem_shared>>
      %dma_wait3A_94 = arith.constant 0 : i32
      %dma_wait3A_95 = tpu.memref_slice %arg9[%add3A_22, %dma_wait3A_94] : memref<10240x128xf32, #tpu.memory_space<vmem_shared>> -> memref<32x128xf32, #tpu.memory_space<vmem_shared>>
      tpu.wait_dma2 semaphore(%run_scoped3A : memref<!tpu.dma_semaphore, #tpu.memory_space<semaphore_mem>>) src(%arg13 : memref<32x128xf32, #tpu.memory_space<vmem>>) dst(%dma_wait3A_95 : memref<32x128xf32, #tpu.memory_space<vmem_shared>>)
      tpu.yield
    }) : () -> ()
    %add3A_23 = arith.constant 288 : i32
    %add3A_24 = arith.addi %mul3A_0, %add3A_23 : i32
    "tpu.region"() ({
      %run_scoped3A = tpu.sem_alloc : memref<!tpu.dma_semaphore, #tpu.memory_space<semaphore_mem>>
      %dma_start3A = arith.constant 0 : i32
      %dma_start3A_90 = tpu.memref_slice %arg9[%add3A_24, %dma_start3A] : memref<10240x128xf32, #tpu.memory_space<vmem_shared>> -> memref<32x128xf32, #tpu.memory_space<vmem_shared>>
      %dma_start3A_91 = arith.constant 0 : i32
      %dma_start3A_92 = tpu.memref_slice %arg9[%add3A_24, %dma_start3A_91] : memref<10240x128xf32, #tpu.memory_space<vmem_shared>> -> memref<32x128xf32, #tpu.memory_space<vmem_shared>>
      tpu.enqueue_dma source(%arg13 : memref<32x128xf32, #tpu.memory_space<vmem>>) target(%dma_start3A_92 : memref<32x128xf32, #tpu.memory_space<vmem_shared>>) target_semaphore(%run_scoped3A : memref<!tpu.dma_semaphore, #tpu.memory_space<semaphore_mem>>)
      %dma_wait3A = arith.constant 0 : i32
      %dma_wait3A_93 = tpu.memref_slice %arg9[%add3A_24, %dma_wait3A] : memref<10240x128xf32, #tpu.memory_space<vmem_shared>> -> memref<32x128xf32, #tpu.memory_space<vmem_shared>>
      %dma_wait3A_94 = arith.constant 0 : i32
      %dma_wait3A_95 = tpu.memref_slice %arg9[%add3A_24, %dma_wait3A_94] : memref<10240x128xf32, #tpu.memory_space<vmem_shared>> -> memref<32x128xf32, #tpu.memory_space<vmem_shared>>
      tpu.wait_dma2 semaphore(%run_scoped3A : memref<!tpu.dma_semaphore, #tpu.memory_space<semaphore_mem>>) src(%arg13 : memref<32x128xf32, #tpu.memory_space<vmem>>) dst(%dma_wait3A_95 : memref<32x128xf32, #tpu.memory_space<vmem_shared>>)
      tpu.yield
    }) : () -> ()
    %add3A_25 = arith.constant 320 : i32
    %add3A_26 = arith.addi %mul3A_0, %add3A_25 : i32
    "tpu.region"() ({
      %run_scoped3A = tpu.sem_alloc : memref<!tpu.dma_semaphore, #tpu.memory_space<semaphore_mem>>
      %dma_start3A = arith.constant 0 : i32
      %dma_start3A_90 = tpu.memref_slice %arg9[%add3A_26, %dma_start3A] : memref<10240x128xf32, #tpu.memory_space<vmem_shared>> -> memref<32x128xf32, #tpu.memory_space<vmem_shared>>
      %dma_start3A_91 = arith.constant 0 : i32
      %dma_start3A_92 = tpu.memref_slice %arg9[%add3A_26, %dma_start3A_91] : memref<10240x128xf32, #tpu.memory_space<vmem_shared>> -> memref<32x128xf32, #tpu.memory_space<vmem_shared>>
      tpu.enqueue_dma source(%arg13 : memref<32x128xf32, #tpu.memory_space<vmem>>) target(%dma_start3A_92 : memref<32x128xf32, #tpu.memory_space<vmem_shared>>) target_semaphore(%run_scoped3A : memref<!tpu.dma_semaphore, #tpu.memory_space<semaphore_mem>>)
      %dma_wait3A = arith.constant 0 : i32
      %dma_wait3A_93 = tpu.memref_slice %arg9[%add3A_26, %dma_wait3A] : memref<10240x128xf32, #tpu.memory_space<vmem_shared>> -> memref<32x128xf32, #tpu.memory_space<vmem_shared>>
      %dma_wait3A_94 = arith.constant 0 : i32
      %dma_wait3A_95 = tpu.memref_slice %arg9[%add3A_26, %dma_wait3A_94] : memref<10240x128xf32, #tpu.memory_space<vmem_shared>> -> memref<32x128xf32, #tpu.memory_space<vmem_shared>>
      tpu.wait_dma2 semaphore(%run_scoped3A : memref<!tpu.dma_semaphore, #tpu.memory_space<semaphore_mem>>) src(%arg13 : memref<32x128xf32, #tpu.memory_space<vmem>>) dst(%dma_wait3A_95 : memref<32x128xf32, #tpu.memory_space<vmem_shared>>)
      tpu.yield
    }) : () -> ()
    %add3A_27 = arith.constant 352 : i32
    %add3A_28 = arith.addi %mul3A_0, %add3A_27 : i32
    "tpu.region"() ({
      %run_scoped3A = tpu.sem_alloc : memref<!tpu.dma_semaphore, #tpu.memory_space<semaphore_mem>>
      %dma_start3A = arith.constant 0 : i32
      %dma_start3A_90 = tpu.memref_slice %arg9[%add3A_28, %dma_start3A] : memref<10240x128xf32, #tpu.memory_space<vmem_shared>> -> memref<32x128xf32, #tpu.memory_space<vmem_shared>>
      %dma_start3A_91 = arith.constant 0 : i32
      %dma_start3A_92 = tpu.memref_slice %arg9[%add3A_28, %dma_start3A_91] : memref<10240x128xf32, #tpu.memory_space<vmem_shared>> -> memref<32x128xf32, #tpu.memory_space<vmem_shared>>
      tpu.enqueue_dma source(%arg13 : memref<32x128xf32, #tpu.memory_space<vmem>>) target(%dma_start3A_92 : memref<32x128xf32, #tpu.memory_space<vmem_shared>>) target_semaphore(%run_scoped3A : memref<!tpu.dma_semaphore, #tpu.memory_space<semaphore_mem>>)
      %dma_wait3A = arith.constant 0 : i32
      %dma_wait3A_93 = tpu.memref_slice %arg9[%add3A_28, %dma_wait3A] : memref<10240x128xf32, #tpu.memory_space<vmem_shared>> -> memref<32x128xf32, #tpu.memory_space<vmem_shared>>
      %dma_wait3A_94 = arith.constant 0 : i32
      %dma_wait3A_95 = tpu.memref_slice %arg9[%add3A_28, %dma_wait3A_94] : memref<10240x128xf32, #tpu.memory_space<vmem_shared>> -> memref<32x128xf32, #tpu.memory_space<vmem_shared>>
      tpu.wait_dma2 semaphore(%run_scoped3A : memref<!tpu.dma_semaphore, #tpu.memory_space<semaphore_mem>>) src(%arg13 : memref<32x128xf32, #tpu.memory_space<vmem>>) dst(%dma_wait3A_95 : memref<32x128xf32, #tpu.memory_space<vmem_shared>>)
      tpu.yield
    }) : () -> ()
    %add3A_29 = arith.constant 384 : i32
    %add3A_30 = arith.addi %mul3A_0, %add3A_29 : i32
    "tpu.region"() ({
      %run_scoped3A = tpu.sem_alloc : memref<!tpu.dma_semaphore, #tpu.memory_space<semaphore_mem>>
      %dma_start3A = arith.constant 0 : i32
      %dma_start3A_90 = tpu.memref_slice %arg9[%add3A_30, %dma_start3A] : memref<10240x128xf32, #tpu.memory_space<vmem_shared>> -> memref<32x128xf32, #tpu.memory_space<vmem_shared>>
      %dma_start3A_91 = arith.constant 0 : i32
      %dma_start3A_92 = tpu.memref_slice %arg9[%add3A_30, %dma_start3A_91] : memref<10240x128xf32, #tpu.memory_space<vmem_shared>> -> memref<32x128xf32, #tpu.memory_space<vmem_shared>>
      tpu.enqueue_dma source(%arg13 : memref<32x128xf32, #tpu.memory_space<vmem>>) target(%dma_start3A_92 : memref<32x128xf32, #tpu.memory_space<vmem_shared>>) target_semaphore(%run_scoped3A : memref<!tpu.dma_semaphore, #tpu.memory_space<semaphore_mem>>)
      %dma_wait3A = arith.constant 0 : i32
      %dma_wait3A_93 = tpu.memref_slice %arg9[%add3A_30, %dma_wait3A] : memref<10240x128xf32, #tpu.memory_space<vmem_shared>> -> memref<32x128xf32, #tpu.memory_space<vmem_shared>>
      %dma_wait3A_94 = arith.constant 0 : i32
      %dma_wait3A_95 = tpu.memref_slice %arg9[%add3A_30, %dma_wait3A_94] : memref<10240x128xf32, #tpu.memory_space<vmem_shared>> -> memref<32x128xf32, #tpu.memory_space<vmem_shared>>
      tpu.wait_dma2 semaphore(%run_scoped3A : memref<!tpu.dma_semaphore, #tpu.memory_space<semaphore_mem>>) src(%arg13 : memref<32x128xf32, #tpu.memory_space<vmem>>) dst(%dma_wait3A_95 : memref<32x128xf32, #tpu.memory_space<vmem_shared>>)
      tpu.yield
    }) : () -> ()
    %add3A_31 = arith.constant 416 : i32
    %add3A_32 = arith.addi %mul3A_0, %add3A_31 : i32
    "tpu.region"() ({
      %run_scoped3A = tpu.sem_alloc : memref<!tpu.dma_semaphore, #tpu.memory_space<semaphore_mem>>
      %dma_start3A = arith.constant 0 : i32
      %dma_start3A_90 = tpu.memref_slice %arg9[%add3A_32, %dma_start3A] : memref<10240x128xf32, #tpu.memory_space<vmem_shared>> -> memref<32x128xf32, #tpu.memory_space<vmem_shared>>
      %dma_start3A_91 = arith.constant 0 : i32
      %dma_start3A_92 = tpu.memref_slice %arg9[%add3A_32, %dma_start3A_91] : memref<10240x128xf32, #tpu.memory_space<vmem_shared>> -> memref<32x128xf32, #tpu.memory_space<vmem_shared>>
      tpu.enqueue_dma source(%arg13 : memref<32x128xf32, #tpu.memory_space<vmem>>) target(%dma_start3A_92 : memref<32x128xf32, #tpu.memory_space<vmem_shared>>) target_semaphore(%run_scoped3A : memref<!tpu.dma_semaphore, #tpu.memory_space<semaphore_mem>>)
      %dma_wait3A = arith.constant 0 : i32
      %dma_wait3A_93 = tpu.memref_slice %arg9[%add3A_32, %dma_wait3A] : memref<10240x128xf32, #tpu.memory_space<vmem_shared>> -> memref<32x128xf32, #tpu.memory_space<vmem_shared>>
      %dma_wait3A_94 = arith.constant 0 : i32
      %dma_wait3A_95 = tpu.memref_slice %arg9[%add3A_32, %dma_wait3A_94] : memref<10240x128xf32, #tpu.memory_space<vmem_shared>> -> memref<32x128xf32, #tpu.memory_space<vmem_shared>>
      tpu.wait_dma2 semaphore(%run_scoped3A : memref<!tpu.dma_semaphore, #tpu.memory_space<semaphore_mem>>) src(%arg13 : memref<32x128xf32, #tpu.memory_space<vmem>>) dst(%dma_wait3A_95 : memref<32x128xf32, #tpu.memory_space<vmem_shared>>)
      tpu.yield
    }) : () -> ()
    %add3A_33 = arith.constant 448 : i32
    %add3A_34 = arith.addi %mul3A_0, %add3A_33 : i32
    "tpu.region"() ({
      %run_scoped3A = tpu.sem_alloc : memref<!tpu.dma_semaphore, #tpu.memory_space<semaphore_mem>>
      %dma_start3A = arith.constant 0 : i32
      %dma_start3A_90 = tpu.memref_slice %arg9[%add3A_34, %dma_start3A] : memref<10240x128xf32, #tpu.memory_space<vmem_shared>> -> memref<32x128xf32, #tpu.memory_space<vmem_shared>>
      %dma_start3A_91 = arith.constant 0 : i32
      %dma_start3A_92 = tpu.memref_slice %arg9[%add3A_34, %dma_start3A_91] : memref<10240x128xf32, #tpu.memory_space<vmem_shared>> -> memref<32x128xf32, #tpu.memory_space<vmem_shared>>
      tpu.enqueue_dma source(%arg13 : memref<32x128xf32, #tpu.memory_space<vmem>>) target(%dma_start3A_92 : memref<32x128xf32, #tpu.memory_space<vmem_shared>>) target_semaphore(%run_scoped3A : memref<!tpu.dma_semaphore, #tpu.memory_space<semaphore_mem>>)
      %dma_wait3A = arith.constant 0 : i32
      %dma_wait3A_93 = tpu.memref_slice %arg9[%add3A_34, %dma_wait3A] : memref<10240x128xf32, #tpu.memory_space<vmem_shared>> -> memref<32x128xf32, #tpu.memory_space<vmem_shared>>
      %dma_wait3A_94 = arith.constant 0 : i32
      %dma_wait3A_95 = tpu.memref_slice %arg9[%add3A_34, %dma_wait3A_94] : memref<10240x128xf32, #tpu.memory_space<vmem_shared>> -> memref<32x128xf32, #tpu.memory_space<vmem_shared>>
      tpu.wait_dma2 semaphore(%run_scoped3A : memref<!tpu.dma_semaphore, #tpu.memory_space<semaphore_mem>>) src(%arg13 : memref<32x128xf32, #tpu.memory_space<vmem>>) dst(%dma_wait3A_95 : memref<32x128xf32, #tpu.memory_space<vmem_shared>>)
      tpu.yield
    }) : () -> ()
    %add3A_35 = arith.constant 480 : i32
    %add3A_36 = arith.addi %mul3A_0, %add3A_35 : i32
    "tpu.region"() ({
      %run_scoped3A = tpu.sem_alloc : memref<!tpu.dma_semaphore, #tpu.memory_space<semaphore_mem>>
      %dma_start3A = arith.constant 0 : i32
      %dma_start3A_90 = tpu.memref_slice %arg9[%add3A_36, %dma_start3A] : memref<10240x128xf32, #tpu.memory_space<vmem_shared>> -> memref<32x128xf32, #tpu.memory_space<vmem_shared>>
      %dma_start3A_91 = arith.constant 0 : i32
      %dma_start3A_92 = tpu.memref_slice %arg9[%add3A_36, %dma_start3A_91] : memref<10240x128xf32, #tpu.memory_space<vmem_shared>> -> memref<32x128xf32, #tpu.memory_space<vmem_shared>>
      tpu.enqueue_dma source(%arg13 : memref<32x128xf32, #tpu.memory_space<vmem>>) target(%dma_start3A_92 : memref<32x128xf32, #tpu.memory_space<vmem_shared>>) target_semaphore(%run_scoped3A : memref<!tpu.dma_semaphore, #tpu.memory_space<semaphore_mem>>)
      %dma_wait3A = arith.constant 0 : i32
      %dma_wait3A_93 = tpu.memref_slice %arg9[%add3A_36, %dma_wait3A] : memref<10240x128xf32, #tpu.memory_space<vmem_shared>> -> memref<32x128xf32, #tpu.memory_space<vmem_shared>>
      %dma_wait3A_94 = arith.constant 0 : i32
      %dma_wait3A_95 = tpu.memref_slice %arg9[%add3A_36, %dma_wait3A_94] : memref<10240x128xf32, #tpu.memory_space<vmem_shared>> -> memref<32x128xf32, #tpu.memory_space<vmem_shared>>
      tpu.wait_dma2 semaphore(%run_scoped3A : memref<!tpu.dma_semaphore, #tpu.memory_space<semaphore_mem>>) src(%arg13 : memref<32x128xf32, #tpu.memory_space<vmem>>) dst(%dma_wait3A_95 : memref<32x128xf32, #tpu.memory_space<vmem_shared>>)
      tpu.yield
    }) : () -> ()
    %add3A_37 = arith.constant 512 : i32
    %add3A_38 = arith.addi %mul3A_0, %add3A_37 : i32
    "tpu.region"() ({
      %run_scoped3A = tpu.sem_alloc : memref<!tpu.dma_semaphore, #tpu.memory_space<semaphore_mem>>
      %dma_start3A = arith.constant 0 : i32
      %dma_start3A_90 = tpu.memref_slice %arg9[%add3A_38, %dma_start3A] : memref<10240x128xf32, #tpu.memory_space<vmem_shared>> -> memref<32x128xf32, #tpu.memory_space<vmem_shared>>
      %dma_start3A_91 = arith.constant 0 : i32
      %dma_start3A_92 = tpu.memref_slice %arg9[%add3A_38, %dma_start3A_91] : memref<10240x128xf32, #tpu.memory_space<vmem_shared>> -> memref<32x128xf32, #tpu.memory_space<vmem_shared>>
      tpu.enqueue_dma source(%arg13 : memref<32x128xf32, #tpu.memory_space<vmem>>) target(%dma_start3A_92 : memref<32x128xf32, #tpu.memory_space<vmem_shared>>) target_semaphore(%run_scoped3A : memref<!tpu.dma_semaphore, #tpu.memory_space<semaphore_mem>>)
      %dma_wait3A = arith.constant 0 : i32
      %dma_wait3A_93 = tpu.memref_slice %arg9[%add3A_38, %dma_wait3A] : memref<10240x128xf32, #tpu.memory_space<vmem_shared>> -> memref<32x128xf32, #tpu.memory_space<vmem_shared>>
      %dma_wait3A_94 = arith.constant 0 : i32
      %dma_wait3A_95 = tpu.memref_slice %arg9[%add3A_38, %dma_wait3A_94] : memref<10240x128xf32, #tpu.memory_space<vmem_shared>> -> memref<32x128xf32, #tpu.memory_space<vmem_shared>>
      tpu.wait_dma2 semaphore(%run_scoped3A : memref<!tpu.dma_semaphore, #tpu.memory_space<semaphore_mem>>) src(%arg13 : memref<32x128xf32, #tpu.memory_space<vmem>>) dst(%dma_wait3A_95 : memref<32x128xf32, #tpu.memory_space<vmem_shared>>)
      tpu.yield
    }) : () -> ()
    %add3A_39 = arith.constant 544 : i32
    %add3A_40 = arith.addi %mul3A_0, %add3A_39 : i32
    "tpu.region"() ({
      %run_scoped3A = tpu.sem_alloc : memref<!tpu.dma_semaphore, #tpu.memory_space<semaphore_mem>>
      %dma_start3A = arith.constant 0 : i32
      %dma_start3A_90 = tpu.memref_slice %arg9[%add3A_40, %dma_start3A] : memref<10240x128xf32, #tpu.memory_space<vmem_shared>> -> memref<32x128xf32, #tpu.memory_space<vmem_shared>>
      %dma_start3A_91 = arith.constant 0 : i32
      %dma_start3A_92 = tpu.memref_slice %arg9[%add3A_40, %dma_start3A_91] : memref<10240x128xf32, #tpu.memory_space<vmem_shared>> -> memref<32x128xf32, #tpu.memory_space<vmem_shared>>
      tpu.enqueue_dma source(%arg13 : memref<32x128xf32, #tpu.memory_space<vmem>>) target(%dma_start3A_92 : memref<32x128xf32, #tpu.memory_space<vmem_shared>>) target_semaphore(%run_scoped3A : memref<!tpu.dma_semaphore, #tpu.memory_space<semaphore_mem>>)
      %dma_wait3A = arith.constant 0 : i32
      %dma_wait3A_93 = tpu.memref_slice %arg9[%add3A_40, %dma_wait3A] : memref<10240x128xf32, #tpu.memory_space<vmem_shared>> -> memref<32x128xf32, #tpu.memory_space<vmem_shared>>
      %dma_wait3A_94 = arith.constant 0 : i32
      %dma_wait3A_95 = tpu.memref_slice %arg9[%add3A_40, %dma_wait3A_94] : memref<10240x128xf32, #tpu.memory_space<vmem_shared>> -> memref<32x128xf32, #tpu.memory_space<vmem_shared>>
      tpu.wait_dma2 semaphore(%run_scoped3A : memref<!tpu.dma_semaphore, #tpu.memory_space<semaphore_mem>>) src(%arg13 : memref<32x128xf32, #tpu.memory_space<vmem>>) dst(%dma_wait3A_95 : memref<32x128xf32, #tpu.memory_space<vmem_shared>>)
      tpu.yield
    }) : () -> ()
    %add3A_41 = arith.constant 576 : i32
    %add3A_42 = arith.addi %mul3A_0, %add3A_41 : i32
    "tpu.region"() ({
      %run_scoped3A = tpu.sem_alloc : memref<!tpu.dma_semaphore, #tpu.memory_space<semaphore_mem>>
      %dma_start3A = arith.constant 0 : i32
      %dma_start3A_90 = tpu.memref_slice %arg9[%add3A_42, %dma_start3A] : memref<10240x128xf32, #tpu.memory_space<vmem_shared>> -> memref<32x128xf32, #tpu.memory_space<vmem_shared>>
      %dma_start3A_91 = arith.constant 0 : i32
      %dma_start3A_92 = tpu.memref_slice %arg9[%add3A_42, %dma_start3A_91] : memref<10240x128xf32, #tpu.memory_space<vmem_shared>> -> memref<32x128xf32, #tpu.memory_space<vmem_shared>>
      tpu.enqueue_dma source(%arg13 : memref<32x128xf32, #tpu.memory_space<vmem>>) target(%dma_start3A_92 : memref<32x128xf32, #tpu.memory_space<vmem_shared>>) target_semaphore(%run_scoped3A : memref<!tpu.dma_semaphore, #tpu.memory_space<semaphore_mem>>)
      %dma_wait3A = arith.constant 0 : i32
      %dma_wait3A_93 = tpu.memref_slice %arg9[%add3A_42, %dma_wait3A] : memref<10240x128xf32, #tpu.memory_space<vmem_shared>> -> memref<32x128xf32, #tpu.memory_space<vmem_shared>>
      %dma_wait3A_94 = arith.constant 0 : i32
      %dma_wait3A_95 = tpu.memref_slice %arg9[%add3A_42, %dma_wait3A_94] : memref<10240x128xf32, #tpu.memory_space<vmem_shared>> -> memref<32x128xf32, #tpu.memory_space<vmem_shared>>
      tpu.wait_dma2 semaphore(%run_scoped3A : memref<!tpu.dma_semaphore, #tpu.memory_space<semaphore_mem>>) src(%arg13 : memref<32x128xf32, #tpu.memory_space<vmem>>) dst(%dma_wait3A_95 : memref<32x128xf32, #tpu.memory_space<vmem_shared>>)
      tpu.yield
    }) : () -> ()
    %add3A_43 = arith.constant 608 : i32
    %add3A_44 = arith.addi %mul3A_0, %add3A_43 : i32
    "tpu.region"() ({
      %run_scoped3A = tpu.sem_alloc : memref<!tpu.dma_semaphore, #tpu.memory_space<semaphore_mem>>
      %dma_start3A = arith.constant 0 : i32
      %dma_start3A_90 = tpu.memref_slice %arg9[%add3A_44, %dma_start3A] : memref<10240x128xf32, #tpu.memory_space<vmem_shared>> -> memref<32x128xf32, #tpu.memory_space<vmem_shared>>
      %dma_start3A_91 = arith.constant 0 : i32
      %dma_start3A_92 = tpu.memref_slice %arg9[%add3A_44, %dma_start3A_91] : memref<10240x128xf32, #tpu.memory_space<vmem_shared>> -> memref<32x128xf32, #tpu.memory_space<vmem_shared>>
      tpu.enqueue_dma source(%arg13 : memref<32x128xf32, #tpu.memory_space<vmem>>) target(%dma_start3A_92 : memref<32x128xf32, #tpu.memory_space<vmem_shared>>) target_semaphore(%run_scoped3A : memref<!tpu.dma_semaphore, #tpu.memory_space<semaphore_mem>>)
      %dma_wait3A = arith.constant 0 : i32
      %dma_wait3A_93 = tpu.memref_slice %arg9[%add3A_44, %dma_wait3A] : memref<10240x128xf32, #tpu.memory_space<vmem_shared>> -> memref<32x128xf32, #tpu.memory_space<vmem_shared>>
      %dma_wait3A_94 = arith.constant 0 : i32
      %dma_wait3A_95 = tpu.memref_slice %arg9[%add3A_44, %dma_wait3A_94] : memref<10240x128xf32, #tpu.memory_space<vmem_shared>> -> memref<32x128xf32, #tpu.memory_space<vmem_shared>>
      tpu.wait_dma2 semaphore(%run_scoped3A : memref<!tpu.dma_semaphore, #tpu.memory_space<semaphore_mem>>) src(%arg13 : memref<32x128xf32, #tpu.memory_space<vmem>>) dst(%dma_wait3A_95 : memref<32x128xf32, #tpu.memory_space<vmem_shared>>)
      tpu.yield
    }) : () -> ()
    %barrier3A = arith.constant 0 : index
    tpu.barrier barrier_id(%barrier3A)
    %scan3A = arith.constant 0 : i32
    %scan3A_45 = arith.constant 80 : i32
    %scan3A_46 = arith.addi %scan3A, %scan3A_45 : i32
    %scan3A_47 = arith.constant 1 : i32
    scf.for %scan3A_90 = %scan3A to %scan3A_46 step %scan3A_47  : i32 {
      %add3A_91 = arith.addi %mul3A_4, %scan3A_90 : i32
      "tpu.region"() ({
        %run_scoped3A = tpu.sem_alloc : memref<!tpu.dma_semaphore, #tpu.memory_space<semaphore_mem>>
        %dma_start3A_96 = arith.constant 0 : i32
        %dma_start3A_97 = tpu.memref_slice %arg3[%add3A_91, %dma_start3A_96] : memref<2560x128xi32, #tpu.memory_space<hbm>> -> memref<1x128xi32, #tpu.memory_space<hbm>>
        %dma_start3A_98 = tpu.memref_squeeze %dma_start3A_97 : memref<1x128xi32, #tpu.memory_space<hbm>> -> memref<128xi32, #tpu.memory_space<hbm>>
        %dma_start3A_99 = arith.constant 0 : i32
        %dma_start3A_100 = tpu.memref_slice %arg3[%add3A_91, %dma_start3A_99] : memref<2560x128xi32, #tpu.memory_space<hbm>> -> memref<1x128xi32, #tpu.memory_space<hbm>>
        %dma_start3A_101 = tpu.memref_squeeze %dma_start3A_100 : memref<1x128xi32, #tpu.memory_space<hbm>> -> memref<128xi32, #tpu.memory_space<hbm>>
        tpu.enqueue_dma source(%dma_start3A_101 : memref<128xi32, #tpu.memory_space<hbm>>) target(%arg10 : memref<128xi32, #tpu.memory_space<vmem>>) target_semaphore(%run_scoped3A : memref<!tpu.dma_semaphore, #tpu.memory_space<semaphore_mem>>)
        %dma_wait3A_102 = arith.constant 0 : i32
        %dma_wait3A_103 = tpu.memref_slice %arg3[%add3A_91, %dma_wait3A_102] : memref<2560x128xi32, #tpu.memory_space<hbm>> -> memref<1x128xi32, #tpu.memory_space<hbm>>
        %dma_wait3A_104 = tpu.memref_squeeze %dma_wait3A_103 : memref<1x128xi32, #tpu.memory_space<hbm>> -> memref<128xi32, #tpu.memory_space<hbm>>
        %dma_wait3A_105 = arith.constant 0 : i32
        %dma_wait3A_106 = tpu.memref_slice %arg3[%add3A_91, %dma_wait3A_105] : memref<2560x128xi32, #tpu.memory_space<hbm>> -> memref<1x128xi32, #tpu.memory_space<hbm>>
        %dma_wait3A_107 = tpu.memref_squeeze %dma_wait3A_106 : memref<1x128xi32, #tpu.memory_space<hbm>> -> memref<128xi32, #tpu.memory_space<hbm>>
        tpu.wait_dma2 semaphore(%run_scoped3A : memref<!tpu.dma_semaphore, #tpu.memory_space<semaphore_mem>>) src(%dma_wait3A_107 : memref<128xi32, #tpu.memory_space<hbm>>) dst(%arg10 : memref<128xi32, #tpu.memory_space<vmem>>)
        tpu.yield
      }) : () -> ()
      "tpu.region"() ({
        %run_scoped3A = tpu.sem_alloc : memref<!tpu.dma_semaphore, #tpu.memory_space<semaphore_mem>>
        %dma_start3A_96 = arith.constant 0 : i32
        %dma_start3A_97 = tpu.memref_slice %arg4[%add3A_91, %dma_start3A_96] : memref<2560x128xi32, #tpu.memory_space<hbm>> -> memref<1x128xi32, #tpu.memory_space<hbm>>
        %dma_start3A_98 = tpu.memref_squeeze %dma_start3A_97 : memref<1x128xi32, #tpu.memory_space<hbm>> -> memref<128xi32, #tpu.memory_space<hbm>>
        %dma_start3A_99 = arith.constant 0 : i32
        %dma_start3A_100 = tpu.memref_slice %arg4[%add3A_91, %dma_start3A_99] : memref<2560x128xi32, #tpu.memory_space<hbm>> -> memref<1x128xi32, #tpu.memory_space<hbm>>
        %dma_start3A_101 = tpu.memref_squeeze %dma_start3A_100 : memref<1x128xi32, #tpu.memory_space<hbm>> -> memref<128xi32, #tpu.memory_space<hbm>>
        tpu.enqueue_dma source(%dma_start3A_101 : memref<128xi32, #tpu.memory_space<hbm>>) target(%arg11 : memref<128xi32, #tpu.memory_space<vmem>>) target_semaphore(%run_scoped3A : memref<!tpu.dma_semaphore, #tpu.memory_space<semaphore_mem>>)
        %dma_wait3A_102 = arith.constant 0 : i32
        %dma_wait3A_103 = tpu.memref_slice %arg4[%add3A_91, %dma_wait3A_102] : memref<2560x128xi32, #tpu.memory_space<hbm>> -> memref<1x128xi32, #tpu.memory_space<hbm>>
        %dma_wait3A_104 = tpu.memref_squeeze %dma_wait3A_103 : memref<1x128xi32, #tpu.memory_space<hbm>> -> memref<128xi32, #tpu.memory_space<hbm>>
        %dma_wait3A_105 = arith.constant 0 : i32
        %dma_wait3A_106 = tpu.memref_slice %arg4[%add3A_91, %dma_wait3A_105] : memref<2560x128xi32, #tpu.memory_space<hbm>> -> memref<1x128xi32, #tpu.memory_space<hbm>>
        %dma_wait3A_107 = tpu.memref_squeeze %dma_wait3A_106 : memref<1x128xi32, #tpu.memory_space<hbm>> -> memref<128xi32, #tpu.memory_space<hbm>>
        tpu.wait_dma2 semaphore(%run_scoped3A : memref<!tpu.dma_semaphore, #tpu.memory_space<semaphore_mem>>) src(%dma_wait3A_107 : memref<128xi32, #tpu.memory_space<hbm>>) dst(%arg11 : memref<128xi32, #tpu.memory_space<vmem>>)
        tpu.yield
      }) : () -> ()
      %dma_start3A = arith.constant 0 : i32
      %dma_start3A_92 = arith.constant 0 : i32
      %dma_start3A_93 = tpu.memref_slice %arg2[%dma_start3A, %dma_start3A_92] : memref<10240x128xf32, #tpu.memory_space<hbm>> -> memref<10240x128xf32, #tpu.memory_space<hbm>>
      tpu.enqueue_indirect_dma source(%dma_start3A_93 : memref<10240x128xf32, #tpu.memory_space<hbm>>) target(%arg12 : memref<128x128xf32, #tpu.memory_space<vmem>>) offsets(%arg10 : memref<128xi32, #tpu.memory_space<vmem>>) semaphore(%arg14 : memref<!tpu.dma_semaphore, #tpu.memory_space<semaphore_mem>>)
      %dma_wait3A = arith.constant 0 : i32
      %dma_wait3A_94 = arith.constant 0 : i32
      %dma_wait3A_95 = tpu.memref_slice %arg2[%dma_wait3A, %dma_wait3A_94] : memref<10240x128xf32, #tpu.memory_space<hbm>> -> memref<10240x128xf32, #tpu.memory_space<hbm>>
      tpu.wait_indirect_dma semaphore(%arg14 : memref<!tpu.dma_semaphore, #tpu.memory_space<semaphore_mem>>) src(%dma_wait3A_95 : memref<10240x128xf32, #tpu.memory_space<hbm>>) dst(%arg12 : memref<128x128xf32, #tpu.memory_space<vmem>>)
      "tpu.region"() ({
        %run_scoped3A = tpu.sem_alloc : memref<!tpu.dma_semaphore, #tpu.memory_space<semaphore_mem>>
        %dma_start3A_96 = arith.constant 0 : i32
        %dma_start3A_97 = arith.constant 0 : i32
        %dma_start3A_98 = tpu.memref_slice %arg9[%dma_start3A_96, %dma_start3A_97] : memref<10240x128xf32, #tpu.memory_space<vmem_shared>> -> memref<10240x128xf32, #tpu.memory_space<vmem_shared>>
        tpu.enqueue_indirect_dma source(%arg12 : memref<128x128xf32, #tpu.memory_space<vmem>>) target(%dma_start3A_98 : memref<10240x128xf32, #tpu.memory_space<vmem_shared>>) offsets(%arg11 : memref<128xi32, #tpu.memory_space<vmem>>) semaphore(%run_scoped3A : memref<!tpu.dma_semaphore, #tpu.memory_space<semaphore_mem>>) {add = true}
        %dma_wait3A_99 = arith.constant 0 : i32
        %dma_wait3A_100 = arith.constant 0 : i32
        %dma_wait3A_101 = tpu.memref_slice %arg9[%dma_wait3A_99, %dma_wait3A_100] : memref<10240x128xf32, #tpu.memory_space<vmem_shared>> -> memref<10240x128xf32, #tpu.memory_space<vmem_shared>>
        tpu.wait_indirect_dma semaphore(%run_scoped3A : memref<!tpu.dma_semaphore, #tpu.memory_space<semaphore_mem>>) src(%arg12 : memref<128x128xf32, #tpu.memory_space<vmem>>) dst(%dma_wait3A_101 : memref<10240x128xf32, #tpu.memory_space<vmem_shared>>)
        tpu.yield
      }) : () -> ()
    }
    %scan3A_48 = arith.constant 80 : i32
    %barrier3A_49 = arith.constant 0 : index
    tpu.barrier barrier_id(%barrier3A_49)
    %add3A_50 = arith.constant 0 : i32
    %add3A_51 = arith.addi %mul3A_0, %add3A_50 : i32
    "tpu.region"() ({
      %run_scoped3A = tpu.sem_alloc : memref<!tpu.dma_semaphore, #tpu.memory_space<semaphore_mem>>
      %dma_start3A = arith.constant 0 : i32
      %dma_start3A_90 = tpu.memref_slice %arg9[%add3A_51, %dma_start3A] : memref<10240x128xf32, #tpu.memory_space<vmem_shared>> -> memref<32x128xf32, #tpu.memory_space<vmem_shared>>
      %dma_start3A_91 = arith.constant 0 : i32
      %dma_start3A_92 = tpu.memref_slice %arg9[%add3A_51, %dma_start3A_91] : memref<10240x128xf32, #tpu.memory_space<vmem_shared>> -> memref<32x128xf32, #tpu.memory_space<vmem_shared>>
      tpu.enqueue_dma source(%dma_start3A_92 : memref<32x128xf32, #tpu.memory_space<vmem_shared>>) target(%arg13 : memref<32x128xf32, #tpu.memory_space<vmem>>) target_semaphore(%run_scoped3A : memref<!tpu.dma_semaphore, #tpu.memory_space<semaphore_mem>>)
      %dma_wait3A = arith.constant 0 : i32
      %dma_wait3A_93 = tpu.memref_slice %arg9[%add3A_51, %dma_wait3A] : memref<10240x128xf32, #tpu.memory_space<vmem_shared>> -> memref<32x128xf32, #tpu.memory_space<vmem_shared>>
      %dma_wait3A_94 = arith.constant 0 : i32
      %dma_wait3A_95 = tpu.memref_slice %arg9[%add3A_51, %dma_wait3A_94] : memref<10240x128xf32, #tpu.memory_space<vmem_shared>> -> memref<32x128xf32, #tpu.memory_space<vmem_shared>>
      tpu.wait_dma2 semaphore(%run_scoped3A : memref<!tpu.dma_semaphore, #tpu.memory_space<semaphore_mem>>) src(%dma_wait3A_95 : memref<32x128xf32, #tpu.memory_space<vmem_shared>>) dst(%arg13 : memref<32x128xf32, #tpu.memory_space<vmem>>)
      tpu.yield
    }) : () -> ()
    "tpu.region"() ({
      %run_scoped3A = tpu.sem_alloc : memref<!tpu.dma_semaphore, #tpu.memory_space<semaphore_mem>>
      %dma_start3A = arith.constant 0 : i32
      %dma_start3A_90 = tpu.memref_slice %arg8[%arg0, %add3A_51, %dma_start3A] : memref<2x10240x128xf32, #tpu.memory_space<hbm>> -> memref<1x32x128xf32, #tpu.memory_space<hbm>>
      %dma_start3A_91 = tpu.memref_squeeze %dma_start3A_90 : memref<1x32x128xf32, #tpu.memory_space<hbm>> -> memref<32x128xf32, #tpu.memory_space<hbm>>
      %dma_start3A_92 = arith.constant 0 : i32
      %dma_start3A_93 = tpu.memref_slice %arg8[%arg0, %add3A_51, %dma_start3A_92] : memref<2x10240x128xf32, #tpu.memory_space<hbm>> -> memref<1x32x128xf32, #tpu.memory_space<hbm>>
      %dma_start3A_94 = tpu.memref_squeeze %dma_start3A_93 : memref<1x32x128xf32, #tpu.memory_space<hbm>> -> memref<32x128xf32, #tpu.memory_space<hbm>>
      tpu.enqueue_dma source(%arg13 : memref<32x128xf32, #tpu.memory_space<vmem>>) target(%dma_start3A_94 : memref<32x128xf32, #tpu.memory_space<hbm>>) target_semaphore(%run_scoped3A : memref<!tpu.dma_semaphore, #tpu.memory_space<semaphore_mem>>)
      %dma_wait3A = arith.constant 0 : i32
      %dma_wait3A_95 = tpu.memref_slice %arg8[%arg0, %add3A_51, %dma_wait3A] : memref<2x10240x128xf32, #tpu.memory_space<hbm>> -> memref<1x32x128xf32, #tpu.memory_space<hbm>>
      %dma_wait3A_96 = tpu.memref_squeeze %dma_wait3A_95 : memref<1x32x128xf32, #tpu.memory_space<hbm>> -> memref<32x128xf32, #tpu.memory_space<hbm>>
      %dma_wait3A_97 = arith.constant 0 : i32
      %dma_wait3A_98 = tpu.memref_slice %arg8[%arg0, %add3A_51, %dma_wait3A_97] : memref<2x10240x128xf32, #tpu.memory_space<hbm>> -> memref<1x32x128xf32, #tpu.memory_space<hbm>>
      %dma_wait3A_99 = tpu.memref_squeeze %dma_wait3A_98 : memref<1x32x128xf32, #tpu.memory_space<hbm>> -> memref<32x128xf32, #tpu.memory_space<hbm>>
      tpu.wait_dma2 semaphore(%run_scoped3A : memref<!tpu.dma_semaphore, #tpu.memory_space<semaphore_mem>>) src(%arg13 : memref<32x128xf32, #tpu.memory_space<vmem>>) dst(%dma_wait3A_99 : memref<32x128xf32, #tpu.memory_space<hbm>>)
      tpu.yield
    }) : () -> ()
    %add3A_52 = arith.constant 32 : i32
    %add3A_53 = arith.addi %mul3A_0, %add3A_52 : i32
    "tpu.region"() ({
      %run_scoped3A = tpu.sem_alloc : memref<!tpu.dma_semaphore, #tpu.memory_space<semaphore_mem>>
      %dma_start3A = arith.constant 0 : i32
      %dma_start3A_90 = tpu.memref_slice %arg9[%add3A_53, %dma_start3A] : memref<10240x128xf32, #tpu.memory_space<vmem_shared>> -> memref<32x128xf32, #tpu.memory_space<vmem_shared>>
      %dma_start3A_91 = arith.constant 0 : i32
      %dma_start3A_92 = tpu.memref_slice %arg9[%add3A_53, %dma_start3A_91] : memref<10240x128xf32, #tpu.memory_space<vmem_shared>> -> memref<32x128xf32, #tpu.memory_space<vmem_shared>>
      tpu.enqueue_dma source(%dma_start3A_92 : memref<32x128xf32, #tpu.memory_space<vmem_shared>>) target(%arg13 : memref<32x128xf32, #tpu.memory_space<vmem>>) target_semaphore(%run_scoped3A : memref<!tpu.dma_semaphore, #tpu.memory_space<semaphore_mem>>)
      %dma_wait3A = arith.constant 0 : i32
      %dma_wait3A_93 = tpu.memref_slice %arg9[%add3A_53, %dma_wait3A] : memref<10240x128xf32, #tpu.memory_space<vmem_shared>> -> memref<32x128xf32, #tpu.memory_space<vmem_shared>>
      %dma_wait3A_94 = arith.constant 0 : i32
      %dma_wait3A_95 = tpu.memref_slice %arg9[%add3A_53, %dma_wait3A_94] : memref<10240x128xf32, #tpu.memory_space<vmem_shared>> -> memref<32x128xf32, #tpu.memory_space<vmem_shared>>
      tpu.wait_dma2 semaphore(%run_scoped3A : memref<!tpu.dma_semaphore, #tpu.memory_space<semaphore_mem>>) src(%dma_wait3A_95 : memref<32x128xf32, #tpu.memory_space<vmem_shared>>) dst(%arg13 : memref<32x128xf32, #tpu.memory_space<vmem>>)
      tpu.yield
    }) : () -> ()
    "tpu.region"() ({
      %run_scoped3A = tpu.sem_alloc : memref<!tpu.dma_semaphore, #tpu.memory_space<semaphore_mem>>
      %dma_start3A = arith.constant 0 : i32
      %dma_start3A_90 = tpu.memref_slice %arg8[%arg0, %add3A_53, %dma_start3A] : memref<2x10240x128xf32, #tpu.memory_space<hbm>> -> memref<1x32x128xf32, #tpu.memory_space<hbm>>
      %dma_start3A_91 = tpu.memref_squeeze %dma_start3A_90 : memref<1x32x128xf32, #tpu.memory_space<hbm>> -> memref<32x128xf32, #tpu.memory_space<hbm>>
      %dma_start3A_92 = arith.constant 0 : i32
      %dma_start3A_93 = tpu.memref_slice %arg8[%arg0, %add3A_53, %dma_start3A_92] : memref<2x10240x128xf32, #tpu.memory_space<hbm>> -> memref<1x32x128xf32, #tpu.memory_space<hbm>>
      %dma_start3A_94 = tpu.memref_squeeze %dma_start3A_93 : memref<1x32x128xf32, #tpu.memory_space<hbm>> -> memref<32x128xf32, #tpu.memory_space<hbm>>
      tpu.enqueue_dma source(%arg13 : memref<32x128xf32, #tpu.memory_space<vmem>>) target(%dma_start3A_94 : memref<32x128xf32, #tpu.memory_space<hbm>>) target_semaphore(%run_scoped3A : memref<!tpu.dma_semaphore, #tpu.memory_space<semaphore_mem>>)
      %dma_wait3A = arith.constant 0 : i32
      %dma_wait3A_95 = tpu.memref_slice %arg8[%arg0, %add3A_53, %dma_wait3A] : memref<2x10240x128xf32, #tpu.memory_space<hbm>> -> memref<1x32x128xf32, #tpu.memory_space<hbm>>
      %dma_wait3A_96 = tpu.memref_squeeze %dma_wait3A_95 : memref<1x32x128xf32, #tpu.memory_space<hbm>> -> memref<32x128xf32, #tpu.memory_space<hbm>>
      %dma_wait3A_97 = arith.constant 0 : i32
      %dma_wait3A_98 = tpu.memref_slice %arg8[%arg0, %add3A_53, %dma_wait3A_97] : memref<2x10240x128xf32, #tpu.memory_space<hbm>> -> memref<1x32x128xf32, #tpu.memory_space<hbm>>
      %dma_wait3A_99 = tpu.memref_squeeze %dma_wait3A_98 : memref<1x32x128xf32, #tpu.memory_space<hbm>> -> memref<32x128xf32, #tpu.memory_space<hbm>>
      tpu.wait_dma2 semaphore(%run_scoped3A : memref<!tpu.dma_semaphore, #tpu.memory_space<semaphore_mem>>) src(%arg13 : memref<32x128xf32, #tpu.memory_space<vmem>>) dst(%dma_wait3A_99 : memref<32x128xf32, #tpu.memory_space<hbm>>)
      tpu.yield
    }) : () -> ()
    %add3A_54 = arith.constant 64 : i32
    %add3A_55 = arith.addi %mul3A_0, %add3A_54 : i32
    "tpu.region"() ({
      %run_scoped3A = tpu.sem_alloc : memref<!tpu.dma_semaphore, #tpu.memory_space<semaphore_mem>>
      %dma_start3A = arith.constant 0 : i32
      %dma_start3A_90 = tpu.memref_slice %arg9[%add3A_55, %dma_start3A] : memref<10240x128xf32, #tpu.memory_space<vmem_shared>> -> memref<32x128xf32, #tpu.memory_space<vmem_shared>>
      %dma_start3A_91 = arith.constant 0 : i32
      %dma_start3A_92 = tpu.memref_slice %arg9[%add3A_55, %dma_start3A_91] : memref<10240x128xf32, #tpu.memory_space<vmem_shared>> -> memref<32x128xf32, #tpu.memory_space<vmem_shared>>
      tpu.enqueue_dma source(%dma_start3A_92 : memref<32x128xf32, #tpu.memory_space<vmem_shared>>) target(%arg13 : memref<32x128xf32, #tpu.memory_space<vmem>>) target_semaphore(%run_scoped3A : memref<!tpu.dma_semaphore, #tpu.memory_space<semaphore_mem>>)
      %dma_wait3A = arith.constant 0 : i32
      %dma_wait3A_93 = tpu.memref_slice %arg9[%add3A_55, %dma_wait3A] : memref<10240x128xf32, #tpu.memory_space<vmem_shared>> -> memref<32x128xf32, #tpu.memory_space<vmem_shared>>
      %dma_wait3A_94 = arith.constant 0 : i32
      %dma_wait3A_95 = tpu.memref_slice %arg9[%add3A_55, %dma_wait3A_94] : memref<10240x128xf32, #tpu.memory_space<vmem_shared>> -> memref<32x128xf32, #tpu.memory_space<vmem_shared>>
      tpu.wait_dma2 semaphore(%run_scoped3A : memref<!tpu.dma_semaphore, #tpu.memory_space<semaphore_mem>>) src(%dma_wait3A_95 : memref<32x128xf32, #tpu.memory_space<vmem_shared>>) dst(%arg13 : memref<32x128xf32, #tpu.memory_space<vmem>>)
      tpu.yield
    }) : () -> ()
    "tpu.region"() ({
      %run_scoped3A = tpu.sem_alloc : memref<!tpu.dma_semaphore, #tpu.memory_space<semaphore_mem>>
      %dma_start3A = arith.constant 0 : i32
      %dma_start3A_90 = tpu.memref_slice %arg8[%arg0, %add3A_55, %dma_start3A] : memref<2x10240x128xf32, #tpu.memory_space<hbm>> -> memref<1x32x128xf32, #tpu.memory_space<hbm>>
      %dma_start3A_91 = tpu.memref_squeeze %dma_start3A_90 : memref<1x32x128xf32, #tpu.memory_space<hbm>> -> memref<32x128xf32, #tpu.memory_space<hbm>>
      %dma_start3A_92 = arith.constant 0 : i32
      %dma_start3A_93 = tpu.memref_slice %arg8[%arg0, %add3A_55, %dma_start3A_92] : memref<2x10240x128xf32, #tpu.memory_space<hbm>> -> memref<1x32x128xf32, #tpu.memory_space<hbm>>
      %dma_start3A_94 = tpu.memref_squeeze %dma_start3A_93 : memref<1x32x128xf32, #tpu.memory_space<hbm>> -> memref<32x128xf32, #tpu.memory_space<hbm>>
      tpu.enqueue_dma source(%arg13 : memref<32x128xf32, #tpu.memory_space<vmem>>) target(%dma_start3A_94 : memref<32x128xf32, #tpu.memory_space<hbm>>) target_semaphore(%run_scoped3A : memref<!tpu.dma_semaphore, #tpu.memory_space<semaphore_mem>>)
      %dma_wait3A = arith.constant 0 : i32
      %dma_wait3A_95 = tpu.memref_slice %arg8[%arg0, %add3A_55, %dma_wait3A] : memref<2x10240x128xf32, #tpu.memory_space<hbm>> -> memref<1x32x128xf32, #tpu.memory_space<hbm>>
      %dma_wait3A_96 = tpu.memref_squeeze %dma_wait3A_95 : memref<1x32x128xf32, #tpu.memory_space<hbm>> -> memref<32x128xf32, #tpu.memory_space<hbm>>
      %dma_wait3A_97 = arith.constant 0 : i32
      %dma_wait3A_98 = tpu.memref_slice %arg8[%arg0, %add3A_55, %dma_wait3A_97] : memref<2x10240x128xf32, #tpu.memory_space<hbm>> -> memref<1x32x128xf32, #tpu.memory_space<hbm>>
      %dma_wait3A_99 = tpu.memref_squeeze %dma_wait3A_98 : memref<1x32x128xf32, #tpu.memory_space<hbm>> -> memref<32x128xf32, #tpu.memory_space<hbm>>
      tpu.wait_dma2 semaphore(%run_scoped3A : memref<!tpu.dma_semaphore, #tpu.memory_space<semaphore_mem>>) src(%arg13 : memref<32x128xf32, #tpu.memory_space<vmem>>) dst(%dma_wait3A_99 : memref<32x128xf32, #tpu.memory_space<hbm>>)
      tpu.yield
    }) : () -> ()
    %add3A_56 = arith.constant 96 : i32
    %add3A_57 = arith.addi %mul3A_0, %add3A_56 : i32
    "tpu.region"() ({
      %run_scoped3A = tpu.sem_alloc : memref<!tpu.dma_semaphore, #tpu.memory_space<semaphore_mem>>
      %dma_start3A = arith.constant 0 : i32
      %dma_start3A_90 = tpu.memref_slice %arg9[%add3A_57, %dma_start3A] : memref<10240x128xf32, #tpu.memory_space<vmem_shared>> -> memref<32x128xf32, #tpu.memory_space<vmem_shared>>
      %dma_start3A_91 = arith.constant 0 : i32
      %dma_start3A_92 = tpu.memref_slice %arg9[%add3A_57, %dma_start3A_91] : memref<10240x128xf32, #tpu.memory_space<vmem_shared>> -> memref<32x128xf32, #tpu.memory_space<vmem_shared>>
      tpu.enqueue_dma source(%dma_start3A_92 : memref<32x128xf32, #tpu.memory_space<vmem_shared>>) target(%arg13 : memref<32x128xf32, #tpu.memory_space<vmem>>) target_semaphore(%run_scoped3A : memref<!tpu.dma_semaphore, #tpu.memory_space<semaphore_mem>>)
      %dma_wait3A = arith.constant 0 : i32
      %dma_wait3A_93 = tpu.memref_slice %arg9[%add3A_57, %dma_wait3A] : memref<10240x128xf32, #tpu.memory_space<vmem_shared>> -> memref<32x128xf32, #tpu.memory_space<vmem_shared>>
      %dma_wait3A_94 = arith.constant 0 : i32
      %dma_wait3A_95 = tpu.memref_slice %arg9[%add3A_57, %dma_wait3A_94] : memref<10240x128xf32, #tpu.memory_space<vmem_shared>> -> memref<32x128xf32, #tpu.memory_space<vmem_shared>>
      tpu.wait_dma2 semaphore(%run_scoped3A : memref<!tpu.dma_semaphore, #tpu.memory_space<semaphore_mem>>) src(%dma_wait3A_95 : memref<32x128xf32, #tpu.memory_space<vmem_shared>>) dst(%arg13 : memref<32x128xf32, #tpu.memory_space<vmem>>)
      tpu.yield
    }) : () -> ()
    "tpu.region"() ({
      %run_scoped3A = tpu.sem_alloc : memref<!tpu.dma_semaphore, #tpu.memory_space<semaphore_mem>>
      %dma_start3A = arith.constant 0 : i32
      %dma_start3A_90 = tpu.memref_slice %arg8[%arg0, %add3A_57, %dma_start3A] : memref<2x10240x128xf32, #tpu.memory_space<hbm>> -> memref<1x32x128xf32, #tpu.memory_space<hbm>>
      %dma_start3A_91 = tpu.memref_squeeze %dma_start3A_90 : memref<1x32x128xf32, #tpu.memory_space<hbm>> -> memref<32x128xf32, #tpu.memory_space<hbm>>
      %dma_start3A_92 = arith.constant 0 : i32
      %dma_start3A_93 = tpu.memref_slice %arg8[%arg0, %add3A_57, %dma_start3A_92] : memref<2x10240x128xf32, #tpu.memory_space<hbm>> -> memref<1x32x128xf32, #tpu.memory_space<hbm>>
      %dma_start3A_94 = tpu.memref_squeeze %dma_start3A_93 : memref<1x32x128xf32, #tpu.memory_space<hbm>> -> memref<32x128xf32, #tpu.memory_space<hbm>>
      tpu.enqueue_dma source(%arg13 : memref<32x128xf32, #tpu.memory_space<vmem>>) target(%dma_start3A_94 : memref<32x128xf32, #tpu.memory_space<hbm>>) target_semaphore(%run_scoped3A : memref<!tpu.dma_semaphore, #tpu.memory_space<semaphore_mem>>)
      %dma_wait3A = arith.constant 0 : i32
      %dma_wait3A_95 = tpu.memref_slice %arg8[%arg0, %add3A_57, %dma_wait3A] : memref<2x10240x128xf32, #tpu.memory_space<hbm>> -> memref<1x32x128xf32, #tpu.memory_space<hbm>>
      %dma_wait3A_96 = tpu.memref_squeeze %dma_wait3A_95 : memref<1x32x128xf32, #tpu.memory_space<hbm>> -> memref<32x128xf32, #tpu.memory_space<hbm>>
      %dma_wait3A_97 = arith.constant 0 : i32
      %dma_wait3A_98 = tpu.memref_slice %arg8[%arg0, %add3A_57, %dma_wait3A_97] : memref<2x10240x128xf32, #tpu.memory_space<hbm>> -> memref<1x32x128xf32, #tpu.memory_space<hbm>>
      %dma_wait3A_99 = tpu.memref_squeeze %dma_wait3A_98 : memref<1x32x128xf32, #tpu.memory_space<hbm>> -> memref<32x128xf32, #tpu.memory_space<hbm>>
      tpu.wait_dma2 semaphore(%run_scoped3A : memref<!tpu.dma_semaphore, #tpu.memory_space<semaphore_mem>>) src(%arg13 : memref<32x128xf32, #tpu.memory_space<vmem>>) dst(%dma_wait3A_99 : memref<32x128xf32, #tpu.memory_space<hbm>>)
      tpu.yield
    }) : () -> ()
    %add3A_58 = arith.constant 128 : i32
    %add3A_59 = arith.addi %mul3A_0, %add3A_58 : i32
    "tpu.region"() ({
      %run_scoped3A = tpu.sem_alloc : memref<!tpu.dma_semaphore, #tpu.memory_space<semaphore_mem>>
      %dma_start3A = arith.constant 0 : i32
      %dma_start3A_90 = tpu.memref_slice %arg9[%add3A_59, %dma_start3A] : memref<10240x128xf32, #tpu.memory_space<vmem_shared>> -> memref<32x128xf32, #tpu.memory_space<vmem_shared>>
      %dma_start3A_91 = arith.constant 0 : i32
      %dma_start3A_92 = tpu.memref_slice %arg9[%add3A_59, %dma_start3A_91] : memref<10240x128xf32, #tpu.memory_space<vmem_shared>> -> memref<32x128xf32, #tpu.memory_space<vmem_shared>>
      tpu.enqueue_dma source(%dma_start3A_92 : memref<32x128xf32, #tpu.memory_space<vmem_shared>>) target(%arg13 : memref<32x128xf32, #tpu.memory_space<vmem>>) target_semaphore(%run_scoped3A : memref<!tpu.dma_semaphore, #tpu.memory_space<semaphore_mem>>)
      %dma_wait3A = arith.constant 0 : i32
      %dma_wait3A_93 = tpu.memref_slice %arg9[%add3A_59, %dma_wait3A] : memref<10240x128xf32, #tpu.memory_space<vmem_shared>> -> memref<32x128xf32, #tpu.memory_space<vmem_shared>>
      %dma_wait3A_94 = arith.constant 0 : i32
      %dma_wait3A_95 = tpu.memref_slice %arg9[%add3A_59, %dma_wait3A_94] : memref<10240x128xf32, #tpu.memory_space<vmem_shared>> -> memref<32x128xf32, #tpu.memory_space<vmem_shared>>
      tpu.wait_dma2 semaphore(%run_scoped3A : memref<!tpu.dma_semaphore, #tpu.memory_space<semaphore_mem>>) src(%dma_wait3A_95 : memref<32x128xf32, #tpu.memory_space<vmem_shared>>) dst(%arg13 : memref<32x128xf32, #tpu.memory_space<vmem>>)
      tpu.yield
    }) : () -> ()
    "tpu.region"() ({
      %run_scoped3A = tpu.sem_alloc : memref<!tpu.dma_semaphore, #tpu.memory_space<semaphore_mem>>
      %dma_start3A = arith.constant 0 : i32
      %dma_start3A_90 = tpu.memref_slice %arg8[%arg0, %add3A_59, %dma_start3A] : memref<2x10240x128xf32, #tpu.memory_space<hbm>> -> memref<1x32x128xf32, #tpu.memory_space<hbm>>
      %dma_start3A_91 = tpu.memref_squeeze %dma_start3A_90 : memref<1x32x128xf32, #tpu.memory_space<hbm>> -> memref<32x128xf32, #tpu.memory_space<hbm>>
      %dma_start3A_92 = arith.constant 0 : i32
      %dma_start3A_93 = tpu.memref_slice %arg8[%arg0, %add3A_59, %dma_start3A_92] : memref<2x10240x128xf32, #tpu.memory_space<hbm>> -> memref<1x32x128xf32, #tpu.memory_space<hbm>>
      %dma_start3A_94 = tpu.memref_squeeze %dma_start3A_93 : memref<1x32x128xf32, #tpu.memory_space<hbm>> -> memref<32x128xf32, #tpu.memory_space<hbm>>
      tpu.enqueue_dma source(%arg13 : memref<32x128xf32, #tpu.memory_space<vmem>>) target(%dma_start3A_94 : memref<32x128xf32, #tpu.memory_space<hbm>>) target_semaphore(%run_scoped3A : memref<!tpu.dma_semaphore, #tpu.memory_space<semaphore_mem>>)
      %dma_wait3A = arith.constant 0 : i32
      %dma_wait3A_95 = tpu.memref_slice %arg8[%arg0, %add3A_59, %dma_wait3A] : memref<2x10240x128xf32, #tpu.memory_space<hbm>> -> memref<1x32x128xf32, #tpu.memory_space<hbm>>
      %dma_wait3A_96 = tpu.memref_squeeze %dma_wait3A_95 : memref<1x32x128xf32, #tpu.memory_space<hbm>> -> memref<32x128xf32, #tpu.memory_space<hbm>>
      %dma_wait3A_97 = arith.constant 0 : i32
      %dma_wait3A_98 = tpu.memref_slice %arg8[%arg0, %add3A_59, %dma_wait3A_97] : memref<2x10240x128xf32, #tpu.memory_space<hbm>> -> memref<1x32x128xf32, #tpu.memory_space<hbm>>
      %dma_wait3A_99 = tpu.memref_squeeze %dma_wait3A_98 : memref<1x32x128xf32, #tpu.memory_space<hbm>> -> memref<32x128xf32, #tpu.memory_space<hbm>>
      tpu.wait_dma2 semaphore(%run_scoped3A : memref<!tpu.dma_semaphore, #tpu.memory_space<semaphore_mem>>) src(%arg13 : memref<32x128xf32, #tpu.memory_space<vmem>>) dst(%dma_wait3A_99 : memref<32x128xf32, #tpu.memory_space<hbm>>)
      tpu.yield
    }) : () -> ()
    %add3A_60 = arith.constant 160 : i32
    %add3A_61 = arith.addi %mul3A_0, %add3A_60 : i32
    "tpu.region"() ({
      %run_scoped3A = tpu.sem_alloc : memref<!tpu.dma_semaphore, #tpu.memory_space<semaphore_mem>>
      %dma_start3A = arith.constant 0 : i32
      %dma_start3A_90 = tpu.memref_slice %arg9[%add3A_61, %dma_start3A] : memref<10240x128xf32, #tpu.memory_space<vmem_shared>> -> memref<32x128xf32, #tpu.memory_space<vmem_shared>>
      %dma_start3A_91 = arith.constant 0 : i32
      %dma_start3A_92 = tpu.memref_slice %arg9[%add3A_61, %dma_start3A_91] : memref<10240x128xf32, #tpu.memory_space<vmem_shared>> -> memref<32x128xf32, #tpu.memory_space<vmem_shared>>
      tpu.enqueue_dma source(%dma_start3A_92 : memref<32x128xf32, #tpu.memory_space<vmem_shared>>) target(%arg13 : memref<32x128xf32, #tpu.memory_space<vmem>>) target_semaphore(%run_scoped3A : memref<!tpu.dma_semaphore, #tpu.memory_space<semaphore_mem>>)
      %dma_wait3A = arith.constant 0 : i32
      %dma_wait3A_93 = tpu.memref_slice %arg9[%add3A_61, %dma_wait3A] : memref<10240x128xf32, #tpu.memory_space<vmem_shared>> -> memref<32x128xf32, #tpu.memory_space<vmem_shared>>
      %dma_wait3A_94 = arith.constant 0 : i32
      %dma_wait3A_95 = tpu.memref_slice %arg9[%add3A_61, %dma_wait3A_94] : memref<10240x128xf32, #tpu.memory_space<vmem_shared>> -> memref<32x128xf32, #tpu.memory_space<vmem_shared>>
      tpu.wait_dma2 semaphore(%run_scoped3A : memref<!tpu.dma_semaphore, #tpu.memory_space<semaphore_mem>>) src(%dma_wait3A_95 : memref<32x128xf32, #tpu.memory_space<vmem_shared>>) dst(%arg13 : memref<32x128xf32, #tpu.memory_space<vmem>>)
      tpu.yield
    }) : () -> ()
    "tpu.region"() ({
      %run_scoped3A = tpu.sem_alloc : memref<!tpu.dma_semaphore, #tpu.memory_space<semaphore_mem>>
      %dma_start3A = arith.constant 0 : i32
      %dma_start3A_90 = tpu.memref_slice %arg8[%arg0, %add3A_61, %dma_start3A] : memref<2x10240x128xf32, #tpu.memory_space<hbm>> -> memref<1x32x128xf32, #tpu.memory_space<hbm>>
      %dma_start3A_91 = tpu.memref_squeeze %dma_start3A_90 : memref<1x32x128xf32, #tpu.memory_space<hbm>> -> memref<32x128xf32, #tpu.memory_space<hbm>>
      %dma_start3A_92 = arith.constant 0 : i32
      %dma_start3A_93 = tpu.memref_slice %arg8[%arg0, %add3A_61, %dma_start3A_92] : memref<2x10240x128xf32, #tpu.memory_space<hbm>> -> memref<1x32x128xf32, #tpu.memory_space<hbm>>
      %dma_start3A_94 = tpu.memref_squeeze %dma_start3A_93 : memref<1x32x128xf32, #tpu.memory_space<hbm>> -> memref<32x128xf32, #tpu.memory_space<hbm>>
      tpu.enqueue_dma source(%arg13 : memref<32x128xf32, #tpu.memory_space<vmem>>) target(%dma_start3A_94 : memref<32x128xf32, #tpu.memory_space<hbm>>) target_semaphore(%run_scoped3A : memref<!tpu.dma_semaphore, #tpu.memory_space<semaphore_mem>>)
      %dma_wait3A = arith.constant 0 : i32
      %dma_wait3A_95 = tpu.memref_slice %arg8[%arg0, %add3A_61, %dma_wait3A] : memref<2x10240x128xf32, #tpu.memory_space<hbm>> -> memref<1x32x128xf32, #tpu.memory_space<hbm>>
      %dma_wait3A_96 = tpu.memref_squeeze %dma_wait3A_95 : memref<1x32x128xf32, #tpu.memory_space<hbm>> -> memref<32x128xf32, #tpu.memory_space<hbm>>
      %dma_wait3A_97 = arith.constant 0 : i32
      %dma_wait3A_98 = tpu.memref_slice %arg8[%arg0, %add3A_61, %dma_wait3A_97] : memref<2x10240x128xf32, #tpu.memory_space<hbm>> -> memref<1x32x128xf32, #tpu.memory_space<hbm>>
      %dma_wait3A_99 = tpu.memref_squeeze %dma_wait3A_98 : memref<1x32x128xf32, #tpu.memory_space<hbm>> -> memref<32x128xf32, #tpu.memory_space<hbm>>
      tpu.wait_dma2 semaphore(%run_scoped3A : memref<!tpu.dma_semaphore, #tpu.memory_space<semaphore_mem>>) src(%arg13 : memref<32x128xf32, #tpu.memory_space<vmem>>) dst(%dma_wait3A_99 : memref<32x128xf32, #tpu.memory_space<hbm>>)
      tpu.yield
    }) : () -> ()
    %add3A_62 = arith.constant 192 : i32
    %add3A_63 = arith.addi %mul3A_0, %add3A_62 : i32
    "tpu.region"() ({
      %run_scoped3A = tpu.sem_alloc : memref<!tpu.dma_semaphore, #tpu.memory_space<semaphore_mem>>
      %dma_start3A = arith.constant 0 : i32
      %dma_start3A_90 = tpu.memref_slice %arg9[%add3A_63, %dma_start3A] : memref<10240x128xf32, #tpu.memory_space<vmem_shared>> -> memref<32x128xf32, #tpu.memory_space<vmem_shared>>
      %dma_start3A_91 = arith.constant 0 : i32
      %dma_start3A_92 = tpu.memref_slice %arg9[%add3A_63, %dma_start3A_91] : memref<10240x128xf32, #tpu.memory_space<vmem_shared>> -> memref<32x128xf32, #tpu.memory_space<vmem_shared>>
      tpu.enqueue_dma source(%dma_start3A_92 : memref<32x128xf32, #tpu.memory_space<vmem_shared>>) target(%arg13 : memref<32x128xf32, #tpu.memory_space<vmem>>) target_semaphore(%run_scoped3A : memref<!tpu.dma_semaphore, #tpu.memory_space<semaphore_mem>>)
      %dma_wait3A = arith.constant 0 : i32
      %dma_wait3A_93 = tpu.memref_slice %arg9[%add3A_63, %dma_wait3A] : memref<10240x128xf32, #tpu.memory_space<vmem_shared>> -> memref<32x128xf32, #tpu.memory_space<vmem_shared>>
      %dma_wait3A_94 = arith.constant 0 : i32
      %dma_wait3A_95 = tpu.memref_slice %arg9[%add3A_63, %dma_wait3A_94] : memref<10240x128xf32, #tpu.memory_space<vmem_shared>> -> memref<32x128xf32, #tpu.memory_space<vmem_shared>>
      tpu.wait_dma2 semaphore(%run_scoped3A : memref<!tpu.dma_semaphore, #tpu.memory_space<semaphore_mem>>) src(%dma_wait3A_95 : memref<32x128xf32, #tpu.memory_space<vmem_shared>>) dst(%arg13 : memref<32x128xf32, #tpu.memory_space<vmem>>)
      tpu.yield
    }) : () -> ()
    "tpu.region"() ({
      %run_scoped3A = tpu.sem_alloc : memref<!tpu.dma_semaphore, #tpu.memory_space<semaphore_mem>>
      %dma_start3A = arith.constant 0 : i32
      %dma_start3A_90 = tpu.memref_slice %arg8[%arg0, %add3A_63, %dma_start3A] : memref<2x10240x128xf32, #tpu.memory_space<hbm>> -> memref<1x32x128xf32, #tpu.memory_space<hbm>>
      %dma_start3A_91 = tpu.memref_squeeze %dma_start3A_90 : memref<1x32x128xf32, #tpu.memory_space<hbm>> -> memref<32x128xf32, #tpu.memory_space<hbm>>
      %dma_start3A_92 = arith.constant 0 : i32
      %dma_start3A_93 = tpu.memref_slice %arg8[%arg0, %add3A_63, %dma_start3A_92] : memref<2x10240x128xf32, #tpu.memory_space<hbm>> -> memref<1x32x128xf32, #tpu.memory_space<hbm>>
      %dma_start3A_94 = tpu.memref_squeeze %dma_start3A_93 : memref<1x32x128xf32, #tpu.memory_space<hbm>> -> memref<32x128xf32, #tpu.memory_space<hbm>>
      tpu.enqueue_dma source(%arg13 : memref<32x128xf32, #tpu.memory_space<vmem>>) target(%dma_start3A_94 : memref<32x128xf32, #tpu.memory_space<hbm>>) target_semaphore(%run_scoped3A : memref<!tpu.dma_semaphore, #tpu.memory_space<semaphore_mem>>)
      %dma_wait3A = arith.constant 0 : i32
      %dma_wait3A_95 = tpu.memref_slice %arg8[%arg0, %add3A_63, %dma_wait3A] : memref<2x10240x128xf32, #tpu.memory_space<hbm>> -> memref<1x32x128xf32, #tpu.memory_space<hbm>>
      %dma_wait3A_96 = tpu.memref_squeeze %dma_wait3A_95 : memref<1x32x128xf32, #tpu.memory_space<hbm>> -> memref<32x128xf32, #tpu.memory_space<hbm>>
      %dma_wait3A_97 = arith.constant 0 : i32
      %dma_wait3A_98 = tpu.memref_slice %arg8[%arg0, %add3A_63, %dma_wait3A_97] : memref<2x10240x128xf32, #tpu.memory_space<hbm>> -> memref<1x32x128xf32, #tpu.memory_space<hbm>>
      %dma_wait3A_99 = tpu.memref_squeeze %dma_wait3A_98 : memref<1x32x128xf32, #tpu.memory_space<hbm>> -> memref<32x128xf32, #tpu.memory_space<hbm>>
      tpu.wait_dma2 semaphore(%run_scoped3A : memref<!tpu.dma_semaphore, #tpu.memory_space<semaphore_mem>>) src(%arg13 : memref<32x128xf32, #tpu.memory_space<vmem>>) dst(%dma_wait3A_99 : memref<32x128xf32, #tpu.memory_space<hbm>>)
      tpu.yield
    }) : () -> ()
    %add3A_64 = arith.constant 224 : i32
    %add3A_65 = arith.addi %mul3A_0, %add3A_64 : i32
    "tpu.region"() ({
      %run_scoped3A = tpu.sem_alloc : memref<!tpu.dma_semaphore, #tpu.memory_space<semaphore_mem>>
      %dma_start3A = arith.constant 0 : i32
      %dma_start3A_90 = tpu.memref_slice %arg9[%add3A_65, %dma_start3A] : memref<10240x128xf32, #tpu.memory_space<vmem_shared>> -> memref<32x128xf32, #tpu.memory_space<vmem_shared>>
      %dma_start3A_91 = arith.constant 0 : i32
      %dma_start3A_92 = tpu.memref_slice %arg9[%add3A_65, %dma_start3A_91] : memref<10240x128xf32, #tpu.memory_space<vmem_shared>> -> memref<32x128xf32, #tpu.memory_space<vmem_shared>>
      tpu.enqueue_dma source(%dma_start3A_92 : memref<32x128xf32, #tpu.memory_space<vmem_shared>>) target(%arg13 : memref<32x128xf32, #tpu.memory_space<vmem>>) target_semaphore(%run_scoped3A : memref<!tpu.dma_semaphore, #tpu.memory_space<semaphore_mem>>)
      %dma_wait3A = arith.constant 0 : i32
      %dma_wait3A_93 = tpu.memref_slice %arg9[%add3A_65, %dma_wait3A] : memref<10240x128xf32, #tpu.memory_space<vmem_shared>> -> memref<32x128xf32, #tpu.memory_space<vmem_shared>>
      %dma_wait3A_94 = arith.constant 0 : i32
      %dma_wait3A_95 = tpu.memref_slice %arg9[%add3A_65, %dma_wait3A_94] : memref<10240x128xf32, #tpu.memory_space<vmem_shared>> -> memref<32x128xf32, #tpu.memory_space<vmem_shared>>
      tpu.wait_dma2 semaphore(%run_scoped3A : memref<!tpu.dma_semaphore, #tpu.memory_space<semaphore_mem>>) src(%dma_wait3A_95 : memref<32x128xf32, #tpu.memory_space<vmem_shared>>) dst(%arg13 : memref<32x128xf32, #tpu.memory_space<vmem>>)
      tpu.yield
    }) : () -> ()
    "tpu.region"() ({
      %run_scoped3A = tpu.sem_alloc : memref<!tpu.dma_semaphore, #tpu.memory_space<semaphore_mem>>
      %dma_start3A = arith.constant 0 : i32
      %dma_start3A_90 = tpu.memref_slice %arg8[%arg0, %add3A_65, %dma_start3A] : memref<2x10240x128xf32, #tpu.memory_space<hbm>> -> memref<1x32x128xf32, #tpu.memory_space<hbm>>
      %dma_start3A_91 = tpu.memref_squeeze %dma_start3A_90 : memref<1x32x128xf32, #tpu.memory_space<hbm>> -> memref<32x128xf32, #tpu.memory_space<hbm>>
      %dma_start3A_92 = arith.constant 0 : i32
      %dma_start3A_93 = tpu.memref_slice %arg8[%arg0, %add3A_65, %dma_start3A_92] : memref<2x10240x128xf32, #tpu.memory_space<hbm>> -> memref<1x32x128xf32, #tpu.memory_space<hbm>>
      %dma_start3A_94 = tpu.memref_squeeze %dma_start3A_93 : memref<1x32x128xf32, #tpu.memory_space<hbm>> -> memref<32x128xf32, #tpu.memory_space<hbm>>
      tpu.enqueue_dma source(%arg13 : memref<32x128xf32, #tpu.memory_space<vmem>>) target(%dma_start3A_94 : memref<32x128xf32, #tpu.memory_space<hbm>>) target_semaphore(%run_scoped3A : memref<!tpu.dma_semaphore, #tpu.memory_space<semaphore_mem>>)
      %dma_wait3A = arith.constant 0 : i32
      %dma_wait3A_95 = tpu.memref_slice %arg8[%arg0, %add3A_65, %dma_wait3A] : memref<2x10240x128xf32, #tpu.memory_space<hbm>> -> memref<1x32x128xf32, #tpu.memory_space<hbm>>
      %dma_wait3A_96 = tpu.memref_squeeze %dma_wait3A_95 : memref<1x32x128xf32, #tpu.memory_space<hbm>> -> memref<32x128xf32, #tpu.memory_space<hbm>>
      %dma_wait3A_97 = arith.constant 0 : i32
      %dma_wait3A_98 = tpu.memref_slice %arg8[%arg0, %add3A_65, %dma_wait3A_97] : memref<2x10240x128xf32, #tpu.memory_space<hbm>> -> memref<1x32x128xf32, #tpu.memory_space<hbm>>
      %dma_wait3A_99 = tpu.memref_squeeze %dma_wait3A_98 : memref<1x32x128xf32, #tpu.memory_space<hbm>> -> memref<32x128xf32, #tpu.memory_space<hbm>>
      tpu.wait_dma2 semaphore(%run_scoped3A : memref<!tpu.dma_semaphore, #tpu.memory_space<semaphore_mem>>) src(%arg13 : memref<32x128xf32, #tpu.memory_space<vmem>>) dst(%dma_wait3A_99 : memref<32x128xf32, #tpu.memory_space<hbm>>)
      tpu.yield
    }) : () -> ()
    %add3A_66 = arith.constant 256 : i32
    %add3A_67 = arith.addi %mul3A_0, %add3A_66 : i32
    "tpu.region"() ({
      %run_scoped3A = tpu.sem_alloc : memref<!tpu.dma_semaphore, #tpu.memory_space<semaphore_mem>>
      %dma_start3A = arith.constant 0 : i32
      %dma_start3A_90 = tpu.memref_slice %arg9[%add3A_67, %dma_start3A] : memref<10240x128xf32, #tpu.memory_space<vmem_shared>> -> memref<32x128xf32, #tpu.memory_space<vmem_shared>>
      %dma_start3A_91 = arith.constant 0 : i32
      %dma_start3A_92 = tpu.memref_slice %arg9[%add3A_67, %dma_start3A_91] : memref<10240x128xf32, #tpu.memory_space<vmem_shared>> -> memref<32x128xf32, #tpu.memory_space<vmem_shared>>
      tpu.enqueue_dma source(%dma_start3A_92 : memref<32x128xf32, #tpu.memory_space<vmem_shared>>) target(%arg13 : memref<32x128xf32, #tpu.memory_space<vmem>>) target_semaphore(%run_scoped3A : memref<!tpu.dma_semaphore, #tpu.memory_space<semaphore_mem>>)
      %dma_wait3A = arith.constant 0 : i32
      %dma_wait3A_93 = tpu.memref_slice %arg9[%add3A_67, %dma_wait3A] : memref<10240x128xf32, #tpu.memory_space<vmem_shared>> -> memref<32x128xf32, #tpu.memory_space<vmem_shared>>
      %dma_wait3A_94 = arith.constant 0 : i32
      %dma_wait3A_95 = tpu.memref_slice %arg9[%add3A_67, %dma_wait3A_94] : memref<10240x128xf32, #tpu.memory_space<vmem_shared>> -> memref<32x128xf32, #tpu.memory_space<vmem_shared>>
      tpu.wait_dma2 semaphore(%run_scoped3A : memref<!tpu.dma_semaphore, #tpu.memory_space<semaphore_mem>>) src(%dma_wait3A_95 : memref<32x128xf32, #tpu.memory_space<vmem_shared>>) dst(%arg13 : memref<32x128xf32, #tpu.memory_space<vmem>>)
      tpu.yield
    }) : () -> ()
    "tpu.region"() ({
      %run_scoped3A = tpu.sem_alloc : memref<!tpu.dma_semaphore, #tpu.memory_space<semaphore_mem>>
      %dma_start3A = arith.constant 0 : i32
      %dma_start3A_90 = tpu.memref_slice %arg8[%arg0, %add3A_67, %dma_start3A] : memref<2x10240x128xf32, #tpu.memory_space<hbm>> -> memref<1x32x128xf32, #tpu.memory_space<hbm>>
      %dma_start3A_91 = tpu.memref_squeeze %dma_start3A_90 : memref<1x32x128xf32, #tpu.memory_space<hbm>> -> memref<32x128xf32, #tpu.memory_space<hbm>>
      %dma_start3A_92 = arith.constant 0 : i32
      %dma_start3A_93 = tpu.memref_slice %arg8[%arg0, %add3A_67, %dma_start3A_92] : memref<2x10240x128xf32, #tpu.memory_space<hbm>> -> memref<1x32x128xf32, #tpu.memory_space<hbm>>
      %dma_start3A_94 = tpu.memref_squeeze %dma_start3A_93 : memref<1x32x128xf32, #tpu.memory_space<hbm>> -> memref<32x128xf32, #tpu.memory_space<hbm>>
      tpu.enqueue_dma source(%arg13 : memref<32x128xf32, #tpu.memory_space<vmem>>) target(%dma_start3A_94 : memref<32x128xf32, #tpu.memory_space<hbm>>) target_semaphore(%run_scoped3A : memref<!tpu.dma_semaphore, #tpu.memory_space<semaphore_mem>>)
      %dma_wait3A = arith.constant 0 : i32
      %dma_wait3A_95 = tpu.memref_slice %arg8[%arg0, %add3A_67, %dma_wait3A] : memref<2x10240x128xf32, #tpu.memory_space<hbm>> -> memref<1x32x128xf32, #tpu.memory_space<hbm>>
      %dma_wait3A_96 = tpu.memref_squeeze %dma_wait3A_95 : memref<1x32x128xf32, #tpu.memory_space<hbm>> -> memref<32x128xf32, #tpu.memory_space<hbm>>
      %dma_wait3A_97 = arith.constant 0 : i32
      %dma_wait3A_98 = tpu.memref_slice %arg8[%arg0, %add3A_67, %dma_wait3A_97] : memref<2x10240x128xf32, #tpu.memory_space<hbm>> -> memref<1x32x128xf32, #tpu.memory_space<hbm>>
      %dma_wait3A_99 = tpu.memref_squeeze %dma_wait3A_98 : memref<1x32x128xf32, #tpu.memory_space<hbm>> -> memref<32x128xf32, #tpu.memory_space<hbm>>
      tpu.wait_dma2 semaphore(%run_scoped3A : memref<!tpu.dma_semaphore, #tpu.memory_space<semaphore_mem>>) src(%arg13 : memref<32x128xf32, #tpu.memory_space<vmem>>) dst(%dma_wait3A_99 : memref<32x128xf32, #tpu.memory_space<hbm>>)
      tpu.yield
    }) : () -> ()
    %add3A_68 = arith.constant 288 : i32
    %add3A_69 = arith.addi %mul3A_0, %add3A_68 : i32
    "tpu.region"() ({
      %run_scoped3A = tpu.sem_alloc : memref<!tpu.dma_semaphore, #tpu.memory_space<semaphore_mem>>
      %dma_start3A = arith.constant 0 : i32
      %dma_start3A_90 = tpu.memref_slice %arg9[%add3A_69, %dma_start3A] : memref<10240x128xf32, #tpu.memory_space<vmem_shared>> -> memref<32x128xf32, #tpu.memory_space<vmem_shared>>
      %dma_start3A_91 = arith.constant 0 : i32
      %dma_start3A_92 = tpu.memref_slice %arg9[%add3A_69, %dma_start3A_91] : memref<10240x128xf32, #tpu.memory_space<vmem_shared>> -> memref<32x128xf32, #tpu.memory_space<vmem_shared>>
      tpu.enqueue_dma source(%dma_start3A_92 : memref<32x128xf32, #tpu.memory_space<vmem_shared>>) target(%arg13 : memref<32x128xf32, #tpu.memory_space<vmem>>) target_semaphore(%run_scoped3A : memref<!tpu.dma_semaphore, #tpu.memory_space<semaphore_mem>>)
      %dma_wait3A = arith.constant 0 : i32
      %dma_wait3A_93 = tpu.memref_slice %arg9[%add3A_69, %dma_wait3A] : memref<10240x128xf32, #tpu.memory_space<vmem_shared>> -> memref<32x128xf32, #tpu.memory_space<vmem_shared>>
      %dma_wait3A_94 = arith.constant 0 : i32
      %dma_wait3A_95 = tpu.memref_slice %arg9[%add3A_69, %dma_wait3A_94] : memref<10240x128xf32, #tpu.memory_space<vmem_shared>> -> memref<32x128xf32, #tpu.memory_space<vmem_shared>>
      tpu.wait_dma2 semaphore(%run_scoped3A : memref<!tpu.dma_semaphore, #tpu.memory_space<semaphore_mem>>) src(%dma_wait3A_95 : memref<32x128xf32, #tpu.memory_space<vmem_shared>>) dst(%arg13 : memref<32x128xf32, #tpu.memory_space<vmem>>)
      tpu.yield
    }) : () -> ()
    "tpu.region"() ({
      %run_scoped3A = tpu.sem_alloc : memref<!tpu.dma_semaphore, #tpu.memory_space<semaphore_mem>>
      %dma_start3A = arith.constant 0 : i32
      %dma_start3A_90 = tpu.memref_slice %arg8[%arg0, %add3A_69, %dma_start3A] : memref<2x10240x128xf32, #tpu.memory_space<hbm>> -> memref<1x32x128xf32, #tpu.memory_space<hbm>>
      %dma_start3A_91 = tpu.memref_squeeze %dma_start3A_90 : memref<1x32x128xf32, #tpu.memory_space<hbm>> -> memref<32x128xf32, #tpu.memory_space<hbm>>
      %dma_start3A_92 = arith.constant 0 : i32
      %dma_start3A_93 = tpu.memref_slice %arg8[%arg0, %add3A_69, %dma_start3A_92] : memref<2x10240x128xf32, #tpu.memory_space<hbm>> -> memref<1x32x128xf32, #tpu.memory_space<hbm>>
      %dma_start3A_94 = tpu.memref_squeeze %dma_start3A_93 : memref<1x32x128xf32, #tpu.memory_space<hbm>> -> memref<32x128xf32, #tpu.memory_space<hbm>>
      tpu.enqueue_dma source(%arg13 : memref<32x128xf32, #tpu.memory_space<vmem>>) target(%dma_start3A_94 : memref<32x128xf32, #tpu.memory_space<hbm>>) target_semaphore(%run_scoped3A : memref<!tpu.dma_semaphore, #tpu.memory_space<semaphore_mem>>)
      %dma_wait3A = arith.constant 0 : i32
      %dma_wait3A_95 = tpu.memref_slice %arg8[%arg0, %add3A_69, %dma_wait3A] : memref<2x10240x128xf32, #tpu.memory_space<hbm>> -> memref<1x32x128xf32, #tpu.memory_space<hbm>>
      %dma_wait3A_96 = tpu.memref_squeeze %dma_wait3A_95 : memref<1x32x128xf32, #tpu.memory_space<hbm>> -> memref<32x128xf32, #tpu.memory_space<hbm>>
      %dma_wait3A_97 = arith.constant 0 : i32
      %dma_wait3A_98 = tpu.memref_slice %arg8[%arg0, %add3A_69, %dma_wait3A_97] : memref<2x10240x128xf32, #tpu.memory_space<hbm>> -> memref<1x32x128xf32, #tpu.memory_space<hbm>>
      %dma_wait3A_99 = tpu.memref_squeeze %dma_wait3A_98 : memref<1x32x128xf32, #tpu.memory_space<hbm>> -> memref<32x128xf32, #tpu.memory_space<hbm>>
      tpu.wait_dma2 semaphore(%run_scoped3A : memref<!tpu.dma_semaphore, #tpu.memory_space<semaphore_mem>>) src(%arg13 : memref<32x128xf32, #tpu.memory_space<vmem>>) dst(%dma_wait3A_99 : memref<32x128xf32, #tpu.memory_space<hbm>>)
      tpu.yield
    }) : () -> ()
    %add3A_70 = arith.constant 320 : i32
    %add3A_71 = arith.addi %mul3A_0, %add3A_70 : i32
    "tpu.region"() ({
      %run_scoped3A = tpu.sem_alloc : memref<!tpu.dma_semaphore, #tpu.memory_space<semaphore_mem>>
      %dma_start3A = arith.constant 0 : i32
      %dma_start3A_90 = tpu.memref_slice %arg9[%add3A_71, %dma_start3A] : memref<10240x128xf32, #tpu.memory_space<vmem_shared>> -> memref<32x128xf32, #tpu.memory_space<vmem_shared>>
      %dma_start3A_91 = arith.constant 0 : i32
      %dma_start3A_92 = tpu.memref_slice %arg9[%add3A_71, %dma_start3A_91] : memref<10240x128xf32, #tpu.memory_space<vmem_shared>> -> memref<32x128xf32, #tpu.memory_space<vmem_shared>>
      tpu.enqueue_dma source(%dma_start3A_92 : memref<32x128xf32, #tpu.memory_space<vmem_shared>>) target(%arg13 : memref<32x128xf32, #tpu.memory_space<vmem>>) target_semaphore(%run_scoped3A : memref<!tpu.dma_semaphore, #tpu.memory_space<semaphore_mem>>)
      %dma_wait3A = arith.constant 0 : i32
      %dma_wait3A_93 = tpu.memref_slice %arg9[%add3A_71, %dma_wait3A] : memref<10240x128xf32, #tpu.memory_space<vmem_shared>> -> memref<32x128xf32, #tpu.memory_space<vmem_shared>>
      %dma_wait3A_94 = arith.constant 0 : i32
      %dma_wait3A_95 = tpu.memref_slice %arg9[%add3A_71, %dma_wait3A_94] : memref<10240x128xf32, #tpu.memory_space<vmem_shared>> -> memref<32x128xf32, #tpu.memory_space<vmem_shared>>
      tpu.wait_dma2 semaphore(%run_scoped3A : memref<!tpu.dma_semaphore, #tpu.memory_space<semaphore_mem>>) src(%dma_wait3A_95 : memref<32x128xf32, #tpu.memory_space<vmem_shared>>) dst(%arg13 : memref<32x128xf32, #tpu.memory_space<vmem>>)
      tpu.yield
    }) : () -> ()
    "tpu.region"() ({
      %run_scoped3A = tpu.sem_alloc : memref<!tpu.dma_semaphore, #tpu.memory_space<semaphore_mem>>
      %dma_start3A = arith.constant 0 : i32
      %dma_start3A_90 = tpu.memref_slice %arg8[%arg0, %add3A_71, %dma_start3A] : memref<2x10240x128xf32, #tpu.memory_space<hbm>> -> memref<1x32x128xf32, #tpu.memory_space<hbm>>
      %dma_start3A_91 = tpu.memref_squeeze %dma_start3A_90 : memref<1x32x128xf32, #tpu.memory_space<hbm>> -> memref<32x128xf32, #tpu.memory_space<hbm>>
      %dma_start3A_92 = arith.constant 0 : i32
      %dma_start3A_93 = tpu.memref_slice %arg8[%arg0, %add3A_71, %dma_start3A_92] : memref<2x10240x128xf32, #tpu.memory_space<hbm>> -> memref<1x32x128xf32, #tpu.memory_space<hbm>>
      %dma_start3A_94 = tpu.memref_squeeze %dma_start3A_93 : memref<1x32x128xf32, #tpu.memory_space<hbm>> -> memref<32x128xf32, #tpu.memory_space<hbm>>
      tpu.enqueue_dma source(%arg13 : memref<32x128xf32, #tpu.memory_space<vmem>>) target(%dma_start3A_94 : memref<32x128xf32, #tpu.memory_space<hbm>>) target_semaphore(%run_scoped3A : memref<!tpu.dma_semaphore, #tpu.memory_space<semaphore_mem>>)
      %dma_wait3A = arith.constant 0 : i32
      %dma_wait3A_95 = tpu.memref_slice %arg8[%arg0, %add3A_71, %dma_wait3A] : memref<2x10240x128xf32, #tpu.memory_space<hbm>> -> memref<1x32x128xf32, #tpu.memory_space<hbm>>
      %dma_wait3A_96 = tpu.memref_squeeze %dma_wait3A_95 : memref<1x32x128xf32, #tpu.memory_space<hbm>> -> memref<32x128xf32, #tpu.memory_space<hbm>>
      %dma_wait3A_97 = arith.constant 0 : i32
      %dma_wait3A_98 = tpu.memref_slice %arg8[%arg0, %add3A_71, %dma_wait3A_97] : memref<2x10240x128xf32, #tpu.memory_space<hbm>> -> memref<1x32x128xf32, #tpu.memory_space<hbm>>
      %dma_wait3A_99 = tpu.memref_squeeze %dma_wait3A_98 : memref<1x32x128xf32, #tpu.memory_space<hbm>> -> memref<32x128xf32, #tpu.memory_space<hbm>>
      tpu.wait_dma2 semaphore(%run_scoped3A : memref<!tpu.dma_semaphore, #tpu.memory_space<semaphore_mem>>) src(%arg13 : memref<32x128xf32, #tpu.memory_space<vmem>>) dst(%dma_wait3A_99 : memref<32x128xf32, #tpu.memory_space<hbm>>)
      tpu.yield
    }) : () -> ()
    %add3A_72 = arith.constant 352 : i32
    %add3A_73 = arith.addi %mul3A_0, %add3A_72 : i32
    "tpu.region"() ({
      %run_scoped3A = tpu.sem_alloc : memref<!tpu.dma_semaphore, #tpu.memory_space<semaphore_mem>>
      %dma_start3A = arith.constant 0 : i32
      %dma_start3A_90 = tpu.memref_slice %arg9[%add3A_73, %dma_start3A] : memref<10240x128xf32, #tpu.memory_space<vmem_shared>> -> memref<32x128xf32, #tpu.memory_space<vmem_shared>>
      %dma_start3A_91 = arith.constant 0 : i32
      %dma_start3A_92 = tpu.memref_slice %arg9[%add3A_73, %dma_start3A_91] : memref<10240x128xf32, #tpu.memory_space<vmem_shared>> -> memref<32x128xf32, #tpu.memory_space<vmem_shared>>
      tpu.enqueue_dma source(%dma_start3A_92 : memref<32x128xf32, #tpu.memory_space<vmem_shared>>) target(%arg13 : memref<32x128xf32, #tpu.memory_space<vmem>>) target_semaphore(%run_scoped3A : memref<!tpu.dma_semaphore, #tpu.memory_space<semaphore_mem>>)
      %dma_wait3A = arith.constant 0 : i32
      %dma_wait3A_93 = tpu.memref_slice %arg9[%add3A_73, %dma_wait3A] : memref<10240x128xf32, #tpu.memory_space<vmem_shared>> -> memref<32x128xf32, #tpu.memory_space<vmem_shared>>
      %dma_wait3A_94 = arith.constant 0 : i32
      %dma_wait3A_95 = tpu.memref_slice %arg9[%add3A_73, %dma_wait3A_94] : memref<10240x128xf32, #tpu.memory_space<vmem_shared>> -> memref<32x128xf32, #tpu.memory_space<vmem_shared>>
      tpu.wait_dma2 semaphore(%run_scoped3A : memref<!tpu.dma_semaphore, #tpu.memory_space<semaphore_mem>>) src(%dma_wait3A_95 : memref<32x128xf32, #tpu.memory_space<vmem_shared>>) dst(%arg13 : memref<32x128xf32, #tpu.memory_space<vmem>>)
      tpu.yield
    }) : () -> ()
    "tpu.region"() ({
      %run_scoped3A = tpu.sem_alloc : memref<!tpu.dma_semaphore, #tpu.memory_space<semaphore_mem>>
      %dma_start3A = arith.constant 0 : i32
      %dma_start3A_90 = tpu.memref_slice %arg8[%arg0, %add3A_73, %dma_start3A] : memref<2x10240x128xf32, #tpu.memory_space<hbm>> -> memref<1x32x128xf32, #tpu.memory_space<hbm>>
      %dma_start3A_91 = tpu.memref_squeeze %dma_start3A_90 : memref<1x32x128xf32, #tpu.memory_space<hbm>> -> memref<32x128xf32, #tpu.memory_space<hbm>>
      %dma_start3A_92 = arith.constant 0 : i32
      %dma_start3A_93 = tpu.memref_slice %arg8[%arg0, %add3A_73, %dma_start3A_92] : memref<2x10240x128xf32, #tpu.memory_space<hbm>> -> memref<1x32x128xf32, #tpu.memory_space<hbm>>
      %dma_start3A_94 = tpu.memref_squeeze %dma_start3A_93 : memref<1x32x128xf32, #tpu.memory_space<hbm>> -> memref<32x128xf32, #tpu.memory_space<hbm>>
      tpu.enqueue_dma source(%arg13 : memref<32x128xf32, #tpu.memory_space<vmem>>) target(%dma_start3A_94 : memref<32x128xf32, #tpu.memory_space<hbm>>) target_semaphore(%run_scoped3A : memref<!tpu.dma_semaphore, #tpu.memory_space<semaphore_mem>>)
      %dma_wait3A = arith.constant 0 : i32
      %dma_wait3A_95 = tpu.memref_slice %arg8[%arg0, %add3A_73, %dma_wait3A] : memref<2x10240x128xf32, #tpu.memory_space<hbm>> -> memref<1x32x128xf32, #tpu.memory_space<hbm>>
      %dma_wait3A_96 = tpu.memref_squeeze %dma_wait3A_95 : memref<1x32x128xf32, #tpu.memory_space<hbm>> -> memref<32x128xf32, #tpu.memory_space<hbm>>
      %dma_wait3A_97 = arith.constant 0 : i32
      %dma_wait3A_98 = tpu.memref_slice %arg8[%arg0, %add3A_73, %dma_wait3A_97] : memref<2x10240x128xf32, #tpu.memory_space<hbm>> -> memref<1x32x128xf32, #tpu.memory_space<hbm>>
      %dma_wait3A_99 = tpu.memref_squeeze %dma_wait3A_98 : memref<1x32x128xf32, #tpu.memory_space<hbm>> -> memref<32x128xf32, #tpu.memory_space<hbm>>
      tpu.wait_dma2 semaphore(%run_scoped3A : memref<!tpu.dma_semaphore, #tpu.memory_space<semaphore_mem>>) src(%arg13 : memref<32x128xf32, #tpu.memory_space<vmem>>) dst(%dma_wait3A_99 : memref<32x128xf32, #tpu.memory_space<hbm>>)
      tpu.yield
    }) : () -> ()
    %add3A_74 = arith.constant 384 : i32
    %add3A_75 = arith.addi %mul3A_0, %add3A_74 : i32
    "tpu.region"() ({
      %run_scoped3A = tpu.sem_alloc : memref<!tpu.dma_semaphore, #tpu.memory_space<semaphore_mem>>
      %dma_start3A = arith.constant 0 : i32
      %dma_start3A_90 = tpu.memref_slice %arg9[%add3A_75, %dma_start3A] : memref<10240x128xf32, #tpu.memory_space<vmem_shared>> -> memref<32x128xf32, #tpu.memory_space<vmem_shared>>
      %dma_start3A_91 = arith.constant 0 : i32
      %dma_start3A_92 = tpu.memref_slice %arg9[%add3A_75, %dma_start3A_91] : memref<10240x128xf32, #tpu.memory_space<vmem_shared>> -> memref<32x128xf32, #tpu.memory_space<vmem_shared>>
      tpu.enqueue_dma source(%dma_start3A_92 : memref<32x128xf32, #tpu.memory_space<vmem_shared>>) target(%arg13 : memref<32x128xf32, #tpu.memory_space<vmem>>) target_semaphore(%run_scoped3A : memref<!tpu.dma_semaphore, #tpu.memory_space<semaphore_mem>>)
      %dma_wait3A = arith.constant 0 : i32
      %dma_wait3A_93 = tpu.memref_slice %arg9[%add3A_75, %dma_wait3A] : memref<10240x128xf32, #tpu.memory_space<vmem_shared>> -> memref<32x128xf32, #tpu.memory_space<vmem_shared>>
      %dma_wait3A_94 = arith.constant 0 : i32
      %dma_wait3A_95 = tpu.memref_slice %arg9[%add3A_75, %dma_wait3A_94] : memref<10240x128xf32, #tpu.memory_space<vmem_shared>> -> memref<32x128xf32, #tpu.memory_space<vmem_shared>>
      tpu.wait_dma2 semaphore(%run_scoped3A : memref<!tpu.dma_semaphore, #tpu.memory_space<semaphore_mem>>) src(%dma_wait3A_95 : memref<32x128xf32, #tpu.memory_space<vmem_shared>>) dst(%arg13 : memref<32x128xf32, #tpu.memory_space<vmem>>)
      tpu.yield
    }) : () -> ()
    "tpu.region"() ({
      %run_scoped3A = tpu.sem_alloc : memref<!tpu.dma_semaphore, #tpu.memory_space<semaphore_mem>>
      %dma_start3A = arith.constant 0 : i32
      %dma_start3A_90 = tpu.memref_slice %arg8[%arg0, %add3A_75, %dma_start3A] : memref<2x10240x128xf32, #tpu.memory_space<hbm>> -> memref<1x32x128xf32, #tpu.memory_space<hbm>>
      %dma_start3A_91 = tpu.memref_squeeze %dma_start3A_90 : memref<1x32x128xf32, #tpu.memory_space<hbm>> -> memref<32x128xf32, #tpu.memory_space<hbm>>
      %dma_start3A_92 = arith.constant 0 : i32
      %dma_start3A_93 = tpu.memref_slice %arg8[%arg0, %add3A_75, %dma_start3A_92] : memref<2x10240x128xf32, #tpu.memory_space<hbm>> -> memref<1x32x128xf32, #tpu.memory_space<hbm>>
      %dma_start3A_94 = tpu.memref_squeeze %dma_start3A_93 : memref<1x32x128xf32, #tpu.memory_space<hbm>> -> memref<32x128xf32, #tpu.memory_space<hbm>>
      tpu.enqueue_dma source(%arg13 : memref<32x128xf32, #tpu.memory_space<vmem>>) target(%dma_start3A_94 : memref<32x128xf32, #tpu.memory_space<hbm>>) target_semaphore(%run_scoped3A : memref<!tpu.dma_semaphore, #tpu.memory_space<semaphore_mem>>)
      %dma_wait3A = arith.constant 0 : i32
      %dma_wait3A_95 = tpu.memref_slice %arg8[%arg0, %add3A_75, %dma_wait3A] : memref<2x10240x128xf32, #tpu.memory_space<hbm>> -> memref<1x32x128xf32, #tpu.memory_space<hbm>>
      %dma_wait3A_96 = tpu.memref_squeeze %dma_wait3A_95 : memref<1x32x128xf32, #tpu.memory_space<hbm>> -> memref<32x128xf32, #tpu.memory_space<hbm>>
      %dma_wait3A_97 = arith.constant 0 : i32
      %dma_wait3A_98 = tpu.memref_slice %arg8[%arg0, %add3A_75, %dma_wait3A_97] : memref<2x10240x128xf32, #tpu.memory_space<hbm>> -> memref<1x32x128xf32, #tpu.memory_space<hbm>>
      %dma_wait3A_99 = tpu.memref_squeeze %dma_wait3A_98 : memref<1x32x128xf32, #tpu.memory_space<hbm>> -> memref<32x128xf32, #tpu.memory_space<hbm>>
      tpu.wait_dma2 semaphore(%run_scoped3A : memref<!tpu.dma_semaphore, #tpu.memory_space<semaphore_mem>>) src(%arg13 : memref<32x128xf32, #tpu.memory_space<vmem>>) dst(%dma_wait3A_99 : memref<32x128xf32, #tpu.memory_space<hbm>>)
      tpu.yield
    }) : () -> ()
    %add3A_76 = arith.constant 416 : i32
    %add3A_77 = arith.addi %mul3A_0, %add3A_76 : i32
    "tpu.region"() ({
      %run_scoped3A = tpu.sem_alloc : memref<!tpu.dma_semaphore, #tpu.memory_space<semaphore_mem>>
      %dma_start3A = arith.constant 0 : i32
      %dma_start3A_90 = tpu.memref_slice %arg9[%add3A_77, %dma_start3A] : memref<10240x128xf32, #tpu.memory_space<vmem_shared>> -> memref<32x128xf32, #tpu.memory_space<vmem_shared>>
      %dma_start3A_91 = arith.constant 0 : i32
      %dma_start3A_92 = tpu.memref_slice %arg9[%add3A_77, %dma_start3A_91] : memref<10240x128xf32, #tpu.memory_space<vmem_shared>> -> memref<32x128xf32, #tpu.memory_space<vmem_shared>>
      tpu.enqueue_dma source(%dma_start3A_92 : memref<32x128xf32, #tpu.memory_space<vmem_shared>>) target(%arg13 : memref<32x128xf32, #tpu.memory_space<vmem>>) target_semaphore(%run_scoped3A : memref<!tpu.dma_semaphore, #tpu.memory_space<semaphore_mem>>)
      %dma_wait3A = arith.constant 0 : i32
      %dma_wait3A_93 = tpu.memref_slice %arg9[%add3A_77, %dma_wait3A] : memref<10240x128xf32, #tpu.memory_space<vmem_shared>> -> memref<32x128xf32, #tpu.memory_space<vmem_shared>>
      %dma_wait3A_94 = arith.constant 0 : i32
      %dma_wait3A_95 = tpu.memref_slice %arg9[%add3A_77, %dma_wait3A_94] : memref<10240x128xf32, #tpu.memory_space<vmem_shared>> -> memref<32x128xf32, #tpu.memory_space<vmem_shared>>
      tpu.wait_dma2 semaphore(%run_scoped3A : memref<!tpu.dma_semaphore, #tpu.memory_space<semaphore_mem>>) src(%dma_wait3A_95 : memref<32x128xf32, #tpu.memory_space<vmem_shared>>) dst(%arg13 : memref<32x128xf32, #tpu.memory_space<vmem>>)
      tpu.yield
    }) : () -> ()
    "tpu.region"() ({
      %run_scoped3A = tpu.sem_alloc : memref<!tpu.dma_semaphore, #tpu.memory_space<semaphore_mem>>
      %dma_start3A = arith.constant 0 : i32
      %dma_start3A_90 = tpu.memref_slice %arg8[%arg0, %add3A_77, %dma_start3A] : memref<2x10240x128xf32, #tpu.memory_space<hbm>> -> memref<1x32x128xf32, #tpu.memory_space<hbm>>
      %dma_start3A_91 = tpu.memref_squeeze %dma_start3A_90 : memref<1x32x128xf32, #tpu.memory_space<hbm>> -> memref<32x128xf32, #tpu.memory_space<hbm>>
      %dma_start3A_92 = arith.constant 0 : i32
      %dma_start3A_93 = tpu.memref_slice %arg8[%arg0, %add3A_77, %dma_start3A_92] : memref<2x10240x128xf32, #tpu.memory_space<hbm>> -> memref<1x32x128xf32, #tpu.memory_space<hbm>>
      %dma_start3A_94 = tpu.memref_squeeze %dma_start3A_93 : memref<1x32x128xf32, #tpu.memory_space<hbm>> -> memref<32x128xf32, #tpu.memory_space<hbm>>
      tpu.enqueue_dma source(%arg13 : memref<32x128xf32, #tpu.memory_space<vmem>>) target(%dma_start3A_94 : memref<32x128xf32, #tpu.memory_space<hbm>>) target_semaphore(%run_scoped3A : memref<!tpu.dma_semaphore, #tpu.memory_space<semaphore_mem>>)
      %dma_wait3A = arith.constant 0 : i32
      %dma_wait3A_95 = tpu.memref_slice %arg8[%arg0, %add3A_77, %dma_wait3A] : memref<2x10240x128xf32, #tpu.memory_space<hbm>> -> memref<1x32x128xf32, #tpu.memory_space<hbm>>
      %dma_wait3A_96 = tpu.memref_squeeze %dma_wait3A_95 : memref<1x32x128xf32, #tpu.memory_space<hbm>> -> memref<32x128xf32, #tpu.memory_space<hbm>>
      %dma_wait3A_97 = arith.constant 0 : i32
      %dma_wait3A_98 = tpu.memref_slice %arg8[%arg0, %add3A_77, %dma_wait3A_97] : memref<2x10240x128xf32, #tpu.memory_space<hbm>> -> memref<1x32x128xf32, #tpu.memory_space<hbm>>
      %dma_wait3A_99 = tpu.memref_squeeze %dma_wait3A_98 : memref<1x32x128xf32, #tpu.memory_space<hbm>> -> memref<32x128xf32, #tpu.memory_space<hbm>>
      tpu.wait_dma2 semaphore(%run_scoped3A : memref<!tpu.dma_semaphore, #tpu.memory_space<semaphore_mem>>) src(%arg13 : memref<32x128xf32, #tpu.memory_space<vmem>>) dst(%dma_wait3A_99 : memref<32x128xf32, #tpu.memory_space<hbm>>)
      tpu.yield
    }) : () -> ()
    %add3A_78 = arith.constant 448 : i32
    %add3A_79 = arith.addi %mul3A_0, %add3A_78 : i32
    "tpu.region"() ({
      %run_scoped3A = tpu.sem_alloc : memref<!tpu.dma_semaphore, #tpu.memory_space<semaphore_mem>>
      %dma_start3A = arith.constant 0 : i32
      %dma_start3A_90 = tpu.memref_slice %arg9[%add3A_79, %dma_start3A] : memref<10240x128xf32, #tpu.memory_space<vmem_shared>> -> memref<32x128xf32, #tpu.memory_space<vmem_shared>>
      %dma_start3A_91 = arith.constant 0 : i32
      %dma_start3A_92 = tpu.memref_slice %arg9[%add3A_79, %dma_start3A_91] : memref<10240x128xf32, #tpu.memory_space<vmem_shared>> -> memref<32x128xf32, #tpu.memory_space<vmem_shared>>
      tpu.enqueue_dma source(%dma_start3A_92 : memref<32x128xf32, #tpu.memory_space<vmem_shared>>) target(%arg13 : memref<32x128xf32, #tpu.memory_space<vmem>>) target_semaphore(%run_scoped3A : memref<!tpu.dma_semaphore, #tpu.memory_space<semaphore_mem>>)
      %dma_wait3A = arith.constant 0 : i32
      %dma_wait3A_93 = tpu.memref_slice %arg9[%add3A_79, %dma_wait3A] : memref<10240x128xf32, #tpu.memory_space<vmem_shared>> -> memref<32x128xf32, #tpu.memory_space<vmem_shared>>
      %dma_wait3A_94 = arith.constant 0 : i32
      %dma_wait3A_95 = tpu.memref_slice %arg9[%add3A_79, %dma_wait3A_94] : memref<10240x128xf32, #tpu.memory_space<vmem_shared>> -> memref<32x128xf32, #tpu.memory_space<vmem_shared>>
      tpu.wait_dma2 semaphore(%run_scoped3A : memref<!tpu.dma_semaphore, #tpu.memory_space<semaphore_mem>>) src(%dma_wait3A_95 : memref<32x128xf32, #tpu.memory_space<vmem_shared>>) dst(%arg13 : memref<32x128xf32, #tpu.memory_space<vmem>>)
      tpu.yield
    }) : () -> ()
    "tpu.region"() ({
      %run_scoped3A = tpu.sem_alloc : memref<!tpu.dma_semaphore, #tpu.memory_space<semaphore_mem>>
      %dma_start3A = arith.constant 0 : i32
      %dma_start3A_90 = tpu.memref_slice %arg8[%arg0, %add3A_79, %dma_start3A] : memref<2x10240x128xf32, #tpu.memory_space<hbm>> -> memref<1x32x128xf32, #tpu.memory_space<hbm>>
      %dma_start3A_91 = tpu.memref_squeeze %dma_start3A_90 : memref<1x32x128xf32, #tpu.memory_space<hbm>> -> memref<32x128xf32, #tpu.memory_space<hbm>>
      %dma_start3A_92 = arith.constant 0 : i32
      %dma_start3A_93 = tpu.memref_slice %arg8[%arg0, %add3A_79, %dma_start3A_92] : memref<2x10240x128xf32, #tpu.memory_space<hbm>> -> memref<1x32x128xf32, #tpu.memory_space<hbm>>
      %dma_start3A_94 = tpu.memref_squeeze %dma_start3A_93 : memref<1x32x128xf32, #tpu.memory_space<hbm>> -> memref<32x128xf32, #tpu.memory_space<hbm>>
      tpu.enqueue_dma source(%arg13 : memref<32x128xf32, #tpu.memory_space<vmem>>) target(%dma_start3A_94 : memref<32x128xf32, #tpu.memory_space<hbm>>) target_semaphore(%run_scoped3A : memref<!tpu.dma_semaphore, #tpu.memory_space<semaphore_mem>>)
      %dma_wait3A = arith.constant 0 : i32
      %dma_wait3A_95 = tpu.memref_slice %arg8[%arg0, %add3A_79, %dma_wait3A] : memref<2x10240x128xf32, #tpu.memory_space<hbm>> -> memref<1x32x128xf32, #tpu.memory_space<hbm>>
      %dma_wait3A_96 = tpu.memref_squeeze %dma_wait3A_95 : memref<1x32x128xf32, #tpu.memory_space<hbm>> -> memref<32x128xf32, #tpu.memory_space<hbm>>
      %dma_wait3A_97 = arith.constant 0 : i32
      %dma_wait3A_98 = tpu.memref_slice %arg8[%arg0, %add3A_79, %dma_wait3A_97] : memref<2x10240x128xf32, #tpu.memory_space<hbm>> -> memref<1x32x128xf32, #tpu.memory_space<hbm>>
      %dma_wait3A_99 = tpu.memref_squeeze %dma_wait3A_98 : memref<1x32x128xf32, #tpu.memory_space<hbm>> -> memref<32x128xf32, #tpu.memory_space<hbm>>
      tpu.wait_dma2 semaphore(%run_scoped3A : memref<!tpu.dma_semaphore, #tpu.memory_space<semaphore_mem>>) src(%arg13 : memref<32x128xf32, #tpu.memory_space<vmem>>) dst(%dma_wait3A_99 : memref<32x128xf32, #tpu.memory_space<hbm>>)
      tpu.yield
    }) : () -> ()
    %add3A_80 = arith.constant 480 : i32
    %add3A_81 = arith.addi %mul3A_0, %add3A_80 : i32
    "tpu.region"() ({
      %run_scoped3A = tpu.sem_alloc : memref<!tpu.dma_semaphore, #tpu.memory_space<semaphore_mem>>
      %dma_start3A = arith.constant 0 : i32
      %dma_start3A_90 = tpu.memref_slice %arg9[%add3A_81, %dma_start3A] : memref<10240x128xf32, #tpu.memory_space<vmem_shared>> -> memref<32x128xf32, #tpu.memory_space<vmem_shared>>
      %dma_start3A_91 = arith.constant 0 : i32
      %dma_start3A_92 = tpu.memref_slice %arg9[%add3A_81, %dma_start3A_91] : memref<10240x128xf32, #tpu.memory_space<vmem_shared>> -> memref<32x128xf32, #tpu.memory_space<vmem_shared>>
      tpu.enqueue_dma source(%dma_start3A_92 : memref<32x128xf32, #tpu.memory_space<vmem_shared>>) target(%arg13 : memref<32x128xf32, #tpu.memory_space<vmem>>) target_semaphore(%run_scoped3A : memref<!tpu.dma_semaphore, #tpu.memory_space<semaphore_mem>>)
      %dma_wait3A = arith.constant 0 : i32
      %dma_wait3A_93 = tpu.memref_slice %arg9[%add3A_81, %dma_wait3A] : memref<10240x128xf32, #tpu.memory_space<vmem_shared>> -> memref<32x128xf32, #tpu.memory_space<vmem_shared>>
      %dma_wait3A_94 = arith.constant 0 : i32
      %dma_wait3A_95 = tpu.memref_slice %arg9[%add3A_81, %dma_wait3A_94] : memref<10240x128xf32, #tpu.memory_space<vmem_shared>> -> memref<32x128xf32, #tpu.memory_space<vmem_shared>>
      tpu.wait_dma2 semaphore(%run_scoped3A : memref<!tpu.dma_semaphore, #tpu.memory_space<semaphore_mem>>) src(%dma_wait3A_95 : memref<32x128xf32, #tpu.memory_space<vmem_shared>>) dst(%arg13 : memref<32x128xf32, #tpu.memory_space<vmem>>)
      tpu.yield
    }) : () -> ()
    "tpu.region"() ({
      %run_scoped3A = tpu.sem_alloc : memref<!tpu.dma_semaphore, #tpu.memory_space<semaphore_mem>>
      %dma_start3A = arith.constant 0 : i32
      %dma_start3A_90 = tpu.memref_slice %arg8[%arg0, %add3A_81, %dma_start3A] : memref<2x10240x128xf32, #tpu.memory_space<hbm>> -> memref<1x32x128xf32, #tpu.memory_space<hbm>>
      %dma_start3A_91 = tpu.memref_squeeze %dma_start3A_90 : memref<1x32x128xf32, #tpu.memory_space<hbm>> -> memref<32x128xf32, #tpu.memory_space<hbm>>
      %dma_start3A_92 = arith.constant 0 : i32
      %dma_start3A_93 = tpu.memref_slice %arg8[%arg0, %add3A_81, %dma_start3A_92] : memref<2x10240x128xf32, #tpu.memory_space<hbm>> -> memref<1x32x128xf32, #tpu.memory_space<hbm>>
      %dma_start3A_94 = tpu.memref_squeeze %dma_start3A_93 : memref<1x32x128xf32, #tpu.memory_space<hbm>> -> memref<32x128xf32, #tpu.memory_space<hbm>>
      tpu.enqueue_dma source(%arg13 : memref<32x128xf32, #tpu.memory_space<vmem>>) target(%dma_start3A_94 : memref<32x128xf32, #tpu.memory_space<hbm>>) target_semaphore(%run_scoped3A : memref<!tpu.dma_semaphore, #tpu.memory_space<semaphore_mem>>)
      %dma_wait3A = arith.constant 0 : i32
      %dma_wait3A_95 = tpu.memref_slice %arg8[%arg0, %add3A_81, %dma_wait3A] : memref<2x10240x128xf32, #tpu.memory_space<hbm>> -> memref<1x32x128xf32, #tpu.memory_space<hbm>>
      %dma_wait3A_96 = tpu.memref_squeeze %dma_wait3A_95 : memref<1x32x128xf32, #tpu.memory_space<hbm>> -> memref<32x128xf32, #tpu.memory_space<hbm>>
      %dma_wait3A_97 = arith.constant 0 : i32
      %dma_wait3A_98 = tpu.memref_slice %arg8[%arg0, %add3A_81, %dma_wait3A_97] : memref<2x10240x128xf32, #tpu.memory_space<hbm>> -> memref<1x32x128xf32, #tpu.memory_space<hbm>>
      %dma_wait3A_99 = tpu.memref_squeeze %dma_wait3A_98 : memref<1x32x128xf32, #tpu.memory_space<hbm>> -> memref<32x128xf32, #tpu.memory_space<hbm>>
      tpu.wait_dma2 semaphore(%run_scoped3A : memref<!tpu.dma_semaphore, #tpu.memory_space<semaphore_mem>>) src(%arg13 : memref<32x128xf32, #tpu.memory_space<vmem>>) dst(%dma_wait3A_99 : memref<32x128xf32, #tpu.memory_space<hbm>>)
      tpu.yield
    }) : () -> ()
    %add3A_82 = arith.constant 512 : i32
    %add3A_83 = arith.addi %mul3A_0, %add3A_82 : i32
    "tpu.region"() ({
      %run_scoped3A = tpu.sem_alloc : memref<!tpu.dma_semaphore, #tpu.memory_space<semaphore_mem>>
      %dma_start3A = arith.constant 0 : i32
      %dma_start3A_90 = tpu.memref_slice %arg9[%add3A_83, %dma_start3A] : memref<10240x128xf32, #tpu.memory_space<vmem_shared>> -> memref<32x128xf32, #tpu.memory_space<vmem_shared>>
      %dma_start3A_91 = arith.constant 0 : i32
      %dma_start3A_92 = tpu.memref_slice %arg9[%add3A_83, %dma_start3A_91] : memref<10240x128xf32, #tpu.memory_space<vmem_shared>> -> memref<32x128xf32, #tpu.memory_space<vmem_shared>>
      tpu.enqueue_dma source(%dma_start3A_92 : memref<32x128xf32, #tpu.memory_space<vmem_shared>>) target(%arg13 : memref<32x128xf32, #tpu.memory_space<vmem>>) target_semaphore(%run_scoped3A : memref<!tpu.dma_semaphore, #tpu.memory_space<semaphore_mem>>)
      %dma_wait3A = arith.constant 0 : i32
      %dma_wait3A_93 = tpu.memref_slice %arg9[%add3A_83, %dma_wait3A] : memref<10240x128xf32, #tpu.memory_space<vmem_shared>> -> memref<32x128xf32, #tpu.memory_space<vmem_shared>>
      %dma_wait3A_94 = arith.constant 0 : i32
      %dma_wait3A_95 = tpu.memref_slice %arg9[%add3A_83, %dma_wait3A_94] : memref<10240x128xf32, #tpu.memory_space<vmem_shared>> -> memref<32x128xf32, #tpu.memory_space<vmem_shared>>
      tpu.wait_dma2 semaphore(%run_scoped3A : memref<!tpu.dma_semaphore, #tpu.memory_space<semaphore_mem>>) src(%dma_wait3A_95 : memref<32x128xf32, #tpu.memory_space<vmem_shared>>) dst(%arg13 : memref<32x128xf32, #tpu.memory_space<vmem>>)
      tpu.yield
    }) : () -> ()
    "tpu.region"() ({
      %run_scoped3A = tpu.sem_alloc : memref<!tpu.dma_semaphore, #tpu.memory_space<semaphore_mem>>
      %dma_start3A = arith.constant 0 : i32
      %dma_start3A_90 = tpu.memref_slice %arg8[%arg0, %add3A_83, %dma_start3A] : memref<2x10240x128xf32, #tpu.memory_space<hbm>> -> memref<1x32x128xf32, #tpu.memory_space<hbm>>
      %dma_start3A_91 = tpu.memref_squeeze %dma_start3A_90 : memref<1x32x128xf32, #tpu.memory_space<hbm>> -> memref<32x128xf32, #tpu.memory_space<hbm>>
      %dma_start3A_92 = arith.constant 0 : i32
      %dma_start3A_93 = tpu.memref_slice %arg8[%arg0, %add3A_83, %dma_start3A_92] : memref<2x10240x128xf32, #tpu.memory_space<hbm>> -> memref<1x32x128xf32, #tpu.memory_space<hbm>>
      %dma_start3A_94 = tpu.memref_squeeze %dma_start3A_93 : memref<1x32x128xf32, #tpu.memory_space<hbm>> -> memref<32x128xf32, #tpu.memory_space<hbm>>
      tpu.enqueue_dma source(%arg13 : memref<32x128xf32, #tpu.memory_space<vmem>>) target(%dma_start3A_94 : memref<32x128xf32, #tpu.memory_space<hbm>>) target_semaphore(%run_scoped3A : memref<!tpu.dma_semaphore, #tpu.memory_space<semaphore_mem>>)
      %dma_wait3A = arith.constant 0 : i32
      %dma_wait3A_95 = tpu.memref_slice %arg8[%arg0, %add3A_83, %dma_wait3A] : memref<2x10240x128xf32, #tpu.memory_space<hbm>> -> memref<1x32x128xf32, #tpu.memory_space<hbm>>
      %dma_wait3A_96 = tpu.memref_squeeze %dma_wait3A_95 : memref<1x32x128xf32, #tpu.memory_space<hbm>> -> memref<32x128xf32, #tpu.memory_space<hbm>>
      %dma_wait3A_97 = arith.constant 0 : i32
      %dma_wait3A_98 = tpu.memref_slice %arg8[%arg0, %add3A_83, %dma_wait3A_97] : memref<2x10240x128xf32, #tpu.memory_space<hbm>> -> memref<1x32x128xf32, #tpu.memory_space<hbm>>
      %dma_wait3A_99 = tpu.memref_squeeze %dma_wait3A_98 : memref<1x32x128xf32, #tpu.memory_space<hbm>> -> memref<32x128xf32, #tpu.memory_space<hbm>>
      tpu.wait_dma2 semaphore(%run_scoped3A : memref<!tpu.dma_semaphore, #tpu.memory_space<semaphore_mem>>) src(%arg13 : memref<32x128xf32, #tpu.memory_space<vmem>>) dst(%dma_wait3A_99 : memref<32x128xf32, #tpu.memory_space<hbm>>)
      tpu.yield
    }) : () -> ()
    %add3A_84 = arith.constant 544 : i32
    %add3A_85 = arith.addi %mul3A_0, %add3A_84 : i32
    "tpu.region"() ({
      %run_scoped3A = tpu.sem_alloc : memref<!tpu.dma_semaphore, #tpu.memory_space<semaphore_mem>>
      %dma_start3A = arith.constant 0 : i32
      %dma_start3A_90 = tpu.memref_slice %arg9[%add3A_85, %dma_start3A] : memref<10240x128xf32, #tpu.memory_space<vmem_shared>> -> memref<32x128xf32, #tpu.memory_space<vmem_shared>>
      %dma_start3A_91 = arith.constant 0 : i32
      %dma_start3A_92 = tpu.memref_slice %arg9[%add3A_85, %dma_start3A_91] : memref<10240x128xf32, #tpu.memory_space<vmem_shared>> -> memref<32x128xf32, #tpu.memory_space<vmem_shared>>
      tpu.enqueue_dma source(%dma_start3A_92 : memref<32x128xf32, #tpu.memory_space<vmem_shared>>) target(%arg13 : memref<32x128xf32, #tpu.memory_space<vmem>>) target_semaphore(%run_scoped3A : memref<!tpu.dma_semaphore, #tpu.memory_space<semaphore_mem>>)
      %dma_wait3A = arith.constant 0 : i32
      %dma_wait3A_93 = tpu.memref_slice %arg9[%add3A_85, %dma_wait3A] : memref<10240x128xf32, #tpu.memory_space<vmem_shared>> -> memref<32x128xf32, #tpu.memory_space<vmem_shared>>
      %dma_wait3A_94 = arith.constant 0 : i32
      %dma_wait3A_95 = tpu.memref_slice %arg9[%add3A_85, %dma_wait3A_94] : memref<10240x128xf32, #tpu.memory_space<vmem_shared>> -> memref<32x128xf32, #tpu.memory_space<vmem_shared>>
      tpu.wait_dma2 semaphore(%run_scoped3A : memref<!tpu.dma_semaphore, #tpu.memory_space<semaphore_mem>>) src(%dma_wait3A_95 : memref<32x128xf32, #tpu.memory_space<vmem_shared>>) dst(%arg13 : memref<32x128xf32, #tpu.memory_space<vmem>>)
      tpu.yield
    }) : () -> ()
    "tpu.region"() ({
      %run_scoped3A = tpu.sem_alloc : memref<!tpu.dma_semaphore, #tpu.memory_space<semaphore_mem>>
      %dma_start3A = arith.constant 0 : i32
      %dma_start3A_90 = tpu.memref_slice %arg8[%arg0, %add3A_85, %dma_start3A] : memref<2x10240x128xf32, #tpu.memory_space<hbm>> -> memref<1x32x128xf32, #tpu.memory_space<hbm>>
      %dma_start3A_91 = tpu.memref_squeeze %dma_start3A_90 : memref<1x32x128xf32, #tpu.memory_space<hbm>> -> memref<32x128xf32, #tpu.memory_space<hbm>>
      %dma_start3A_92 = arith.constant 0 : i32
      %dma_start3A_93 = tpu.memref_slice %arg8[%arg0, %add3A_85, %dma_start3A_92] : memref<2x10240x128xf32, #tpu.memory_space<hbm>> -> memref<1x32x128xf32, #tpu.memory_space<hbm>>
      %dma_start3A_94 = tpu.memref_squeeze %dma_start3A_93 : memref<1x32x128xf32, #tpu.memory_space<hbm>> -> memref<32x128xf32, #tpu.memory_space<hbm>>
      tpu.enqueue_dma source(%arg13 : memref<32x128xf32, #tpu.memory_space<vmem>>) target(%dma_start3A_94 : memref<32x128xf32, #tpu.memory_space<hbm>>) target_semaphore(%run_scoped3A : memref<!tpu.dma_semaphore, #tpu.memory_space<semaphore_mem>>)
      %dma_wait3A = arith.constant 0 : i32
      %dma_wait3A_95 = tpu.memref_slice %arg8[%arg0, %add3A_85, %dma_wait3A] : memref<2x10240x128xf32, #tpu.memory_space<hbm>> -> memref<1x32x128xf32, #tpu.memory_space<hbm>>
      %dma_wait3A_96 = tpu.memref_squeeze %dma_wait3A_95 : memref<1x32x128xf32, #tpu.memory_space<hbm>> -> memref<32x128xf32, #tpu.memory_space<hbm>>
      %dma_wait3A_97 = arith.constant 0 : i32
      %dma_wait3A_98 = tpu.memref_slice %arg8[%arg0, %add3A_85, %dma_wait3A_97] : memref<2x10240x128xf32, #tpu.memory_space<hbm>> -> memref<1x32x128xf32, #tpu.memory_space<hbm>>
      %dma_wait3A_99 = tpu.memref_squeeze %dma_wait3A_98 : memref<1x32x128xf32, #tpu.memory_space<hbm>> -> memref<32x128xf32, #tpu.memory_space<hbm>>
      tpu.wait_dma2 semaphore(%run_scoped3A : memref<!tpu.dma_semaphore, #tpu.memory_space<semaphore_mem>>) src(%arg13 : memref<32x128xf32, #tpu.memory_space<vmem>>) dst(%dma_wait3A_99 : memref<32x128xf32, #tpu.memory_space<hbm>>)
      tpu.yield
    }) : () -> ()
    %add3A_86 = arith.constant 576 : i32
    %add3A_87 = arith.addi %mul3A_0, %add3A_86 : i32
    "tpu.region"() ({
      %run_scoped3A = tpu.sem_alloc : memref<!tpu.dma_semaphore, #tpu.memory_space<semaphore_mem>>
      %dma_start3A = arith.constant 0 : i32
      %dma_start3A_90 = tpu.memref_slice %arg9[%add3A_87, %dma_start3A] : memref<10240x128xf32, #tpu.memory_space<vmem_shared>> -> memref<32x128xf32, #tpu.memory_space<vmem_shared>>
      %dma_start3A_91 = arith.constant 0 : i32
      %dma_start3A_92 = tpu.memref_slice %arg9[%add3A_87, %dma_start3A_91] : memref<10240x128xf32, #tpu.memory_space<vmem_shared>> -> memref<32x128xf32, #tpu.memory_space<vmem_shared>>
      tpu.enqueue_dma source(%dma_start3A_92 : memref<32x128xf32, #tpu.memory_space<vmem_shared>>) target(%arg13 : memref<32x128xf32, #tpu.memory_space<vmem>>) target_semaphore(%run_scoped3A : memref<!tpu.dma_semaphore, #tpu.memory_space<semaphore_mem>>)
      %dma_wait3A = arith.constant 0 : i32
      %dma_wait3A_93 = tpu.memref_slice %arg9[%add3A_87, %dma_wait3A] : memref<10240x128xf32, #tpu.memory_space<vmem_shared>> -> memref<32x128xf32, #tpu.memory_space<vmem_shared>>
      %dma_wait3A_94 = arith.constant 0 : i32
      %dma_wait3A_95 = tpu.memref_slice %arg9[%add3A_87, %dma_wait3A_94] : memref<10240x128xf32, #tpu.memory_space<vmem_shared>> -> memref<32x128xf32, #tpu.memory_space<vmem_shared>>
      tpu.wait_dma2 semaphore(%run_scoped3A : memref<!tpu.dma_semaphore, #tpu.memory_space<semaphore_mem>>) src(%dma_wait3A_95 : memref<32x128xf32, #tpu.memory_space<vmem_shared>>) dst(%arg13 : memref<32x128xf32, #tpu.memory_space<vmem>>)
      tpu.yield
    }) : () -> ()
    "tpu.region"() ({
      %run_scoped3A = tpu.sem_alloc : memref<!tpu.dma_semaphore, #tpu.memory_space<semaphore_mem>>
      %dma_start3A = arith.constant 0 : i32
      %dma_start3A_90 = tpu.memref_slice %arg8[%arg0, %add3A_87, %dma_start3A] : memref<2x10240x128xf32, #tpu.memory_space<hbm>> -> memref<1x32x128xf32, #tpu.memory_space<hbm>>
      %dma_start3A_91 = tpu.memref_squeeze %dma_start3A_90 : memref<1x32x128xf32, #tpu.memory_space<hbm>> -> memref<32x128xf32, #tpu.memory_space<hbm>>
      %dma_start3A_92 = arith.constant 0 : i32
      %dma_start3A_93 = tpu.memref_slice %arg8[%arg0, %add3A_87, %dma_start3A_92] : memref<2x10240x128xf32, #tpu.memory_space<hbm>> -> memref<1x32x128xf32, #tpu.memory_space<hbm>>
      %dma_start3A_94 = tpu.memref_squeeze %dma_start3A_93 : memref<1x32x128xf32, #tpu.memory_space<hbm>> -> memref<32x128xf32, #tpu.memory_space<hbm>>
      tpu.enqueue_dma source(%arg13 : memref<32x128xf32, #tpu.memory_space<vmem>>) target(%dma_start3A_94 : memref<32x128xf32, #tpu.memory_space<hbm>>) target_semaphore(%run_scoped3A : memref<!tpu.dma_semaphore, #tpu.memory_space<semaphore_mem>>)
      %dma_wait3A = arith.constant 0 : i32
      %dma_wait3A_95 = tpu.memref_slice %arg8[%arg0, %add3A_87, %dma_wait3A] : memref<2x10240x128xf32, #tpu.memory_space<hbm>> -> memref<1x32x128xf32, #tpu.memory_space<hbm>>
      %dma_wait3A_96 = tpu.memref_squeeze %dma_wait3A_95 : memref<1x32x128xf32, #tpu.memory_space<hbm>> -> memref<32x128xf32, #tpu.memory_space<hbm>>
      %dma_wait3A_97 = arith.constant 0 : i32
      %dma_wait3A_98 = tpu.memref_slice %arg8[%arg0, %add3A_87, %dma_wait3A_97] : memref<2x10240x128xf32, #tpu.memory_space<hbm>> -> memref<1x32x128xf32, #tpu.memory_space<hbm>>
      %dma_wait3A_99 = tpu.memref_squeeze %dma_wait3A_98 : memref<1x32x128xf32, #tpu.memory_space<hbm>> -> memref<32x128xf32, #tpu.memory_space<hbm>>
      tpu.wait_dma2 semaphore(%run_scoped3A : memref<!tpu.dma_semaphore, #tpu.memory_space<semaphore_mem>>) src(%arg13 : memref<32x128xf32, #tpu.memory_space<vmem>>) dst(%dma_wait3A_99 : memref<32x128xf32, #tpu.memory_space<hbm>>)
      tpu.yield
    }) : () -> ()
    %add3A_88 = arith.constant 608 : i32
    %add3A_89 = arith.addi %mul3A_0, %add3A_88 : i32
    "tpu.region"() ({
      %run_scoped3A = tpu.sem_alloc : memref<!tpu.dma_semaphore, #tpu.memory_space<semaphore_mem>>
      %dma_start3A = arith.constant 0 : i32
      %dma_start3A_90 = tpu.memref_slice %arg9[%add3A_89, %dma_start3A] : memref<10240x128xf32, #tpu.memory_space<vmem_shared>> -> memref<32x128xf32, #tpu.memory_space<vmem_shared>>
      %dma_start3A_91 = arith.constant 0 : i32
      %dma_start3A_92 = tpu.memref_slice %arg9[%add3A_89, %dma_start3A_91] : memref<10240x128xf32, #tpu.memory_space<vmem_shared>> -> memref<32x128xf32, #tpu.memory_space<vmem_shared>>
      tpu.enqueue_dma source(%dma_start3A_92 : memref<32x128xf32, #tpu.memory_space<vmem_shared>>) target(%arg13 : memref<32x128xf32, #tpu.memory_space<vmem>>) target_semaphore(%run_scoped3A : memref<!tpu.dma_semaphore, #tpu.memory_space<semaphore_mem>>)
      %dma_wait3A = arith.constant 0 : i32
      %dma_wait3A_93 = tpu.memref_slice %arg9[%add3A_89, %dma_wait3A] : memref<10240x128xf32, #tpu.memory_space<vmem_shared>> -> memref<32x128xf32, #tpu.memory_space<vmem_shared>>
      %dma_wait3A_94 = arith.constant 0 : i32
      %dma_wait3A_95 = tpu.memref_slice %arg9[%add3A_89, %dma_wait3A_94] : memref<10240x128xf32, #tpu.memory_space<vmem_shared>> -> memref<32x128xf32, #tpu.memory_space<vmem_shared>>
      tpu.wait_dma2 semaphore(%run_scoped3A : memref<!tpu.dma_semaphore, #tpu.memory_space<semaphore_mem>>) src(%dma_wait3A_95 : memref<32x128xf32, #tpu.memory_space<vmem_shared>>) dst(%arg13 : memref<32x128xf32, #tpu.memory_space<vmem>>)
      tpu.yield
    }) : () -> ()
    "tpu.region"() ({
      %run_scoped3A = tpu.sem_alloc : memref<!tpu.dma_semaphore, #tpu.memory_space<semaphore_mem>>
      %dma_start3A = arith.constant 0 : i32
      %dma_start3A_90 = tpu.memref_slice %arg8[%arg0, %add3A_89, %dma_start3A] : memref<2x10240x128xf32, #tpu.memory_space<hbm>> -> memref<1x32x128xf32, #tpu.memory_space<hbm>>
      %dma_start3A_91 = tpu.memref_squeeze %dma_start3A_90 : memref<1x32x128xf32, #tpu.memory_space<hbm>> -> memref<32x128xf32, #tpu.memory_space<hbm>>
      %dma_start3A_92 = arith.constant 0 : i32
      %dma_start3A_93 = tpu.memref_slice %arg8[%arg0, %add3A_89, %dma_start3A_92] : memref<2x10240x128xf32, #tpu.memory_space<hbm>> -> memref<1x32x128xf32, #tpu.memory_space<hbm>>
      %dma_start3A_94 = tpu.memref_squeeze %dma_start3A_93 : memref<1x32x128xf32, #tpu.memory_space<hbm>> -> memref<32x128xf32, #tpu.memory_space<hbm>>
      tpu.enqueue_dma source(%arg13 : memref<32x128xf32, #tpu.memory_space<vmem>>) target(%dma_start3A_94 : memref<32x128xf32, #tpu.memory_space<hbm>>) target_semaphore(%run_scoped3A : memref<!tpu.dma_semaphore, #tpu.memory_space<semaphore_mem>>)
      %dma_wait3A = arith.constant 0 : i32
      %dma_wait3A_95 = tpu.memref_slice %arg8[%arg0, %add3A_89, %dma_wait3A] : memref<2x10240x128xf32, #tpu.memory_space<hbm>> -> memref<1x32x128xf32, #tpu.memory_space<hbm>>
      %dma_wait3A_96 = tpu.memref_squeeze %dma_wait3A_95 : memref<1x32x128xf32, #tpu.memory_space<hbm>> -> memref<32x128xf32, #tpu.memory_space<hbm>>
      %dma_wait3A_97 = arith.constant 0 : i32
      %dma_wait3A_98 = tpu.memref_slice %arg8[%arg0, %add3A_89, %dma_wait3A_97] : memref<2x10240x128xf32, #tpu.memory_space<hbm>> -> memref<1x32x128xf32, #tpu.memory_space<hbm>>
      %dma_wait3A_99 = tpu.memref_squeeze %dma_wait3A_98 : memref<1x32x128xf32, #tpu.memory_space<hbm>> -> memref<32x128xf32, #tpu.memory_space<hbm>>
      tpu.wait_dma2 semaphore(%run_scoped3A : memref<!tpu.dma_semaphore, #tpu.memory_space<semaphore_mem>>) src(%arg13 : memref<32x128xf32, #tpu.memory_space<vmem>>) dst(%dma_wait3A_99 : memref<32x128xf32, #tpu.memory_space<hbm>>)
      tpu.yield
    }) : () -> ()
    return
  }
}

module attributes {stable_mosaic.version = 14 : i64} {
  func.func @_lin2_body(%arg0: i32, %arg1: memref<1024x128xf32, #tpu.memory_space<vmem>>, %arg2: memref<128x128xf32, #tpu.memory_space<vmem>>, %arg3: memref<128x128xf32, #tpu.memory_space<vmem>>, %arg4: memref<128xf32, #tpu.memory_space<vmem>>, %arg5: memref<1024x128xf32, #tpu.memory_space<vmem>>, %arg6: memref<1024x128xf32, #tpu.memory_space<vmem>>) attributes {dimension_semantics = [#tpu.dimension_semantics<arbitrary>], iteration_bounds = array<i64: 10>, scalar_prefetch = 0 : i64, scratch_operands = 0 : i64, tpu.core_type = #tpu.core_type<tc>, window_params = [{transform_indices = @transform_0, window_bounds = array<i64: 1024, 128>}, {pipeline_mode = #tpu.pipeline_mode<synchronous>, transform_indices = @transform_1, window_bounds = array<i64: 128, 128>}, {pipeline_mode = #tpu.pipeline_mode<synchronous>, transform_indices = @transform_2, window_bounds = array<i64: 128, 128>}, {pipeline_mode = #tpu.pipeline_mode<synchronous>, transform_indices = @transform_3, window_bounds = array<i64: 128>}, {transform_indices = @transform_4, window_bounds = array<i64: 1024, 128>}, {transform_indices = @transform_5, window_bounds = array<i64: 1024, 128>}]} {
    %get3A = arith.constant 0 : index
    %get3A_0 = arith.constant 0 : index
    %get3A_1 = vector.load %arg1[%get3A, %get3A_0] : memref<1024x128xf32, #tpu.memory_space<vmem>>, vector<1024x128xf32>
    %get3A_2 = arith.constant 0 : index
    %get3A_3 = arith.constant 0 : index
    %get3A_4 = vector.load %arg2[%get3A_2, %get3A_3] : memref<128x128xf32, #tpu.memory_space<vmem>>, vector<128x128xf32>
    %dot_general3A = arith.constant dense<0.000000e+00> : vector<1024x128xf32>
    %dot_general3A_5 = tpu.matmul %get3A_1, %get3A_4, %dot_general3A {dimension_numbers = #tpu.dot_dimension_numbers<[1], [1], [0], [0], [0, 0, 1, 0], [], []>, transpose_lhs_hint = false} : vector<1024x128xf32>, vector<128x128xf32>, vector<1024x128xf32> -> vector<1024x128xf32>
    %swap3A = arith.constant 0 : index
    %swap3A_6 = arith.constant 0 : index
    %swap3A_7 = vector.load %arg5[%swap3A, %swap3A_6] : memref<1024x128xf32, #tpu.memory_space<vmem>>, vector<1024x128xf32>
    tpu.vector_store %arg5[%swap3A, %swap3A_6], %dot_general3A_5 {strides = array<i32>} : memref<1024x128xf32, #tpu.memory_space<vmem>>, vector<1024x128xf32>,
    %get3A_8 = arith.constant 0 : index
    %get3A_9 = arith.constant 0 : index
    %get3A_10 = vector.load %arg3[%get3A_8, %get3A_9] : memref<128x128xf32, #tpu.memory_space<vmem>>, vector<128x128xf32>
    %dot_general3A_11 = arith.constant dense<0.000000e+00> : vector<1024x128xf32>
    %dot_general3A_12 = tpu.matmul %get3A_1, %get3A_10, %dot_general3A_11 {dimension_numbers = #tpu.dot_dimension_numbers<[1], [1], [0], [0], [0, 0, 1, 0], [], []>, transpose_lhs_hint = false} : vector<1024x128xf32>, vector<128x128xf32>, vector<1024x128xf32> -> vector<1024x128xf32>
    %get3A_13 = arith.constant 0 : index
    %get3A_14 = vector.load %arg4[%get3A_13] : memref<128xf32, #tpu.memory_space<vmem>>, vector<128xf32>
    %broadcast_in_dim3A = vector.shape_cast %get3A_14 : vector<128xf32> to vector<1x128xf32>
    %add3A = vector.broadcast %broadcast_in_dim3A : vector<1x128xf32> to vector<1024x128xf32>
    %add3A_15 = arith.addf %dot_general3A_12, %add3A : vector<1024x128xf32>
    %swap3A_16 = arith.constant 0 : index
    %swap3A_17 = arith.constant 0 : index
    %swap3A_18 = vector.load %arg6[%swap3A_16, %swap3A_17] : memref<1024x128xf32, #tpu.memory_space<vmem>>, vector<1024x128xf32>
    tpu.vector_store %arg6[%swap3A_16, %swap3A_17], %add3A_15 {strides = array<i32>} : memref<1024x128xf32, #tpu.memory_space<vmem>>, vector<1024x128xf32>,
    return
  }
  func.func @transform_0(%arg0: i32) -> (i32, i32) {
    %c0_i32 = arith.constant 0 : i32
    %c0_i32_0 = arith.constant 0 : i32
    return %arg0, %c0_i32 : i32, i32
  }
  func.func @transform_1(%arg0: i32) -> (i32, i32) {
    %c0_i32 = arith.constant 0 : i32
    %c0_i32_0 = arith.constant 0 : i32
    %c0_i32_1 = arith.constant 0 : i32
    return %c0_i32, %c0_i32_0 : i32, i32
  }
  func.func @transform_2(%arg0: i32) -> (i32, i32) {
    %c0_i32 = arith.constant 0 : i32
    %c0_i32_0 = arith.constant 0 : i32
    %c0_i32_1 = arith.constant 0 : i32
    return %c0_i32, %c0_i32_0 : i32, i32
  }
  func.func @transform_3(%arg0: i32) -> i32 {
    %c0_i32 = arith.constant 0 : i32
    %c0_i32_0 = arith.constant 0 : i32
    return %c0_i32 : i32
  }
  func.func @transform_4(%arg0: i32) -> (i32, i32) {
    %c0_i32 = arith.constant 0 : i32
    %c0_i32_0 = arith.constant 0 : i32
    return %arg0, %c0_i32 : i32, i32
  }
  func.func @transform_5(%arg0: i32) -> (i32, i32) {
    %c0_i32 = arith.constant 0 : i32
    %c0_i32_0 = arith.constant 0 : i32
    return %arg0, %c0_i32 : i32, i32
  }
}

module attributes {stable_mosaic.version = 14 : i64} {
  func.func @_final_body(%arg0: i32, %arg1: memref<1024x128xf32, #tpu.memory_space<vmem>>, %arg2: memref<2x1024x128xf32, #tpu.memory_space<vmem>>, %arg3: memref<2x1024xf32, #tpu.memory_space<vmem>>, %arg4: memref<2x128xf32, #tpu.memory_space<vmem>>, %arg5: memref<128xf32, #tpu.memory_space<vmem>>, %arg6: memref<128xf32, #tpu.memory_space<vmem>>, %arg7: memref<64x128xf32, #tpu.memory_space<vmem>>, %arg8: memref<64x128xf32, #tpu.memory_space<vmem>>, %arg9: memref<64xf32, #tpu.memory_space<vmem>>, %arg10: memref<1024x64xf32, #tpu.memory_space<vmem>>) attributes {dimension_semantics = [#tpu.dimension_semantics<arbitrary>], iteration_bounds = array<i64: 10>, scalar_prefetch = 0 : i64, scratch_operands = 0 : i64, tpu.core_type = #tpu.core_type<tc>, window_params = [{transform_indices = @transform_0, window_bounds = array<i64: 1024, 128>}, {transform_indices = @transform_1, window_bounds = array<i64: 2, 1024, 128>}, {transform_indices = @transform_2, window_bounds = array<i64: 2, 1024>}, {pipeline_mode = #tpu.pipeline_mode<synchronous>, transform_indices = @transform_3, window_bounds = array<i64: 2, 128>}, {pipeline_mode = #tpu.pipeline_mode<synchronous>, transform_indices = @transform_4, window_bounds = array<i64: 128>}, {pipeline_mode = #tpu.pipeline_mode<synchronous>, transform_indices = @transform_5, window_bounds = array<i64: 128>}, {pipeline_mode = #tpu.pipeline_mode<synchronous>, transform_indices = @transform_6, window_bounds = array<i64: 64, 128>}, {pipeline_mode = #tpu.pipeline_mode<synchronous>, transform_indices = @transform_7, window_bounds = array<i64: 64, 128>}, {pipeline_mode = #tpu.pipeline_mode<synchronous>, transform_indices = @transform_8, window_bounds = array<i64: 64>}, {transform_indices = @transform_9, window_bounds = array<i64: 1024, 64>}]} {
    %get3A = arith.constant 0 : index
    %get3A_0 = arith.constant 0 : index
    %get3A_1 = vector.load %arg4[%get3A, %get3A_0] : memref<2x128xf32, #tpu.memory_space<vmem>>, vector<1x128xf32>
    %get3A_2 = vector.shape_cast %get3A_1 : vector<1x128xf32> to vector<128xf32>
    %mul3A = arith.constant 9.99999974E-5 : f32
    %mul3A_3 = vector.broadcast %mul3A : f32 to vector<128xf32>
    %mul3A_4 = arith.mulf %get3A_2, %mul3A_3 : vector<128xf32>
    %get3A_5 = arith.constant 1 : index
    %get3A_6 = arith.constant 0 : index
    %get3A_7 = vector.load %arg4[%get3A_5, %get3A_6] : memref<2x128xf32, #tpu.memory_space<vmem>>, vector<1x128xf32>
    %get3A_8 = vector.shape_cast %get3A_7 : vector<1x128xf32> to vector<128xf32>
    %mul3A_9 = arith.constant 9.99999974E-5 : f32
    %mul3A_10 = vector.broadcast %mul3A_9 : f32 to vector<128xf32>
    %mul3A_11 = arith.mulf %get3A_8, %mul3A_10 : vector<128xf32>
    %mul3A_12 = arith.mulf %mul3A_4, %mul3A_4 : vector<128xf32>
    %sub3A = arith.subf %mul3A_11, %mul3A_12 : vector<128xf32>
    %get3A_13 = arith.constant 0 : index
    %get3A_14 = vector.load %arg5[%get3A_13] : memref<128xf32, #tpu.memory_space<vmem>>, vector<128xf32>
    %add3A = arith.constant 9.99999974E-6 : f32
    %add3A_15 = vector.broadcast %add3A : f32 to vector<128xf32>
    %add3A_16 = arith.addf %sub3A, %add3A_15 : vector<128xf32>
    %rsqrt3A = math.rsqrt %add3A_16 : vector<128xf32>
    %mul3A_17 = arith.mulf %get3A_14, %rsqrt3A : vector<128xf32>
    %get3A_18 = arith.constant 0 : index
    %get3A_19 = vector.load %arg6[%get3A_18] : memref<128xf32, #tpu.memory_space<vmem>>, vector<128xf32>
    %mul3A_20 = arith.mulf %mul3A_4, %mul3A_17 : vector<128xf32>
    %sub3A_21 = arith.subf %get3A_19, %mul3A_20 : vector<128xf32>
    %get3A_22 = arith.constant 0 : index
    %get3A_23 = arith.constant 0 : index
    %get3A_24 = vector.load %arg3[%get3A_22, %get3A_23] : memref<2x1024xf32, #tpu.memory_space<vmem>>, vector<2x1024xf32>
    %reduce_sum3A = arith.constant dense<0.000000e+00> : vector<1024xf32>
    %reduce_sum3A_25 = vector.multi_reduction <add>, %get3A_24, %reduce_sum3A [0] : vector<2x1024xf32> to vector<1024xf32>
    %max3A = arith.constant 1.000000e+00 : f32
    %max3A_26 = vector.broadcast %max3A : f32 to vector<1024xf32>
    %max3A_27 = arith.maximumf %reduce_sum3A_25, %max3A_26 : vector<1024xf32>
    %get3A_28 = arith.constant 0 : index
    %get3A_29 = arith.constant 0 : index
    %get3A_30 = arith.constant 0 : index
    %get3A_31 = vector.load %arg2[%get3A_28, %get3A_29, %get3A_30] : memref<2x1024x128xf32, #tpu.memory_space<vmem>>, vector<2x1024x128xf32>
    %reduce_sum3A_32 = arith.constant dense<0.000000e+00> : vector<1024x128xf32>
    %reduce_sum3A_33 = vector.multi_reduction <add>, %get3A_31, %reduce_sum3A_32 [0] : vector<2x1024x128xf32> to vector<1024x128xf32>
    %broadcast_in_dim3A = vector.shape_cast %max3A_27 : vector<1024xf32> to vector<1024x1xf32>
    %div3A = vector.broadcast %broadcast_in_dim3A : vector<1024x1xf32> to vector<1024x128xf32>
    %div3A_34 = arith.divf %reduce_sum3A_33, %div3A : vector<1024x128xf32>
    %broadcast_in_dim3A_35 = vector.shape_cast %mul3A_17 : vector<128xf32> to vector<1x128xf32>
    %mul3A_36 = vector.broadcast %broadcast_in_dim3A_35 : vector<1x128xf32> to vector<1024x128xf32>
    %mul3A_37 = arith.mulf %div3A_34, %mul3A_36 : vector<1024x128xf32>
    %broadcast_in_dim3A_38 = vector.shape_cast %sub3A_21 : vector<128xf32> to vector<1x128xf32>
    %add3A_39 = vector.broadcast %broadcast_in_dim3A_38 : vector<1x128xf32> to vector<1024x128xf32>
    %add3A_40 = arith.addf %mul3A_37, %add3A_39 : vector<1024x128xf32>
    %get3A_41 = arith.constant 0 : index
    %get3A_42 = arith.constant 0 : index
    %get3A_43 = vector.load %arg1[%get3A_41, %get3A_42] : memref<1024x128xf32, #tpu.memory_space<vmem>>, vector<1024x128xf32>
    %broadcast_in_dim3A_44 = vector.shape_cast %mul3A_17 : vector<128xf32> to vector<1x128xf32>
    %mul3A_45 = vector.broadcast %broadcast_in_dim3A_44 : vector<1x128xf32> to vector<1024x128xf32>
    %mul3A_46 = arith.mulf %get3A_43, %mul3A_45 : vector<1024x128xf32>
    %broadcast_in_dim3A_47 = vector.shape_cast %sub3A_21 : vector<128xf32> to vector<1x128xf32>
    %add3A_48 = vector.broadcast %broadcast_in_dim3A_47 : vector<1x128xf32> to vector<1024x128xf32>
    %add3A_49 = arith.addf %mul3A_46, %add3A_48 : vector<1024x128xf32>
    %get3A_50 = arith.constant 0 : index
    %get3A_51 = arith.constant 0 : index
    %get3A_52 = vector.load %arg7[%get3A_50, %get3A_51] : memref<64x128xf32, #tpu.memory_space<vmem>>, vector<64x128xf32>
    %dot_general3A = arith.constant dense<0.000000e+00> : vector<1024x64xf32>
    %dot_general3A_53 = tpu.matmul %add3A_40, %get3A_52, %dot_general3A {dimension_numbers = #tpu.dot_dimension_numbers<[1], [1], [0], [0], [0, 0, 1, 0], [], []>, transpose_lhs_hint = false} : vector<1024x128xf32>, vector<64x128xf32>, vector<1024x64xf32> -> vector<1024x64xf32>
    %get3A_54 = arith.constant 0 : index
    %get3A_55 = arith.constant 0 : index
    %get3A_56 = vector.load %arg8[%get3A_54, %get3A_55] : memref<64x128xf32, #tpu.memory_space<vmem>>, vector<64x128xf32>
    %dot_general3A_57 = arith.constant dense<0.000000e+00> : vector<1024x64xf32>
    %dot_general3A_58 = tpu.matmul %add3A_49, %get3A_56, %dot_general3A_57 {dimension_numbers = #tpu.dot_dimension_numbers<[1], [1], [0], [0], [0, 0, 1, 0], [], []>, transpose_lhs_hint = false} : vector<1024x128xf32>, vector<64x128xf32>, vector<1024x64xf32> -> vector<1024x64xf32>
    %add3A_59 = arith.addf %dot_general3A_53, %dot_general3A_58 : vector<1024x64xf32>
    %get3A_60 = arith.constant 0 : index
    %get3A_61 = vector.load %arg9[%get3A_60] : memref<64xf32, #tpu.memory_space<vmem>>, vector<64xf32>
    %broadcast_in_dim3A_62 = vector.shape_cast %get3A_61 : vector<64xf32> to vector<1x64xf32>
    %add3A_63 = vector.broadcast %broadcast_in_dim3A_62 : vector<1x64xf32> to vector<1024x64xf32>
    %add3A_64 = arith.addf %add3A_59, %add3A_63 : vector<1024x64xf32>
    %reduce_max3A = arith.constant dense<0xFF800000> : vector<1024xf32>
    %reduce_max3A_65 = vector.multi_reduction <maximumf>, %add3A_64, %reduce_max3A [1] : vector<1024x64xf32> to vector<1024xf32>
    %broadcast_in_dim3A_66 = vector.shape_cast %reduce_max3A_65 : vector<1024xf32> to vector<1024x1xf32>
    %sub3A_67 = vector.broadcast %broadcast_in_dim3A_66 : vector<1024x1xf32> to vector<1024x64xf32>
    %sub3A_68 = arith.subf %add3A_64, %sub3A_67 : vector<1024x64xf32>
    %exp3A = math.exp %sub3A_68 : vector<1024x64xf32>
    %reduce_sum3A_69 = arith.constant dense<0.000000e+00> : vector<1024xf32>
    %reduce_sum3A_70 = vector.multi_reduction <add>, %exp3A, %reduce_sum3A_69 [1] : vector<1024x64xf32> to vector<1024xf32>
    %broadcast_in_dim3A_71 = vector.shape_cast %reduce_sum3A_70 : vector<1024xf32> to vector<1024x1xf32>
    %log3A = math.log %broadcast_in_dim3A_71 : vector<1024x1xf32>
    %sub3A_72 = vector.broadcast %broadcast_in_dim3A_66 : vector<1024x1xf32> to vector<1024x64xf32>
    %sub3A_73 = arith.subf %add3A_64, %sub3A_72 : vector<1024x64xf32>
    %sub3A_74 = vector.broadcast %log3A : vector<1024x1xf32> to vector<1024x64xf32>
    %sub3A_75 = arith.subf %sub3A_73, %sub3A_74 : vector<1024x64xf32>
    %swap3A = arith.constant 0 : index
    %swap3A_76 = arith.constant 0 : index
    %swap3A_77 = vector.load %arg10[%swap3A, %swap3A_76] : memref<1024x64xf32, #tpu.memory_space<vmem>>, vector<1024x64xf32>
    tpu.vector_store %arg10[%swap3A, %swap3A_76], %sub3A_75 {strides = array<i32>} : memref<1024x64xf32, #tpu.memory_space<vmem>>, vector<1024x64xf32>,
    return
  }
  func.func @transform_0(%arg0: i32) -> (i32, i32) {
    %c0_i32 = arith.constant 0 : i32
    %c0_i32_0 = arith.constant 0 : i32
    return %arg0, %c0_i32 : i32, i32
  }
  func.func @transform_1(%arg0: i32) -> (i32, i32, i32) {
    %c0_i32 = arith.constant 0 : i32
    %c0_i32_0 = arith.constant 0 : i32
    %c0_i32_1 = arith.constant 0 : i32
    return %c0_i32, %arg0, %c0_i32_0 : i32, i32, i32
  }
  func.func @transform_2(%arg0: i32) -> (i32, i32) {
    %c0_i32 = arith.constant 0 : i32
    %c0_i32_0 = arith.constant 0 : i32
    return %c0_i32, %arg0 : i32, i32
  }
  func.func @transform_3(%arg0: i32) -> (i32, i32) {
    %c0_i32 = arith.constant 0 : i32
    %c0_i32_0 = arith.constant 0 : i32
    %c0_i32_1 = arith.constant 0 : i32
    return %c0_i32, %c0_i32_0 : i32, i32
  }
  func.func @transform_4(%arg0: i32) -> i32 {
    %c0_i32 = arith.constant 0 : i32
    %c0_i32_0 = arith.constant 0 : i32
    return %c0_i32 : i32
  }
  func.func @transform_5(%arg0: i32) -> i32 {
    %c0_i32 = arith.constant 0 : i32
    %c0_i32_0 = arith.constant 0 : i32
    return %c0_i32 : i32
  }
  func.func @transform_6(%arg0: i32) -> (i32, i32) {
    %c0_i32 = arith.constant 0 : i32
    %c0_i32_0 = arith.constant 0 : i32
    %c0_i32_1 = arith.constant 0 : i32
    return %c0_i32, %c0_i32_0 : i32, i32
  }
  func.func @transform_7(%arg0: i32) -> (i32, i32) {
    %c0_i32 = arith.constant 0 : i32
    %c0_i32_0 = arith.constant 0 : i32
    %c0_i32_1 = arith.constant 0 : i32
    return %c0_i32, %c0_i32_0 : i32, i32
  }
  func.func @transform_8(%arg0: i32) -> i32 {
    %c0_i32 = arith.constant 0 : i32
    %c0_i32_0 = arith.constant 0 : i32
    return %c0_i32 : i32
  }
  func.func @transform_9(%arg0: i32) -> (i32, i32) {
    %c0_i32 = arith.constant 0 : i32
    %c0_i32_0 = arith.constant 0 : i32
    return %arg0, %c0_i32 : i32, i32
  }
}

module attributes {stable_mosaic.version = 14 : i64} {
  func.func @_relu_stats_body(%arg0: i32, %arg1: memref<2x1024x128xf32, #tpu.memory_space<vmem>>, %arg2: memref<2x1024xf32, #tpu.memory_space<vmem>>, %arg3: memref<1024x128xf32, #tpu.memory_space<vmem>>, %arg4: memref<1024x128xf32, #tpu.memory_space<vmem>>, %arg5: memref<2x128xf32, #tpu.memory_space<vmem>>) attributes {dimension_semantics = [#tpu.dimension_semantics<arbitrary>], iteration_bounds = array<i64: 10>, scalar_prefetch = 0 : i64, scratch_operands = 0 : i64, tpu.core_type = #tpu.core_type<tc>, window_params = [{transform_indices = @transform_0, window_bounds = array<i64: 2, 1024, 128>}, {transform_indices = @transform_1, window_bounds = array<i64: 2, 1024>}, {transform_indices = @transform_2, window_bounds = array<i64: 1024, 128>}, {transform_indices = @transform_3, window_bounds = array<i64: 1024, 128>}, {pipeline_mode = #tpu.pipeline_mode<synchronous>, transform_indices = @transform_4, window_bounds = array<i64: 2, 128>}]} {
    %get3A = arith.constant 0 : index
    %get3A_0 = arith.constant 0 : index
    %get3A_1 = vector.load %arg2[%get3A, %get3A_0] : memref<2x1024xf32, #tpu.memory_space<vmem>>, vector<2x1024xf32>
    %reduce_sum3A = arith.constant dense<0.000000e+00> : vector<1024xf32>
    %reduce_sum3A_2 = vector.multi_reduction <add>, %get3A_1, %reduce_sum3A [0] : vector<2x1024xf32> to vector<1024xf32>
    %max3A = arith.constant 1.000000e+00 : f32
    %max3A_3 = vector.broadcast %max3A : f32 to vector<1024xf32>
    %max3A_4 = arith.maximumf %reduce_sum3A_2, %max3A_3 : vector<1024xf32>
    %get3A_5 = arith.constant 0 : index
    %get3A_6 = arith.constant 0 : index
    %get3A_7 = arith.constant 0 : index
    %get3A_8 = vector.load %arg1[%get3A_5, %get3A_6, %get3A_7] : memref<2x1024x128xf32, #tpu.memory_space<vmem>>, vector<2x1024x128xf32>
    %reduce_sum3A_9 = arith.constant dense<0.000000e+00> : vector<1024x128xf32>
    %reduce_sum3A_10 = vector.multi_reduction <add>, %get3A_8, %reduce_sum3A_9 [0] : vector<2x1024x128xf32> to vector<1024x128xf32>
    %broadcast_in_dim3A = vector.shape_cast %max3A_4 : vector<1024xf32> to vector<1024x1xf32>
    %div3A = vector.broadcast %broadcast_in_dim3A : vector<1024x1xf32> to vector<1024x128xf32>
    %div3A_11 = arith.divf %reduce_sum3A_10, %div3A : vector<1024x128xf32>
    %get3A_12 = arith.constant 0 : index
    %get3A_13 = arith.constant 0 : index
    %get3A_14 = vector.load %arg3[%get3A_12, %get3A_13] : memref<1024x128xf32, #tpu.memory_space<vmem>>, vector<1024x128xf32>
    %add3A = arith.addf %div3A_11, %get3A_14 : vector<1024x128xf32>
    %max3A_15 = arith.constant 0.000000e+00 : f32
    %max3A_16 = vector.broadcast %max3A_15 : f32 to vector<1024x128xf32>
    %max3A_17 = arith.maximumf %add3A, %max3A_16 : vector<1024x128xf32>
    %swap3A = arith.constant 0 : index
    %swap3A_18 = arith.constant 0 : index
    %swap3A_19 = vector.load %arg4[%swap3A, %swap3A_18] : memref<1024x128xf32, #tpu.memory_space<vmem>>, vector<1024x128xf32>
    tpu.vector_store %arg4[%swap3A, %swap3A_18], %max3A_17 {strides = array<i32>} : memref<1024x128xf32, #tpu.memory_space<vmem>>, vector<1024x128xf32>,
    %eq3A = arith.constant 0 : i32
    %eq3A_20 = arith.cmpi eq, %arg0, %eq3A : i32
    %convert_element_type3A = arith.extui %eq3A_20 : i1 to i32
    %cond3A = arith.constant 0 : i32
    %cond3A_21 = arith.cmpi ne, %convert_element_type3A, %cond3A : i32
    scf.if %cond3A_21 {
      %broadcast_in_dim3A_55 = arith.constant 0.000000e+00 : f32
      %broadcast_in_dim3A_56 = vector.broadcast %broadcast_in_dim3A_55 : f32 to vector<2x128xf32>
      %swap3A_57 = arith.constant 0 : index
      %swap3A_58 = arith.constant 0 : index
      %swap3A_59 = vector.load %arg5[%swap3A_57, %swap3A_58] : memref<2x128xf32, #tpu.memory_space<vmem>>, vector<2x128xf32>
      tpu.vector_store %arg5[%swap3A_57, %swap3A_58], %broadcast_in_dim3A_56 {strides = array<i32>} : memref<2x128xf32, #tpu.memory_space<vmem>>, vector<2x128xf32>,
    } else {
    }
    %mul3A = arith.constant 1024 : i32
    %mul3A_22 = arith.muli %arg0, %mul3A : i32
    %iota3A = tpu.iota {dimensions = array<i32: 0>} : vector<1024x1xi32>
    %add3A_23 = vector.broadcast %mul3A_22 : i32 to vector<1024x1xi32>
    %add3A_24 = arith.addi %add3A_23, %iota3A : vector<1024x1xi32>
    %lt3A = arith.constant 10000 : i32
    %lt3A_25 = vector.broadcast %lt3A : i32 to vector<1024x1xi32>
    %lt3A_26 = arith.cmpi slt, %add3A_24, %lt3A_25 : vector<1024x1xi32>
    %jit3A = arith.constant 0.000000e+00 : f32
    %broadcast_in_dim3A_27 = vector.shape_cast %lt3A_26 : vector<1024x1xi1> to vector<1024x1xi1>
    %broadcast_in_dim3A_28 = vector.broadcast %broadcast_in_dim3A_27 : vector<1024x1xi1> to vector<1024x128xi1>
    %broadcast_in_dim3A_29 = vector.broadcast %jit3A : f32 to vector<1024x128xf32>
    %select_n3A = arith.select %broadcast_in_dim3A_28, %max3A_17, %broadcast_in_dim3A_29 : vector<1024x128xi1>, vector<1024x128xf32>
    %get3A_30 = arith.constant 0 : index
    %get3A_31 = arith.constant 0 : index
    %get3A_32 = vector.load %arg5[%get3A_30, %get3A_31] : memref<2x128xf32, #tpu.memory_space<vmem>>, vector<1x128xf32>
    %get3A_33 = vector.shape_cast %get3A_32 : vector<1x128xf32> to vector<128xf32>
    %reduce_sum3A_34 = arith.constant dense<0.000000e+00> : vector<128xf32>
    %reduce_sum3A_35 = vector.multi_reduction <add>, %select_n3A, %reduce_sum3A_34 [0] : vector<1024x128xf32> to vector<128xf32>
    %add3A_36 = arith.addf %get3A_33, %reduce_sum3A_35 : vector<128xf32>
    %swap3A_37 = arith.constant 0 : index
    %swap3A_38 = arith.constant 0 : index
    %swap3A_39 = vector.load %arg5[%swap3A_37, %swap3A_38] : memref<2x128xf32, #tpu.memory_space<vmem>>, vector<1x128xf32>
    %swap3A_40 = vector.shape_cast %swap3A_39 : vector<1x128xf32> to vector<128xf32>
    %swap3A_41 = vector.shape_cast %add3A_36 : vector<128xf32> to vector<1x128xf32>
    tpu.vector_store %arg5[%swap3A_37, %swap3A_38], %swap3A_41 {strides = array<i32>} : memref<2x128xf32, #tpu.memory_space<vmem>>, vector<1x128xf32>,
    %get3A_42 = arith.constant 1 : index
    %get3A_43 = arith.constant 0 : index
    %get3A_44 = vector.load %arg5[%get3A_42, %get3A_43] : memref<2x128xf32, #tpu.memory_space<vmem>>, vector<1x128xf32>
    %get3A_45 = vector.shape_cast %get3A_44 : vector<1x128xf32> to vector<128xf32>
    %mul3A_46 = arith.mulf %select_n3A, %select_n3A : vector<1024x128xf32>
    %reduce_sum3A_47 = arith.constant dense<0.000000e+00> : vector<128xf32>
    %reduce_sum3A_48 = vector.multi_reduction <add>, %mul3A_46, %reduce_sum3A_47 [0] : vector<1024x128xf32> to vector<128xf32>
    %add3A_49 = arith.addf %get3A_45, %reduce_sum3A_48 : vector<128xf32>
    %swap3A_50 = arith.constant 1 : index
    %swap3A_51 = arith.constant 0 : index
    %swap3A_52 = vector.load %arg5[%swap3A_50, %swap3A_51] : memref<2x128xf32, #tpu.memory_space<vmem>>, vector<1x128xf32>
    %swap3A_53 = vector.shape_cast %swap3A_52 : vector<1x128xf32> to vector<128xf32>
    %swap3A_54 = vector.shape_cast %add3A_49 : vector<128xf32> to vector<1x128xf32>
    tpu.vector_store %arg5[%swap3A_50, %swap3A_51], %swap3A_54 {strides = array<i32>} : memref<2x128xf32, #tpu.memory_space<vmem>>, vector<1x128xf32>,
    return
  }
  func.func @transform_0(%arg0: i32) -> (i32, i32, i32) {
    %c0_i32 = arith.constant 0 : i32
    %c0_i32_0 = arith.constant 0 : i32
    %c0_i32_1 = arith.constant 0 : i32
    return %c0_i32, %arg0, %c0_i32_0 : i32, i32, i32
  }
  func.func @transform_1(%arg0: i32) -> (i32, i32) {
    %c0_i32 = arith.constant 0 : i32
    %c0_i32_0 = arith.constant 0 : i32
    return %c0_i32, %arg0 : i32, i32
  }
  func.func @transform_2(%arg0: i32) -> (i32, i32) {
    %c0_i32 = arith.constant 0 : i32
    %c0_i32_0 = arith.constant 0 : i32
    return %arg0, %c0_i32 : i32, i32
  }
  func.func @transform_3(%arg0: i32) -> (i32, i32) {
    %c0_i32 = arith.constant 0 : i32
    %c0_i32_0 = arith.constant 0 : i32
    return %arg0, %c0_i32 : i32, i32
  }
  func.func @transform_4(%arg0: i32) -> (i32, i32) {
    %c0_i32 = arith.constant 0 : i32
    %c0_i32_0 = arith.constant 0 : i32
    %c0_i32_1 = arith.constant 0 : i32
    return %c0_i32, %c0_i32_0 : i32, i32
  }
}

</mosaic_0001>

<sc_bundles>
// kernel: kernel.10.cloned.1.call-start
scs
__scs_entry_jumppad:
0x0: {  	(pc) =	sbr.rel $0x88, $3  }
0x1: {  	(tag) =	ssettag $0x0;
	lr =	simm.s32 $0x1  }
0x2: {  	[smem:$0x3F97] =	sst lr;
	_ =	strace $0xD0000000  }
0x3: {  	_ = 	snop  }
0x4: {  	_ = 	snop  }
0x5: {  	_ = 	snop  }
0x6: {  	_ = 	snop  }
0x7: {  	_ = 	snop  }
__scs_overlays_trampoline_lowered:
0x8: {  	[smem:$0x3FA6] =	sst s0  }
0x9: {  	[smem:$0x3FA7] =	sst s1  }
0xa: {  	[smem:$0x3FA8] =	sst s2  }
0xb: {  	[smem:$0x3FA9] =	sst s3  }
0xc: {  	[smem:$0x3FAA] =	sst s4  }
0xd: {  	[smem:$0x3FAB] =	sst s5  }
0xe: {  	[smem:$0x3FAC] =	sst s6  }
0xf: {  	[smem:$0x3FAD] =	sst s7  }
0x10: {  	[smem:$0x3FAE] =	sst s8  }
0x11: {  	[smem:$0x3FAF] =	sst s9;
	s0 =	simm.s32 @!p0 $0x0  }
0x12: {  	s1 =	sld [smem:$0x3F95];
	s0 =	simm.s32 @p0 $0x1  }
0x13: {  	[smem:$0x3FB0] =	sst s0;
	s0 =	simm.s32 @!p1 $0x0  }
0x14: {  	s2 =	sld [smem:$0x3F94];
	s0 =	simm.s32 @p1 $0x1  }
0x15: {  	[smem:$0x3FB1] =	sst s0;
	s0 =	simm.s32 @!p2 $0x0  }
0x16: {  	s3 =	sld [smem:$0x3FDB];
	s0 =	simm.s32 @p2 $0x1  }
0x17: {  	s4 =	simm.s32 $0x1BF5;
	[smem:$0x3FB3] =	sst s0  }
0x18: {  	s0 =	sld [smem:$0x3F96];
	_ =	swait.ge [sflag:s4], $0x0  }
0x19: {  	s7 =	sld [smem:$0x3F97]  }
0x1a: {  	s8 =	sadd.s32 $0xFFFFE003, lr  }
0x1b: {  	s9 =	sadd.s32 $0xFFFFFEF7, lr;
	s5 =	simm.s32 $0xFFFFFFFF;
	p2 =	slt.u32 s8, $0xFFFFF086  }
0x1c: {  	p1 =	slt.u32 s9, $0xF7A;
	s5 =	simm.s32 @!p2 $0x0  }
0x1d: {  	s5 =	simm.s32 @p1 $0x1;
	p0 =	seq.s32 s7, s2  }
0x1e: {  	s7 =	smul.u32 @!p0 $0xF7A, s2;
	p2 =	seq.s32 @!p0 s5, $0x0  }
0x1f: {  	s9 =	smul.u32 $0xF7A, s1;
	s8 =	simm.s32 @!p0 $0x1BF5;
	p2 =	por !p2, p0  }
0x20: {  	[sflag:s8] =	ssyncset.s32 @!p0 $0xFFFFF086;
	s6 =	sadd.s32 @!p0 s3, s7;
	s7 =	simm.s32 @!p0 $0x108  }
0x21: {  	s3 =	sadd.s32 s3, s9;
	s6 =	sadd.s32 @!p0 $0x88, s6;
	s7 =	simm.s32 @p2 $0x1082  }
0x22: {  	[simem:s7], [sflag:s8] =	dma.local @!p0 [hbm:s6], $0xF7A  }
0x23: {  	s9 =	sor.u32 $0xD0000000, s2;
	s6 =	simm.s32 $0x108;
	_ =	swait.ge @!p0 [sflag:s8], $0x0  }
0x24: {  	s3 =	sadd.s32 $0x88, s3;
	s6 =	simm.s32 @!p1 $0x1082;
	[sflag:s4] =	ssyncset.s32 $0xFFFFF086  }
0x25: {  	[simem:s6], [sflag:s4] =	dma.local [hbm:s3], $0xF7A  }
0x26: {  	[smem:$0x3F97] =	sst s1;
	(tag) =	ssettag s2;
	_ =	strace s9  }
0x27: {  	s1 =	sld [smem:$0x3FA7]  }
0x28: {  	s2 =	sld [smem:$0x3FA8]  }
0x29: {  	s4 =	sld [smem:$0x3FAA]  }
0x2a: {  	p0 =	seq.s32 s5, $0x0;
	s5 =	sld [smem:$0x3FAB]  }
0x2b: {  	s6 =	sld [smem:$0x3FAC]  }
0x2c: {  	s7 =	sld [smem:$0x3FAD]  }
0x2d: {  	s3 =	simm.s32 $0x108;
	s8 =	sld [smem:$0x3FAE]  }
0x2e: {  	s3 =	simm.s32 @!p0 $0x1082;
	s9 =	sld [smem:$0x3FAF]  }
0x2f: {  	lr =	sadd.s32 s0, s3;
	s0 =	sld [smem:$0x3FA6]  }
0x30: {  	s3 =	sld [smem:$0x3FA9]  }
0x31: {  	[smem:$0x3FB2] =	sst s10  }
0x32: {  	s10 =	sld [smem:$0x3FB0];
	_ =	sdelay $0x3  }
0x33: {  	p0 =	seq.s32 s10, $0x1;
	s10 =	sld [smem:$0x3FB2];
	_ =	sdelay $0x3  }
0x34: {  	[smem:$0x3FB2] =	sst s10  }
0x35: {  	s10 =	sld [smem:$0x3FB1];
	_ =	sdelay $0x3  }
0x36: {  	p1 =	seq.s32 s10, $0x1;
	s10 =	sld [smem:$0x3FB2];
	_ =	sdelay $0x3  }
0x37: {  	[smem:$0x3FB2] =	sst s10  }
0x38: {  	s10 =	sld [smem:$0x3FB3]  }
0x39: {  	_ = 	snop;
	(pc) =	sbr.ind lr, $3  }
0x3a: {  	_ = 	snop  }
0x3b: {  	_ = 	snop  }
0x3c: {  	p2 =	seq.s32 s10, $0x1;
	s10 =	sld [smem:$0x3FB2]  }
0x3d: {  	_ =	shalt  }
0x3e: {  	_ =	shalt  }
0x3f: {  	_ =	shalt  }
0x40: {  	_ =	shalt  }
0x41: {  	_ =	shalt  }
0x42: {  	_ =	shalt  }
0x43: {  	_ =	shalt  }
0x44: {  	_ =	shalt  }
0x45: {  	_ =	shalt  }
0x46: {  	_ =	shalt  }
0x47: {  	_ =	shalt  }
0x48: {  	_ =	shalt  }
0x49: {  	_ =	shalt  }
0x4a: {  	_ =	shalt  }
0x4b: {  	_ =	shalt  }
0x4c: {  	_ =	shalt  }
0x4d: {  	_ =	shalt  }
0x4e: {  	_ =	shalt  }
0x4f: {  	_ =	shalt  }
0x50: {  	_ =	shalt  }
0x51: {  	_ =	shalt  }
0x52: {  	_ =	shalt  }
0x53: {  	_ =	shalt  }
0x54: {  	_ =	shalt  }
0x55: {  	_ =	shalt  }
0x56: {  	_ =	shalt  }
0x57: {  	_ =	shalt  }
0x58: {  	_ =	shalt  }
0x59: {  	_ =	shalt  }
0x5a: {  	_ =	shalt  }
0x5b: {  	_ =	shalt  }
0x5c: {  	_ =	shalt  }
0x5d: {  	_ =	shalt  }
0x5e: {  	_ =	shalt  }
0x5f: {  	_ =	shalt  }
0x60: {  	_ =	shalt  }
0x61: {  	_ =	shalt  }
0x62: {  	_ =	shalt  }
0x63: {  	_ =	shalt  }
0x64: {  	_ =	shalt  }
0x65: {  	_ =	shalt  }
0x66: {  	_ =	shalt  }
0x67: {  	_ =	shalt  }
0x68: {  	_ =	shalt  }
0x69: {  	_ =	shalt  }
0x6a: {  	_ =	shalt  }
0x6b: {  	_ =	shalt  }
0x6c: {  	_ =	shalt  }
0x6d: {  	_ =	shalt  }
0x6e: {  	_ =	shalt  }
0x6f: {  	_ =	shalt  }
0x70: {  	_ =	shalt  }
0x71: {  	_ =	shalt  }
0x72: {  	_ =	shalt  }
0x73: {  	_ =	shalt  }
0x74: {  	_ =	shalt  }
0x75: {  	_ =	shalt  }
0x76: {  	_ =	shalt  }
0x77: {  	_ =	shalt  }
0x78: {  	_ =	shalt  }
0x79: {  	_ =	shalt  }
0x7a: {  	_ =	shalt  }
0x7b: {  	_ =	shalt  }
0x7c: {  	_ =	shalt  }
0x7d: {  	_ =	shalt  }
0x7e: {  	_ =	shalt  }
0x7f: {  	_ =	shalt  }
0x80: {  	_ =	shalt  }
0x81: {  	_ =	shalt  }
0x82: {  	_ =	shalt  }
0x83: {  	_ =	shalt  }
0x84: {  	_ =	shalt  }
0x85: {  	_ =	shalt  }
0x86: {  	_ =	shalt  }
0x87: {  	_ =	shalt  }
.Lfunc_end0:
.L_simem_size_0:
called_computation.1_lowered:
.L_overlay_start_0:
0x88: {  	s2 =	sld [smem:$0x3FD9]  }
0x89: {  	s3 =	sld [smem:$0x3FFE];
	_ =	sdelay $0x1  }
0x8a: {  	s1 =	srdreg.scid  }
0x8b: {  	s0 =	sand.u32 $0x1, s1  }
0x8c: {  	s17 =	sshll.u32 s0, $0xA;
	s2 =	sadd.s32 s3, s2  }
0x8d: {  	s2 =	sadd.s32 s2, s17  }
0x8e: {  	[smem:$0x3FBE] =	sst s2  }
0x8f: {  	_ = 	snop  }
0x90: {  	s2 =	sld [smem:$0x3FD0];
	(tm) =	ssettm $0x1  }
0x91: {  	s18 =	sld [smem:$0x3FFB];
	_ =	sdelay $0x3  }
0x92: {  	_ =	strace s18  }
0x93: {  	s3 =	sld [smem:$0x3FFC];
	_ =	sdelay $0x3  }
0x94: {  	_ =	strace s3  }
0x95: {  	s3 =	sld [smem:$0x3FFD];
	_ =	sdelay $0x3  }
0x96: {  	_ =	strace s3  }
0x97: {  	_ =	strace $0x8FFFFFFF  }
0x98: {  	s19 =	sld [smem:$0x3FDB];
	_ =	sdelay $0x1  }
0x99: {  	s4 =	simm.s32 $_scs_section_size  }
0x9a: {  	s5 =	simm.s32 $_size__tile_overlayer_lowered;
	s6 =	simm.s32 $_tile_overlayer_lowered  }
0x9b: {  	s22 =	simm.s32 $0x1BFF;
	s21 =	sshll.u32 s6, $0x1;
	s3 =	sadd.s32 s4, s19  }
0x9c: {  	s7 =	simm.s32 $0x0;
	s20 =	sshll.u32 s5, $0x1;
	s5 =	sadd.s32 s21, s3  }
0x9d: {  	[timem:s7], [sflag:s22] =	dma.local [hbm:s5], s20  }
0x9e: {  	_ =	swait.ge [sflag:s22], s20  }
0x9f: {  	s4 =	ssub.s32 $0x0, s20;
	[sflag:s22] =	ssyncset.done $0x0  }
0xa0: {  	[sflag:s22] =	ssyncadd.s32 s4;
	_ =	sdelay $0x1  }
0xa1: {  	s23 =	simm.s32 $0x1B8B  }
0xa2: {  	_ =	swait.ge [sflag:s23], $0x1  }
0xa3: {  	[sflag:s23] =	ssyncset.done $0x0  }
0xa4: {  	s25 =	simm.s32 $0x1B8E;
	s24 =	sld [smem:$0x3FFE];
	[sflag:s23] =	ssyncadd.s32 $0xFFFFFFFF  }
0xa5: {  	s26 =	simm.s32 $execute0_lowered;
	[smem:$0x3FD2] =	sst s25  }
0xa6: {  	s5 =	sshll.u32 s26, $0x1;
	_ =	strace $0x80000049;
	[dreg:$0x1] =	wrdreg $0xFFFFFFFF  }
0xa7: {  	s28 =	simm.s32 $_size_execute0_lowered;
	s3 =	sadd.s32 s3, s5;
	[dreg:$0x0] =	wrdreg $0x0  }
0xa8: {  	s5 =	sshll.u32 s28, $0x1;
	[dreg:$0x2] =	wrdreg s3  }
0xa9: {  	[dreg:$0x3] =	wrdreg s5  }
0xaa: {  	[dreg:$0x4] =	wrdreg $0xC0  }
0xab: {  	_ =	task [dreg:s7], $0x5FFFF  }
0xac: {  	[dreg:$0x1] =	wrdreg $0xFFFFFFFF  }
0xad: {  	[dreg:$0x0] =	wrdreg $0x60  }
0xae: {  	[dreg:$0x2] =	wrdreg s24  }
0xaf: {  	[dreg:$0x3] =	wrdreg s2  }
0xb0: {  	[dreg:$0x4] =	wrdreg $0x0  }
0xb1: {  	[dreg:$0x5] =	wrdreg $0x9  }
0xb2: {  	_ =	task.clear_ibuf [dreg:s7], $0x6FFFF;
	_ =	strace $0x90000049  }
0xb3: {  	s29 =	simm.s32 $0x9;
	_ =	strace $0x8000004B  }
0xb4: {  	_ =	swait.ge [sflag:s29], $0x1  }
0xb5: {  	[sflag:s29] =	ssyncadd.s32 $0xFFFFFFFF  }
0xb6: {  	_ =	strace $0x9000004B  }
0xb7: {  	_ =	sfence  }
0xb8: {  	s30 =	sld [smem:$0x0];
	_ =	sdelay $0x2  }
0xb9: {  	s31 =	sshll.u32 s1, $0xD;
	s1 =	sshrl.u32 s1, $0x2  }
0xba: {  	s3 =	sand.u32 $0x4000, s31;
	s1 =	sadd.s32 s1, s30  }
0xbb: {  	s0 =	sor.u32 s3, s0;
	s1 =	sshll.u32 s1, $0x11  }
0xbc: {  	s0 =	sor.u32 s1, s0  }
0xbd: {  	s0 =	sadd.s32 $0x8F2B, s0  }
0xbe: {  	[sflag:s0] =	ssyncadd.remote.s32 $0x1  }
0xbf: {  	_ =	sfence.sel $0xFFFF  }
0xc0: {  	[dreg:$0x0] =	wrdreg $0xFFFFFFFF;
	(pc) =	sbr.abs _section_cstart, $3  }
0xc1: {  	[dreg:$0x1] =	wrdreg $0xFFFFFFFF  }
0xc2: {  	_ =	task.clear_ibuf [dreg:s7], $0x2FFFF;
	_ =	strace $0x9FFFFFFF  }
0xc3: {  	(tm) =	ssettm $0x7FFFFFFF  }
tec
execute0_lowered:
.L_overlay_start_1:
0x0: {  	(tag) =	ssettag $0x1  }
0x1: {  	s1 =	srdreg.scid  }
0x2: {  	s0 =	rddreg [dreg:$0x0];
	s29 =	stileid.u32  }
0x3: {  	s22 =	sand.u32 $0x1, s1;
	s1 =	simm.s32 $0x0;
	s21 =	smul.u32 $0x14000, s29  }
0x4: {  	s2 =	ssub.s32 $0x2, s22;
	[smem:$0x7FF] =	sst s1  }
0x5: {  	s23 =	smul.u32 $0x140000, s22;
	s3 =	sshrl.u32 s2, $0x1;
	s4 =	sor.u32 $0x3000, s21  }
0x6: {  	s5 =	sadd.s32 $0x4000, s21;
	s6 =	sadd.s32 $0x5000, s21;
	s7 =	sadd.s32 $0x6000, s21  }
0x7: {  	s8 =	sadd.s32 $0x7000, s21;
	s9 =	sadd.s32 $0x8000, s21;
	s16 =	sadd.s32 $0x9000, s21  }
0x8: {  	s11 =	sadd.s32 $0xA000, s21;
	s12 =	sadd.s32 $0xB000, s21;
	s13 =	sadd.s32 $0xC000, s21  }
0x9: {  	s14 =	sadd.s32 $0xD000, s21;
	s15 =	sadd.s32 $0xE000, s21;
	s31 =	sadd.s32 $0xF000, s21  }
0xa: {  	s18 =	sadd.s32 $0x10000, s21;
	s19 =	sadd.s32 $0x11000, s21;
	s20 =	sadd.s32 $0x12000, s21  }
0xb: {  	s30 =	sadd.s32 $0x13000, s21;
	s2 =	ssub.s32 s2, s3;
	s3 =	sor.u32 $0x2000, s21  }
0xc: {  	s24 =	sadd.s32 s21, s23;
	s28 =	sadd.s32 s23, s4;
	s10 =	sadd.s32 s23, s5  }
0xd: {  	[smem:$0x7F6] =	sst s2;
	s25 =	sshrl.u32 s24, $0x3;
	s24 =	sadd.s32 $0x35600, s0  }
0xe: {  	s2 =	sor.u32 $0x1000, s21;
	s26 =	sadd.s32 s23, s3;
	s25 =	sadd.s32 s24, s25  }
0xf: {  	s17 =	sadd.s32 s23, s2;
	s26 =	sshrl.u32 s26, $0x3;
	[dreg:$0x4] =	wrdreg s25  }
0x10: {  	s25 =	sshrl.u32 s17, $0x3;
	s21 =	sadd.s32 s24, s26;
	s26 =	sshrl.u32 s28, $0x3  }
0x11: {  	s17 =	sadd.s32 s23, s6;
	s25 =	sadd.s32 s24, s25;
	[dreg:$0x6] =	wrdreg s21  }
0x12: {  	s28 =	sadd.s32 s23, s7;
	[dreg:$0x5] =	wrdreg s25;
	s25 =	sadd.s32 s24, s26  }
0x13: {  	s26 =	sshrl.u32 s17, $0x3;
	s17 =	sadd.s32 s23, s9;
	[dreg:$0x7] =	wrdreg s25  }
0x14: {  	s25 =	sshrl.u32 s10, $0x3;
	s21 =	sadd.s32 s24, s26;
	s26 =	sshrl.u32 s28, $0x3  }
0x15: {  	s10 =	sadd.s32 s23, s8;
	s25 =	sadd.s32 s24, s25;
	[dreg:$0x9] =	wrdreg s21  }
0x16: {  	s28 =	sadd.s32 s23, s16;
	[dreg:$0x8] =	wrdreg s25;
	s25 =	sadd.s32 s24, s26  }
0x17: {  	s26 =	sshrl.u32 s17, $0x3;
	s17 =	sadd.s32 s23, s12;
	[dreg:$0xa] =	wrdreg s25  }
0x18: {  	s25 =	sshrl.u32 s10, $0x3;
	s21 =	sadd.s32 s24, s26;
	s26 =	sshrl.u32 s28, $0x3  }
0x19: {  	s10 =	sadd.s32 s23, s11;
	s25 =	sadd.s32 s24, s25;
	[dreg:$0xc] =	wrdreg s21  }
0x1a: {  	s28 =	sadd.s32 s23, s13;
	[dreg:$0xb] =	wrdreg s25;
	s25 =	sadd.s32 s24, s26  }
0x1b: {  	s26 =	sshrl.u32 s17, $0x3;
	s17 =	sadd.s32 s23, s15;
	[dreg:$0xd] =	wrdreg s25  }
0x1c: {  	s25 =	sshrl.u32 s10, $0x3;
	s21 =	sadd.s32 s24, s26;
	s26 =	sshrl.u32 s28, $0x3  }
0x1d: {  	s10 =	sadd.s32 s23, s14;
	s25 =	sadd.s32 s24, s25;
	[dreg:$0xf] =	wrdreg s21  }
0x1e: {  	s28 =	sadd.s32 s23, s31;
	[dreg:$0xe] =	wrdreg s25;
	s25 =	sadd.s32 s24, s26  }
0x1f: {  	s26 =	sshrl.u32 s17, $0x3;
	s17 =	sadd.s32 s23, s19;
	[dreg:$0x10] =	wrdreg s25  }
0x20: {  	s25 =	sshrl.u32 s10, $0x3;
	s21 =	sadd.s32 s24, s26;
	s26 =	sshrl.u32 s28, $0x3  }
0x21: {  	s10 =	sadd.s32 s23, s18;
	s25 =	sadd.s32 s24, s25;
	[dreg:$0x12] =	wrdreg s21  }
0x22: {  	s28 =	sadd.s32 s23, s20;
	[dreg:$0x11] =	wrdreg s25;
	s25 =	sadd.s32 s24, s26  }
0x23: {  	s26 =	sshrl.u32 s17, $0x3;
	s17 =	sadd.s32 s23, s30;
	s23 =	rddreg [dreg:$0x2]  }
0x24: {  	[dreg:$0x13] =	wrdreg s25  }
0x25: {  	s25 =	sshrl.u32 s10, $0x3;
	s21 =	sadd.s32 s24, s26;
	s10 =	smul.u32 $0x5000, s22  }
0x26: {  	s26 =	sshrl.u32 s28, $0x3;
	s22 =	rddreg [dreg:$0x1];
	s28 =	smul.u32 $0x500, s29  }
0x27: {  	s29 =	smul.u32 $0x50000, s29;
	s25 =	sadd.s32 s24, s25;
	[dreg:$0x15] =	wrdreg s21  }
0x28: {  	[dreg:$0x14] =	wrdreg s25;
	s25 =	sadd.s32 s24, s26  }
0x29: {  	s26 =	sshrl.u32 s17, $0x3;
	s21 =	sshrl.u32 s29, $0x2;
	[dreg:$0x16] =	wrdreg s25  }
0x2a: {  	s24 =	sadd.s32 s24, s26;
	s25 =	sadd.s32 s28, s10;
	s26 =	sadd.s32 $0xD000, s0  }
0x2b: {  	s28 =	sadd.s32 $0x3000, s0;
	s0 =	sadd.s32 $0x35400, s0;
	[dreg:$0x17] =	wrdreg s24  }
0x2c: {  	s24 =	sadd.s32 s21, s23;
	_ =	strace $0x8000004A;
	[dreg:$0x18] =	wrdreg s0  }
0x2d: {  	s10 =	sadd.s32 s2, s23;
	[smem:$0x7F3] =	sst s24  }
0x2e: {  	s17 =	sadd.s32 s3, s23;
	[smem:$0x7F4] =	sst s10  }
0x2f: {  	s11 =	sadd.s32 s11, s23;
	[smem:$0x7F5] =	sst s17  }
0x30: {  	s12 =	sadd.s32 s12, s23;
	[dreg:$0x19] =	wrdreg s11  }
0x31: {  	s13 =	sadd.s32 s13, s23;
	[dreg:$0x1a] =	wrdreg s12  }
0x32: {  	s14 =	sadd.s32 s14, s23;
	[dreg:$0x1b] =	wrdreg s13  }
0x33: {  	s15 =	sadd.s32 s15, s23;
	[dreg:$0x1c] =	wrdreg s14  }
0x34: {  	s16 =	sadd.s32 s16, s23;
	s21 =	sadd.s32 s4, s23;
	[dreg:$0x1d] =	wrdreg s15  }
0x35: {  	s4 =	sadd.s32 s6, s23;
	s6 =	sadd.s32 s19, s23;
	[dreg:$0x1f] =	wrdreg s16  }
0x36: {  	s2 =	sadd.s32 s7, s23;
	s7 =	sadd.s32 s20, s23;
	[smem:$0x7FA] =	sst s6  }
0x37: {  	s3 =	sadd.s32 s8, s23;
	s8 =	sadd.s32 s30, s23;
	[smem:$0x7FB] =	sst s7  }
0x38: {  	s9 =	sadd.s32 s9, s23;
	s29 =	simm.s32 $0x14080;
	[smem:$0x7FC] =	sst s8  }
0x39: {  	s30 =	simm.s32 $0x14100;
	s20 =	simm.s32 $0x2;
	s24 =	sld [smem:$0x7F6]  }
0x3a: {  	s10 =	sadd.s32 s5, s23;
	s17 =	sadd.s32 s31, s23;
	[smem:$0x7FD] =	sst s4  }
0x3b: {  	s5 =	smov.u32 s21;
	s21 =	sadd.s32 s18, s23;
	[dreg:$0x1e] =	wrdreg s17  }
0x3c: {  	s19 =	simm.s32 $0x18100;
	[smem:$0x7F9] =	sst s21;
	s0 =	smax.u32 s24, $0x1  }
0x3d: {  	s18 =	simm.s32 $0x80;
	[smem:$0x7F7] =	sst s0;
	s0 =	simm.s32 $0x0  }
0x3e: {  	s31 =	simm.s32 $0x1;
	s24 =	simm.s32 $0x14000;
	[smem:$0x7F8] =	sst s0  }
.LBB2_1:
0x3f: {  	s0 =	rddreg [dreg:$0x18]  }
0x40: {  	[tilespmem:s19], [sflag:$0x2] =	stream.linear.gather [hbm4b:s0+s1], $0x1000, $0x38;
	[tilespmem:$0x19100] =	vst v63  }
0x41: {  	_ =	swait.ge [sflag:s20], $0x1000  }
0x42: {  	s0 =	smov.u32 s4;
	s4 =	sld [smem:$0x7F3]  }
0x43: {  	[sflag:s20] =	ssyncset.done $0x0  }
0x44: {  	[sflag:s20] =	ssyncadd.s32 $0xFFFFF000  }
0x45: {  	[spmem:s4] =	stream.linear.scatter [tilespmem:s19], [sflag:$0x2], $0x1000, $0x38;
	[tilespmem:$0x19100] =	vst v63  }
0x46: {  	_ =	swait.ge [sflag:s20], $0x1000  }
0x47: {  	s4 =	sld [smem:$0x7F4]  }
0x48: {  	[sflag:s20] =	ssyncset.done $0x0  }
0x49: {  	[sflag:s20] =	ssyncadd.s32 $0xFFFFF000  }
0x4a: {  	[spmem:s4] =	stream.linear.scatter [tilespmem:s19], [sflag:$0x2], $0x1000, $0x38;
	[tilespmem:$0x19100] =	vst v63  }
0x4b: {  	_ =	swait.ge [sflag:s20], $0x1000  }
0x4c: {  	s4 =	sld [smem:$0x7F5]  }
0x4d: {  	[sflag:s20] =	ssyncset.done $0x0  }
0x4e: {  	[sflag:s20] =	ssyncadd.s32 $0xFFFFF000  }
0x4f: {  	[spmem:s4] =	stream.linear.scatter [tilespmem:s19], [sflag:$0x2], $0x1000, $0x38;
	[tilespmem:$0x19100] =	vst v63  }
0x50: {  	_ =	swait.ge [sflag:s20], $0x1000  }
0x51: {  	[sflag:s20] =	ssyncset.done $0x0  }
0x52: {  	[sflag:s20] =	ssyncadd.s32 $0xFFFFF000  }
0x53: {  	[spmem:s5] =	stream.linear.scatter [tilespmem:s19], [sflag:$0x2], $0x1000, $0x38;
	[tilespmem:$0x19100] =	vst v63  }
0x54: {  	_ =	swait.ge [sflag:s20], $0x1000  }
0x55: {  	[sflag:s20] =	ssyncset.done $0x0  }
0x56: {  	[sflag:s20] =	ssyncadd.s32 $0xFFFFF000  }
0x57: {  	[spmem:s10] =	stream.linear.scatter [tilespmem:s19], [sflag:$0x2], $0x1000, $0x38;
	[tilespmem:$0x19100] =	vst v63  }
0x58: {  	_ =	swait.ge [sflag:s20], $0x1000  }
0x59: {  	[sflag:s20] =	ssyncset.done $0x0  }
0x5a: {  	[sflag:s20] =	ssyncadd.s32 $0xFFFFF000  }
0x5b: {  	[spmem:s0] =	stream.linear.scatter [tilespmem:s19], [sflag:$0x2], $0x1000, $0x38;
	[tilespmem:$0x19100] =	vst v63  }
0x5c: {  	_ =	swait.ge [sflag:s20], $0x1000  }
0x5d: {  	[sflag:s20] =	ssyncset.done $0x0  }
0x5e: {  	[sflag:s20] =	ssyncadd.s32 $0xFFFFF000  }
0x5f: {  	[spmem:s2] =	stream.linear.scatter [tilespmem:s19], [sflag:$0x2], $0x1000, $0x38;
	[tilespmem:$0x19100] =	vst v63  }
0x60: {  	_ =	swait.ge [sflag:s20], $0x1000  }
0x61: {  	[sflag:s20] =	ssyncset.done $0x0  }
0x62: {  	[sflag:s20] =	ssyncadd.s32 $0xFFFFF000  }
0x63: {  	[spmem:s3] =	stream.linear.scatter [tilespmem:s19], [sflag:$0x2], $0x1000, $0x38;
	[tilespmem:$0x19100] =	vst v63  }
0x64: {  	_ =	swait.ge [sflag:s20], $0x1000  }
0x65: {  	[sflag:s20] =	ssyncset.done $0x0  }
0x66: {  	s4 =	smov.u32 s9;
	[sflag:s20] =	ssyncadd.s32 $0xFFFFF000  }
0x67: {  	[spmem:s4] =	stream.linear.scatter [tilespmem:s19], [sflag:$0x2], $0x1000, $0x38;
	[tilespmem:$0x19100] =	vst v63  }
0x68: {  	_ =	swait.ge [sflag:s20], $0x1000  }
0x69: {  	[sflag:s20] =	ssyncset.done $0x0  }
0x6a: {  	[sflag:s20] =	ssyncadd.s32 $0xFFFFF000  }
0x6b: {  	[spmem:s16] =	stream.linear.scatter [tilespmem:s19], [sflag:$0x2], $0x1000, $0x38;
	[tilespmem:$0x19100] =	vst v63  }
0x6c: {  	_ =	swait.ge [sflag:s20], $0x1000  }
0x6d: {  	[sflag:s20] =	ssyncset.done $0x0  }
0x6e: {  	s9 =	smov.u32 s5;
	s5 =	smov.u32 s11;
	[sflag:s20] =	ssyncadd.s32 $0xFFFFF000  }
0x6f: {  	[spmem:s5] =	stream.linear.scatter [tilespmem:s19], [sflag:$0x2], $0x1000, $0x38;
	[tilespmem:$0x19100] =	vst v63  }
0x70: {  	_ =	swait.ge [sflag:s20], $0x1000  }
0x71: {  	[sflag:s20] =	ssyncset.done $0x0  }
0x72: {  	s11 =	smov.u32 s10;
	s10 =	smov.u32 s12;
	[sflag:s20] =	ssyncadd.s32 $0xFFFFF000  }
0x73: {  	[spmem:s10] =	stream.linear.scatter [tilespmem:s19], [sflag:$0x2], $0x1000, $0x38;
	[tilespmem:$0x19100] =	vst v63  }
0x74: {  	_ =	swait.ge [sflag:s20], $0x1000  }
0x75: {  	[sflag:s20] =	ssyncset.done $0x0  }
0x76: {  	s12 =	smov.u32 s0;
	s0 =	smov.u32 s13;
	[sflag:s20] =	ssyncadd.s32 $0xFFFFF000  }
0x77: {  	[spmem:s0] =	stream.linear.scatter [tilespmem:s19], [sflag:$0x2], $0x1000, $0x38;
	[tilespmem:$0x19100] =	vst v63  }
0x78: {  	_ =	swait.ge [sflag:s20], $0x1000  }
0x79: {  	[sflag:s20] =	ssyncset.done $0x0  }
0x7a: {  	s13 =	smov.u32 s2;
	s2 =	smov.u32 s14;
	[sflag:s20] =	ssyncadd.s32 $0xFFFFF000  }
0x7b: {  	[spmem:s2] =	stream.linear.scatter [tilespmem:s19], [sflag:$0x2], $0x1000, $0x38;
	[tilespmem:$0x19100] =	vst v63  }
0x7c: {  	_ =	swait.ge [sflag:s20], $0x1000  }
0x7d: {  	[sflag:s20] =	ssyncset.done $0x0  }
0x7e: {  	s14 =	smov.u32 s3;
	s3 =	smov.u32 s15;
	[sflag:s20] =	ssyncadd.s32 $0xFFFFF000  }
0x7f: {  	[spmem:s3] =	stream.linear.scatter [tilespmem:s19], [sflag:$0x2], $0x1000, $0x38;
	[tilespmem:$0x19100] =	vst v63  }
0x80: {  	_ =	swait.ge [sflag:s20], $0x1000  }
0x81: {  	[sflag:s20] =	ssyncset.done $0x0  }
0x82: {  	[sflag:s20] =	ssyncadd.s32 $0xFFFFF000  }
0x83: {  	[spmem:s17] =	stream.linear.scatter [tilespmem:s19], [sflag:$0x2], $0x1000, $0x38;
	[tilespmem:$0x19100] =	vst v63  }
0x84: {  	_ =	swait.ge [sflag:s20], $0x1000  }
0x85: {  	[sflag:s20] =	ssyncset.done $0x0  }
0x86: {  	[sflag:s20] =	ssyncadd.s32 $0xFFFFF000  }
0x87: {  	[spmem:s21] =	stream.linear.scatter [tilespmem:s19], [sflag:$0x2], $0x1000, $0x38;
	[tilespmem:$0x19100] =	vst v63  }
0x88: {  	_ =	swait.ge [sflag:s20], $0x1000  }
0x89: {  	[sflag:s20] =	ssyncset.done $0x0  }
0x8a: {  	[sflag:s20] =	ssyncadd.s32 $0xFFFFF000  }
0x8b: {  	[spmem:s6] =	stream.linear.scatter [tilespmem:s19], [sflag:$0x2], $0x1000, $0x38;
	[tilespmem:$0x19100] =	vst v63  }
0x8c: {  	_ =	swait.ge [sflag:s20], $0x1000  }
0x8d: {  	[sflag:s20] =	ssyncset.done $0x0  }
0x8e: {  	[sflag:s20] =	ssyncadd.s32 $0xFFFFF000  }
0x8f: {  	[spmem:s7] =	stream.linear.scatter [tilespmem:s19], [sflag:$0x2], $0x1000, $0x38;
	[tilespmem:$0x19100] =	vst v63  }
0x90: {  	_ =	swait.ge [sflag:s20], $0x1000  }
0x91: {  	[sflag:s20] =	ssyncset.done $0x0  }
0x92: {  	[sflag:s20] =	ssyncadd.s32 $0xFFFFF000  }
0x93: {  	[spmem:s8] =	stream.linear.scatter [tilespmem:s19], [sflag:$0x2], $0x1000, $0x38;
	[tilespmem:$0x19100] =	vst v63  }
0x94: {  	s10 =	sadd.s32 $0x0, s25;
	_ =	swait.ge [sflag:s20], $0x1000  }
0x95: {  	s16 =	sand.u32 $0x70, s1;
	s0 =	sand.u32 $0xFFFFF80, s10;
	[sflag:s20] =	ssyncset.done $0x0  }
0x96: {  	s0 =	sor.u32 s16, s0;
	[sflag:s20] =	ssyncadd.s32 $0xFFFFF000  }
0x97: {  	s2 =	sadd.s32 s28, s0;
	[bflag:$0x0] =	sbarrier.arrive $0xFFFF  }
0x98: {  	[tilespmem:s24], [sflag:$0x2] =	stream.linear.gather [hbm4b:s2+s1], $0x80, $0x38;
	[tilespmem:$0x19100] =	vst v63  }
0x99: {  	_ =	swait.ge [sflag:s20], $0x80  }
0x9a: {  	[sflag:s20] =	ssyncset.done $0x0  }
0x9b: {  	s0 =	sadd.s32 s22, s0;
	[sflag:s20] =	ssyncadd.s32 $0xFFFFFF80  }
0x9c: {  	[tilespmem:s29], [sflag:$0x2] =	stream.linear.gather [hbm4b:s0+s1], $0x80, $0x38;
	[tilespmem:$0x19100] =	vst v63  }
0x9d: {  	_ =	swait.ge [sflag:s20], $0x80  }
0x9e: {  	[sflag:s20] =	ssyncset.done $0x0  }
0x9f: {  	[sflag:s20] =	ssyncadd.s32 $0xFFFFFF80  }
0xa0: {  	[tilespmem:s30], [sflag:$0x1] =	stream.indirect.gather [hbm4b:s26+s18], $0x80, s24, s18, $0xb8;
	[tilespmem:$0x19100] =	vst v63  }
0xa1: {  	_ =	swait.ge [sflag:s31], $0x4000  }
0xa2: {  	s15 =	smov.u32 s4;
	[sflag:s31] =	ssyncset.done $0x0  }
0xa3: {  	s17 =	simm.s32 $0x10;
	s21 =	sadd.s32 $0x10, s25;
	[sflag:s31] =	ssyncadd.s32 $0xFFFFC000  }
0xa4: {  	[spmem:s23] =	stream.indirect.scatter.add.f32 [tilespmem:s30], [sflag:$0x2], $0x80, s29, s18, $0xb8;
	[tilespmem:$0x19100] =	vst v63  }
0xa5: {  	s2 =	sand.u32 $0xFFFFF80, s21;
	s0 =	sand.u32 $0x70, s17;
	_ =	swait.ge [sflag:s20], $0x4000  }
0xa6: {  	s0 =	sor.u32 s0, s2;
	s2 =	simm.s32 $0x20;
	[sflag:s20] =	ssyncset.done $0x0  }
.LBB2_2:
0xa7: {  	s3 =	sadd.s32 s28, s0  }
0xa8: {  	[sflag:s20] =	ssyncadd.s32 $0xFFFFC000;
	s4 =	smov.u32 s2;
	s5 =	sadd.s32 $0x10, s2  }
0xa9: {  	[tilespmem:s24], [sflag:$0x2] =	stream.linear.gather [hbm4b:s3+s1], $0x80, $0x38;
	[tilespmem:$0x19100] =	vst v63  }
0xaa: {  	p0 =	sne.s32 s2, $0x4F0;
	_ =	swait.ge [sflag:s20], $0x80  }
0xab: {  	[sflag:s20] =	ssyncset.done $0x0  }
0xac: {  	s0 =	sadd.s32 s22, s0;
	[sflag:s20] =	ssyncadd.s32 $0xFFFFFF80  }
0xad: {  	[tilespmem:s29], [sflag:$0x2] =	stream.linear.gather [hbm4b:s0+s1], $0x80, $0x38;
	[tilespmem:$0x19100] =	vst v63  }
0xae: {  	_ =	swait.ge [sflag:s20], $0x80  }
0xaf: {  	[sflag:s20] =	ssyncset.done $0x0  }
0xb0: {  	[sflag:s20] =	ssyncadd.s32 $0xFFFFFF80  }
0xb1: {  	[tilespmem:s30], [sflag:$0x1] =	stream.indirect.gather [hbm4b:s26+s18], $0x80, s24, s18, $0xb8;
	[tilespmem:$0x19100] =	vst v63  }
0xb2: {  	_ =	swait.ge [sflag:s31], $0x4000  }
.Ltmp0:
0xb3: {  	[sflag:s31] =	ssyncset.done $0x0;
	(pc) =	sbr.rel @p0 .LBB2_2-.Ltmp0, $4  }
0xb4: {  	s0 =	sadd.s32 s4, s25;
	[sflag:s31] =	ssyncadd.s32 $0xFFFFC000  }
0xb5: {  	[spmem:s23] =	stream.indirect.scatter.add.f32 [tilespmem:s30], [sflag:$0x2], $0x80, s29, s18, $0xb8;
	[tilespmem:$0x19100] =	vst v63  }
0xb6: {  	s2 =	sand.u32 $0x70, s4;
	s0 =	sand.u32 $0xFFFFF80, s0;
	_ =	swait.ge [sflag:s20], $0x4000  }
0xb7: {  	s0 =	sor.u32 s2, s0;
	s2 =	smov.u32 s5;
	[sflag:s20] =	ssyncset.done $0x0  }
0xb8: {  	s2 =	sadd.s32 s28, s0;
	[sflag:s20] =	ssyncadd.s32 $0xFFFFC000  }
0xb9: {  	[tilespmem:s24], [sflag:$0x2] =	stream.linear.gather [hbm4b:s2+s1], $0x80, $0x38;
	[tilespmem:$0x19100] =	vst v63  }
0xba: {  	_ =	swait.ge [sflag:s20], $0x80  }
0xbb: {  	[sflag:s20] =	ssyncset.done $0x0  }
0xbc: {  	s8 =	sadd.s32 s22, s0;
	[sflag:s20] =	ssyncadd.s32 $0xFFFFFF80  }
0xbd: {  	[tilespmem:s29], [sflag:$0x2] =	stream.linear.gather [hbm4b:s8+s1], $0x80, $0x38;
	[tilespmem:$0x19100] =	vst v63  }
0xbe: {  	_ =	swait.ge [sflag:s20], $0x80  }
0xbf: {  	[sflag:s20] =	ssyncset.done $0x0  }
0xc0: {  	[sflag:s20] =	ssyncadd.s32 $0xFFFFFF80  }
0xc1: {  	[tilespmem:s30], [sflag:$0x1] =	stream.indirect.gather [hbm4b:s26+s18], $0x80, s24, s18, $0xb8;
	[tilespmem:$0x19100] =	vst v63  }
0xc2: {  	_ =	swait.ge [sflag:s31], $0x4000  }
0xc3: {  	[sflag:s31] =	ssyncset.done $0x0  }
0xc4: {  	[sflag:s31] =	ssyncadd.s32 $0xFFFFC000  }
0xc5: {  	[spmem:s23] =	stream.indirect.scatter.add.f32 [tilespmem:s30], [sflag:$0x2], $0x80, s29, s18, $0xb8;
	[tilespmem:$0x19100] =	vst v63  }
0xc6: {  	_ =	swait.ge [sflag:s20], $0x4000  }
0xc7: {  	[sflag:s20] =	ssyncset.done $0x0  }
0xc8: {  	[sflag:s20] =	ssyncadd.s32 $0xFFFFC000  }
0xc9: {  	[bflag:$0x0] =	sbarrier.arrive $0xFFFF  }
0xca: {  	s10 =	sld [smem:$0x7F3];
	_ =	sdelay $0x2  }
0xcb: {  	[tilespmem:s19], [sflag:$0x2] =	stream.linear.gather [spmem:s10], $0x1000, $0x38;
	[tilespmem:$0x19100] =	vst v63  }
0xcc: {  	_ =	swait.ge [sflag:s20], $0x1000  }
0xcd: {  	[sflag:s20] =	ssyncset.done $0x0  }
0xce: {  	s16 =	rddreg [dreg:$0x4];
	[sflag:s20] =	ssyncadd.s32 $0xFFFFF000  }
0xcf: {  	[hbm4b:s16+s1] =	stream.linear.scatter [tilespmem:s19], [sflag:$0x2], $0x1000, $0x38;
	[tilespmem:$0x19100] =	vst v63  }
0xd0: {  	_ =	swait.ge [sflag:s20], $0x1000  }
0xd1: {  	s17 =	sld [smem:$0x7F4]  }
0xd2: {  	[sflag:s20] =	ssyncset.done $0x0  }
0xd3: {  	[sflag:s20] =	ssyncadd.s32 $0xFFFFF000  }
0xd4: {  	[tilespmem:s19], [sflag:$0x2] =	stream.linear.gather [spmem:s17], $0x1000, $0x38;
	[tilespmem:$0x19100] =	vst v63  }
0xd5: {  	_ =	swait.ge [sflag:s20], $0x1000  }
0xd6: {  	[sflag:s20] =	ssyncset.done $0x0  }
0xd7: {  	s21 =	rddreg [dreg:$0x5];
	[sflag:s20] =	ssyncadd.s32 $0xFFFFF000  }
0xd8: {  	[hbm4b:s21+s1] =	stream.linear.scatter [tilespmem:s19], [sflag:$0x2], $0x1000, $0x38;
	[tilespmem:$0x19100] =	vst v63  }
0xd9: {  	_ =	swait.ge [sflag:s20], $0x1000  }
0xda: {  	s2 =	sld [smem:$0x7F5]  }
0xdb: {  	[sflag:s20] =	ssyncset.done $0x0  }
0xdc: {  	[sflag:s20] =	ssyncadd.s32 $0xFFFFF000  }
0xdd: {  	[tilespmem:s19], [sflag:$0x2] =	stream.linear.gather [spmem:s2], $0x1000, $0x38;
	[tilespmem:$0x19100] =	vst v63  }
0xde: {  	_ =	swait.ge [sflag:s20], $0x1000  }
0xdf: {  	[sflag:s20] =	ssyncset.done $0x0  }
0xe0: {  	s3 =	rddreg [dreg:$0x6];
	[sflag:s20] =	ssyncadd.s32 $0xFFFFF000  }
0xe1: {  	[hbm4b:s3+s1] =	stream.linear.scatter [tilespmem:s19], [sflag:$0x2], $0x1000, $0x38;
	[tilespmem:$0x19100] =	vst v63  }
0xe2: {  	_ =	swait.ge [sflag:s20], $0x1000  }
0xe3: {  	[sflag:s20] =	ssyncset.done $0x0  }
0xe4: {  	[sflag:s20] =	ssyncadd.s32 $0xFFFFF000  }
0xe5: {  	[tilespmem:s19], [sflag:$0x2] =	stream.linear.gather [spmem:s9], $0x1000, $0x38;
	[tilespmem:$0x19100] =	vst v63  }
0xe6: {  	_ =	swait.ge [sflag:s20], $0x1000  }
0xe7: {  	[sflag:s20] =	ssyncset.done $0x0  }
0xe8: {  	s4 =	rddreg [dreg:$0x7];
	[sflag:s20] =	ssyncadd.s32 $0xFFFFF000  }
0xe9: {  	[hbm4b:s4+s1] =	stream.linear.scatter [tilespmem:s19], [sflag:$0x2], $0x1000, $0x38;
	[tilespmem:$0x19100] =	vst v63  }
0xea: {  	_ =	swait.ge [sflag:s20], $0x1000  }
0xeb: {  	[sflag:s20] =	ssyncset.done $0x0  }
0xec: {  	[sflag:s20] =	ssyncadd.s32 $0xFFFFF000  }
0xed: {  	[tilespmem:s19], [sflag:$0x2] =	stream.linear.gather [spmem:s11], $0x1000, $0x38;
	[tilespmem:$0x19100] =	vst v63  }
0xee: {  	_ =	swait.ge [sflag:s20], $0x1000  }
0xef: {  	[sflag:s20] =	ssyncset.done $0x0  }
0xf0: {  	s6 =	rddreg [dreg:$0x8];
	[sflag:s20] =	ssyncadd.s32 $0xFFFFF000  }
0xf1: {  	[hbm4b:s6+s1] =	stream.linear.scatter [tilespmem:s19], [sflag:$0x2], $0x1000, $0x38;
	[tilespmem:$0x19100] =	vst v63  }
0xf2: {  	_ =	swait.ge [sflag:s20], $0x1000  }
0xf3: {  	[sflag:s20] =	ssyncset.done $0x0  }
0xf4: {  	[sflag:s20] =	ssyncadd.s32 $0xFFFFF000  }
0xf5: {  	[tilespmem:s19], [sflag:$0x2] =	stream.linear.gather [spmem:s12], $0x1000, $0x38;
	[tilespmem:$0x19100] =	vst v63  }
0xf6: {  	_ =	swait.ge [sflag:s20], $0x1000  }
0xf7: {  	[sflag:s20] =	ssyncset.done $0x0  }
0xf8: {  	s7 =	rddreg [dreg:$0x9];
	[sflag:s20] =	ssyncadd.s32 $0xFFFFF000  }
0xf9: {  	[hbm4b:s7+s1] =	stream.linear.scatter [tilespmem:s19], [sflag:$0x2], $0x1000, $0x38;
	[tilespmem:$0x19100] =	vst v63  }
0xfa: {  	_ =	swait.ge [sflag:s20], $0x1000  }
0xfb: {  	[sflag:s20] =	ssyncset.done $0x0  }
0xfc: {  	[sflag:s20] =	ssyncadd.s32 $0xFFFFF000  }
0xfd: {  	[tilespmem:s19], [sflag:$0x2] =	stream.linear.gather [spmem:s13], $0x1000, $0x38;
	[tilespmem:$0x19100] =	vst v63  }
0xfe: {  	_ =	swait.ge [sflag:s20], $0x1000  }
0xff: {  	[sflag:s20] =	ssyncset.done $0x0  }
0x100: {  	s8 =	rddreg [dreg:$0xa];
	[sflag:s20] =	ssyncadd.s32 $0xFFFFF000  }
0x101: {  	[hbm4b:s8+s1] =	stream.linear.scatter [tilespmem:s19], [sflag:$0x2], $0x1000, $0x38;
	[tilespmem:$0x19100] =	vst v63  }
0x102: {  	_ =	swait.ge [sflag:s20], $0x1000  }
0x103: {  	[sflag:s20] =	ssyncset.done $0x0  }
0x104: {  	[sflag:s20] =	ssyncadd.s32 $0xFFFFF000  }
0x105: {  	[tilespmem:s19], [sflag:$0x2] =	stream.linear.gather [spmem:s14], $0x1000, $0x38;
	[tilespmem:$0x19100] =	vst v63  }
0x106: {  	_ =	swait.ge [sflag:s20], $0x1000  }
0x107: {  	[sflag:s20] =	ssyncset.done $0x0  }
0x108: {  	s5 =	smov.u32 s9;
	s9 =	rddreg [dreg:$0xb];
	[sflag:s20] =	ssyncadd.s32 $0xFFFFF000  }
0x109: {  	[hbm4b:s9+s1] =	stream.linear.scatter [tilespmem:s19], [sflag:$0x2], $0x1000, $0x38;
	[tilespmem:$0x19100] =	vst v63  }
0x10a: {  	_ =	swait.ge [sflag:s20], $0x1000  }
0x10b: {  	[sflag:s20] =	ssyncset.done $0x0  }
0x10c: {  	[sflag:s20] =	ssyncadd.s32 $0xFFFFF000  }
0x10d: {  	[tilespmem:s19], [sflag:$0x2] =	stream.linear.gather [spmem:s15], $0x1000, $0x38;
	[tilespmem:$0x19100] =	vst v63  }
0x10e: {  	_ =	swait.ge [sflag:s20], $0x1000  }
0x10f: {  	[sflag:s20] =	ssyncset.done $0x0  }
0x110: {  	s10 =	smov.u32 s11;
	s11 =	rddreg [dreg:$0xc];
	[sflag:s20] =	ssyncadd.s32 $0xFFFFF000  }
0x111: {  	[hbm4b:s11+s1] =	stream.linear.scatter [tilespmem:s19], [sflag:$0x2], $0x1000, $0x38;
	[tilespmem:$0x19100] =	vst v63  }
0x112: {  	_ =	swait.ge [sflag:s20], $0x1000  }
0x113: {  	[sflag:s20] =	ssyncset.done $0x0  }
0x114: {  	s16 =	rddreg [dreg:$0x1f];
	[sflag:s20] =	ssyncadd.s32 $0xFFFFF000  }
0x115: {  	[tilespmem:s19], [sflag:$0x2] =	stream.linear.gather [spmem:s16], $0x1000, $0x38;
	[tilespmem:$0x19100] =	vst v63  }
0x116: {  	_ =	swait.ge [sflag:s20], $0x1000  }
0x117: {  	[sflag:s20] =	ssyncset.done $0x0  }
0x118: {  	s12 =	rddreg [dreg:$0xd];
	[sflag:s20] =	ssyncadd.s32 $0xFFFFF000  }
0x119: {  	[hbm4b:s12+s1] =	stream.linear.scatter [tilespmem:s19], [sflag:$0x2], $0x1000, $0x38;
	[tilespmem:$0x19100] =	vst v63  }
0x11a: {  	_ =	swait.ge [sflag:s20], $0x1000  }
0x11b: {  	[sflag:s20] =	ssyncset.done $0x0  }
0x11c: {  	s11 =	rddreg [dreg:$0x19];
	[sflag:s20] =	ssyncadd.s32 $0xFFFFF000  }
0x11d: {  	[tilespmem:s19], [sflag:$0x2] =	stream.linear.gather [spmem:s11], $0x1000, $0x38;
	[tilespmem:$0x19100] =	vst v63  }
0x11e: {  	_ =	swait.ge [sflag:s20], $0x1000  }
0x11f: {  	[sflag:s20] =	ssyncset.done $0x0  }
0x120: {  	s2 =	smov.u32 s13;
	s13 =	rddreg [dreg:$0xe];
	[sflag:s20] =	ssyncadd.s32 $0xFFFFF000  }
0x121: {  	[hbm4b:s13+s1] =	stream.linear.scatter [tilespmem:s19], [sflag:$0x2], $0x1000, $0x38;
	[tilespmem:$0x19100] =	vst v63  }
0x122: {  	_ =	swait.ge [sflag:s20], $0x1000  }
0x123: {  	[sflag:s20] =	ssyncset.done $0x0  }
0x124: {  	s12 =	rddreg [dreg:$0x1a];
	[sflag:s20] =	ssyncadd.s32 $0xFFFFF000  }
0x125: {  	[tilespmem:s19], [sflag:$0x2] =	stream.linear.gather [spmem:s12], $0x1000, $0x38;
	[tilespmem:$0x19100] =	vst v63  }
0x126: {  	_ =	swait.ge [sflag:s20], $0x1000  }
0x127: {  	[sflag:s20] =	ssyncset.done $0x0  }
0x128: {  	s3 =	smov.u32 s14;
	s14 =	rddreg [dreg:$0xf];
	[sflag:s20] =	ssyncadd.s32 $0xFFFFF000  }
0x129: {  	[hbm4b:s14+s1] =	stream.linear.scatter [tilespmem:s19], [sflag:$0x2], $0x1000, $0x38;
	[tilespmem:$0x19100] =	vst v63  }
0x12a: {  	_ =	swait.ge [sflag:s20], $0x1000  }
0x12b: {  	[sflag:s20] =	ssyncset.done $0x0  }
0x12c: {  	s13 =	rddreg [dreg:$0x1b];
	[sflag:s20] =	ssyncadd.s32 $0xFFFFF000  }
0x12d: {  	[tilespmem:s19], [sflag:$0x2] =	stream.linear.gather [spmem:s13], $0x1000, $0x38;
	[tilespmem:$0x19100] =	vst v63  }
0x12e: {  	_ =	swait.ge [sflag:s20], $0x1000  }
0x12f: {  	[sflag:s20] =	ssyncset.done $0x0  }
0x130: {  	s9 =	smov.u32 s15;
	s15 =	rddreg [dreg:$0x10];
	[sflag:s20] =	ssyncadd.s32 $0xFFFFF000  }
0x131: {  	[hbm4b:s15+s1] =	stream.linear.scatter [tilespmem:s19], [sflag:$0x2], $0x1000, $0x38;
	[tilespmem:$0x19100] =	vst v63  }
0x132: {  	_ =	swait.ge [sflag:s20], $0x1000  }
0x133: {  	[sflag:s20] =	ssyncset.done $0x0  }
0x134: {  	s14 =	rddreg [dreg:$0x1c];
	[sflag:s20] =	ssyncadd.s32 $0xFFFFF000  }
0x135: {  	[tilespmem:s19], [sflag:$0x2] =	stream.linear.gather [spmem:s14], $0x1000, $0x38;
	[tilespmem:$0x19100] =	vst v63  }
0x136: {  	_ =	swait.ge [sflag:s20], $0x1000  }
0x137: {  	[sflag:s20] =	ssyncset.done $0x0  }
0x138: {  	s17 =	rddreg [dreg:$0x11];
	[sflag:s20] =	ssyncadd.s32 $0xFFFFF000  }
0x139: {  	[hbm4b:s17+s1] =	stream.linear.scatter [tilespmem:s19], [sflag:$0x2], $0x1000, $0x38;
	[tilespmem:$0x19100] =	vst v63  }
0x13a: {  	_ =	swait.ge [sflag:s20], $0x1000  }
0x13b: {  	[sflag:s20] =	ssyncset.done $0x0  }
0x13c: {  	s15 =	rddreg [dreg:$0x1d];
	[sflag:s20] =	ssyncadd.s32 $0xFFFFF000  }
0x13d: {  	[tilespmem:s19], [sflag:$0x2] =	stream.linear.gather [spmem:s15], $0x1000, $0x38;
	[tilespmem:$0x19100] =	vst v63  }
0x13e: {  	_ =	swait.ge [sflag:s20], $0x1000  }
0x13f: {  	[sflag:s20] =	ssyncset.done $0x0  }
0x140: {  	s21 =	rddreg [dreg:$0x12];
	[sflag:s20] =	ssyncadd.s32 $0xFFFFF000  }
0x141: {  	[hbm4b:s21+s1] =	stream.linear.scatter [tilespmem:s19], [sflag:$0x2], $0x1000, $0x38;
	[tilespmem:$0x19100] =	vst v63  }
0x142: {  	_ =	swait.ge [sflag:s20], $0x1000  }
0x143: {  	[sflag:s20] =	ssyncset.done $0x0  }
0x144: {  	s17 =	rddreg [dreg:$0x1e];
	[sflag:s20] =	ssyncadd.s32 $0xFFFFF000  }
0x145: {  	[tilespmem:s19], [sflag:$0x2] =	stream.linear.gather [spmem:s17], $0x1000, $0x38;
	[tilespmem:$0x19100] =	vst v63  }
0x146: {  	_ =	swait.ge [sflag:s20], $0x1000  }
0x147: {  	[sflag:s20] =	ssyncset.done $0x0  }
0x148: {  	s4 =	rddreg [dreg:$0x13];
	[sflag:s20] =	ssyncadd.s32 $0xFFFFF000  }
0x149: {  	[hbm4b:s4+s1] =	stream.linear.scatter [tilespmem:s19], [sflag:$0x2], $0x1000, $0x38;
	[tilespmem:$0x19100] =	vst v63  }
0x14a: {  	_ =	swait.ge [sflag:s20], $0x1000  }
0x14b: {  	s21 =	sld [smem:$0x7F9]  }
0x14c: {  	[sflag:s20] =	ssyncset.done $0x0  }
0x14d: {  	[sflag:s20] =	ssyncadd.s32 $0xFFFFF000  }
0x14e: {  	[tilespmem:s19], [sflag:$0x2] =	stream.linear.gather [spmem:s21], $0x1000, $0x38;
	[tilespmem:$0x19100] =	vst v63  }
0x14f: {  	_ =	swait.ge [sflag:s20], $0x1000  }
0x150: {  	[sflag:s20] =	ssyncset.done $0x0  }
0x151: {  	s6 =	rddreg [dreg:$0x14];
	[sflag:s20] =	ssyncadd.s32 $0xFFFFF000  }
0x152: {  	[hbm4b:s6+s1] =	stream.linear.scatter [tilespmem:s19], [sflag:$0x2], $0x1000, $0x38;
	[tilespmem:$0x19100] =	vst v63  }
0x153: {  	_ =	swait.ge [sflag:s20], $0x1000  }
0x154: {  	s6 =	sld [smem:$0x7FA]  }
0x155: {  	[sflag:s20] =	ssyncset.done $0x0  }
0x156: {  	[sflag:s20] =	ssyncadd.s32 $0xFFFFF000  }
0x157: {  	[tilespmem:s19], [sflag:$0x2] =	stream.linear.gather [spmem:s6], $0x1000, $0x38;
	[tilespmem:$0x19100] =	vst v63  }
0x158: {  	_ =	swait.ge [sflag:s20], $0x1000  }
0x159: {  	[sflag:s20] =	ssyncset.done $0x0  }
0x15a: {  	s7 =	rddreg [dreg:$0x15];
	[sflag:s20] =	ssyncadd.s32 $0xFFFFF000  }
0x15b: {  	[hbm4b:s7+s1] =	stream.linear.scatter [tilespmem:s19], [sflag:$0x2], $0x1000, $0x38;
	[tilespmem:$0x19100] =	vst v63  }
0x15c: {  	_ =	swait.ge [sflag:s20], $0x1000  }
0x15d: {  	s7 =	sld [smem:$0x7FB]  }
0x15e: {  	[sflag:s20] =	ssyncset.done $0x0  }
0x15f: {  	[sflag:s20] =	ssyncadd.s32 $0xFFFFF000  }
0x160: {  	[tilespmem:s19], [sflag:$0x2] =	stream.linear.gather [spmem:s7], $0x1000, $0x38;
	[tilespmem:$0x19100] =	vst v63  }
0x161: {  	_ =	swait.ge [sflag:s20], $0x1000  }
0x162: {  	[sflag:s20] =	ssyncset.done $0x0  }
0x163: {  	s8 =	rddreg [dreg:$0x16];
	[sflag:s20] =	ssyncadd.s32 $0xFFFFF000  }
0x164: {  	[hbm4b:s8+s1] =	stream.linear.scatter [tilespmem:s19], [sflag:$0x2], $0x1000, $0x38;
	[tilespmem:$0x19100] =	vst v63  }
0x165: {  	_ =	swait.ge [sflag:s20], $0x1000  }
0x166: {  	s8 =	sld [smem:$0x7FC]  }
0x167: {  	[sflag:s20] =	ssyncset.done $0x0  }
0x168: {  	[sflag:s20] =	ssyncadd.s32 $0xFFFFF000  }
0x169: {  	[tilespmem:s19], [sflag:$0x2] =	stream.linear.gather [spmem:s8], $0x1000, $0x38;
	[tilespmem:$0x19100] =	vst v63  }
0x16a: {  	_ =	swait.ge [sflag:s20], $0x1000  }
0x16b: {  	[sflag:s20] =	ssyncset.done $0x0  }
0x16c: {  	s4 =	rddreg [dreg:$0x17];
	[sflag:s20] =	ssyncadd.s32 $0xFFFFF000  }
0x16d: {  	[hbm4b:s4+s1] =	stream.linear.scatter [tilespmem:s19], [sflag:$0x2], $0x1000, $0x38;
	[tilespmem:$0x19100] =	vst v63  }
0x16e: {  	_ =	swait.ge [sflag:s20], $0x1000  }
0x16f: {  	s4 =	sld [smem:$0x7F8]  }
0x170: {  	s0 =	sld [smem:$0x7F7];
	_ =	sdelay $0x1  }
0x171: {  	s4 =	sadd.s32 $0x1, s4  }
0x172: {  	p0 =	sne.s32 s4, s0  }
.Ltmp1:
0x173: {  	_ = 	snop;
	(pc) =	sbr.rel @p0 .LBB2_1-.Ltmp1, $3  }
0x174: {  	_ =	sdelay $0x1  }
0x175: {  	[sflag:s20] =	ssyncset.done $0x0;
	[smem:$0x7F8] =	sst s4  }
0x176: {  	[sflag:s20] =	ssyncadd.s32 $0xFFFFF000;
	s4 =	sld [smem:$0x7FD]  }
0x177: {  	_ =	sfence.sel $0x180000  }
0x178: {  	[bflag:$0x0] =	sbarrier.arrive $0xFFFF  }
0x179: {  	_ =	strace $0x9000004A  }
0x17a: {  	s0 =	stileid.u32;
	[bflag:$0x2] =	sbarrier.arrive $0xFFFF  }
0x17b: {  	p0 =	sne.s32 s0, $0x0;
	s0 =	rddreg [dreg:$0x3]  }
0x17c: {  	s0 =	sadd.s32 @!p0 $0x100000, s0  }
0x17d: {  	[sflag:s0] =	ssyncadd.tile.s32 @!p0 $0x1;
	_ =	shalt  }
.Lfunc_end2:
_tile_overlayer_lowered:
.L_overlay_start_2:
0x17e: {  	(tag) =	ssettag $0x2  }
0x17f: {  	s0 =	rddreg [dreg:$0x0];
	s2 =	stileid.u32  }
0x180: {  	s1 =	rddreg [dreg:$0x1];
	p0 =	sne.s32 s2, $0x0  }
0x181: {  	s3 =	rddreg [dreg:$0x2];
	[bflag:$0x3] =	sbarrier.arrive $0xFFFF;
	s2 =	simm.s32 @!p0 $0x1C02  }
0x182: {  	[timem:s3], [sflag:s2] =	dma.local @!p0 [hbm:s0], s1  }
0x183: {  	s0 =	simm.s32 @!p0 $0x2  }
0x184: {  	_ =	swait.ge @!p0 [sflag:s0], s1  }
0x185: {  	s1 =	ssub.s32 @!p0 $0x0, s1;
	[sflag:s0] =	ssyncset.done @!p0 $0x0  }
0x186: {  	[sflag:s0] =	ssyncadd.s32 @!p0 s1  }
0x187: {  	[bflag:$0x3] =	sbarrier.arrive $0xFFFF  }
0x188: {  	_ =	shalt  }

// kernel: kernel.7.cloned.1.call-start
scs
__scs_entry_jumppad:
0x0: {  	(pc) =	sbr.rel $0x88, $3  }
0x1: {  	(tag) =	ssettag $0x0;
	lr =	simm.s32 $0x1  }
0x2: {  	[smem:$0x3F97] =	sst lr;
	_ =	strace $0xD0000000  }
0x3: {  	_ = 	snop  }
0x4: {  	_ = 	snop  }
0x5: {  	_ = 	snop  }
0x6: {  	_ = 	snop  }
0x7: {  	_ = 	snop  }
__scs_overlays_trampoline_lowered:
0x8: {  	[smem:$0x3FA6] =	sst s0  }
0x9: {  	[smem:$0x3FA7] =	sst s1  }
0xa: {  	[smem:$0x3FA8] =	sst s2  }
0xb: {  	[smem:$0x3FA9] =	sst s3  }
0xc: {  	[smem:$0x3FAA] =	sst s4  }
0xd: {  	[smem:$0x3FAB] =	sst s5  }
0xe: {  	[smem:$0x3FAC] =	sst s6  }
0xf: {  	[smem:$0x3FAD] =	sst s7  }
0x10: {  	[smem:$0x3FAE] =	sst s8  }
0x11: {  	[smem:$0x3FAF] =	sst s9;
	s0 =	simm.s32 @!p0 $0x0  }
0x12: {  	s1 =	sld [smem:$0x3F95];
	s0 =	simm.s32 @p0 $0x1  }
0x13: {  	[smem:$0x3FB0] =	sst s0;
	s0 =	simm.s32 @!p1 $0x0  }
0x14: {  	s2 =	sld [smem:$0x3F94];
	s0 =	simm.s32 @p1 $0x1  }
0x15: {  	[smem:$0x3FB1] =	sst s0;
	s0 =	simm.s32 @!p2 $0x0  }
0x16: {  	s3 =	sld [smem:$0x3FDB];
	s0 =	simm.s32 @p2 $0x1  }
0x17: {  	s4 =	simm.s32 $0x1BF5;
	[smem:$0x3FB3] =	sst s0  }
0x18: {  	s0 =	sld [smem:$0x3F96];
	_ =	swait.ge [sflag:s4], $0x0  }
0x19: {  	s7 =	sld [smem:$0x3F97]  }
0x1a: {  	s8 =	sadd.s32 $0xFFFFE003, lr  }
0x1b: {  	s9 =	sadd.s32 $0xFFFFFEF7, lr;
	s5 =	simm.s32 $0xFFFFFFFF;
	p2 =	slt.u32 s8, $0xFFFFF086  }
0x1c: {  	p1 =	slt.u32 s9, $0xF7A;
	s5 =	simm.s32 @!p2 $0x0  }
0x1d: {  	s5 =	simm.s32 @p1 $0x1;
	p0 =	seq.s32 s7, s2  }
0x1e: {  	s7 =	smul.u32 @!p0 $0xF7A, s2;
	p2 =	seq.s32 @!p0 s5, $0x0  }
0x1f: {  	s9 =	smul.u32 $0xF7A, s1;
	s8 =	simm.s32 @!p0 $0x1BF5;
	p2 =	por !p2, p0  }
0x20: {  	[sflag:s8] =	ssyncset.s32 @!p0 $0xFFFFF086;
	s6 =	sadd.s32 @!p0 s3, s7;
	s7 =	simm.s32 @!p0 $0x108  }
0x21: {  	s3 =	sadd.s32 s3, s9;
	s6 =	sadd.s32 @!p0 $0x88, s6;
	s7 =	simm.s32 @p2 $0x1082  }
0x22: {  	[simem:s7], [sflag:s8] =	dma.local @!p0 [hbm:s6], $0xF7A  }
0x23: {  	s9 =	sor.u32 $0xD0000000, s2;
	s6 =	simm.s32 $0x108;
	_ =	swait.ge @!p0 [sflag:s8], $0x0  }
0x24: {  	s3 =	sadd.s32 $0x88, s3;
	s6 =	simm.s32 @!p1 $0x1082;
	[sflag:s4] =	ssyncset.s32 $0xFFFFF086  }
0x25: {  	[simem:s6], [sflag:s4] =	dma.local [hbm:s3], $0xF7A  }
0x26: {  	[smem:$0x3F97] =	sst s1;
	(tag) =	ssettag s2;
	_ =	strace s9  }
0x27: {  	s1 =	sld [smem:$0x3FA7]  }
0x28: {  	s2 =	sld [smem:$0x3FA8]  }
0x29: {  	s4 =	sld [smem:$0x3FAA]  }
0x2a: {  	p0 =	seq.s32 s5, $0x0;
	s5 =	sld [smem:$0x3FAB]  }
0x2b: {  	s6 =	sld [smem:$0x3FAC]  }
0x2c: {  	s7 =	sld [smem:$0x3FAD]  }
0x2d: {  	s3 =	simm.s32 $0x108;
	s8 =	sld [smem:$0x3FAE]  }
0x2e: {  	s3 =	simm.s32 @!p0 $0x1082;
	s9 =	sld [smem:$0x3FAF]  }
0x2f: {  	lr =	sadd.s32 s0, s3;
	s0 =	sld [smem:$0x3FA6]  }
0x30: {  	s3 =	sld [smem:$0x3FA9]  }
0x31: {  	[smem:$0x3FB2] =	sst s10  }
0x32: {  	s10 =	sld [smem:$0x3FB0];
	_ =	sdelay $0x3  }
0x33: {  	p0 =	seq.s32 s10, $0x1;
	s10 =	sld [smem:$0x3FB2];
	_ =	sdelay $0x3  }
0x34: {  	[smem:$0x3FB2] =	sst s10  }
0x35: {  	s10 =	sld [smem:$0x3FB1];
	_ =	sdelay $0x3  }
0x36: {  	p1 =	seq.s32 s10, $0x1;
	s10 =	sld [smem:$0x3FB2];
	_ =	sdelay $0x3  }
0x37: {  	[smem:$0x3FB2] =	sst s10  }
0x38: {  	s10 =	sld [smem:$0x3FB3]  }
0x39: {  	_ = 	snop;
	(pc) =	sbr.ind lr, $3  }
0x3a: {  	_ = 	snop  }
0x3b: {  	_ = 	snop  }
0x3c: {  	p2 =	seq.s32 s10, $0x1;
	s10 =	sld [smem:$0x3FB2]  }
0x3d: {  	_ =	shalt  }
0x3e: {  	_ =	shalt  }
0x3f: {  	_ =	shalt  }
0x40: {  	_ =	shalt  }
0x41: {  	_ =	shalt  }
0x42: {  	_ =	shalt  }
0x43: {  	_ =	shalt  }
0x44: {  	_ =	shalt  }
0x45: {  	_ =	shalt  }
0x46: {  	_ =	shalt  }
0x47: {  	_ =	shalt  }
0x48: {  	_ =	shalt  }
0x49: {  	_ =	shalt  }
0x4a: {  	_ =	shalt  }
0x4b: {  	_ =	shalt  }
0x4c: {  	_ =	shalt  }
0x4d: {  	_ =	shalt  }
0x4e: {  	_ =	shalt  }
0x4f: {  	_ =	shalt  }
0x50: {  	_ =	shalt  }
0x51: {  	_ =	shalt  }
0x52: {  	_ =	shalt  }
0x53: {  	_ =	shalt  }
0x54: {  	_ =	shalt  }
0x55: {  	_ =	shalt  }
0x56: {  	_ =	shalt  }
0x57: {  	_ =	shalt  }
0x58: {  	_ =	shalt  }
0x59: {  	_ =	shalt  }
0x5a: {  	_ =	shalt  }
0x5b: {  	_ =	shalt  }
0x5c: {  	_ =	shalt  }
0x5d: {  	_ =	shalt  }
0x5e: {  	_ =	shalt  }
0x5f: {  	_ =	shalt  }
0x60: {  	_ =	shalt  }
0x61: {  	_ =	shalt  }
0x62: {  	_ =	shalt  }
0x63: {  	_ =	shalt  }
0x64: {  	_ =	shalt  }
0x65: {  	_ =	shalt  }
0x66: {  	_ =	shalt  }
0x67: {  	_ =	shalt  }
0x68: {  	_ =	shalt  }
0x69: {  	_ =	shalt  }
0x6a: {  	_ =	shalt  }
0x6b: {  	_ =	shalt  }
0x6c: {  	_ =	shalt  }
0x6d: {  	_ =	shalt  }
0x6e: {  	_ =	shalt  }
0x6f: {  	_ =	shalt  }
0x70: {  	_ =	shalt  }
0x71: {  	_ =	shalt  }
0x72: {  	_ =	shalt  }
0x73: {  	_ =	shalt  }
0x74: {  	_ =	shalt  }
0x75: {  	_ =	shalt  }
0x76: {  	_ =	shalt  }
0x77: {  	_ =	shalt  }
0x78: {  	_ =	shalt  }
0x79: {  	_ =	shalt  }
0x7a: {  	_ =	shalt  }
0x7b: {  	_ =	shalt  }
0x7c: {  	_ =	shalt  }
0x7d: {  	_ =	shalt  }
0x7e: {  	_ =	shalt  }
0x7f: {  	_ =	shalt  }
0x80: {  	_ =	shalt  }
0x81: {  	_ =	shalt  }
0x82: {  	_ =	shalt  }
0x83: {  	_ =	shalt  }
0x84: {  	_ =	shalt  }
0x85: {  	_ =	shalt  }
0x86: {  	_ =	shalt  }
0x87: {  	_ =	shalt  }
.Lfunc_end0:
.L_simem_size_0:
called_computation_lowered:
.L_overlay_start_0:
0x88: {  	s2 =	sld [smem:$0x3FD9]  }
0x89: {  	s3 =	sld [smem:$0x3FFE];
	_ =	sdelay $0x1  }
0x8a: {  	s1 =	srdreg.scid  }
0x8b: {  	s0 =	sand.u32 $0x1, s1  }
0x8c: {  	s17 =	sshll.u32 s0, $0xA;
	s2 =	sadd.s32 s3, s2  }
0x8d: {  	s2 =	sadd.s32 s2, s17  }
0x8e: {  	[smem:$0x3FBE] =	sst s2  }
0x8f: {  	_ = 	snop  }
0x90: {  	s2 =	sld [smem:$0x3FD0];
	(tm) =	ssettm $0x1  }
0x91: {  	s18 =	sld [smem:$0x3FFB];
	_ =	sdelay $0x3  }
0x92: {  	_ =	strace s18  }
0x93: {  	s3 =	sld [smem:$0x3FFC];
	_ =	sdelay $0x3  }
0x94: {  	_ =	strace s3  }
0x95: {  	s3 =	sld [smem:$0x3FFD];
	_ =	sdelay $0x3  }
0x96: {  	_ =	strace s3  }
0x97: {  	_ =	strace $0x8FFFFFFF  }
0x98: {  	s19 =	sld [smem:$0x3FDB];
	_ =	sdelay $0x1  }
0x99: {  	s4 =	simm.s32 $_scs_section_size  }
0x9a: {  	s5 =	simm.s32 $_size__tile_overlayer_lowered;
	s6 =	simm.s32 $_tile_overlayer_lowered  }
0x9b: {  	s22 =	simm.s32 $0x1BFF;
	s21 =	sshll.u32 s6, $0x1;
	s3 =	sadd.s32 s4, s19  }
0x9c: {  	s7 =	simm.s32 $0x0;
	s20 =	sshll.u32 s5, $0x1;
	s5 =	sadd.s32 s21, s3  }
0x9d: {  	[timem:s7], [sflag:s22] =	dma.local [hbm:s5], s20  }
0x9e: {  	_ =	swait.ge [sflag:s22], s20  }
0x9f: {  	s4 =	ssub.s32 $0x0, s20;
	[sflag:s22] =	ssyncset.done $0x0  }
0xa0: {  	[sflag:s22] =	ssyncadd.s32 s4;
	_ =	sdelay $0x1  }
0xa1: {  	s23 =	simm.s32 $0x1B8B  }
0xa2: {  	_ =	swait.ge [sflag:s23], $0x1  }
0xa3: {  	[sflag:s23] =	ssyncset.done $0x0  }
0xa4: {  	s25 =	simm.s32 $0x1B8E;
	s24 =	sld [smem:$0x3FFE];
	[sflag:s23] =	ssyncadd.s32 $0xFFFFFFFF  }
0xa5: {  	s26 =	simm.s32 $execute0_lowered;
	[smem:$0x3FD2] =	sst s25  }
0xa6: {  	s5 =	sshll.u32 s26, $0x1;
	_ =	strace $0x80000046;
	[dreg:$0x1] =	wrdreg $0xFFFFFFFF  }
0xa7: {  	s28 =	simm.s32 $_size_execute0_lowered;
	s3 =	sadd.s32 s3, s5;
	[dreg:$0x0] =	wrdreg $0x0  }
0xa8: {  	s5 =	sshll.u32 s28, $0x1;
	[dreg:$0x2] =	wrdreg s3  }
0xa9: {  	[dreg:$0x3] =	wrdreg s5  }
0xaa: {  	[dreg:$0x4] =	wrdreg $0xC0  }
0xab: {  	_ =	task [dreg:s7], $0x5FFFF  }
0xac: {  	[dreg:$0x1] =	wrdreg $0xFFFFFFFF  }
0xad: {  	[dreg:$0x0] =	wrdreg $0x60  }
0xae: {  	[dreg:$0x2] =	wrdreg s24  }
0xaf: {  	[dreg:$0x3] =	wrdreg s2  }
0xb0: {  	[dreg:$0x4] =	wrdreg $0x0  }
0xb1: {  	[dreg:$0x5] =	wrdreg $0x191000  }
0xb2: {  	[dreg:$0x6] =	wrdreg $0x9  }
0xb3: {  	_ =	task.clear_ibuf [dreg:s7], $0x7FFFF;
	_ =	strace $0x90000046  }
0xb4: {  	s29 =	simm.s32 $0x9;
	_ =	strace $0x80000048  }
0xb5: {  	_ =	swait.ge [sflag:s29], $0x1  }
0xb6: {  	[sflag:s29] =	ssyncadd.s32 $0xFFFFFFFF  }
0xb7: {  	_ =	strace $0x90000048  }
0xb8: {  	_ =	sfence  }
0xb9: {  	s30 =	sld [smem:$0x0];
	_ =	sdelay $0x2  }
0xba: {  	s31 =	sshll.u32 s1, $0xD;
	s1 =	sshrl.u32 s1, $0x2  }
0xbb: {  	s3 =	sand.u32 $0x4000, s31;
	s1 =	sadd.s32 s1, s30  }
0xbc: {  	s0 =	sor.u32 s3, s0;
	s1 =	sshll.u32 s1, $0x11  }
0xbd: {  	s0 =	sor.u32 s1, s0  }
0xbe: {  	s0 =	sadd.s32 $0x8F2B, s0  }
0xbf: {  	[sflag:s0] =	ssyncadd.remote.s32 $0x1  }
0xc0: {  	_ =	sfence.sel $0xFFFF  }
0xc1: {  	[dreg:$0x0] =	wrdreg $0xFFFFFFFF;
	(pc) =	sbr.abs _section_cstart, $3  }
0xc2: {  	[dreg:$0x1] =	wrdreg $0xFFFFFFFF  }
0xc3: {  	_ =	task.clear_ibuf [dreg:s7], $0x2FFFF;
	_ =	strace $0x9FFFFFFF  }
0xc4: {  	(tm) =	ssettm $0x7FFFFFFF  }
0xc5: {  	_ =	shalt  }
tec
execute0_lowered:
.L_overlay_start_1:
0x0: {  	(tag) =	ssettag $0x1  }
0x1: {  	s3 =	rddreg [dreg:$0x0];
	s30 =	stileid.u32  }
0x2: {  	s0 =	srdreg.scid;
	s1 =	simm.s32 $0x0;
	s25 =	smul.u32 $0x280, s30  }
0x3: {  	s24 =	sand.u32 $0x1, s0;
	[smem:$0x7FF] =	sst s1;
	s22 =	sadd.s32 $0x35600, s3  }
0x4: {  	s18 =	smul.u32 $0x14000, s30;
	s2 =	ssub.s32 $0x2, s24;
	[smem:$0x7EE] =	sst s25  }
0x5: {  	s4 =	sshrl.u32 s2, $0x1;
	s23 =	sshll.u32 s25, $0x7;
	s25 =	smul.u32 $0x140000, s24  }
0x6: {  	s26 =	ssub.s32 s2, s4;
	s16 =	sor.u32 $0x1000, s23;
	s31 =	sor.u32 $0x2000, s23  }
0x7: {  	s17 =	sor.u32 $0x3000, s23;
	s19 =	sadd.s32 $0x4000, s23;
	s21 =	sadd.s32 $0x5000, s23  }
0x8: {  	s0 =	sadd.s32 $0x6000, s23;
	s10 =	sadd.s32 $0x7000, s23;
	s11 =	sadd.s32 $0x8000, s23  }
0x9: {  	s12 =	sadd.s32 $0x9000, s23;
	s7 =	sadd.s32 $0xA000, s23;
	s14 =	sadd.s32 $0xB000, s23  }
0xa: {  	s15 =	sadd.s32 $0xC000, s23;
	s13 =	sadd.s32 $0xD000, s23;
	s4 =	sadd.s32 $0xE000, s23  }
0xb: {  	s5 =	sadd.s32 $0xF000, s23;
	s9 =	sadd.s32 $0x11000, s23;
	s6 =	sadd.s32 $0x12000, s23  }
0xc: {  	[smem:$0x7F0] =	sst s26;
	s20 =	sadd.s32 s18, s25;
	s18 =	sadd.s32 $0x10000, s23  }
0xd: {  	s28 =	sadd.s32 s25, s16;
	s23 =	sadd.s32 $0x13000, s23;
	s8 =	sadd.s32 s25, s31  }
0xe: {  	s26 =	sshrl.u32 s20, $0x3;
	s2 =	sshrl.u32 s28, $0x3;
	s28 =	sadd.s32 s25, s17  }
0xf: {  	s29 =	sadd.s32 s25, s19;
	s26 =	sadd.s32 s22, s26;
	s28 =	sshrl.u32 s28, $0x3  }
0x10: {  	[dreg:$0x5] =	wrdreg s26;
	s26 =	sadd.s32 s22, s2;
	s20 =	sadd.s32 s22, s28  }
0x11: {  	s2 =	sshrl.u32 s29, $0x3;
	s28 =	sadd.s32 s25, s0;
	[dreg:$0x6] =	wrdreg s26  }
0x12: {  	s29 =	sadd.s32 s25, s10;
	s26 =	sshrl.u32 s8, $0x3;
	[dreg:$0x8] =	wrdreg s20  }
0x13: {  	s8 =	sadd.s32 s25, s21;
	s28 =	sshrl.u32 s28, $0x3;
	s26 =	sadd.s32 s22, s26  }
0x14: {  	s20 =	smov.u32 s0;
	s0 =	sadd.s32 s22, s28;
	[dreg:$0x7] =	wrdreg s26  }
0x15: {  	s28 =	sadd.s32 s25, s12;
	s26 =	sadd.s32 s22, s2;
	[dreg:$0xb] =	wrdreg s0  }
0x16: {  	s2 =	sshrl.u32 s29, $0x3;
	s28 =	sshrl.u32 s28, $0x3;
	s29 =	sadd.s32 s25, s7  }
0x17: {  	[dreg:$0x9] =	wrdreg s26;
	s26 =	sshrl.u32 s8, $0x3;
	s0 =	sadd.s32 s22, s28  }
0x18: {  	s28 =	sadd.s32 s25, s15;
	s26 =	sadd.s32 s22, s26;
	[dreg:$0xe] =	wrdreg s0  }
0x19: {  	s8 =	sadd.s32 s25, s11;
	s28 =	sshrl.u32 s28, $0x3;
	[dreg:$0xa] =	wrdreg s26  }
0x1a: {  	s26 =	sadd.s32 s22, s2;
	s2 =	sshrl.u32 s29, $0x3;
	s29 =	sadd.s32 s25, s13  }
0x1b: {  	s0 =	sadd.s32 s22, s28;
	s28 =	sadd.s32 s25, s5;
	[dreg:$0xc] =	wrdreg s26  }
0x1c: {  	s26 =	sshrl.u32 s8, $0x3;
	s8 =	sadd.s32 s25, s14;
	[dreg:$0x11] =	wrdreg s0  }
0x1d: {  	s28 =	sshrl.u32 s28, $0x3;
	s0 =	smov.u32 s18;
	s26 =	sadd.s32 s22, s26  }
0x1e: {  	[dreg:$0xd] =	wrdreg s26;
	s26 =	sadd.s32 s22, s2;
	s2 =	sshrl.u32 s29, $0x3  }
0x1f: {  	s29 =	sadd.s32 s25, s18;
	s18 =	sadd.s32 s22, s28;
	s28 =	sadd.s32 s25, s6  }
0x20: {  	[dreg:$0xf] =	wrdreg s26;
	s26 =	sshrl.u32 s8, $0x3;
	s8 =	sadd.s32 s25, s4  }
0x21: {  	[dreg:$0x14] =	wrdreg s18;
	s28 =	sshrl.u32 s28, $0x3;
	s26 =	sadd.s32 s22, s26  }
0x22: {  	s18 =	sadd.s32 s22, s28;
	[dreg:$0x10] =	wrdreg s26;
	s26 =	sadd.s32 s22, s2  }
0x23: {  	s2 =	sshrl.u32 s29, $0x3;
	[dreg:$0x12] =	wrdreg s26;
	s26 =	sshrl.u32 s8, $0x3  }
0x24: {  	[dreg:$0x17] =	wrdreg s18;
	s8 =	sadd.s32 s25, s9;
	s26 =	sadd.s32 s22, s26  }
0x25: {  	s25 =	sadd.s32 s25, s23;
	[dreg:$0x13] =	wrdreg s26;
	s26 =	sadd.s32 s22, s2  }
0x26: {  	s28 =	smul.u32 $0x5000, s24;
	s25 =	sshrl.u32 s25, $0x3;
	[dreg:$0x15] =	wrdreg s26  }
0x27: {  	s26 =	sshrl.u32 s8, $0x3;
	s8 =	sshll.u32 s24, $0x7;
	s24 =	rddreg [dreg:$0x2]  }
0x28: {  	s26 =	sadd.s32 s22, s26;
	s22 =	sadd.s32 s22, s25;
	s25 =	rddreg [dreg:$0x3]  }
0x29: {  	s2 =	smul.u32 $0x500, s30;
	[dreg:$0x16] =	wrdreg s26  }
0x2a: {  	s18 =	sadd.s32 $0x35400, s3;
	[dreg:$0x18] =	wrdreg s22  }
0x2b: {  	s30 =	smul.u32 $0x50000, s30;
	s29 =	sor.u32 s8, s2;
	s22 =	rddreg [dreg:$0x1]  }
0x2c: {  	s17 =	sadd.s32 s17, s24;
	_ =	strace $0x80000047;
	[dreg:$0x19] =	wrdreg s18  }
0x2d: {  	s14 =	sadd.s32 s14, s24;
	s15 =	sadd.s32 s15, s24;
	[smem:$0x7EC] =	sst s17  }
0x2e: {  	s13 =	sadd.s32 s13, s24;
	s26 =	sadd.s32 s2, s28;
	[smem:$0x7F4] =	sst s14  }
0x2f: {  	s28 =	sshrl.u32 s29, $0x3;
	s29 =	sadd.s32 $0x3000, s3;
	[smem:$0x7F5] =	sst s15  }
0x30: {  	s8 =	sadd.s32 s28, s3;
	s18 =	sadd.s32 $0x35200, s3;
	[smem:$0x7F6] =	sst s13  }
0x31: {  	s28 =	sadd.s32 $0xD000, s3;
	s3 =	sadd.s32 $0x35000, s3;
	[dreg:$0x1a] =	wrdreg s18  }
0x32: {  	s30 =	sshrl.u32 s30, $0x2;
	s17 =	sadd.s32 s9, s24;
	[dreg:$0x1b] =	wrdreg s3  }
0x33: {  	s18 =	sadd.s32 s30, s24;
	[smem:$0x7FA] =	sst s17  }
0x34: {  	s3 =	sadd.s32 s16, s24;
	[smem:$0x7E9] =	sst s18  }
0x35: {  	s16 =	sadd.s32 s31, s24;
	[smem:$0x7EA] =	sst s3  }
0x36: {  	s9 =	sadd.s32 $0x85600, s8;
	[smem:$0x7EB] =	sst s16  }
0x37: {  	s18 =	sadd.s32 s19, s24;
	[smem:$0x7EF] =	sst s9  }
0x38: {  	s19 =	sadd.s32 s21, s24;
	[smem:$0x7ED] =	sst s18  }
0x39: {  	s21 =	sadd.s32 s20, s24;
	[dreg:$0x1f] =	wrdreg s19  }
0x3a: {  	s3 =	sadd.s32 s10, s24;
	[dreg:$0x1d] =	wrdreg s21  }
0x3b: {  	[dreg:$0x1c] =	wrdreg s3  }
0x3c: {  	s18 =	sadd.s32 s12, s24;
	s12 =	sadd.s32 s6, s24;
	s6 =	sld [smem:$0x7EE]  }
0x3d: {  	s20 =	sadd.s32 s11, s24;
	s19 =	sadd.s32 s23, s24;
	s23 =	sld [smem:$0x7F0]  }
0x3e: {  	s16 =	sadd.s32 s7, s24;
	[dreg:$0x1e] =	wrdreg s20  }
0x3f: {  	s7 =	sadd.s32 s4, s24;
	[smem:$0x7F3] =	sst s16  }
0x40: {  	s10 =	sadd.s32 s5, s24;
	[smem:$0x7F7] =	sst s7  }
0x41: {  	s11 =	sadd.s32 s0, s24;
	[smem:$0x7F8] =	sst s10  }
0x42: {  	s2 =	simm.s32 $0x14000;
	s30 =	simm.s32 $0x2;
	[smem:$0x7F9] =	sst s11  }
0x43: {  	s31 =	simm.s32 $0x19400;
	s4 =	simm.s32 $0x80;
	[smem:$0x7F2] =	sst s18  }
0x44: {  	s5 =	simm.s32 $0x14100;
	s9 =	simm.s32 $0x0;
	[smem:$0x7FB] =	sst s12  }
0x45: {  	s3 =	simm.s32 $0x14080;
	[smem:$0x7FC] =	sst s19;
	s0 =	smax.u32 s23, $0x1  }
0x46: {  	s21 =	sadd.s32 s6, s25;
	s23 =	simm.s32 $0x18100;
	[smem:$0x7F1] =	sst s0  }
0x47: {  	s6 =	simm.s32 $0x1;
	s0 =	simm.s32 $0x19380;
	[smem:$0x7FD] =	sst s21  }
.LBB2_1:
0x48: {  	[smem:$0x7E8] =	sst s9  }
0x49: {  	s8 =	rddreg [dreg:$0x19]  }
0x4a: {  	[tilespmem:s23], [sflag:$0x2] =	stream.linear.gather [hbm4b:s8+s1], $0x1000, $0x38;
	[tilespmem:$0x19680] =	vst v63  }
0x4b: {  	_ =	swait.ge [sflag:s30], $0x1000  }
0x4c: {  	s9 =	sld [smem:$0x7E9]  }
0x4d: {  	[sflag:s30] =	ssyncset.done $0x0  }
0x4e: {  	[sflag:s30] =	ssyncadd.s32 $0xFFFFF000  }
0x4f: {  	[spmem:s9] =	stream.linear.scatter [tilespmem:s23], [sflag:$0x2], $0x1000, $0x38;
	[tilespmem:$0x19680] =	vst v63  }
0x50: {  	_ =	swait.ge [sflag:s30], $0x1000  }
0x51: {  	s9 =	sld [smem:$0x7EA]  }
0x52: {  	[sflag:s30] =	ssyncset.done $0x0  }
0x53: {  	[sflag:s30] =	ssyncadd.s32 $0xFFFFF000  }
0x54: {  	[spmem:s9] =	stream.linear.scatter [tilespmem:s23], [sflag:$0x2], $0x1000, $0x38;
	[tilespmem:$0x19680] =	vst v63  }
0x55: {  	s8 =	smov.u32 s14;
	_ =	swait.ge [sflag:s30], $0x1000  }
0x56: {  	s14 =	smov.u32 s9;
	s9 =	smov.u32 s15;
	s15 =	sld [smem:$0x7EB]  }
0x57: {  	[sflag:s30] =	ssyncset.done $0x0  }
0x58: {  	[sflag:s30] =	ssyncadd.s32 $0xFFFFF000  }
0x59: {  	[spmem:s15] =	stream.linear.scatter [tilespmem:s23], [sflag:$0x2], $0x1000, $0x38;
	[tilespmem:$0x19680] =	vst v63  }
0x5a: {  	_ =	swait.ge [sflag:s30], $0x1000  }
0x5b: {  	s15 =	sld [smem:$0x7EC]  }
0x5c: {  	[sflag:s30] =	ssyncset.done $0x0  }
0x5d: {  	[sflag:s30] =	ssyncadd.s32 $0xFFFFF000  }
0x5e: {  	[spmem:s15] =	stream.linear.scatter [tilespmem:s23], [sflag:$0x2], $0x1000, $0x38;
	[tilespmem:$0x19680] =	vst v63  }
0x5f: {  	_ =	swait.ge [sflag:s30], $0x1000  }
0x60: {  	s15 =	sld [smem:$0x7ED]  }
0x61: {  	[sflag:s30] =	ssyncset.done $0x0  }
0x62: {  	[sflag:s30] =	ssyncadd.s32 $0xFFFFF000  }
0x63: {  	[spmem:s15] =	stream.linear.scatter [tilespmem:s23], [sflag:$0x2], $0x1000, $0x38;
	[tilespmem:$0x19680] =	vst v63  }
0x64: {  	_ =	swait.ge [sflag:s30], $0x1000  }
0x65: {  	[sflag:s30] =	ssyncset.done $0x0  }
0x66: {  	s15 =	rddreg [dreg:$0x1f];
	[sflag:s30] =	ssyncadd.s32 $0xFFFFF000  }
0x67: {  	[spmem:s15] =	stream.linear.scatter [tilespmem:s23], [sflag:$0x2], $0x1000, $0x38;
	[tilespmem:$0x19680] =	vst v63  }
0x68: {  	_ =	swait.ge [sflag:s30], $0x1000  }
0x69: {  	[sflag:s30] =	ssyncset.done $0x0  }
0x6a: {  	s15 =	rddreg [dreg:$0x1d];
	[sflag:s30] =	ssyncadd.s32 $0xFFFFF000  }
0x6b: {  	[spmem:s15] =	stream.linear.scatter [tilespmem:s23], [sflag:$0x2], $0x1000, $0x38;
	[tilespmem:$0x19680] =	vst v63  }
0x6c: {  	_ =	swait.ge [sflag:s30], $0x1000  }
0x6d: {  	[sflag:s30] =	ssyncset.done $0x0  }
0x6e: {  	s15 =	rddreg [dreg:$0x1c];
	[sflag:s30] =	ssyncadd.s32 $0xFFFFF000  }
0x6f: {  	[spmem:s15] =	stream.linear.scatter [tilespmem:s23], [sflag:$0x2], $0x1000, $0x38;
	[tilespmem:$0x19680] =	vst v63  }
0x70: {  	_ =	swait.ge [sflag:s30], $0x1000  }
0x71: {  	[sflag:s30] =	ssyncset.done $0x0  }
0x72: {  	[sflag:s30] =	ssyncadd.s32 $0xFFFFF000  }
0x73: {  	[spmem:s20] =	stream.linear.scatter [tilespmem:s23], [sflag:$0x2], $0x1000, $0x38;
	[tilespmem:$0x19680] =	vst v63  }
0x74: {  	_ =	swait.ge [sflag:s30], $0x1000  }
0x75: {  	[sflag:s30] =	ssyncset.done $0x0  }
0x76: {  	[sflag:s30] =	ssyncadd.s32 $0xFFFFF000  }
0x77: {  	[spmem:s18] =	stream.linear.scatter [tilespmem:s23], [sflag:$0x2], $0x1000, $0x38;
	[tilespmem:$0x19680] =	vst v63  }
0x78: {  	_ =	swait.ge [sflag:s30], $0x1000  }
0x79: {  	[sflag:s30] =	ssyncset.done $0x0  }
0x7a: {  	[sflag:s30] =	ssyncadd.s32 $0xFFFFF000  }
0x7b: {  	[spmem:s16] =	stream.linear.scatter [tilespmem:s23], [sflag:$0x2], $0x1000, $0x38;
	[tilespmem:$0x19680] =	vst v63  }
0x7c: {  	_ =	swait.ge [sflag:s30], $0x1000  }
0x7d: {  	[sflag:s30] =	ssyncset.done $0x0  }
0x7e: {  	[sflag:s30] =	ssyncadd.s32 $0xFFFFF000  }
0x7f: {  	[spmem:s8] =	stream.linear.scatter [tilespmem:s23], [sflag:$0x2], $0x1000, $0x38;
	[tilespmem:$0x19680] =	vst v63  }
0x80: {  	_ =	swait.ge [sflag:s30], $0x1000  }
0x81: {  	[sflag:s30] =	ssyncset.done $0x0  }
0x82: {  	[sflag:s30] =	ssyncadd.s32 $0xFFFFF000  }
0x83: {  	[spmem:s9] =	stream.linear.scatter [tilespmem:s23], [sflag:$0x2], $0x1000, $0x38;
	[tilespmem:$0x19680] =	vst v63  }
0x84: {  	_ =	swait.ge [sflag:s30], $0x1000  }
0x85: {  	[sflag:s30] =	ssyncset.done $0x0  }
0x86: {  	[sflag:s30] =	ssyncadd.s32 $0xFFFFF000  }
0x87: {  	[spmem:s13] =	stream.linear.scatter [tilespmem:s23], [sflag:$0x2], $0x1000, $0x38;
	[tilespmem:$0x19680] =	vst v63  }
0x88: {  	_ =	swait.ge [sflag:s30], $0x1000  }
0x89: {  	[sflag:s30] =	ssyncset.done $0x0  }
0x8a: {  	[sflag:s30] =	ssyncadd.s32 $0xFFFFF000  }
0x8b: {  	[spmem:s7] =	stream.linear.scatter [tilespmem:s23], [sflag:$0x2], $0x1000, $0x38;
	[tilespmem:$0x19680] =	vst v63  }
0x8c: {  	_ =	swait.ge [sflag:s30], $0x1000  }
0x8d: {  	[sflag:s30] =	ssyncset.done $0x0  }
0x8e: {  	[sflag:s30] =	ssyncadd.s32 $0xFFFFF000  }
0x8f: {  	[spmem:s10] =	stream.linear.scatter [tilespmem:s23], [sflag:$0x2], $0x1000, $0x38;
	[tilespmem:$0x19680] =	vst v63  }
0x90: {  	_ =	swait.ge [sflag:s30], $0x1000  }
0x91: {  	[sflag:s30] =	ssyncset.done $0x0  }
0x92: {  	[sflag:s30] =	ssyncadd.s32 $0xFFFFF000  }
0x93: {  	[spmem:s11] =	stream.linear.scatter [tilespmem:s23], [sflag:$0x2], $0x1000, $0x38;
	[tilespmem:$0x19680] =	vst v63  }
0x94: {  	_ =	swait.ge [sflag:s30], $0x1000  }
0x95: {  	[sflag:s30] =	ssyncset.done $0x0  }
0x96: {  	[sflag:s30] =	ssyncadd.s32 $0xFFFFF000  }
0x97: {  	[spmem:s17] =	stream.linear.scatter [tilespmem:s23], [sflag:$0x2], $0x1000, $0x38;
	[tilespmem:$0x19680] =	vst v63  }
0x98: {  	_ =	swait.ge [sflag:s30], $0x1000  }
0x99: {  	[sflag:s30] =	ssyncset.done $0x0  }
0x9a: {  	[sflag:s30] =	ssyncadd.s32 $0xFFFFF000  }
0x9b: {  	[spmem:s12] =	stream.linear.scatter [tilespmem:s23], [sflag:$0x2], $0x1000, $0x38;
	[tilespmem:$0x19680] =	vst v63  }
0x9c: {  	_ =	swait.ge [sflag:s30], $0x1000  }
0x9d: {  	[sflag:s30] =	ssyncset.done $0x0  }
0x9e: {  	[sflag:s30] =	ssyncadd.s32 $0xFFFFF000  }
0x9f: {  	[spmem:s19] =	stream.linear.scatter [tilespmem:s23], [sflag:$0x2], $0x1000, $0x38;
	[tilespmem:$0x19680] =	vst v63  }
0xa0: {  	_ =	swait.ge [sflag:s30], $0x1000  }
0xa1: {  	[sflag:s30] =	ssyncset.done $0x0  }
0xa2: {  	s17 =	rddreg [dreg:$0x1a];
	[sflag:s30] =	ssyncadd.s32 $0xFFFFF000  }
0xa3: {  	[tilespmem:s31], [sflag:$0x2] =	stream.linear.gather [hbm4b:s17+s1], $0x280, $0x38;
	[tilespmem:$0x19680] =	vst v63  }
0xa4: {  	_ =	swait.ge [sflag:s30], $0x280  }
0xa5: {  	[sflag:s30] =	ssyncset.done $0x0  }
0xa6: {  	[sflag:s30] =	ssyncadd.s32 $0xFFFFFD80  }
0xa7: {  	[spmem:s21] =	stream.linear.scatter [tilespmem:s31], [sflag:$0x2], $0x280, $0x38;
	[tilespmem:$0x19680] =	vst v63  }
0xa8: {  	_ =	swait.ge [sflag:s30], $0x280  }
0xa9: {  	[sflag:s30] =	ssyncset.done $0x0  }
0xaa: {  	s18 =	rddreg [dreg:$0x1b];
	[sflag:s30] =	ssyncadd.s32 $0xFFFFFD80  }
0xab: {  	[tilespmem:s0], [sflag:$0x2] =	stream.linear.gather [hbm4b:s18+s1], $0x80, $0x38;
	[tilespmem:$0x19680] =	vst v63  }
0xac: {  	s19 =	sadd.s32 $0x0, s26;
	_ =	swait.ge [sflag:s30], $0x80  }
0xad: {  	s20 =	sand.u32 $0x70, s1;
	s8 =	sand.u32 $0xFFFFF80, s19;
	[sflag:s30] =	ssyncset.done $0x0  }
0xae: {  	s8 =	sor.u32 s20, s8;
	[sflag:s30] =	ssyncadd.s32 $0xFFFFFF80  }
0xaf: {  	s9 =	sadd.s32 s29, s8;
	[bflag:$0x0] =	sbarrier.arrive $0xFFFF  }
0xb0: {  	[tilespmem:s2], [sflag:$0x2] =	stream.linear.gather [hbm4b:s9+s1], $0x80, $0x38;
	[tilespmem:$0x19680] =	vst v63  }
0xb1: {  	_ =	swait.ge [sflag:s30], $0x80  }
0xb2: {  	[sflag:s30] =	ssyncset.done $0x0  }
0xb3: {  	s8 =	sadd.s32 s22, s8;
	[sflag:s30] =	ssyncadd.s32 $0xFFFFFF80  }
0xb4: {  	[tilespmem:s3], [sflag:$0x2] =	stream.linear.gather [hbm4b:s8+s1], $0x80, $0x38;
	[tilespmem:$0x19680] =	vst v63  }
0xb5: {  	_ =	swait.ge [sflag:s30], $0x80  }
0xb6: {  	[sflag:s30] =	ssyncset.done $0x0  }
0xb7: {  	[sflag:s30] =	ssyncadd.s32 $0xFFFFFF80  }
0xb8: {  	[tilespmem:s5], [sflag:$0x1] =	stream.indirect.gather [hbm4b:s28+s4], $0x80, s2, s4, $0xb8;
	[tilespmem:$0x19680] =	vst v63  }
0xb9: {  	_ =	swait.ge [sflag:s6], $0x4000  }
0xba: {  	[sflag:s6] =	ssyncset.done $0x0  }
0xbb: {  	[sflag:s6] =	ssyncadd.s32 $0xFFFFC000  }
0xbc: {  	[spmem:s24] =	stream.indirect.scatter.add.f32 [tilespmem:s5], [sflag:$0x2], $0x80, s3, s4, $0xb8;
	[tilespmem:$0x19680] =	vst v63  }
0xbd: {  	_ =	swait.ge [sflag:s30], $0x4000  }
0xbe: {  	[sflag:s30] =	ssyncset.done $0x0  }
0xbf: {  	s21 =	simm.s32 $0x10;
	s31 =	sadd.s32 $0x10, s26;
	[sflag:s30] =	ssyncadd.s32 $0xFFFFC000  }
0xc0: {  	[spmem:s25] =	stream.indirect.scatter.add.f32 [tilespmem:s0], [sflag:$0x2], $0x1, s3, s4, $0xb8;
	[tilespmem:$0x19680] =	vst v63  }
0xc1: {  	s9 =	sand.u32 $0xFFFFF80, s31;
	s8 =	sand.u32 $0x70, s21;
	_ =	swait.ge [sflag:s30], $0x80  }
0xc2: {  	s8 =	sor.u32 s8, s9;
	s9 =	simm.s32 $0x20;
	[sflag:s30] =	ssyncset.done $0x0  }
.LBB2_2:
0xc3: {  	s10 =	sadd.s32 s29, s8  }
0xc4: {  	[sflag:s30] =	ssyncadd.s32 $0xFFFFFF80;
	s11 =	smov.u32 s9;
	s12 =	sadd.s32 $0x10, s9  }
0xc5: {  	[tilespmem:s2], [sflag:$0x2] =	stream.linear.gather [hbm4b:s10+s1], $0x80, $0x38;
	[tilespmem:$0x19680] =	vst v63  }
0xc6: {  	p0 =	sne.s32 s9, $0x4F0;
	_ =	swait.ge [sflag:s30], $0x80  }
0xc7: {  	[sflag:s30] =	ssyncset.done $0x0  }
0xc8: {  	s8 =	sadd.s32 s22, s8;
	[sflag:s30] =	ssyncadd.s32 $0xFFFFFF80  }
0xc9: {  	[tilespmem:s3], [sflag:$0x2] =	stream.linear.gather [hbm4b:s8+s1], $0x80, $0x38;
	[tilespmem:$0x19680] =	vst v63  }
0xca: {  	_ =	swait.ge [sflag:s30], $0x80  }
0xcb: {  	[sflag:s30] =	ssyncset.done $0x0  }
0xcc: {  	[sflag:s30] =	ssyncadd.s32 $0xFFFFFF80  }
0xcd: {  	[tilespmem:s5], [sflag:$0x1] =	stream.indirect.gather [hbm4b:s28+s4], $0x80, s2, s4, $0xb8;
	[tilespmem:$0x19680] =	vst v63  }
0xce: {  	_ =	swait.ge [sflag:s6], $0x4000  }
0xcf: {  	[sflag:s6] =	ssyncset.done $0x0  }
0xd0: {  	[sflag:s6] =	ssyncadd.s32 $0xFFFFC000  }
0xd1: {  	[spmem:s24] =	stream.indirect.scatter.add.f32 [tilespmem:s5], [sflag:$0x2], $0x80, s3, s4, $0xb8;
	[tilespmem:$0x19680] =	vst v63  }
0xd2: {  	_ =	swait.ge [sflag:s30], $0x4000  }
.Ltmp0:
0xd3: {  	[sflag:s30] =	ssyncset.done $0x0;
	(pc) =	sbr.rel @p0 .LBB2_2-.Ltmp0, $4  }
0xd4: {  	s8 =	sadd.s32 s11, s26;
	[sflag:s30] =	ssyncadd.s32 $0xFFFFC000  }
0xd5: {  	[spmem:s25] =	stream.indirect.scatter.add.f32 [tilespmem:s0], [sflag:$0x2], $0x1, s3, s4, $0xb8;
	[tilespmem:$0x19680] =	vst v63  }
0xd6: {  	s9 =	sand.u32 $0x70, s11;
	s8 =	sand.u32 $0xFFFFF80, s8;
	_ =	swait.ge [sflag:s30], $0x80  }
0xd7: {  	s8 =	sor.u32 s9, s8;
	s9 =	smov.u32 s12;
	[sflag:s30] =	ssyncset.done $0x0  }
0xd8: {  	s9 =	sadd.s32 s29, s8;
	[sflag:s30] =	ssyncadd.s32 $0xFFFFFF80  }
0xd9: {  	[tilespmem:s2], [sflag:$0x2] =	stream.linear.gather [hbm4b:s9+s1], $0x80, $0x38;
	[tilespmem:$0x19680] =	vst v63  }
0xda: {  	_ =	swait.ge [sflag:s30], $0x80  }
0xdb: {  	[sflag:s30] =	ssyncset.done $0x0  }
0xdc: {  	s7 =	sadd.s32 s22, s8;
	[sflag:s30] =	ssyncadd.s32 $0xFFFFFF80  }
0xdd: {  	[tilespmem:s3], [sflag:$0x2] =	stream.linear.gather [hbm4b:s7+s1], $0x80, $0x38;
	[tilespmem:$0x19680] =	vst v63  }
0xde: {  	_ =	swait.ge [sflag:s30], $0x80  }
0xdf: {  	[sflag:s30] =	ssyncset.done $0x0  }
0xe0: {  	[sflag:s30] =	ssyncadd.s32 $0xFFFFFF80  }
0xe1: {  	[tilespmem:s5], [sflag:$0x1] =	stream.indirect.gather [hbm4b:s28+s4], $0x80, s2, s4, $0xb8;
	[tilespmem:$0x19680] =	vst v63  }
0xe2: {  	_ =	swait.ge [sflag:s6], $0x4000  }
0xe3: {  	[sflag:s6] =	ssyncset.done $0x0  }
0xe4: {  	[sflag:s6] =	ssyncadd.s32 $0xFFFFC000  }
0xe5: {  	[spmem:s24] =	stream.indirect.scatter.add.f32 [tilespmem:s5], [sflag:$0x2], $0x80, s3, s4, $0xb8;
	[tilespmem:$0x19680] =	vst v63  }
0xe6: {  	_ =	swait.ge [sflag:s30], $0x4000  }
0xe7: {  	[sflag:s30] =	ssyncset.done $0x0  }
0xe8: {  	[sflag:s30] =	ssyncadd.s32 $0xFFFFC000  }
0xe9: {  	[spmem:s25] =	stream.indirect.scatter.add.f32 [tilespmem:s0], [sflag:$0x2], $0x1, s3, s4, $0xb8;
	[tilespmem:$0x19680] =	vst v63  }
0xea: {  	_ =	swait.ge [sflag:s30], $0x80  }
0xeb: {  	[sflag:s30] =	ssyncset.done $0x0  }
0xec: {  	[sflag:s30] =	ssyncadd.s32 $0xFFFFFF80  }
0xed: {  	[bflag:$0x0] =	sbarrier.arrive $0xFFFF  }
0xee: {  	s7 =	sld [smem:$0x7E9];
	_ =	sdelay $0x2  }
0xef: {  	[tilespmem:s23], [sflag:$0x2] =	stream.linear.gather [spmem:s7], $0x1000, $0x38;
	[tilespmem:$0x19680] =	vst v63  }
0xf0: {  	_ =	swait.ge [sflag:s30], $0x1000  }
0xf1: {  	[sflag:s30] =	ssyncset.done $0x0  }
0xf2: {  	s9 =	rddreg [dreg:$0x5];
	[sflag:s30] =	ssyncadd.s32 $0xFFFFF000  }
0xf3: {  	[hbm4b:s9+s1] =	stream.linear.scatter [tilespmem:s23], [sflag:$0x2], $0x1000, $0x38;
	[tilespmem:$0x19680] =	vst v63  }
0xf4: {  	_ =	swait.ge [sflag:s30], $0x1000  }
0xf5: {  	[sflag:s30] =	ssyncset.done $0x0  }
0xf6: {  	[sflag:s30] =	ssyncadd.s32 $0xFFFFF000  }
0xf7: {  	[tilespmem:s23], [sflag:$0x2] =	stream.linear.gather [spmem:s14], $0x1000, $0x38;
	[tilespmem:$0x19680] =	vst v63  }
0xf8: {  	_ =	swait.ge [sflag:s30], $0x1000  }
0xf9: {  	[sflag:s30] =	ssyncset.done $0x0  }
0xfa: {  	s10 =	rddreg [dreg:$0x6];
	[sflag:s30] =	ssyncadd.s32 $0xFFFFF000  }
0xfb: {  	[hbm4b:s10+s1] =	stream.linear.scatter [tilespmem:s23], [sflag:$0x2], $0x1000, $0x38;
	[tilespmem:$0x19680] =	vst v63  }
0xfc: {  	_ =	swait.ge [sflag:s30], $0x1000  }
0xfd: {  	s11 =	sld [smem:$0x7EB]  }
0xfe: {  	[sflag:s30] =	ssyncset.done $0x0  }
0xff: {  	[sflag:s30] =	ssyncadd.s32 $0xFFFFF000  }
0x100: {  	[tilespmem:s23], [sflag:$0x2] =	stream.linear.gather [spmem:s11], $0x1000, $0x38;
	[tilespmem:$0x19680] =	vst v63  }
0x101: {  	_ =	swait.ge [sflag:s30], $0x1000  }
0x102: {  	[sflag:s30] =	ssyncset.done $0x0  }
0x103: {  	s12 =	rddreg [dreg:$0x7];
	[sflag:s30] =	ssyncadd.s32 $0xFFFFF000  }
0x104: {  	[hbm4b:s12+s1] =	stream.linear.scatter [tilespmem:s23], [sflag:$0x2], $0x1000, $0x38;
	[tilespmem:$0x19680] =	vst v63  }
0x105: {  	_ =	swait.ge [sflag:s30], $0x1000  }
0x106: {  	s13 =	sld [smem:$0x7EC]  }
0x107: {  	[sflag:s30] =	ssyncset.done $0x0  }
0x108: {  	[sflag:s30] =	ssyncadd.s32 $0xFFFFF000  }
0x109: {  	[tilespmem:s23], [sflag:$0x2] =	stream.linear.gather [spmem:s13], $0x1000, $0x38;
	[tilespmem:$0x19680] =	vst v63  }
0x10a: {  	_ =	swait.ge [sflag:s30], $0x1000  }
0x10b: {  	[sflag:s30] =	ssyncset.done $0x0  }
0x10c: {  	s14 =	rddreg [dreg:$0x8];
	[sflag:s30] =	ssyncadd.s32 $0xFFFFF000  }
0x10d: {  	[hbm4b:s14+s1] =	stream.linear.scatter [tilespmem:s23], [sflag:$0x2], $0x1000, $0x38;
	[tilespmem:$0x19680] =	vst v63  }
0x10e: {  	_ =	swait.ge [sflag:s30], $0x1000  }
0x10f: {  	s15 =	sld [smem:$0x7ED]  }
0x110: {  	[sflag:s30] =	ssyncset.done $0x0  }
0x111: {  	[sflag:s30] =	ssyncadd.s32 $0xFFFFF000  }
0x112: {  	[tilespmem:s23], [sflag:$0x2] =	stream.linear.gather [spmem:s15], $0x1000, $0x38;
	[tilespmem:$0x19680] =	vst v63  }
0x113: {  	_ =	swait.ge [sflag:s30], $0x1000  }
0x114: {  	[sflag:s30] =	ssyncset.done $0x0  }
0x115: {  	s16 =	rddreg [dreg:$0x9];
	[sflag:s30] =	ssyncadd.s32 $0xFFFFF000  }
0x116: {  	[hbm4b:s16+s1] =	stream.linear.scatter [tilespmem:s23], [sflag:$0x2], $0x1000, $0x38;
	[tilespmem:$0x19680] =	vst v63  }
0x117: {  	_ =	swait.ge [sflag:s30], $0x1000  }
0x118: {  	[sflag:s30] =	ssyncset.done $0x0  }
0x119: {  	s17 =	rddreg [dreg:$0x1f];
	[sflag:s30] =	ssyncadd.s32 $0xFFFFF000  }
0x11a: {  	[tilespmem:s23], [sflag:$0x2] =	stream.linear.gather [spmem:s17], $0x1000, $0x38;
	[tilespmem:$0x19680] =	vst v63  }
0x11b: {  	_ =	swait.ge [sflag:s30], $0x1000  }
0x11c: {  	[sflag:s30] =	ssyncset.done $0x0  }
0x11d: {  	s18 =	rddreg [dreg:$0xa];
	[sflag:s30] =	ssyncadd.s32 $0xFFFFF000  }
0x11e: {  	[hbm4b:s18+s1] =	stream.linear.scatter [tilespmem:s23], [sflag:$0x2], $0x1000, $0x38;
	[tilespmem:$0x19680] =	vst v63  }
0x11f: {  	_ =	swait.ge [sflag:s30], $0x1000  }
0x120: {  	[sflag:s30] =	ssyncset.done $0x0  }
0x121: {  	s19 =	rddreg [dreg:$0x1d];
	[sflag:s30] =	ssyncadd.s32 $0xFFFFF000  }
0x122: {  	[tilespmem:s23], [sflag:$0x2] =	stream.linear.gather [spmem:s19], $0x1000, $0x38;
	[tilespmem:$0x19680] =	vst v63  }
0x123: {  	_ =	swait.ge [sflag:s30], $0x1000  }
0x124: {  	[sflag:s30] =	ssyncset.done $0x0  }
0x125: {  	s20 =	rddreg [dreg:$0xb];
	[sflag:s30] =	ssyncadd.s32 $0xFFFFF000  }
0x126: {  	[hbm4b:s20+s1] =	stream.linear.scatter [tilespmem:s23], [sflag:$0x2], $0x1000, $0x38;
	[tilespmem:$0x19680] =	vst v63  }
0x127: {  	_ =	swait.ge [sflag:s30], $0x1000  }
0x128: {  	[sflag:s30] =	ssyncset.done $0x0  }
0x129: {  	s21 =	rddreg [dreg:$0x1c];
	[sflag:s30] =	ssyncadd.s32 $0xFFFFF000  }
0x12a: {  	[tilespmem:s23], [sflag:$0x2] =	stream.linear.gather [spmem:s21], $0x1000, $0x38;
	[tilespmem:$0x19680] =	vst v63  }
0x12b: {  	_ =	swait.ge [sflag:s30], $0x1000  }
0x12c: {  	[sflag:s30] =	ssyncset.done $0x0  }
0x12d: {  	s7 =	rddreg [dreg:$0xc];
	[sflag:s30] =	ssyncadd.s32 $0xFFFFF000  }
0x12e: {  	[hbm4b:s7+s1] =	stream.linear.scatter [tilespmem:s23], [sflag:$0x2], $0x1000, $0x38;
	[tilespmem:$0x19680] =	vst v63  }
0x12f: {  	_ =	swait.ge [sflag:s30], $0x1000  }
0x130: {  	[sflag:s30] =	ssyncset.done $0x0  }
0x131: {  	s20 =	rddreg [dreg:$0x1e];
	[sflag:s30] =	ssyncadd.s32 $0xFFFFF000  }
0x132: {  	[tilespmem:s23], [sflag:$0x2] =	stream.linear.gather [spmem:s20], $0x1000, $0x38;
	[tilespmem:$0x19680] =	vst v63  }
0x133: {  	_ =	swait.ge [sflag:s30], $0x1000  }
0x134: {  	[sflag:s30] =	ssyncset.done $0x0  }
0x135: {  	s9 =	rddreg [dreg:$0xd];
	[sflag:s30] =	ssyncadd.s32 $0xFFFFF000  }
0x136: {  	[hbm4b:s9+s1] =	stream.linear.scatter [tilespmem:s23], [sflag:$0x2], $0x1000, $0x38;
	[tilespmem:$0x19680] =	vst v63  }
0x137: {  	_ =	swait.ge [sflag:s30], $0x1000  }
0x138: {  	s18 =	sld [smem:$0x7F2]  }
0x139: {  	[sflag:s30] =	ssyncset.done $0x0  }
0x13a: {  	[sflag:s30] =	ssyncadd.s32 $0xFFFFF000  }
0x13b: {  	[tilespmem:s23], [sflag:$0x2] =	stream.linear.gather [spmem:s18], $0x1000, $0x38;
	[tilespmem:$0x19680] =	vst v63  }
0x13c: {  	_ =	swait.ge [sflag:s30], $0x1000  }
0x13d: {  	[sflag:s30] =	ssyncset.done $0x0  }
0x13e: {  	s10 =	rddreg [dreg:$0xe];
	[sflag:s30] =	ssyncadd.s32 $0xFFFFF000  }
0x13f: {  	[hbm4b:s10+s1] =	stream.linear.scatter [tilespmem:s23], [sflag:$0x2], $0x1000, $0x38;
	[tilespmem:$0x19680] =	vst v63  }
0x140: {  	_ =	swait.ge [sflag:s30], $0x1000  }
0x141: {  	s16 =	sld [smem:$0x7F3]  }
0x142: {  	[sflag:s30] =	ssyncset.done $0x0  }
0x143: {  	[sflag:s30] =	ssyncadd.s32 $0xFFFFF000  }
0x144: {  	[tilespmem:s23], [sflag:$0x2] =	stream.linear.gather [spmem:s16], $0x1000, $0x38;
	[tilespmem:$0x19680] =	vst v63  }
0x145: {  	_ =	swait.ge [sflag:s30], $0x1000  }
0x146: {  	[sflag:s30] =	ssyncset.done $0x0  }
0x147: {  	s11 =	rddreg [dreg:$0xf];
	[sflag:s30] =	ssyncadd.s32 $0xFFFFF000  }
0x148: {  	[hbm4b:s11+s1] =	stream.linear.scatter [tilespmem:s23], [sflag:$0x2], $0x1000, $0x38;
	[tilespmem:$0x19680] =	vst v63  }
0x149: {  	_ =	swait.ge [sflag:s30], $0x1000  }
0x14a: {  	s14 =	sld [smem:$0x7F4]  }
0x14b: {  	[sflag:s30] =	ssyncset.done $0x0  }
0x14c: {  	[sflag:s30] =	ssyncadd.s32 $0xFFFFF000  }
0x14d: {  	[tilespmem:s23], [sflag:$0x2] =	stream.linear.gather [spmem:s14], $0x1000, $0x38;
	[tilespmem:$0x19680] =	vst v63  }
0x14e: {  	_ =	swait.ge [sflag:s30], $0x1000  }
0x14f: {  	[sflag:s30] =	ssyncset.done $0x0  }
0x150: {  	s12 =	rddreg [dreg:$0x10];
	[sflag:s30] =	ssyncadd.s32 $0xFFFFF000  }
0x151: {  	[hbm4b:s12+s1] =	stream.linear.scatter [tilespmem:s23], [sflag:$0x2], $0x1000, $0x38;
	[tilespmem:$0x19680] =	vst v63  }
0x152: {  	_ =	swait.ge [sflag:s30], $0x1000  }
0x153: {  	s15 =	sld [smem:$0x7F5]  }
0x154: {  	[sflag:s30] =	ssyncset.done $0x0  }
0x155: {  	[sflag:s30] =	ssyncadd.s32 $0xFFFFF000  }
0x156: {  	[tilespmem:s23], [sflag:$0x2] =	stream.linear.gather [spmem:s15], $0x1000, $0x38;
	[tilespmem:$0x19680] =	vst v63  }
0x157: {  	_ =	swait.ge [sflag:s30], $0x1000  }
0x158: {  	[sflag:s30] =	ssyncset.done $0x0  }
0x159: {  	s13 =	rddreg [dreg:$0x11];
	[sflag:s30] =	ssyncadd.s32 $0xFFFFF000  }
0x15a: {  	[hbm4b:s13+s1] =	stream.linear.scatter [tilespmem:s23], [sflag:$0x2], $0x1000, $0x38;
	[tilespmem:$0x19680] =	vst v63  }
0x15b: {  	_ =	swait.ge [sflag:s30], $0x1000  }
0x15c: {  	s13 =	sld [smem:$0x7F6]  }
0x15d: {  	[sflag:s30] =	ssyncset.done $0x0  }
0x15e: {  	[sflag:s30] =	ssyncadd.s32 $0xFFFFF000  }
0x15f: {  	[tilespmem:s23], [sflag:$0x2] =	stream.linear.gather [spmem:s13], $0x1000, $0x38;
	[tilespmem:$0x19680] =	vst v63  }
0x160: {  	_ =	swait.ge [sflag:s30], $0x1000  }
0x161: {  	[sflag:s30] =	ssyncset.done $0x0  }
0x162: {  	s17 =	rddreg [dreg:$0x12];
	[sflag:s30] =	ssyncadd.s32 $0xFFFFF000  }
0x163: {  	[hbm4b:s17+s1] =	stream.linear.scatter [tilespmem:s23], [sflag:$0x2], $0x1000, $0x38;
	[tilespmem:$0x19680] =	vst v63  }
0x164: {  	_ =	swait.ge [sflag:s30], $0x1000  }
0x165: {  	s7 =	sld [smem:$0x7F7]  }
0x166: {  	[sflag:s30] =	ssyncset.done $0x0  }
0x167: {  	[sflag:s30] =	ssyncadd.s32 $0xFFFFF000  }
0x168: {  	[tilespmem:s23], [sflag:$0x2] =	stream.linear.gather [spmem:s7], $0x1000, $0x38;
	[tilespmem:$0x19680] =	vst v63  }
0x169: {  	_ =	swait.ge [sflag:s30], $0x1000  }
0x16a: {  	[sflag:s30] =	ssyncset.done $0x0  }
0x16b: {  	s19 =	rddreg [dreg:$0x13];
	[sflag:s30] =	ssyncadd.s32 $0xFFFFF000  }
0x16c: {  	[hbm4b:s19+s1] =	stream.linear.scatter [tilespmem:s23], [sflag:$0x2], $0x1000, $0x38;
	[tilespmem:$0x19680] =	vst v63  }
0x16d: {  	_ =	swait.ge [sflag:s30], $0x1000  }
0x16e: {  	s10 =	sld [smem:$0x7F8]  }
0x16f: {  	[sflag:s30] =	ssyncset.done $0x0  }
0x170: {  	[sflag:s30] =	ssyncadd.s32 $0xFFFFF000  }
0x171: {  	[tilespmem:s23], [sflag:$0x2] =	stream.linear.gather [spmem:s10], $0x1000, $0x38;
	[tilespmem:$0x19680] =	vst v63  }
0x172: {  	_ =	swait.ge [sflag:s30], $0x1000  }
0x173: {  	[sflag:s30] =	ssyncset.done $0x0  }
0x174: {  	s21 =	rddreg [dreg:$0x14];
	[sflag:s30] =	ssyncadd.s32 $0xFFFFF000  }
0x175: {  	[hbm4b:s21+s1] =	stream.linear.scatter [tilespmem:s23], [sflag:$0x2], $0x1000, $0x38;
	[tilespmem:$0x19680] =	vst v63  }
0x176: {  	_ =	swait.ge [sflag:s30], $0x1000  }
0x177: {  	s11 =	sld [smem:$0x7F9]  }
0x178: {  	[sflag:s30] =	ssyncset.done $0x0  }
0x179: {  	[sflag:s30] =	ssyncadd.s32 $0xFFFFF000  }
0x17a: {  	[tilespmem:s23], [sflag:$0x2] =	stream.linear.gather [spmem:s11], $0x1000, $0x38;
	[tilespmem:$0x19680] =	vst v63  }
0x17b: {  	_ =	swait.ge [sflag:s30], $0x1000  }
0x17c: {  	[sflag:s30] =	ssyncset.done $0x0  }
0x17d: {  	s9 =	rddreg [dreg:$0x15];
	[sflag:s30] =	ssyncadd.s32 $0xFFFFF000  }
0x17e: {  	[hbm4b:s9+s1] =	stream.linear.scatter [tilespmem:s23], [sflag:$0x2], $0x1000, $0x38;
	[tilespmem:$0x19680] =	vst v63  }
0x17f: {  	_ =	swait.ge [sflag:s30], $0x1000  }
0x180: {  	s17 =	sld [smem:$0x7FA]  }
0x181: {  	[sflag:s30] =	ssyncset.done $0x0  }
0x182: {  	[sflag:s30] =	ssyncadd.s32 $0xFFFFF000  }
0x183: {  	[tilespmem:s23], [sflag:$0x2] =	stream.linear.gather [spmem:s17], $0x1000, $0x38;
	[tilespmem:$0x19680] =	vst v63  }
0x184: {  	_ =	swait.ge [sflag:s30], $0x1000  }
0x185: {  	[sflag:s30] =	ssyncset.done $0x0  }
0x186: {  	s12 =	rddreg [dreg:$0x16];
	[sflag:s30] =	ssyncadd.s32 $0xFFFFF000  }
0x187: {  	[hbm4b:s12+s1] =	stream.linear.scatter [tilespmem:s23], [sflag:$0x2], $0x1000, $0x38;
	[tilespmem:$0x19680] =	vst v63  }
0x188: {  	_ =	swait.ge [sflag:s30], $0x1000  }
0x189: {  	s12 =	sld [smem:$0x7FB]  }
0x18a: {  	[sflag:s30] =	ssyncset.done $0x0  }
0x18b: {  	[sflag:s30] =	ssyncadd.s32 $0xFFFFF000  }
0x18c: {  	[tilespmem:s23], [sflag:$0x2] =	stream.linear.gather [spmem:s12], $0x1000, $0x38;
	[tilespmem:$0x19680] =	vst v63  }
0x18d: {  	_ =	swait.ge [sflag:s30], $0x1000  }
0x18e: {  	[sflag:s30] =	ssyncset.done $0x0  }
0x18f: {  	s19 =	rddreg [dreg:$0x17];
	[sflag:s30] =	ssyncadd.s32 $0xFFFFF000  }
0x190: {  	[hbm4b:s19+s1] =	stream.linear.scatter [tilespmem:s23], [sflag:$0x2], $0x1000, $0x38;
	[tilespmem:$0x19680] =	vst v63  }
0x191: {  	_ =	swait.ge [sflag:s30], $0x1000  }
0x192: {  	s19 =	sld [smem:$0x7FC]  }
0x193: {  	[sflag:s30] =	ssyncset.done $0x0  }
0x194: {  	[sflag:s30] =	ssyncadd.s32 $0xFFFFF000  }
0x195: {  	[tilespmem:s23], [sflag:$0x2] =	stream.linear.gather [spmem:s19], $0x1000, $0x38;
	[tilespmem:$0x19680] =	vst v63  }
0x196: {  	_ =	swait.ge [sflag:s30], $0x1000  }
0x197: {  	[sflag:s30] =	ssyncset.done $0x0  }
0x198: {  	s21 =	rddreg [dreg:$0x18];
	[sflag:s30] =	ssyncadd.s32 $0xFFFFF000  }
0x199: {  	[hbm4b:s21+s1] =	stream.linear.scatter [tilespmem:s23], [sflag:$0x2], $0x1000, $0x38;
	[tilespmem:$0x19680] =	vst v63  }
0x19a: {  	_ =	swait.ge [sflag:s30], $0x1000  }
0x19b: {  	s21 =	sld [smem:$0x7FD]  }
0x19c: {  	[sflag:s30] =	ssyncset.done $0x0  }
0x19d: {  	s31 =	simm.s32 $0x19400;
	[sflag:s30] =	ssyncadd.s32 $0xFFFFF000  }
0x19e: {  	[tilespmem:s31], [sflag:$0x2] =	stream.linear.gather [spmem:s21], $0x280, $0x38;
	[tilespmem:$0x19680] =	vst v63  }
0x19f: {  	_ =	swait.ge [sflag:s30], $0x280  }
0x1a0: {  	s8 =	sld [smem:$0x7EF]  }
0x1a1: {  	[sflag:s30] =	ssyncset.done $0x0  }
0x1a2: {  	s9 =	simm.s32 $0x100;
	[sflag:s30] =	ssyncadd.s32 $0xFFFFFD80  }
0x1a3: {  	[hbm4b:s8+s4] =	stream.strided.scatter [tilespmem:s31], [sflag:$0x2], $0x280, s9, s4, $0x38;
	[tilespmem:$0x19680] =	vst v63  }
0x1a4: {  	_ =	swait.ge [sflag:s30], $0x280  }
0x1a5: {  	s8 =	sld [smem:$0x7E8];
	_ =	sdelay $0x2  }
0x1a6: {  	s9 =	sadd.s32 $0x1, s8;
	s8 =	sld [smem:$0x7F1];
	_ =	sdelay $0x2  }
0x1a7: {  	p0 =	sne.s32 s9, s8  }
.Ltmp1:
0x1a8: {  	_ = 	snop;
	(pc) =	sbr.rel @p0 .LBB2_1-.Ltmp1, $3  }
0x1a9: {  	_ =	sdelay $0x1  }
0x1aa: {  	[sflag:s30] =	ssyncset.done $0x0  }
0x1ab: {  	[sflag:s30] =	ssyncadd.s32 $0xFFFFFD80  }
0x1ac: {  	_ =	sfence.sel $0x180000  }
0x1ad: {  	[bflag:$0x0] =	sbarrier.arrive $0xFFFF  }
0x1ae: {  	_ =	strace $0x90000047  }
0x1af: {  	s0 =	stileid.u32;
	[bflag:$0x2] =	sbarrier.arrive $0xFFFF  }
0x1b0: {  	p0 =	sne.s32 s0, $0x0;
	s0 =	rddreg [dreg:$0x4]  }
0x1b1: {  	s0 =	sadd.s32 @!p0 $0x100000, s0  }
0x1b2: {  	[sflag:s0] =	ssyncadd.tile.s32 @!p0 $0x1;
	_ =	shalt  }
.Lfunc_end2:
_tile_overlayer_lowered:
.L_overlay_start_2:
0x1b3: {  	(tag) =	ssettag $0x2  }
0x1b4: {  	s0 =	rddreg [dreg:$0x0];
	s2 =	stileid.u32  }
0x1b5: {  	s1 =	rddreg [dreg:$0x1];
	p0 =	sne.s32 s2, $0x0  }
0x1b6: {  	s3 =	rddreg [dreg:$0x2];
	[bflag:$0x3] =	sbarrier.arrive $0xFFFF;
	s2 =	simm.s32 @!p0 $0x1C02  }
0x1b7: {  	[timem:s3], [sflag:s2] =	dma.local @!p0 [hbm:s0], s1  }
0x1b8: {  	s0 =	simm.s32 @!p0 $0x2  }
0x1b9: {  	_ =	swait.ge @!p0 [sflag:s0], s1  }
0x1ba: {  	s1 =	ssub.s32 @!p0 $0x0, s1;
	[sflag:s0] =	ssyncset.done @!p0 $0x0  }
0x1bb: {  	[sflag:s0] =	ssyncadd.s32 @!p0 s1  }
0x1bc: {  	[bflag:$0x3] =	sbarrier.arrive $0xFFFF  }
0x1bd: {  	_ =	shalt  }

</sc_bundles>
